<compile_context>
chip_gen: v7x
topology: tpu7x:2x2x1
jax: 0.10.2.dev20260603
libtpu: 0.0.44.dev20260713+nightly
codegen_flags: <defaults>
</compile_context>

<pallas_src>
import functools

import jax
import jax.numpy as jnp
from jax import lax
from jax.experimental import pallas as pl
from jax.experimental.pallas import tpu as pltpu
from jax.experimental.pallas import tpu_sc as plsc

N_NODES = 10000
NODE_IN = 128
WIDTH = 256
N_EDGES = 320000

NC, NS, L = 2, 16, 16
NW = NC * NS

NB0 = 1000


def _k0_body(x_ref, w1_ref, b1_ref, a_ref, b_ref):
    x = x_ref[...]
    w1a = w1_ref[:NODE_IN, :]
    w1b = w1_ref[NODE_IN:, :]
    a_ref[...] = (
        jnp.dot(x, w1a - w1b, preferred_element_type=jnp.float32) + b1_ref[...]
    )
    b_ref[...] = jnp.dot(x, w1b, preferred_element_type=jnp.float32)


def _precompute_ab(node_feats, W1, b1):
    n = node_feats.shape[0]
    grid = n // NB0
    return pl.pallas_call(
        _k0_body,
        grid=(grid,),
        in_specs=[
            pl.BlockSpec((NB0, NODE_IN), lambda i: (i, 0)),
            pl.BlockSpec((2 * NODE_IN, WIDTH), lambda i: (0, 0)),
            pl.BlockSpec((1, WIDTH), lambda i: (0, 0)),
        ],
        out_specs=[
            pl.BlockSpec((NB0, WIDTH), lambda i: (i, 0)),
            pl.BlockSpec((NB0, WIDTH), lambda i: (i, 0)),
        ],
        out_shape=[
            jax.ShapeDtypeStruct((n, WIDTH), jnp.float32),
            jax.ShapeDtypeStruct((n, WIDTH), jnp.float32),
        ],
    )(node_feats, W1, b1.reshape(1, WIDTH))


K1_CH = 80
K1_EPW = N_EDGES // NW


K1_NCH = K1_EPW // K1_CH


def _k1_body(a_hbm, b_hbm, src_hbm, dst_hbm, g_hbm,
             di0, si0, ar0, br0, di1, si1, ar1, br1, sa0, sb0, sa1, sb1):
    wid = lax.axis_index("s") * NC + lax.axis_index("c")
    base0 = wid * K1_EPW

    def issue(k, di, si, ar, br, sa, sb):
        base = pl.multiple_of(base0 + k * K1_CH, 8)
        pltpu.sync_copy(dst_hbm.at[pl.ds(base, K1_CH)], di)
        pltpu.sync_copy(src_hbm.at[pl.ds(base, K1_CH)], si)
        pltpu.async_copy(a_hbm.at[di], ar, sa)
        pltpu.async_copy(b_hbm.at[si], br, sb)

    def process(k, di, si, ar, br, sa, sb):
        pltpu.make_async_copy(a_hbm.at[di], ar, sa).wait()
        pltpu.make_async_copy(b_hbm.at[si], br, sb).wait()

        def row(r, c):
            for v in range(WIDTH // L):
                sl = pl.ds(v * L, L)
                ar[r, sl] = ar[r, sl] + br[r, sl]
            return c

        lax.fori_loop(0, K1_CH, row, 0)
        base = pl.multiple_of(base0 + k * K1_CH, 8)
        pltpu.sync_copy(ar, g_hbm.at[pl.ds(base, K1_CH)])

    s0 = (di0, si0, ar0, br0, sa0, sb0)
    s1 = (di1, si1, ar1, br1, sa1, sb1)
    issue(0, *s0)

    def pair(q, c):
        k0 = 2 * q
        issue(k0 + 1, *s1)
        process(k0, *s0)
        issue(k0 + 2, *s0)
        process(k0 + 1, *s1)
        return c

    lax.fori_loop(0, (K1_NCH - 1) // 2, pair, 0)
    process(K1_NCH - 1, *s0)


def _gather_add(A, B, src32, dst32):
    mesh = plsc.VectorSubcoreMesh(core_axis_name="c", subcore_axis_name="s")
    f = pl.kernel(
        _k1_body,
        out_type=jax.ShapeDtypeStruct((N_EDGES, WIDTH), jnp.float32),
        mesh=mesh,
        scratch_types=[
            pltpu.VMEM((K1_CH,), jnp.int32),
            pltpu.VMEM((K1_CH,), jnp.int32),
            pltpu.VMEM((K1_CH, WIDTH), jnp.float32),
            pltpu.VMEM((K1_CH, WIDTH), jnp.float32),
            pltpu.VMEM((K1_CH,), jnp.int32),
            pltpu.VMEM((K1_CH,), jnp.int32),
            pltpu.VMEM((K1_CH, WIDTH), jnp.float32),
            pltpu.VMEM((K1_CH, WIDTH), jnp.float32),
            pltpu.SemaphoreType.DMA,
            pltpu.SemaphoreType.DMA,
            pltpu.SemaphoreType.DMA,
            pltpu.SemaphoreType.DMA,
        ],
    )
    return f(A, B, src32, dst32)


EB2 = 512


def _k2_body(g_ref, w2_ref, b2_ref, h_ref):
    h1 = jnp.maximum(g_ref[...], 0.0)
    h2 = jnp.dot(h1, w2_ref[...], preferred_element_type=jnp.float32) + b2_ref[...]
    h_ref[...] = jnp.maximum(h2, 0.0)


def _edge_mlp(G, W2, b2):
    grid = N_EDGES // EB2
    return pl.pallas_call(
        _k2_body,
        grid=(grid,),
        in_specs=[
            pl.BlockSpec((EB2, WIDTH), lambda i: (i, 0)),
            pl.BlockSpec((WIDTH, WIDTH), lambda i: (0, 0)),
            pl.BlockSpec((1, WIDTH), lambda i: (0, 0)),
        ],
        out_specs=pl.BlockSpec((EB2, WIDTH), lambda i: (i, 0)),
        out_shape=jax.ShapeDtypeStruct((N_EDGES, WIDTH), jnp.float32),
    )(G, W2, b2.reshape(1, WIDTH))


BUCKET = 320
MAGIC, MSHIFT = 52429, 24
K3_CH1 = 2000
FLUSH = 2048
K3_CH2 = 64
LIST_CAP = N_EDGES + 2 * FLUSH + K3_CH2


def _lane_gather(x, idx):
    return lax.gather(
        x, idx[:, None],
        dimension_numbers=lax.GatherDimensionNumbers(
            offset_dims=(), collapsed_slice_dims=(0,), start_index_map=(0,)),
        slice_sizes=(1,),
        mode=lax.GatherScatterMode.PROMISE_IN_BOUNDS)


def _k3a_body(dst_hbm, idl_hbm, cnt_hbm, dbuf, lbuf, cbuf):
    wid = lax.axis_index("s") * NC + lax.axis_index("c")
    node_base = wid * BUCKET
    list_base = wid * LIST_CAP
    lanes = lax.iota(jnp.int32, L)
    slotp1 = lanes + 1

    def flush(off, lo_words):
        fo = pl.multiple_of(list_base + off, 8)
        pltpu.sync_copy(lbuf.at[pl.ds(lo_words, FLUSH)],
                        idl_hbm.at[pl.ds(fo, FLUSH)])

    def scan_chunk(k, carry):
        cnt, off = carry
        pltpu.sync_copy(dst_hbm.at[pl.ds(pl.multiple_of(k * K3_CH1, 8), K3_CH1)],
                        dbuf)

        def vreg(i, cnt2):
            d = dbuf[pl.ds(pl.multiple_of(i * L, 8), L)]
            bk = (d * MAGIC) >> MSHIFT
            m = bk == wid
            mi = jnp.where(m, 1, 0)
            ids = (k * K3_CH1 + i * L) + lanes
            packed = (ids << 9) | (d - node_base)
            ps = mi
            for sh in (1, 2, 4, 8):
                g = _lane_gather(ps, jnp.maximum(lanes - sh, 0))
                ps = ps + jnp.where(lanes >= sh, g, 0)
            pos = jnp.zeros((L,), jnp.int32)
            for st in (8, 4, 2, 1):
                ps_at = _lane_gather(ps, pos + (st - 1))
                pos = pos + jnp.where(ps_at < slotp1, st, 0)
            compact = _lane_gather(packed, jnp.minimum(pos, L - 1))
            lbuf[pl.ds(cnt2, L)] = compact
            return cnt2 + ps[L - 1]

        cnt = lax.fori_loop(0, K3_CH1 // L, vreg, cnt)

        def do_flush(args):
            cnt, off = args
            flush(off, 0)

            def mv(i, c):
                sl = pl.ds(i * L, L)
                lbuf[sl] = lbuf.at[pl.ds(FLUSH, FLUSH + L)][sl]
                return c

            lax.fori_loop(0, FLUSH // L + 1, mv, 0)
            return cnt - FLUSH, off + FLUSH

        return lax.cond(cnt >= FLUSH, do_flush, lambda a: a, (cnt, off))

    cnt, off = lax.fori_loop(0, N_EDGES // K3_CH1, scan_chunk,
                             (jnp.int32(0), jnp.int32(0)))
    flush(cnt * 0 + off, 0)
    flush(cnt * 0 + off + FLUSH, FLUSH)
    total = off + cnt
    cbuf[pl.ds(0, L)] = jnp.zeros((L,), jnp.int32) + total
    pltpu.sync_copy(cbuf, cnt_hbm.at[pl.ds(pl.multiple_of(wid * L, 8), L)])


def _route(dst32):
    mesh = plsc.VectorSubcoreMesh(core_axis_name="c", subcore_axis_name="s")
    f = pl.kernel(
        _k3a_body,
        out_type=[
            jax.ShapeDtypeStruct((NW * LIST_CAP,), jnp.int32),
            jax.ShapeDtypeStruct((NW * L,), jnp.int32),
        ],
        mesh=mesh,
        scratch_types=[
            pltpu.VMEM((K3_CH1,), jnp.int32),
            pltpu.VMEM((2 * FLUSH + 2 * L,), jnp.int32),
            pltpu.VMEM((L,), jnp.int32),
        ],
    )
    return f(dst32)


def _k3b_body(h_hbm, idl_hbm, cnt_hbm, out_hbm,
              vbuf0, vbuf1, idbuf0, idbuf1, hbuf0, hbuf1, table, cbuf,
              sem0, sem1):
    wid = lax.axis_index("s") * NC + lax.axis_index("c")
    node_base = wid * BUCKET
    list_base = wid * LIST_CAP

    pltpu.sync_copy(cnt_hbm.at[pl.ds(pl.multiple_of(wid * L, 8), L)], cbuf)
    total = cbuf[pl.ds(0, L)][0]

    zeros = jnp.zeros((L,), jnp.float32)

    def zrow(r, c):
        for v in range(WIDTH // L):
            table[r, pl.ds(v * L, L)] = zeros
        return c

    lax.fori_loop(0, BUCKET, zrow, 0)

    nch = (total + K3_CH2 - 1) // K3_CH2

    def issue(k2, vbuf, idbuf, hbuf, sem):
        lo = pl.multiple_of(list_base + k2 * K3_CH2, 8)
        pltpu.sync_copy(idl_hbm.at[pl.ds(lo, K3_CH2)],
                        vbuf.at[pl.ds(0, K3_CH2)])
        for v in range(K3_CH2 // L):
            sl = pl.ds(v * L, L)
            gid = vbuf[sl] >> 9
            idbuf[sl] = jnp.minimum(jnp.maximum(gid, 0), N_EDGES - 1)
        pltpu.async_copy(h_hbm.at[idbuf], hbuf, sem)

    def process(k2, vbuf, idbuf, hbuf, sem):
        pltpu.make_async_copy(h_hbm.at[idbuf], hbuf, sem).wait()
        take = jnp.minimum(K3_CH2, total - k2 * K3_CH2)

        def edge(j, cc):
            row = vbuf[pl.ds(j, L)][0] & 511
            for v in range(WIDTH // L):
                sl = pl.ds(v * L, L)
                table[row, sl] = jnp.maximum(table[row, sl], hbuf[j, sl])
            return cc

        lax.fori_loop(0, take, edge, 0)

    @pl.when(nch > 0)
    def _():
        issue(0, vbuf0, idbuf0, hbuf0, sem0)

    def pair(q, c):
        k0 = 2 * q
        k1 = k0 + 1

        @pl.when(k1 < nch)
        def _():
            issue(k1, vbuf1, idbuf1, hbuf1, sem1)

        process(k0, vbuf0, idbuf0, hbuf0, sem0)

        @pl.when(k1 < nch)
        def _():
            @pl.when(k1 + 1 < nch)
            def _():
                issue(k1 + 1, vbuf0, idbuf0, hbuf0, sem0)

            process(k1, vbuf1, idbuf1, hbuf1, sem1)

        return c

    lax.fori_loop(0, (nch + 1) // 2, pair, 0)
    pltpu.sync_copy(table, out_hbm.at[pl.ds(pl.multiple_of(node_base, 8), BUCKET)])


def _scatter_max(H, idl, cnts):
    mesh = plsc.VectorSubcoreMesh(core_axis_name="c", subcore_axis_name="s")
    f = pl.kernel(
        _k3b_body,
        out_type=jax.ShapeDtypeStruct((NW * BUCKET, WIDTH), jnp.float32),
        mesh=mesh,
        scratch_types=[
            pltpu.VMEM((K3_CH2 + L,), jnp.int32),
            pltpu.VMEM((K3_CH2 + L,), jnp.int32),
            pltpu.VMEM((K3_CH2,), jnp.int32),
            pltpu.VMEM((K3_CH2,), jnp.int32),
            pltpu.VMEM((K3_CH2, WIDTH), jnp.float32),
            pltpu.VMEM((K3_CH2, WIDTH), jnp.float32),
            pltpu.VMEM((BUCKET, WIDTH), jnp.float32),
            pltpu.VMEM((L,), jnp.int32),
            pltpu.SemaphoreType.DMA,
            pltpu.SemaphoreType.DMA,
        ],
    )
    out_pad = f(H, idl, cnts)
    return out_pad[:N_NODES]


def kernel(node_feats, edge_index, W1, b1, W2, b2):
    src32 = edge_index[0].astype(jnp.int32)
    dst32 = edge_index[1].astype(jnp.int32)
    idl, cnts = _route(dst32)
    A, B = _precompute_ab(node_feats, W1, b1)
    G = _gather_add(A, B, src32, dst32)
    H = _edge_mlp(G, W2, b2)
    return _scatter_max(H, idl, cnts)

# --- scband reference (transcript-rebuilt; emitter-appended) ---
"""Pipeline reference for scband-econv-node-layer-55611236548665 (READ-ONLY COPY).

The authoritative reference and input builder live on the scoring server;
editing this copy changes nothing except your own understanding.
"""

import jax, jax.numpy as jnp
import numpy as np

NODE_IN = 128
WIDTH = 256
N_NODES = 10000
N_EDGES = 320000


def setup_inputs(seed: int = 0) -> dict:
    key = jax.random.key(seed)
    k1, k2, k3, k4, k5, k6 = jax.random.split(key, 6)
    node_feats = jax.random.normal(k1, (N_NODES, NODE_IN), dtype=jnp.float32)
    edge_index = jax.random.randint(k2, (2, N_EDGES), 0, N_NODES, dtype=jnp.int64)
    # MLP params: MLP(2*node_in) with depth=2, width=256, relu
    s1 = 1.0 / np.sqrt(2 * NODE_IN)
    s2 = 1.0 / np.sqrt(WIDTH)
    W1 = jax.random.uniform(k3, (2 * NODE_IN, WIDTH), dtype=jnp.float32, minval=-s1, maxval=s1)
    b1 = jax.random.uniform(k4, (WIDTH,), dtype=jnp.float32, minval=-s1, maxval=s1)
    W2 = jax.random.uniform(k5, (WIDTH, WIDTH), dtype=jnp.float32, minval=-s2, maxval=s2)
    b2 = jax.random.uniform(k6, (WIDTH,), dtype=jnp.float32, minval=-s2, maxval=s2)
    return {"node_feats": node_feats, "edge_index": edge_index, "W1": W1, "b1": b1, "W2": W2, "b2": b2}


def reference(node_feats, edge_index, W1, b1, W2, b2):
    # EdgeConv (Wang et al. 2018): out_i = max_{j in N(i)} MLP([x_i, x_j - x_i])
    src = edge_index[0]  # x_j (source / neighbor)
    dst = edge_index[1]  # x_i (target / updated node)
    x_i = jnp.take(node_feats, dst, axis=0)
    x_j = jnp.take(node_feats, src, axis=0)
    m = jnp.concatenate([x_i, x_j - x_i], axis=-1)  # (E, 2*node_in)
    h = jnp.maximum(m @ W1 + b1, 0.0)
    h = jnp.maximum(h @ W2 + b2, 0.0)
    out = jax.ops.segment_max(h, dst, num_segments=node_feats.shape[0])
    # nodes with no incoming edges get -inf from segment_max; PyG fills with 0
    out = jnp.where(jnp.isfinite(out), out, 0.0)
    return out

if __name__ == "__main__":
    import jax
    _d = setup_inputs()
    print(jax.jit(kernel)(*tuple(_d.values())))

</pallas_src>

<mosaic_0001>
#map = affine_map<(d0, d1) -> (0, 0)>
#map1 = affine_map<(d0, d1) -> (0)>
module attributes {stable_mosaic.version = 14 : i64} {
  func.func @_k1_body(%arg0: i32, %arg1: i32, %arg2: memref<10000x256xf32, #tpu.memory_space<hbm>>, %arg3: memref<10000x256xf32, #tpu.memory_space<hbm>>, %arg4: memref<320000xi32, #tpu.memory_space<hbm>>, %arg5: memref<320000xi32, #tpu.memory_space<hbm>>, %arg6: memref<320000x256xf32, #tpu.memory_space<hbm>>, %arg7: memref<80xi32, #tpu.memory_space<vmem>>, %arg8: memref<80xi32, #tpu.memory_space<vmem>>, %arg9: memref<80x256xf32, #tpu.memory_space<vmem>>, %arg10: memref<80x256xf32, #tpu.memory_space<vmem>>, %arg11: memref<80xi32, #tpu.memory_space<vmem>>, %arg12: memref<80xi32, #tpu.memory_space<vmem>>, %arg13: memref<80x256xf32, #tpu.memory_space<vmem>>, %arg14: memref<80x256xf32, #tpu.memory_space<vmem>>, %arg15: memref<!tpu.dma_semaphore, #tpu.memory_space<semaphore_mem>>, %arg16: memref<!tpu.dma_semaphore, #tpu.memory_space<semaphore_mem>>, %arg17: memref<!tpu.dma_semaphore, #tpu.memory_space<semaphore_mem>>, %arg18: memref<!tpu.dma_semaphore, #tpu.memory_space<semaphore_mem>>) attributes {dimension_semantics = [#tpu.dimension_semantics<core_parallel>, #tpu.dimension_semantics<subcore_parallel>], iteration_bounds = array<i64: 2, 16>, scalar_prefetch = 0 : i64, scratch_operands = 12 : i64, tpu.core_type = #tpu.core_type<sc_vector_subcore>, window_params = [{transform_indices = #map}, {transform_indices = #map}, {transform_indices = #map1}, {transform_indices = #map1}, {transform_indices = #map}]} {
    %mul3A = arith.constant 2 : i32
    %mul3A_0 = arith.muli %arg1, %mul3A : i32
    %add3A = arith.addi %mul3A_0, %arg0 : i32
    %mul3A_1 = arith.constant 10000 : i32
    %mul3A_2 = arith.muli %add3A, %mul3A_1 : i32
    %add3A_3 = arith.constant 0 : i32
    %add3A_4 = arith.addi %mul3A_2, %add3A_3 : i32
    %multiple_of3A = tpu.assume_multiple %add3A_4, 8 : i32
    "tpu.region"() ({
      %run_scoped3A = tpu.sem_alloc : memref<!tpu.dma_semaphore, #tpu.memory_space<semaphore_mem>>
      %dma_start3A_29 = tpu.memref_slice %arg5[%multiple_of3A] : memref<320000xi32, #tpu.memory_space<hbm>> -> memref<80xi32, #tpu.memory_space<hbm>>
      %dma_start3A_30 = tpu.memref_slice %arg5[%multiple_of3A] : memref<320000xi32, #tpu.memory_space<hbm>> -> memref<80xi32, #tpu.memory_space<hbm>>
      tpu.enqueue_dma source(%dma_start3A_30 : memref<80xi32, #tpu.memory_space<hbm>>) target(%arg7 : memref<80xi32, #tpu.memory_space<vmem>>) target_semaphore(%run_scoped3A : memref<!tpu.dma_semaphore, #tpu.memory_space<semaphore_mem>>)
      %dma_wait3A_31 = tpu.memref_slice %arg5[%multiple_of3A] : memref<320000xi32, #tpu.memory_space<hbm>> -> memref<80xi32, #tpu.memory_space<hbm>>
      %dma_wait3A_32 = tpu.memref_slice %arg5[%multiple_of3A] : memref<320000xi32, #tpu.memory_space<hbm>> -> memref<80xi32, #tpu.memory_space<hbm>>
      tpu.wait_dma2 semaphore(%run_scoped3A : memref<!tpu.dma_semaphore, #tpu.memory_space<semaphore_mem>>) src(%dma_wait3A_32 : memref<80xi32, #tpu.memory_space<hbm>>) dst(%arg7 : memref<80xi32, #tpu.memory_space<vmem>>)
      tpu.yield
    }) : () -> ()
    "tpu.region"() ({
      %run_scoped3A = tpu.sem_alloc : memref<!tpu.dma_semaphore, #tpu.memory_space<semaphore_mem>>
      %dma_start3A_29 = tpu.memref_slice %arg4[%multiple_of3A] : memref<320000xi32, #tpu.memory_space<hbm>> -> memref<80xi32, #tpu.memory_space<hbm>>
      %dma_start3A_30 = tpu.memref_slice %arg4[%multiple_of3A] : memref<320000xi32, #tpu.memory_space<hbm>> -> memref<80xi32, #tpu.memory_space<hbm>>
      tpu.enqueue_dma source(%dma_start3A_30 : memref<80xi32, #tpu.memory_space<hbm>>) target(%arg8 : memref<80xi32, #tpu.memory_space<vmem>>) target_semaphore(%run_scoped3A : memref<!tpu.dma_semaphore, #tpu.memory_space<semaphore_mem>>)
      %dma_wait3A_31 = tpu.memref_slice %arg4[%multiple_of3A] : memref<320000xi32, #tpu.memory_space<hbm>> -> memref<80xi32, #tpu.memory_space<hbm>>
      %dma_wait3A_32 = tpu.memref_slice %arg4[%multiple_of3A] : memref<320000xi32, #tpu.memory_space<hbm>> -> memref<80xi32, #tpu.memory_space<hbm>>
      tpu.wait_dma2 semaphore(%run_scoped3A : memref<!tpu.dma_semaphore, #tpu.memory_space<semaphore_mem>>) src(%dma_wait3A_32 : memref<80xi32, #tpu.memory_space<hbm>>) dst(%arg8 : memref<80xi32, #tpu.memory_space<vmem>>)
      tpu.yield
    }) : () -> ()
    %dma_start3A = arith.constant 0 : i32
    %dma_start3A_5 = arith.constant 0 : i32
    %dma_start3A_6 = tpu.memref_slice %arg2[%dma_start3A, %dma_start3A_5] : memref<10000x256xf32, #tpu.memory_space<hbm>> -> memref<10000x256xf32, #tpu.memory_space<hbm>>
    tpu.enqueue_indirect_dma source(%dma_start3A_6 : memref<10000x256xf32, #tpu.memory_space<hbm>>) target(%arg9 : memref<80x256xf32, #tpu.memory_space<vmem>>) offsets(%arg7 : memref<80xi32, #tpu.memory_space<vmem>>) semaphore(%arg15 : memref<!tpu.dma_semaphore, #tpu.memory_space<semaphore_mem>>)
    %dma_start3A_7 = arith.constant 0 : i32
    %dma_start3A_8 = arith.constant 0 : i32
    %dma_start3A_9 = tpu.memref_slice %arg3[%dma_start3A_7, %dma_start3A_8] : memref<10000x256xf32, #tpu.memory_space<hbm>> -> memref<10000x256xf32, #tpu.memory_space<hbm>>
    tpu.enqueue_indirect_dma source(%dma_start3A_9 : memref<10000x256xf32, #tpu.memory_space<hbm>>) target(%arg10 : memref<80x256xf32, #tpu.memory_space<vmem>>) offsets(%arg8 : memref<80xi32, #tpu.memory_space<vmem>>) semaphore(%arg16 : memref<!tpu.dma_semaphore, #tpu.memory_space<semaphore_mem>>)
    %scan3A = arith.constant 0 : i32
    %scan3A_10 = arith.constant 0 : i32
    %scan3A_11 = arith.constant 62 : i32
    %scan3A_12 = arith.addi %scan3A_10, %scan3A_11 : i32
    %scan3A_13 = arith.constant 1 : i32
    scf.for %scan3A_29 = %scan3A_10 to %scan3A_12 step %scan3A_13  : i32 {
      %mul3A_30 = arith.constant 2 : i32
      %mul3A_31 = arith.muli %mul3A_30, %scan3A_29 : i32
      %add3A_32 = arith.constant 1 : i32
      %add3A_33 = arith.addi %mul3A_31, %add3A_32 : i32
      %mul3A_34 = arith.constant 80 : i32
      %mul3A_35 = arith.muli %add3A_33, %mul3A_34 : i32
      %add3A_36 = arith.addi %mul3A_2, %mul3A_35 : i32
      %multiple_of3A_37 = tpu.assume_multiple %add3A_36, 8 : i32
      "tpu.region"() ({
        %run_scoped3A = tpu.sem_alloc : memref<!tpu.dma_semaphore, #tpu.memory_space<semaphore_mem>>
        %dma_start3A_90 = tpu.memref_slice %arg5[%multiple_of3A_37] : memref<320000xi32, #tpu.memory_space<hbm>> -> memref<80xi32, #tpu.memory_space<hbm>>
        %dma_start3A_91 = tpu.memref_slice %arg5[%multiple_of3A_37] : memref<320000xi32, #tpu.memory_space<hbm>> -> memref<80xi32, #tpu.memory_space<hbm>>
        tpu.enqueue_dma source(%dma_start3A_91 : memref<80xi32, #tpu.memory_space<hbm>>) target(%arg11 : memref<80xi32, #tpu.memory_space<vmem>>) target_semaphore(%run_scoped3A : memref<!tpu.dma_semaphore, #tpu.memory_space<semaphore_mem>>)
        %dma_wait3A_92 = tpu.memref_slice %arg5[%multiple_of3A_37] : memref<320000xi32, #tpu.memory_space<hbm>> -> memref<80xi32, #tpu.memory_space<hbm>>
        %dma_wait3A_93 = tpu.memref_slice %arg5[%multiple_of3A_37] : memref<320000xi32, #tpu.memory_space<hbm>> -> memref<80xi32, #tpu.memory_space<hbm>>
        tpu.wait_dma2 semaphore(%run_scoped3A : memref<!tpu.dma_semaphore, #tpu.memory_space<semaphore_mem>>) src(%dma_wait3A_93 : memref<80xi32, #tpu.memory_space<hbm>>) dst(%arg11 : memref<80xi32, #tpu.memory_space<vmem>>)
        tpu.yield
      }) : () -> ()
      "tpu.region"() ({
        %run_scoped3A = tpu.sem_alloc : memref<!tpu.dma_semaphore, #tpu.memory_space<semaphore_mem>>
        %dma_start3A_90 = tpu.memref_slice %arg4[%multiple_of3A_37] : memref<320000xi32, #tpu.memory_space<hbm>> -> memref<80xi32, #tpu.memory_space<hbm>>
        %dma_start3A_91 = tpu.memref_slice %arg4[%multiple_of3A_37] : memref<320000xi32, #tpu.memory_space<hbm>> -> memref<80xi32, #tpu.memory_space<hbm>>
        tpu.enqueue_dma source(%dma_start3A_91 : memref<80xi32, #tpu.memory_space<hbm>>) target(%arg12 : memref<80xi32, #tpu.memory_space<vmem>>) target_semaphore(%run_scoped3A : memref<!tpu.dma_semaphore, #tpu.memory_space<semaphore_mem>>)
        %dma_wait3A_92 = tpu.memref_slice %arg4[%multiple_of3A_37] : memref<320000xi32, #tpu.memory_space<hbm>> -> memref<80xi32, #tpu.memory_space<hbm>>
        %dma_wait3A_93 = tpu.memref_slice %arg4[%multiple_of3A_37] : memref<320000xi32, #tpu.memory_space<hbm>> -> memref<80xi32, #tpu.memory_space<hbm>>
        tpu.wait_dma2 semaphore(%run_scoped3A : memref<!tpu.dma_semaphore, #tpu.memory_space<semaphore_mem>>) src(%dma_wait3A_93 : memref<80xi32, #tpu.memory_space<hbm>>) dst(%arg12 : memref<80xi32, #tpu.memory_space<vmem>>)
        tpu.yield
      }) : () -> ()
      %dma_start3A_38 = arith.constant 0 : i32
      %dma_start3A_39 = arith.constant 0 : i32
      %dma_start3A_40 = tpu.memref_slice %arg2[%dma_start3A_38, %dma_start3A_39] : memref<10000x256xf32, #tpu.memory_space<hbm>> -> memref<10000x256xf32, #tpu.memory_space<hbm>>
      tpu.enqueue_indirect_dma source(%dma_start3A_40 : memref<10000x256xf32, #tpu.memory_space<hbm>>) target(%arg13 : memref<80x256xf32, #tpu.memory_space<vmem>>) offsets(%arg11 : memref<80xi32, #tpu.memory_space<vmem>>) semaphore(%arg17 : memref<!tpu.dma_semaphore, #tpu.memory_space<semaphore_mem>>)
      %dma_start3A_41 = arith.constant 0 : i32
      %dma_start3A_42 = arith.constant 0 : i32
      %dma_start3A_43 = tpu.memref_slice %arg3[%dma_start3A_41, %dma_start3A_42] : memref<10000x256xf32, #tpu.memory_space<hbm>> -> memref<10000x256xf32, #tpu.memory_space<hbm>>
      tpu.enqueue_indirect_dma source(%dma_start3A_43 : memref<10000x256xf32, #tpu.memory_space<hbm>>) target(%arg14 : memref<80x256xf32, #tpu.memory_space<vmem>>) offsets(%arg12 : memref<80xi32, #tpu.memory_space<vmem>>) semaphore(%arg18 : memref<!tpu.dma_semaphore, #tpu.memory_space<semaphore_mem>>)
      %dma_wait3A_44 = arith.constant 0 : i32
      %dma_wait3A_45 = arith.constant 0 : i32
      %dma_wait3A_46 = tpu.memref_slice %arg2[%dma_wait3A_44, %dma_wait3A_45] : memref<10000x256xf32, #tpu.memory_space<hbm>> -> memref<10000x256xf32, #tpu.memory_space<hbm>>
      tpu.wait_indirect_dma semaphore(%arg15 : memref<!tpu.dma_semaphore, #tpu.memory_space<semaphore_mem>>) src(%dma_wait3A_46 : memref<10000x256xf32, #tpu.memory_space<hbm>>) dst(%arg9 : memref<80x256xf32, #tpu.memory_space<vmem>>)
      %dma_wait3A_47 = arith.constant 0 : i32
      %dma_wait3A_48 = arith.constant 0 : i32
      %dma_wait3A_49 = tpu.memref_slice %arg3[%dma_wait3A_47, %dma_wait3A_48] : memref<10000x256xf32, #tpu.memory_space<hbm>> -> memref<10000x256xf32, #tpu.memory_space<hbm>>
      tpu.wait_indirect_dma semaphore(%arg16 : memref<!tpu.dma_semaphore, #tpu.memory_space<semaphore_mem>>) src(%dma_wait3A_49 : memref<10000x256xf32, #tpu.memory_space<hbm>>) dst(%arg10 : memref<80x256xf32, #tpu.memory_space<vmem>>)
      %scan3A_50 = arith.constant 0 : i32
      %scan3A_51 = arith.constant 0 : i32
      %scan3A_52 = arith.constant 80 : i32
      %scan3A_53 = arith.addi %scan3A_51, %scan3A_52 : i32
      %scan3A_54 = arith.constant 1 : i32
      scf.for %scan3A_90 = %scan3A_51 to %scan3A_53 step %scan3A_54  : i32 {
        %get3A = arith.index_cast %scan3A_90 : i32 to index
        %get3A_91 = arith.constant 0 : index
        %get3A_92 = tpu.vector_load %arg9[%get3A, %get3A_91] {strides = array<i32>} : memref<80x256xf32, #tpu.memory_space<vmem>>, vector<1x16xf32>,
        %get3A_93 = vector.shape_cast %get3A_92 : vector<1x16xf32> to vector<16xf32>
        %get3A_94 = arith.index_cast %scan3A_90 : i32 to index
        %get3A_95 = arith.constant 0 : index
        %get3A_96 = tpu.vector_load %arg10[%get3A_94, %get3A_95] {strides = array<i32>} : memref<80x256xf32, #tpu.memory_space<vmem>>, vector<1x16xf32>,
        %get3A_97 = vector.shape_cast %get3A_96 : vector<1x16xf32> to vector<16xf32>
        %add3A_98 = arith.addf %get3A_93, %get3A_97 : vector<16xf32>
        %swap3A = arith.index_cast %scan3A_90 : i32 to index
        %swap3A_99 = arith.constant 0 : index
        %swap3A_100 = tpu.vector_load %arg9[%swap3A, %swap3A_99] {strides = array<i32>} : memref<80x256xf32, #tpu.memory_space<vmem>>, vector<1x16xf32>,
        %swap3A_101 = vector.shape_cast %swap3A_100 : vector<1x16xf32> to vector<16xf32>
        %swap3A_102 = vector.shape_cast %add3A_98 : vector<16xf32> to vector<1x16xf32>
        tpu.vector_store %arg9[%swap3A, %swap3A_99], %swap3A_102 {strides = array<i32>} : memref<80x256xf32, #tpu.memory_space<vmem>>, vector<1x16xf32>,
        %get3A_103 = arith.index_cast %scan3A_90 : i32 to index
        %get3A_104 = arith.constant 16 : index
        %get3A_105 = tpu.vector_load %arg9[%get3A_103, %get3A_104] {strides = array<i32>} : memref<80x256xf32, #tpu.memory_space<vmem>>, vector<1x16xf32>,
        %get3A_106 = vector.shape_cast %get3A_105 : vector<1x16xf32> to vector<16xf32>
        %get3A_107 = arith.index_cast %scan3A_90 : i32 to index
        %get3A_108 = arith.constant 16 : index
        %get3A_109 = tpu.vector_load %arg10[%get3A_107, %get3A_108] {strides = array<i32>} : memref<80x256xf32, #tpu.memory_space<vmem>>, vector<1x16xf32>,
        %get3A_110 = vector.shape_cast %get3A_109 : vector<1x16xf32> to vector<16xf32>
        %add3A_111 = arith.addf %get3A_106, %get3A_110 : vector<16xf32>
        %swap3A_112 = arith.index_cast %scan3A_90 : i32 to index
        %swap3A_113 = arith.constant 16 : index
        %swap3A_114 = tpu.vector_load %arg9[%swap3A_112, %swap3A_113] {strides = array<i32>} : memref<80x256xf32, #tpu.memory_space<vmem>>, vector<1x16xf32>,
        %swap3A_115 = vector.shape_cast %swap3A_114 : vector<1x16xf32> to vector<16xf32>
        %swap3A_116 = vector.shape_cast %add3A_111 : vector<16xf32> to vector<1x16xf32>
        tpu.vector_store %arg9[%swap3A_112, %swap3A_113], %swap3A_116 {strides = array<i32>} : memref<80x256xf32, #tpu.memory_space<vmem>>, vector<1x16xf32>,
        %get3A_117 = arith.index_cast %scan3A_90 : i32 to index
        %get3A_118 = arith.constant 32 : index
        %get3A_119 = tpu.vector_load %arg9[%get3A_117, %get3A_118] {strides = array<i32>} : memref<80x256xf32, #tpu.memory_space<vmem>>, vector<1x16xf32>,
        %get3A_120 = vector.shape_cast %get3A_119 : vector<1x16xf32> to vector<16xf32>
        %get3A_121 = arith.index_cast %scan3A_90 : i32 to index
        %get3A_122 = arith.constant 32 : index
        %get3A_123 = tpu.vector_load %arg10[%get3A_121, %get3A_122] {strides = array<i32>} : memref<80x256xf32, #tpu.memory_space<vmem>>, vector<1x16xf32>,
        %get3A_124 = vector.shape_cast %get3A_123 : vector<1x16xf32> to vector<16xf32>
        %add3A_125 = arith.addf %get3A_120, %get3A_124 : vector<16xf32>
        %swap3A_126 = arith.index_cast %scan3A_90 : i32 to index
        %swap3A_127 = arith.constant 32 : index
        %swap3A_128 = tpu.vector_load %arg9[%swap3A_126, %swap3A_127] {strides = array<i32>} : memref<80x256xf32, #tpu.memory_space<vmem>>, vector<1x16xf32>,
        %swap3A_129 = vector.shape_cast %swap3A_128 : vector<1x16xf32> to vector<16xf32>
        %swap3A_130 = vector.shape_cast %add3A_125 : vector<16xf32> to vector<1x16xf32>
        tpu.vector_store %arg9[%swap3A_126, %swap3A_127], %swap3A_130 {strides = array<i32>} : memref<80x256xf32, #tpu.memory_space<vmem>>, vector<1x16xf32>,
        %get3A_131 = arith.index_cast %scan3A_90 : i32 to index
        %get3A_132 = arith.constant 48 : index
        %get3A_133 = tpu.vector_load %arg9[%get3A_131, %get3A_132] {strides = array<i32>} : memref<80x256xf32, #tpu.memory_space<vmem>>, vector<1x16xf32>,
        %get3A_134 = vector.shape_cast %get3A_133 : vector<1x16xf32> to vector<16xf32>
        %get3A_135 = arith.index_cast %scan3A_90 : i32 to index
        %get3A_136 = arith.constant 48 : index
        %get3A_137 = tpu.vector_load %arg10[%get3A_135, %get3A_136] {strides = array<i32>} : memref<80x256xf32, #tpu.memory_space<vmem>>, vector<1x16xf32>,
        %get3A_138 = vector.shape_cast %get3A_137 : vector<1x16xf32> to vector<16xf32>
        %add3A_139 = arith.addf %get3A_134, %get3A_138 : vector<16xf32>
        %swap3A_140 = arith.index_cast %scan3A_90 : i32 to index
        %swap3A_141 = arith.constant 48 : index
        %swap3A_142 = tpu.vector_load %arg9[%swap3A_140, %swap3A_141] {strides = array<i32>} : memref<80x256xf32, #tpu.memory_space<vmem>>, vector<1x16xf32>,
        %swap3A_143 = vector.shape_cast %swap3A_142 : vector<1x16xf32> to vector<16xf32>
        %swap3A_144 = vector.shape_cast %add3A_139 : vector<16xf32> to vector<1x16xf32>
        tpu.vector_store %arg9[%swap3A_140, %swap3A_141], %swap3A_144 {strides = array<i32>} : memref<80x256xf32, #tpu.memory_space<vmem>>, vector<1x16xf32>,
        %get3A_145 = arith.index_cast %scan3A_90 : i32 to index
        %get3A_146 = arith.constant 64 : index
        %get3A_147 = tpu.vector_load %arg9[%get3A_145, %get3A_146] {strides = array<i32>} : memref<80x256xf32, #tpu.memory_space<vmem>>, vector<1x16xf32>,
        %get3A_148 = vector.shape_cast %get3A_147 : vector<1x16xf32> to vector<16xf32>
        %get3A_149 = arith.index_cast %scan3A_90 : i32 to index
        %get3A_150 = arith.constant 64 : index
        %get3A_151 = tpu.vector_load %arg10[%get3A_149, %get3A_150] {strides = array<i32>} : memref<80x256xf32, #tpu.memory_space<vmem>>, vector<1x16xf32>,
        %get3A_152 = vector.shape_cast %get3A_151 : vector<1x16xf32> to vector<16xf32>
        %add3A_153 = arith.addf %get3A_148, %get3A_152 : vector<16xf32>
        %swap3A_154 = arith.index_cast %scan3A_90 : i32 to index
        %swap3A_155 = arith.constant 64 : index
        %swap3A_156 = tpu.vector_load %arg9[%swap3A_154, %swap3A_155] {strides = array<i32>} : memref<80x256xf32, #tpu.memory_space<vmem>>, vector<1x16xf32>,
        %swap3A_157 = vector.shape_cast %swap3A_156 : vector<1x16xf32> to vector<16xf32>
        %swap3A_158 = vector.shape_cast %add3A_153 : vector<16xf32> to vector<1x16xf32>
        tpu.vector_store %arg9[%swap3A_154, %swap3A_155], %swap3A_158 {strides = array<i32>} : memref<80x256xf32, #tpu.memory_space<vmem>>, vector<1x16xf32>,
        %get3A_159 = arith.index_cast %scan3A_90 : i32 to index
        %get3A_160 = arith.constant 80 : index
        %get3A_161 = tpu.vector_load %arg9[%get3A_159, %get3A_160] {strides = array<i32>} : memref<80x256xf32, #tpu.memory_space<vmem>>, vector<1x16xf32>,
        %get3A_162 = vector.shape_cast %get3A_161 : vector<1x16xf32> to vector<16xf32>
        %get3A_163 = arith.index_cast %scan3A_90 : i32 to index
        %get3A_164 = arith.constant 80 : index
        %get3A_165 = tpu.vector_load %arg10[%get3A_163, %get3A_164] {strides = array<i32>} : memref<80x256xf32, #tpu.memory_space<vmem>>, vector<1x16xf32>,
        %get3A_166 = vector.shape_cast %get3A_165 : vector<1x16xf32> to vector<16xf32>
        %add3A_167 = arith.addf %get3A_162, %get3A_166 : vector<16xf32>
        %swap3A_168 = arith.index_cast %scan3A_90 : i32 to index
        %swap3A_169 = arith.constant 80 : index
        %swap3A_170 = tpu.vector_load %arg9[%swap3A_168, %swap3A_169] {strides = array<i32>} : memref<80x256xf32, #tpu.memory_space<vmem>>, vector<1x16xf32>,
        %swap3A_171 = vector.shape_cast %swap3A_170 : vector<1x16xf32> to vector<16xf32>
        %swap3A_172 = vector.shape_cast %add3A_167 : vector<16xf32> to vector<1x16xf32>
        tpu.vector_store %arg9[%swap3A_168, %swap3A_169], %swap3A_172 {strides = array<i32>} : memref<80x256xf32, #tpu.memory_space<vmem>>, vector<1x16xf32>,
        %get3A_173 = arith.index_cast %scan3A_90 : i32 to index
        %get3A_174 = arith.constant 96 : index
        %get3A_175 = tpu.vector_load %arg9[%get3A_173, %get3A_174] {strides = array<i32>} : memref<80x256xf32, #tpu.memory_space<vmem>>, vector<1x16xf32>,
        %get3A_176 = vector.shape_cast %get3A_175 : vector<1x16xf32> to vector<16xf32>
        %get3A_177 = arith.index_cast %scan3A_90 : i32 to index
        %get3A_178 = arith.constant 96 : index
        %get3A_179 = tpu.vector_load %arg10[%get3A_177, %get3A_178] {strides = array<i32>} : memref<80x256xf32, #tpu.memory_space<vmem>>, vector<1x16xf32>,
        %get3A_180 = vector.shape_cast %get3A_179 : vector<1x16xf32> to vector<16xf32>
        %add3A_181 = arith.addf %get3A_176, %get3A_180 : vector<16xf32>
        %swap3A_182 = arith.index_cast %scan3A_90 : i32 to index
        %swap3A_183 = arith.constant 96 : index
        %swap3A_184 = tpu.vector_load %arg9[%swap3A_182, %swap3A_183] {strides = array<i32>} : memref<80x256xf32, #tpu.memory_space<vmem>>, vector<1x16xf32>,
        %swap3A_185 = vector.shape_cast %swap3A_184 : vector<1x16xf32> to vector<16xf32>
        %swap3A_186 = vector.shape_cast %add3A_181 : vector<16xf32> to vector<1x16xf32>
        tpu.vector_store %arg9[%swap3A_182, %swap3A_183], %swap3A_186 {strides = array<i32>} : memref<80x256xf32, #tpu.memory_space<vmem>>, vector<1x16xf32>,
        %get3A_187 = arith.index_cast %scan3A_90 : i32 to index
        %get3A_188 = arith.constant 112 : index
        %get3A_189 = tpu.vector_load %arg9[%get3A_187, %get3A_188] {strides = array<i32>} : memref<80x256xf32, #tpu.memory_space<vmem>>, vector<1x16xf32>,
        %get3A_190 = vector.shape_cast %get3A_189 : vector<1x16xf32> to vector<16xf32>
        %get3A_191 = arith.index_cast %scan3A_90 : i32 to index
        %get3A_192 = arith.constant 112 : index
        %get3A_193 = tpu.vector_load %arg10[%get3A_191, %get3A_192] {strides = array<i32>} : memref<80x256xf32, #tpu.memory_space<vmem>>, vector<1x16xf32>,
        %get3A_194 = vector.shape_cast %get3A_193 : vector<1x16xf32> to vector<16xf32>
        %add3A_195 = arith.addf %get3A_190, %get3A_194 : vector<16xf32>
        %swap3A_196 = arith.index_cast %scan3A_90 : i32 to index
        %swap3A_197 = arith.constant 112 : index
        %swap3A_198 = tpu.vector_load %arg9[%swap3A_196, %swap3A_197] {strides = array<i32>} : memref<80x256xf32, #tpu.memory_space<vmem>>, vector<1x16xf32>,
        %swap3A_199 = vector.shape_cast %swap3A_198 : vector<1x16xf32> to vector<16xf32>
        %swap3A_200 = vector.shape_cast %add3A_195 : vector<16xf32> to vector<1x16xf32>
        tpu.vector_store %arg9[%swap3A_196, %swap3A_197], %swap3A_200 {strides = array<i32>} : memref<80x256xf32, #tpu.memory_space<vmem>>, vector<1x16xf32>,
        %get3A_201 = arith.index_cast %scan3A_90 : i32 to index
        %get3A_202 = arith.constant 128 : index
        %get3A_203 = tpu.vector_load %arg9[%get3A_201, %get3A_202] {strides = array<i32>} : memref<80x256xf32, #tpu.memory_space<vmem>>, vector<1x16xf32>,
        %get3A_204 = vector.shape_cast %get3A_203 : vector<1x16xf32> to vector<16xf32>
        %get3A_205 = arith.index_cast %scan3A_90 : i32 to index
        %get3A_206 = arith.constant 128 : index
        %get3A_207 = tpu.vector_load %arg10[%get3A_205, %get3A_206] {strides = array<i32>} : memref<80x256xf32, #tpu.memory_space<vmem>>, vector<1x16xf32>,
        %get3A_208 = vector.shape_cast %get3A_207 : vector<1x16xf32> to vector<16xf32>
        %add3A_209 = arith.addf %get3A_204, %get3A_208 : vector<16xf32>
        %swap3A_210 = arith.index_cast %scan3A_90 : i32 to index
        %swap3A_211 = arith.constant 128 : index
        %swap3A_212 = tpu.vector_load %arg9[%swap3A_210, %swap3A_211] {strides = array<i32>} : memref<80x256xf32, #tpu.memory_space<vmem>>, vector<1x16xf32>,
        %swap3A_213 = vector.shape_cast %swap3A_212 : vector<1x16xf32> to vector<16xf32>
        %swap3A_214 = vector.shape_cast %add3A_209 : vector<16xf32> to vector<1x16xf32>
        tpu.vector_store %arg9[%swap3A_210, %swap3A_211], %swap3A_214 {strides = array<i32>} : memref<80x256xf32, #tpu.memory_space<vmem>>, vector<1x16xf32>,
        %get3A_215 = arith.index_cast %scan3A_90 : i32 to index
        %get3A_216 = arith.constant 144 : index
        %get3A_217 = tpu.vector_load %arg9[%get3A_215, %get3A_216] {strides = array<i32>} : memref<80x256xf32, #tpu.memory_space<vmem>>, vector<1x16xf32>,
        %get3A_218 = vector.shape_cast %get3A_217 : vector<1x16xf32> to vector<16xf32>
        %get3A_219 = arith.index_cast %scan3A_90 : i32 to index
        %get3A_220 = arith.constant 144 : index
        %get3A_221 = tpu.vector_load %arg10[%get3A_219, %get3A_220] {strides = array<i32>} : memref<80x256xf32, #tpu.memory_space<vmem>>, vector<1x16xf32>,
        %get3A_222 = vector.shape_cast %get3A_221 : vector<1x16xf32> to vector<16xf32>
        %add3A_223 = arith.addf %get3A_218, %get3A_222 : vector<16xf32>
        %swap3A_224 = arith.index_cast %scan3A_90 : i32 to index
        %swap3A_225 = arith.constant 144 : index
        %swap3A_226 = tpu.vector_load %arg9[%swap3A_224, %swap3A_225] {strides = array<i32>} : memref<80x256xf32, #tpu.memory_space<vmem>>, vector<1x16xf32>,
        %swap3A_227 = vector.shape_cast %swap3A_226 : vector<1x16xf32> to vector<16xf32>
        %swap3A_228 = vector.shape_cast %add3A_223 : vector<16xf32> to vector<1x16xf32>
        tpu.vector_store %arg9[%swap3A_224, %swap3A_225], %swap3A_228 {strides = array<i32>} : memref<80x256xf32, #tpu.memory_space<vmem>>, vector<1x16xf32>,
        %get3A_229 = arith.index_cast %scan3A_90 : i32 to index
        %get3A_230 = arith.constant 160 : index
        %get3A_231 = tpu.vector_load %arg9[%get3A_229, %get3A_230] {strides = array<i32>} : memref<80x256xf32, #tpu.memory_space<vmem>>, vector<1x16xf32>,
        %get3A_232 = vector.shape_cast %get3A_231 : vector<1x16xf32> to vector<16xf32>
        %get3A_233 = arith.index_cast %scan3A_90 : i32 to index
        %get3A_234 = arith.constant 160 : index
        %get3A_235 = tpu.vector_load %arg10[%get3A_233, %get3A_234] {strides = array<i32>} : memref<80x256xf32, #tpu.memory_space<vmem>>, vector<1x16xf32>,
        %get3A_236 = vector.shape_cast %get3A_235 : vector<1x16xf32> to vector<16xf32>
        %add3A_237 = arith.addf %get3A_232, %get3A_236 : vector<16xf32>
        %swap3A_238 = arith.index_cast %scan3A_90 : i32 to index
        %swap3A_239 = arith.constant 160 : index
        %swap3A_240 = tpu.vector_load %arg9[%swap3A_238, %swap3A_239] {strides = array<i32>} : memref<80x256xf32, #tpu.memory_space<vmem>>, vector<1x16xf32>,
        %swap3A_241 = vector.shape_cast %swap3A_240 : vector<1x16xf32> to vector<16xf32>
        %swap3A_242 = vector.shape_cast %add3A_237 : vector<16xf32> to vector<1x16xf32>
        tpu.vector_store %arg9[%swap3A_238, %swap3A_239], %swap3A_242 {strides = array<i32>} : memref<80x256xf32, #tpu.memory_space<vmem>>, vector<1x16xf32>,
        %get3A_243 = arith.index_cast %scan3A_90 : i32 to index
        %get3A_244 = arith.constant 176 : index
        %get3A_245 = tpu.vector_load %arg9[%get3A_243, %get3A_244] {strides = array<i32>} : memref<80x256xf32, #tpu.memory_space<vmem>>, vector<1x16xf32>,
        %get3A_246 = vector.shape_cast %get3A_245 : vector<1x16xf32> to vector<16xf32>
        %get3A_247 = arith.index_cast %scan3A_90 : i32 to index
        %get3A_248 = arith.constant 176 : index
        %get3A_249 = tpu.vector_load %arg10[%get3A_247, %get3A_248] {strides = array<i32>} : memref<80x256xf32, #tpu.memory_space<vmem>>, vector<1x16xf32>,
        %get3A_250 = vector.shape_cast %get3A_249 : vector<1x16xf32> to vector<16xf32>
        %add3A_251 = arith.addf %get3A_246, %get3A_250 : vector<16xf32>
        %swap3A_252 = arith.index_cast %scan3A_90 : i32 to index
        %swap3A_253 = arith.constant 176 : index
        %swap3A_254 = tpu.vector_load %arg9[%swap3A_252, %swap3A_253] {strides = array<i32>} : memref<80x256xf32, #tpu.memory_space<vmem>>, vector<1x16xf32>,
        %swap3A_255 = vector.shape_cast %swap3A_254 : vector<1x16xf32> to vector<16xf32>
        %swap3A_256 = vector.shape_cast %add3A_251 : vector<16xf32> to vector<1x16xf32>
        tpu.vector_store %arg9[%swap3A_252, %swap3A_253], %swap3A_256 {strides = array<i32>} : memref<80x256xf32, #tpu.memory_space<vmem>>, vector<1x16xf32>,
        %get3A_257 = arith.index_cast %scan3A_90 : i32 to index
        %get3A_258 = arith.constant 192 : index
        %get3A_259 = tpu.vector_load %arg9[%get3A_257, %get3A_258] {strides = array<i32>} : memref<80x256xf32, #tpu.memory_space<vmem>>, vector<1x16xf32>,
        %get3A_260 = vector.shape_cast %get3A_259 : vector<1x16xf32> to vector<16xf32>
        %get3A_261 = arith.index_cast %scan3A_90 : i32 to index
        %get3A_262 = arith.constant 192 : index
        %get3A_263 = tpu.vector_load %arg10[%get3A_261, %get3A_262] {strides = array<i32>} : memref<80x256xf32, #tpu.memory_space<vmem>>, vector<1x16xf32>,
        %get3A_264 = vector.shape_cast %get3A_263 : vector<1x16xf32> to vector<16xf32>
        %add3A_265 = arith.addf %get3A_260, %get3A_264 : vector<16xf32>
        %swap3A_266 = arith.index_cast %scan3A_90 : i32 to index
        %swap3A_267 = arith.constant 192 : index
        %swap3A_268 = tpu.vector_load %arg9[%swap3A_266, %swap3A_267] {strides = array<i32>} : memref<80x256xf32, #tpu.memory_space<vmem>>, vector<1x16xf32>,
        %swap3A_269 = vector.shape_cast %swap3A_268 : vector<1x16xf32> to vector<16xf32>
        %swap3A_270 = vector.shape_cast %add3A_265 : vector<16xf32> to vector<1x16xf32>
        tpu.vector_store %arg9[%swap3A_266, %swap3A_267], %swap3A_270 {strides = array<i32>} : memref<80x256xf32, #tpu.memory_space<vmem>>, vector<1x16xf32>,
        %get3A_271 = arith.index_cast %scan3A_90 : i32 to index
        %get3A_272 = arith.constant 208 : index
        %get3A_273 = tpu.vector_load %arg9[%get3A_271, %get3A_272] {strides = array<i32>} : memref<80x256xf32, #tpu.memory_space<vmem>>, vector<1x16xf32>,
        %get3A_274 = vector.shape_cast %get3A_273 : vector<1x16xf32> to vector<16xf32>
        %get3A_275 = arith.index_cast %scan3A_90 : i32 to index
        %get3A_276 = arith.constant 208 : index
        %get3A_277 = tpu.vector_load %arg10[%get3A_275, %get3A_276] {strides = array<i32>} : memref<80x256xf32, #tpu.memory_space<vmem>>, vector<1x16xf32>,
        %get3A_278 = vector.shape_cast %get3A_277 : vector<1x16xf32> to vector<16xf32>
        %add3A_279 = arith.addf %get3A_274, %get3A_278 : vector<16xf32>
        %swap3A_280 = arith.index_cast %scan3A_90 : i32 to index
        %swap3A_281 = arith.constant 208 : index
        %swap3A_282 = tpu.vector_load %arg9[%swap3A_280, %swap3A_281] {strides = array<i32>} : memref<80x256xf32, #tpu.memory_space<vmem>>, vector<1x16xf32>,
        %swap3A_283 = vector.shape_cast %swap3A_282 : vector<1x16xf32> to vector<16xf32>
        %swap3A_284 = vector.shape_cast %add3A_279 : vector<16xf32> to vector<1x16xf32>
        tpu.vector_store %arg9[%swap3A_280, %swap3A_281], %swap3A_284 {strides = array<i32>} : memref<80x256xf32, #tpu.memory_space<vmem>>, vector<1x16xf32>,
        %get3A_285 = arith.index_cast %scan3A_90 : i32 to index
        %get3A_286 = arith.constant 224 : index
        %get3A_287 = tpu.vector_load %arg9[%get3A_285, %get3A_286] {strides = array<i32>} : memref<80x256xf32, #tpu.memory_space<vmem>>, vector<1x16xf32>,
        %get3A_288 = vector.shape_cast %get3A_287 : vector<1x16xf32> to vector<16xf32>
        %get3A_289 = arith.index_cast %scan3A_90 : i32 to index
        %get3A_290 = arith.constant 224 : index
        %get3A_291 = tpu.vector_load %arg10[%get3A_289, %get3A_290] {strides = array<i32>} : memref<80x256xf32, #tpu.memory_space<vmem>>, vector<1x16xf32>,
        %get3A_292 = vector.shape_cast %get3A_291 : vector<1x16xf32> to vector<16xf32>
        %add3A_293 = arith.addf %get3A_288, %get3A_292 : vector<16xf32>
        %swap3A_294 = arith.index_cast %scan3A_90 : i32 to index
        %swap3A_295 = arith.constant 224 : index
        %swap3A_296 = tpu.vector_load %arg9[%swap3A_294, %swap3A_295] {strides = array<i32>} : memref<80x256xf32, #tpu.memory_space<vmem>>, vector<1x16xf32>,
        %swap3A_297 = vector.shape_cast %swap3A_296 : vector<1x16xf32> to vector<16xf32>
        %swap3A_298 = vector.shape_cast %add3A_293 : vector<16xf32> to vector<1x16xf32>
        tpu.vector_store %arg9[%swap3A_294, %swap3A_295], %swap3A_298 {strides = array<i32>} : memref<80x256xf32, #tpu.memory_space<vmem>>, vector<1x16xf32>,
        %get3A_299 = arith.index_cast %scan3A_90 : i32 to index
        %get3A_300 = arith.constant 240 : index
        %get3A_301 = tpu.vector_load %arg9[%get3A_299, %get3A_300] {strides = array<i32>} : memref<80x256xf32, #tpu.memory_space<vmem>>, vector<1x16xf32>,
        %get3A_302 = vector.shape_cast %get3A_301 : vector<1x16xf32> to vector<16xf32>
        %get3A_303 = arith.index_cast %scan3A_90 : i32 to index
        %get3A_304 = arith.constant 240 : index
        %get3A_305 = tpu.vector_load %arg10[%get3A_303, %get3A_304] {strides = array<i32>} : memref<80x256xf32, #tpu.memory_space<vmem>>, vector<1x16xf32>,
        %get3A_306 = vector.shape_cast %get3A_305 : vector<1x16xf32> to vector<16xf32>
        %add3A_307 = arith.addf %get3A_302, %get3A_306 : vector<16xf32>
        %swap3A_308 = arith.index_cast %scan3A_90 : i32 to index
        %swap3A_309 = arith.constant 240 : index
        %swap3A_310 = tpu.vector_load %arg9[%swap3A_308, %swap3A_309] {strides = array<i32>} : memref<80x256xf32, #tpu.memory_space<vmem>>, vector<1x16xf32>,
        %swap3A_311 = vector.shape_cast %swap3A_310 : vector<1x16xf32> to vector<16xf32>
        %swap3A_312 = vector.shape_cast %add3A_307 : vector<16xf32> to vector<1x16xf32>
        tpu.vector_store %arg9[%swap3A_308, %swap3A_309], %swap3A_312 {strides = array<i32>} : memref<80x256xf32, #tpu.memory_space<vmem>>, vector<1x16xf32>,
      }
      %scan3A_55 = arith.constant 80 : i32
      %mul3A_56 = arith.constant 80 : i32
      %mul3A_57 = arith.muli %mul3A_31, %mul3A_56 : i32
      %add3A_58 = arith.addi %mul3A_2, %mul3A_57 : i32
      %multiple_of3A_59 = tpu.assume_multiple %add3A_58, 8 : i32
      "tpu.region"() ({
        %run_scoped3A = tpu.sem_alloc : memref<!tpu.dma_semaphore, #tpu.memory_space<semaphore_mem>>
        %dma_start3A_90 = arith.constant 0 : i32
        %dma_start3A_91 = tpu.memref_slice %arg6[%multiple_of3A_59, %dma_start3A_90] : memref<320000x256xf32, #tpu.memory_space<hbm>> -> memref<80x256xf32, #tpu.memory_space<hbm>>
        %dma_start3A_92 = arith.constant 0 : i32
        %dma_start3A_93 = tpu.memref_slice %arg6[%multiple_of3A_59, %dma_start3A_92] : memref<320000x256xf32, #tpu.memory_space<hbm>> -> memref<80x256xf32, #tpu.memory_space<hbm>>
        tpu.enqueue_dma source(%arg9 : memref<80x256xf32, #tpu.memory_space<vmem>>) target(%dma_start3A_93 : memref<80x256xf32, #tpu.memory_space<hbm>>) target_semaphore(%run_scoped3A : memref<!tpu.dma_semaphore, #tpu.memory_space<semaphore_mem>>)
        %dma_wait3A_94 = arith.constant 0 : i32
        %dma_wait3A_95 = tpu.memref_slice %arg6[%multiple_of3A_59, %dma_wait3A_94] : memref<320000x256xf32, #tpu.memory_space<hbm>> -> memref<80x256xf32, #tpu.memory_space<hbm>>
        %dma_wait3A_96 = arith.constant 0 : i32
        %dma_wait3A_97 = tpu.memref_slice %arg6[%multiple_of3A_59, %dma_wait3A_96] : memref<320000x256xf32, #tpu.memory_space<hbm>> -> memref<80x256xf32, #tpu.memory_space<hbm>>
        tpu.wait_dma2 semaphore(%run_scoped3A : memref<!tpu.dma_semaphore, #tpu.memory_space<semaphore_mem>>) src(%arg9 : memref<80x256xf32, #tpu.memory_space<vmem>>) dst(%dma_wait3A_97 : memref<80x256xf32, #tpu.memory_space<hbm>>)
        tpu.yield
      }) : () -> ()
      %add3A_60 = arith.constant 2 : i32
      %add3A_61 = arith.addi %mul3A_31, %add3A_60 : i32
      %mul3A_62 = arith.constant 80 : i32
      %mul3A_63 = arith.muli %add3A_61, %mul3A_62 : i32
      %add3A_64 = arith.addi %mul3A_2, %mul3A_63 : i32
      %multiple_of3A_65 = tpu.assume_multiple %add3A_64, 8 : i32
      "tpu.region"() ({
        %run_scoped3A = tpu.sem_alloc : memref<!tpu.dma_semaphore, #tpu.memory_space<semaphore_mem>>
        %dma_start3A_90 = tpu.memref_slice %arg5[%multiple_of3A_65] : memref<320000xi32, #tpu.memory_space<hbm>> -> memref<80xi32, #tpu.memory_space<hbm>>
        %dma_start3A_91 = tpu.memref_slice %arg5[%multiple_of3A_65] : memref<320000xi32, #tpu.memory_space<hbm>> -> memref<80xi32, #tpu.memory_space<hbm>>
        tpu.enqueue_dma source(%dma_start3A_91 : memref<80xi32, #tpu.memory_space<hbm>>) target(%arg7 : memref<80xi32, #tpu.memory_space<vmem>>) target_semaphore(%run_scoped3A : memref<!tpu.dma_semaphore, #tpu.memory_space<semaphore_mem>>)
        %dma_wait3A_92 = tpu.memref_slice %arg5[%multiple_of3A_65] : memref<320000xi32, #tpu.memory_space<hbm>> -> memref<80xi32, #tpu.memory_space<hbm>>
        %dma_wait3A_93 = tpu.memref_slice %arg5[%multiple_of3A_65] : memref<320000xi32, #tpu.memory_space<hbm>> -> memref<80xi32, #tpu.memory_space<hbm>>
        tpu.wait_dma2 semaphore(%run_scoped3A : memref<!tpu.dma_semaphore, #tpu.memory_space<semaphore_mem>>) src(%dma_wait3A_93 : memref<80xi32, #tpu.memory_space<hbm>>) dst(%arg7 : memref<80xi32, #tpu.memory_space<vmem>>)
        tpu.yield
      }) : () -> ()
      "tpu.region"() ({
        %run_scoped3A = tpu.sem_alloc : memref<!tpu.dma_semaphore, #tpu.memory_space<semaphore_mem>>
        %dma_start3A_90 = tpu.memref_slice %arg4[%multiple_of3A_65] : memref<320000xi32, #tpu.memory_space<hbm>> -> memref<80xi32, #tpu.memory_space<hbm>>
        %dma_start3A_91 = tpu.memref_slice %arg4[%multiple_of3A_65] : memref<320000xi32, #tpu.memory_space<hbm>> -> memref<80xi32, #tpu.memory_space<hbm>>
        tpu.enqueue_dma source(%dma_start3A_91 : memref<80xi32, #tpu.memory_space<hbm>>) target(%arg8 : memref<80xi32, #tpu.memory_space<vmem>>) target_semaphore(%run_scoped3A : memref<!tpu.dma_semaphore, #tpu.memory_space<semaphore_mem>>)
        %dma_wait3A_92 = tpu.memref_slice %arg4[%multiple_of3A_65] : memref<320000xi32, #tpu.memory_space<hbm>> -> memref<80xi32, #tpu.memory_space<hbm>>
        %dma_wait3A_93 = tpu.memref_slice %arg4[%multiple_of3A_65] : memref<320000xi32, #tpu.memory_space<hbm>> -> memref<80xi32, #tpu.memory_space<hbm>>
        tpu.wait_dma2 semaphore(%run_scoped3A : memref<!tpu.dma_semaphore, #tpu.memory_space<semaphore_mem>>) src(%dma_wait3A_93 : memref<80xi32, #tpu.memory_space<hbm>>) dst(%arg8 : memref<80xi32, #tpu.memory_space<vmem>>)
        tpu.yield
      }) : () -> ()
      %dma_start3A_66 = arith.constant 0 : i32
      %dma_start3A_67 = arith.constant 0 : i32
      %dma_start3A_68 = tpu.memref_slice %arg2[%dma_start3A_66, %dma_start3A_67] : memref<10000x256xf32, #tpu.memory_space<hbm>> -> memref<10000x256xf32, #tpu.memory_space<hbm>>
      tpu.enqueue_indirect_dma source(%dma_start3A_68 : memref<10000x256xf32, #tpu.memory_space<hbm>>) target(%arg9 : memref<80x256xf32, #tpu.memory_space<vmem>>) offsets(%arg7 : memref<80xi32, #tpu.memory_space<vmem>>) semaphore(%arg15 : memref<!tpu.dma_semaphore, #tpu.memory_space<semaphore_mem>>)
      %dma_start3A_69 = arith.constant 0 : i32
      %dma_start3A_70 = arith.constant 0 : i32
      %dma_start3A_71 = tpu.memref_slice %arg3[%dma_start3A_69, %dma_start3A_70] : memref<10000x256xf32, #tpu.memory_space<hbm>> -> memref<10000x256xf32, #tpu.memory_space<hbm>>
      tpu.enqueue_indirect_dma source(%dma_start3A_71 : memref<10000x256xf32, #tpu.memory_space<hbm>>) target(%arg10 : memref<80x256xf32, #tpu.memory_space<vmem>>) offsets(%arg8 : memref<80xi32, #tpu.memory_space<vmem>>) semaphore(%arg16 : memref<!tpu.dma_semaphore, #tpu.memory_space<semaphore_mem>>)
      %add3A_72 = arith.constant 1 : i32
      %add3A_73 = arith.addi %mul3A_31, %add3A_72 : i32
      %dma_wait3A_74 = arith.constant 0 : i32
      %dma_wait3A_75 = arith.constant 0 : i32
      %dma_wait3A_76 = tpu.memref_slice %arg2[%dma_wait3A_74, %dma_wait3A_75] : memref<10000x256xf32, #tpu.memory_space<hbm>> -> memref<10000x256xf32, #tpu.memory_space<hbm>>
      tpu.wait_indirect_dma semaphore(%arg17 : memref<!tpu.dma_semaphore, #tpu.memory_space<semaphore_mem>>) src(%dma_wait3A_76 : memref<10000x256xf32, #tpu.memory_space<hbm>>) dst(%arg13 : memref<80x256xf32, #tpu.memory_space<vmem>>)
      %dma_wait3A_77 = arith.constant 0 : i32
      %dma_wait3A_78 = arith.constant 0 : i32
      %dma_wait3A_79 = tpu.memref_slice %arg3[%dma_wait3A_77, %dma_wait3A_78] : memref<10000x256xf32, #tpu.memory_space<hbm>> -> memref<10000x256xf32, #tpu.memory_space<hbm>>
      tpu.wait_indirect_dma semaphore(%arg18 : memref<!tpu.dma_semaphore, #tpu.memory_space<semaphore_mem>>) src(%dma_wait3A_79 : memref<10000x256xf32, #tpu.memory_space<hbm>>) dst(%arg14 : memref<80x256xf32, #tpu.memory_space<vmem>>)
      %scan3A_80 = arith.constant 0 : i32
      %scan3A_81 = arith.constant 0 : i32
      %scan3A_82 = arith.constant 80 : i32
      %scan3A_83 = arith.addi %scan3A_81, %scan3A_82 : i32
      %scan3A_84 = arith.constant 1 : i32
      scf.for %scan3A_90 = %scan3A_81 to %scan3A_83 step %scan3A_84  : i32 {
        %get3A = arith.index_cast %scan3A_90 : i32 to index
        %get3A_91 = arith.constant 0 : index
        %get3A_92 = tpu.vector_load %arg13[%get3A, %get3A_91] {strides = array<i32>} : memref<80x256xf32, #tpu.memory_space<vmem>>, vector<1x16xf32>,
        %get3A_93 = vector.shape_cast %get3A_92 : vector<1x16xf32> to vector<16xf32>
        %get3A_94 = arith.index_cast %scan3A_90 : i32 to index
        %get3A_95 = arith.constant 0 : index
        %get3A_96 = tpu.vector_load %arg14[%get3A_94, %get3A_95] {strides = array<i32>} : memref<80x256xf32, #tpu.memory_space<vmem>>, vector<1x16xf32>,
        %get3A_97 = vector.shape_cast %get3A_96 : vector<1x16xf32> to vector<16xf32>
        %add3A_98 = arith.addf %get3A_93, %get3A_97 : vector<16xf32>
        %swap3A = arith.index_cast %scan3A_90 : i32 to index
        %swap3A_99 = arith.constant 0 : index
        %swap3A_100 = tpu.vector_load %arg13[%swap3A, %swap3A_99] {strides = array<i32>} : memref<80x256xf32, #tpu.memory_space<vmem>>, vector<1x16xf32>,
        %swap3A_101 = vector.shape_cast %swap3A_100 : vector<1x16xf32> to vector<16xf32>
        %swap3A_102 = vector.shape_cast %add3A_98 : vector<16xf32> to vector<1x16xf32>
        tpu.vector_store %arg13[%swap3A, %swap3A_99], %swap3A_102 {strides = array<i32>} : memref<80x256xf32, #tpu.memory_space<vmem>>, vector<1x16xf32>,
        %get3A_103 = arith.index_cast %scan3A_90 : i32 to index
        %get3A_104 = arith.constant 16 : index
        %get3A_105 = tpu.vector_load %arg13[%get3A_103, %get3A_104] {strides = array<i32>} : memref<80x256xf32, #tpu.memory_space<vmem>>, vector<1x16xf32>,
        %get3A_106 = vector.shape_cast %get3A_105 : vector<1x16xf32> to vector<16xf32>
        %get3A_107 = arith.index_cast %scan3A_90 : i32 to index
        %get3A_108 = arith.constant 16 : index
        %get3A_109 = tpu.vector_load %arg14[%get3A_107, %get3A_108] {strides = array<i32>} : memref<80x256xf32, #tpu.memory_space<vmem>>, vector<1x16xf32>,
        %get3A_110 = vector.shape_cast %get3A_109 : vector<1x16xf32> to vector<16xf32>
        %add3A_111 = arith.addf %get3A_106, %get3A_110 : vector<16xf32>
        %swap3A_112 = arith.index_cast %scan3A_90 : i32 to index
        %swap3A_113 = arith.constant 16 : index
        %swap3A_114 = tpu.vector_load %arg13[%swap3A_112, %swap3A_113] {strides = array<i32>} : memref<80x256xf32, #tpu.memory_space<vmem>>, vector<1x16xf32>,
        %swap3A_115 = vector.shape_cast %swap3A_114 : vector<1x16xf32> to vector<16xf32>
        %swap3A_116 = vector.shape_cast %add3A_111 : vector<16xf32> to vector<1x16xf32>
        tpu.vector_store %arg13[%swap3A_112, %swap3A_113], %swap3A_116 {strides = array<i32>} : memref<80x256xf32, #tpu.memory_space<vmem>>, vector<1x16xf32>,
        %get3A_117 = arith.index_cast %scan3A_90 : i32 to index
        %get3A_118 = arith.constant 32 : index
        %get3A_119 = tpu.vector_load %arg13[%get3A_117, %get3A_118] {strides = array<i32>} : memref<80x256xf32, #tpu.memory_space<vmem>>, vector<1x16xf32>,
        %get3A_120 = vector.shape_cast %get3A_119 : vector<1x16xf32> to vector<16xf32>
        %get3A_121 = arith.index_cast %scan3A_90 : i32 to index
        %get3A_122 = arith.constant 32 : index
        %get3A_123 = tpu.vector_load %arg14[%get3A_121, %get3A_122] {strides = array<i32>} : memref<80x256xf32, #tpu.memory_space<vmem>>, vector<1x16xf32>,
        %get3A_124 = vector.shape_cast %get3A_123 : vector<1x16xf32> to vector<16xf32>
        %add3A_125 = arith.addf %get3A_120, %get3A_124 : vector<16xf32>
        %swap3A_126 = arith.index_cast %scan3A_90 : i32 to index
        %swap3A_127 = arith.constant 32 : index
        %swap3A_128 = tpu.vector_load %arg13[%swap3A_126, %swap3A_127] {strides = array<i32>} : memref<80x256xf32, #tpu.memory_space<vmem>>, vector<1x16xf32>,
        %swap3A_129 = vector.shape_cast %swap3A_128 : vector<1x16xf32> to vector<16xf32>
        %swap3A_130 = vector.shape_cast %add3A_125 : vector<16xf32> to vector<1x16xf32>
        tpu.vector_store %arg13[%swap3A_126, %swap3A_127], %swap3A_130 {strides = array<i32>} : memref<80x256xf32, #tpu.memory_space<vmem>>, vector<1x16xf32>,
        %get3A_131 = arith.index_cast %scan3A_90 : i32 to index
        %get3A_132 = arith.constant 48 : index
        %get3A_133 = tpu.vector_load %arg13[%get3A_131, %get3A_132] {strides = array<i32>} : memref<80x256xf32, #tpu.memory_space<vmem>>, vector<1x16xf32>,
        %get3A_134 = vector.shape_cast %get3A_133 : vector<1x16xf32> to vector<16xf32>
        %get3A_135 = arith.index_cast %scan3A_90 : i32 to index
        %get3A_136 = arith.constant 48 : index
        %get3A_137 = tpu.vector_load %arg14[%get3A_135, %get3A_136] {strides = array<i32>} : memref<80x256xf32, #tpu.memory_space<vmem>>, vector<1x16xf32>,
        %get3A_138 = vector.shape_cast %get3A_137 : vector<1x16xf32> to vector<16xf32>
        %add3A_139 = arith.addf %get3A_134, %get3A_138 : vector<16xf32>
        %swap3A_140 = arith.index_cast %scan3A_90 : i32 to index
        %swap3A_141 = arith.constant 48 : index
        %swap3A_142 = tpu.vector_load %arg13[%swap3A_140, %swap3A_141] {strides = array<i32>} : memref<80x256xf32, #tpu.memory_space<vmem>>, vector<1x16xf32>,
        %swap3A_143 = vector.shape_cast %swap3A_142 : vector<1x16xf32> to vector<16xf32>
        %swap3A_144 = vector.shape_cast %add3A_139 : vector<16xf32> to vector<1x16xf32>
        tpu.vector_store %arg13[%swap3A_140, %swap3A_141], %swap3A_144 {strides = array<i32>} : memref<80x256xf32, #tpu.memory_space<vmem>>, vector<1x16xf32>,
        %get3A_145 = arith.index_cast %scan3A_90 : i32 to index
        %get3A_146 = arith.constant 64 : index
        %get3A_147 = tpu.vector_load %arg13[%get3A_145, %get3A_146] {strides = array<i32>} : memref<80x256xf32, #tpu.memory_space<vmem>>, vector<1x16xf32>,
        %get3A_148 = vector.shape_cast %get3A_147 : vector<1x16xf32> to vector<16xf32>
        %get3A_149 = arith.index_cast %scan3A_90 : i32 to index
        %get3A_150 = arith.constant 64 : index
        %get3A_151 = tpu.vector_load %arg14[%get3A_149, %get3A_150] {strides = array<i32>} : memref<80x256xf32, #tpu.memory_space<vmem>>, vector<1x16xf32>,
        %get3A_152 = vector.shape_cast %get3A_151 : vector<1x16xf32> to vector<16xf32>
        %add3A_153 = arith.addf %get3A_148, %get3A_152 : vector<16xf32>
        %swap3A_154 = arith.index_cast %scan3A_90 : i32 to index
        %swap3A_155 = arith.constant 64 : index
        %swap3A_156 = tpu.vector_load %arg13[%swap3A_154, %swap3A_155] {strides = array<i32>} : memref<80x256xf32, #tpu.memory_space<vmem>>, vector<1x16xf32>,
        %swap3A_157 = vector.shape_cast %swap3A_156 : vector<1x16xf32> to vector<16xf32>
        %swap3A_158 = vector.shape_cast %add3A_153 : vector<16xf32> to vector<1x16xf32>
        tpu.vector_store %arg13[%swap3A_154, %swap3A_155], %swap3A_158 {strides = array<i32>} : memref<80x256xf32, #tpu.memory_space<vmem>>, vector<1x16xf32>,
        %get3A_159 = arith.index_cast %scan3A_90 : i32 to index
        %get3A_160 = arith.constant 80 : index
        %get3A_161 = tpu.vector_load %arg13[%get3A_159, %get3A_160] {strides = array<i32>} : memref<80x256xf32, #tpu.memory_space<vmem>>, vector<1x16xf32>,
        %get3A_162 = vector.shape_cast %get3A_161 : vector<1x16xf32> to vector<16xf32>
        %get3A_163 = arith.index_cast %scan3A_90 : i32 to index
        %get3A_164 = arith.constant 80 : index
        %get3A_165 = tpu.vector_load %arg14[%get3A_163, %get3A_164] {strides = array<i32>} : memref<80x256xf32, #tpu.memory_space<vmem>>, vector<1x16xf32>,
        %get3A_166 = vector.shape_cast %get3A_165 : vector<1x16xf32> to vector<16xf32>
        %add3A_167 = arith.addf %get3A_162, %get3A_166 : vector<16xf32>
        %swap3A_168 = arith.index_cast %scan3A_90 : i32 to index
        %swap3A_169 = arith.constant 80 : index
        %swap3A_170 = tpu.vector_load %arg13[%swap3A_168, %swap3A_169] {strides = array<i32>} : memref<80x256xf32, #tpu.memory_space<vmem>>, vector<1x16xf32>,
        %swap3A_171 = vector.shape_cast %swap3A_170 : vector<1x16xf32> to vector<16xf32>
        %swap3A_172 = vector.shape_cast %add3A_167 : vector<16xf32> to vector<1x16xf32>
        tpu.vector_store %arg13[%swap3A_168, %swap3A_169], %swap3A_172 {strides = array<i32>} : memref<80x256xf32, #tpu.memory_space<vmem>>, vector<1x16xf32>,
        %get3A_173 = arith.index_cast %scan3A_90 : i32 to index
        %get3A_174 = arith.constant 96 : index
        %get3A_175 = tpu.vector_load %arg13[%get3A_173, %get3A_174] {strides = array<i32>} : memref<80x256xf32, #tpu.memory_space<vmem>>, vector<1x16xf32>,
        %get3A_176 = vector.shape_cast %get3A_175 : vector<1x16xf32> to vector<16xf32>
        %get3A_177 = arith.index_cast %scan3A_90 : i32 to index
        %get3A_178 = arith.constant 96 : index
        %get3A_179 = tpu.vector_load %arg14[%get3A_177, %get3A_178] {strides = array<i32>} : memref<80x256xf32, #tpu.memory_space<vmem>>, vector<1x16xf32>,
        %get3A_180 = vector.shape_cast %get3A_179 : vector<1x16xf32> to vector<16xf32>
        %add3A_181 = arith.addf %get3A_176, %get3A_180 : vector<16xf32>
        %swap3A_182 = arith.index_cast %scan3A_90 : i32 to index
        %swap3A_183 = arith.constant 96 : index
        %swap3A_184 = tpu.vector_load %arg13[%swap3A_182, %swap3A_183] {strides = array<i32>} : memref<80x256xf32, #tpu.memory_space<vmem>>, vector<1x16xf32>,
        %swap3A_185 = vector.shape_cast %swap3A_184 : vector<1x16xf32> to vector<16xf32>
        %swap3A_186 = vector.shape_cast %add3A_181 : vector<16xf32> to vector<1x16xf32>
        tpu.vector_store %arg13[%swap3A_182, %swap3A_183], %swap3A_186 {strides = array<i32>} : memref<80x256xf32, #tpu.memory_space<vmem>>, vector<1x16xf32>,
        %get3A_187 = arith.index_cast %scan3A_90 : i32 to index
        %get3A_188 = arith.constant 112 : index
        %get3A_189 = tpu.vector_load %arg13[%get3A_187, %get3A_188] {strides = array<i32>} : memref<80x256xf32, #tpu.memory_space<vmem>>, vector<1x16xf32>,
        %get3A_190 = vector.shape_cast %get3A_189 : vector<1x16xf32> to vector<16xf32>
        %get3A_191 = arith.index_cast %scan3A_90 : i32 to index
        %get3A_192 = arith.constant 112 : index
        %get3A_193 = tpu.vector_load %arg14[%get3A_191, %get3A_192] {strides = array<i32>} : memref<80x256xf32, #tpu.memory_space<vmem>>, vector<1x16xf32>,
        %get3A_194 = vector.shape_cast %get3A_193 : vector<1x16xf32> to vector<16xf32>
        %add3A_195 = arith.addf %get3A_190, %get3A_194 : vector<16xf32>
        %swap3A_196 = arith.index_cast %scan3A_90 : i32 to index
        %swap3A_197 = arith.constant 112 : index
        %swap3A_198 = tpu.vector_load %arg13[%swap3A_196, %swap3A_197] {strides = array<i32>} : memref<80x256xf32, #tpu.memory_space<vmem>>, vector<1x16xf32>,
        %swap3A_199 = vector.shape_cast %swap3A_198 : vector<1x16xf32> to vector<16xf32>
        %swap3A_200 = vector.shape_cast %add3A_195 : vector<16xf32> to vector<1x16xf32>
        tpu.vector_store %arg13[%swap3A_196, %swap3A_197], %swap3A_200 {strides = array<i32>} : memref<80x256xf32, #tpu.memory_space<vmem>>, vector<1x16xf32>,
        %get3A_201 = arith.index_cast %scan3A_90 : i32 to index
        %get3A_202 = arith.constant 128 : index
        %get3A_203 = tpu.vector_load %arg13[%get3A_201, %get3A_202] {strides = array<i32>} : memref<80x256xf32, #tpu.memory_space<vmem>>, vector<1x16xf32>,
        %get3A_204 = vector.shape_cast %get3A_203 : vector<1x16xf32> to vector<16xf32>
        %get3A_205 = arith.index_cast %scan3A_90 : i32 to index
        %get3A_206 = arith.constant 128 : index
        %get3A_207 = tpu.vector_load %arg14[%get3A_205, %get3A_206] {strides = array<i32>} : memref<80x256xf32, #tpu.memory_space<vmem>>, vector<1x16xf32>,
        %get3A_208 = vector.shape_cast %get3A_207 : vector<1x16xf32> to vector<16xf32>
        %add3A_209 = arith.addf %get3A_204, %get3A_208 : vector<16xf32>
        %swap3A_210 = arith.index_cast %scan3A_90 : i32 to index
        %swap3A_211 = arith.constant 128 : index
        %swap3A_212 = tpu.vector_load %arg13[%swap3A_210, %swap3A_211] {strides = array<i32>} : memref<80x256xf32, #tpu.memory_space<vmem>>, vector<1x16xf32>,
        %swap3A_213 = vector.shape_cast %swap3A_212 : vector<1x16xf32> to vector<16xf32>
        %swap3A_214 = vector.shape_cast %add3A_209 : vector<16xf32> to vector<1x16xf32>
        tpu.vector_store %arg13[%swap3A_210, %swap3A_211], %swap3A_214 {strides = array<i32>} : memref<80x256xf32, #tpu.memory_space<vmem>>, vector<1x16xf32>,
        %get3A_215 = arith.index_cast %scan3A_90 : i32 to index
        %get3A_216 = arith.constant 144 : index
        %get3A_217 = tpu.vector_load %arg13[%get3A_215, %get3A_216] {strides = array<i32>} : memref<80x256xf32, #tpu.memory_space<vmem>>, vector<1x16xf32>,
        %get3A_218 = vector.shape_cast %get3A_217 : vector<1x16xf32> to vector<16xf32>
        %get3A_219 = arith.index_cast %scan3A_90 : i32 to index
        %get3A_220 = arith.constant 144 : index
        %get3A_221 = tpu.vector_load %arg14[%get3A_219, %get3A_220] {strides = array<i32>} : memref<80x256xf32, #tpu.memory_space<vmem>>, vector<1x16xf32>,
        %get3A_222 = vector.shape_cast %get3A_221 : vector<1x16xf32> to vector<16xf32>
        %add3A_223 = arith.addf %get3A_218, %get3A_222 : vector<16xf32>
        %swap3A_224 = arith.index_cast %scan3A_90 : i32 to index
        %swap3A_225 = arith.constant 144 : index
        %swap3A_226 = tpu.vector_load %arg13[%swap3A_224, %swap3A_225] {strides = array<i32>} : memref<80x256xf32, #tpu.memory_space<vmem>>, vector<1x16xf32>,
        %swap3A_227 = vector.shape_cast %swap3A_226 : vector<1x16xf32> to vector<16xf32>
        %swap3A_228 = vector.shape_cast %add3A_223 : vector<16xf32> to vector<1x16xf32>
        tpu.vector_store %arg13[%swap3A_224, %swap3A_225], %swap3A_228 {strides = array<i32>} : memref<80x256xf32, #tpu.memory_space<vmem>>, vector<1x16xf32>,
        %get3A_229 = arith.index_cast %scan3A_90 : i32 to index
        %get3A_230 = arith.constant 160 : index
        %get3A_231 = tpu.vector_load %arg13[%get3A_229, %get3A_230] {strides = array<i32>} : memref<80x256xf32, #tpu.memory_space<vmem>>, vector<1x16xf32>,
        %get3A_232 = vector.shape_cast %get3A_231 : vector<1x16xf32> to vector<16xf32>
        %get3A_233 = arith.index_cast %scan3A_90 : i32 to index
        %get3A_234 = arith.constant 160 : index
        %get3A_235 = tpu.vector_load %arg14[%get3A_233, %get3A_234] {strides = array<i32>} : memref<80x256xf32, #tpu.memory_space<vmem>>, vector<1x16xf32>,
        %get3A_236 = vector.shape_cast %get3A_235 : vector<1x16xf32> to vector<16xf32>
        %add3A_237 = arith.addf %get3A_232, %get3A_236 : vector<16xf32>
        %swap3A_238 = arith.index_cast %scan3A_90 : i32 to index
        %swap3A_239 = arith.constant 160 : index
        %swap3A_240 = tpu.vector_load %arg13[%swap3A_238, %swap3A_239] {strides = array<i32>} : memref<80x256xf32, #tpu.memory_space<vmem>>, vector<1x16xf32>,
        %swap3A_241 = vector.shape_cast %swap3A_240 : vector<1x16xf32> to vector<16xf32>
        %swap3A_242 = vector.shape_cast %add3A_237 : vector<16xf32> to vector<1x16xf32>
        tpu.vector_store %arg13[%swap3A_238, %swap3A_239], %swap3A_242 {strides = array<i32>} : memref<80x256xf32, #tpu.memory_space<vmem>>, vector<1x16xf32>,
        %get3A_243 = arith.index_cast %scan3A_90 : i32 to index
        %get3A_244 = arith.constant 176 : index
        %get3A_245 = tpu.vector_load %arg13[%get3A_243, %get3A_244] {strides = array<i32>} : memref<80x256xf32, #tpu.memory_space<vmem>>, vector<1x16xf32>,
        %get3A_246 = vector.shape_cast %get3A_245 : vector<1x16xf32> to vector<16xf32>
        %get3A_247 = arith.index_cast %scan3A_90 : i32 to index
        %get3A_248 = arith.constant 176 : index
        %get3A_249 = tpu.vector_load %arg14[%get3A_247, %get3A_248] {strides = array<i32>} : memref<80x256xf32, #tpu.memory_space<vmem>>, vector<1x16xf32>,
        %get3A_250 = vector.shape_cast %get3A_249 : vector<1x16xf32> to vector<16xf32>
        %add3A_251 = arith.addf %get3A_246, %get3A_250 : vector<16xf32>
        %swap3A_252 = arith.index_cast %scan3A_90 : i32 to index
        %swap3A_253 = arith.constant 176 : index
        %swap3A_254 = tpu.vector_load %arg13[%swap3A_252, %swap3A_253] {strides = array<i32>} : memref<80x256xf32, #tpu.memory_space<vmem>>, vector<1x16xf32>,
        %swap3A_255 = vector.shape_cast %swap3A_254 : vector<1x16xf32> to vector<16xf32>
        %swap3A_256 = vector.shape_cast %add3A_251 : vector<16xf32> to vector<1x16xf32>
        tpu.vector_store %arg13[%swap3A_252, %swap3A_253], %swap3A_256 {strides = array<i32>} : memref<80x256xf32, #tpu.memory_space<vmem>>, vector<1x16xf32>,
        %get3A_257 = arith.index_cast %scan3A_90 : i32 to index
        %get3A_258 = arith.constant 192 : index
        %get3A_259 = tpu.vector_load %arg13[%get3A_257, %get3A_258] {strides = array<i32>} : memref<80x256xf32, #tpu.memory_space<vmem>>, vector<1x16xf32>,
        %get3A_260 = vector.shape_cast %get3A_259 : vector<1x16xf32> to vector<16xf32>
        %get3A_261 = arith.index_cast %scan3A_90 : i32 to index
        %get3A_262 = arith.constant 192 : index
        %get3A_263 = tpu.vector_load %arg14[%get3A_261, %get3A_262] {strides = array<i32>} : memref<80x256xf32, #tpu.memory_space<vmem>>, vector<1x16xf32>,
        %get3A_264 = vector.shape_cast %get3A_263 : vector<1x16xf32> to vector<16xf32>
        %add3A_265 = arith.addf %get3A_260, %get3A_264 : vector<16xf32>
        %swap3A_266 = arith.index_cast %scan3A_90 : i32 to index
        %swap3A_267 = arith.constant 192 : index
        %swap3A_268 = tpu.vector_load %arg13[%swap3A_266, %swap3A_267] {strides = array<i32>} : memref<80x256xf32, #tpu.memory_space<vmem>>, vector<1x16xf32>,
        %swap3A_269 = vector.shape_cast %swap3A_268 : vector<1x16xf32> to vector<16xf32>
        %swap3A_270 = vector.shape_cast %add3A_265 : vector<16xf32> to vector<1x16xf32>
        tpu.vector_store %arg13[%swap3A_266, %swap3A_267], %swap3A_270 {strides = array<i32>} : memref<80x256xf32, #tpu.memory_space<vmem>>, vector<1x16xf32>,
        %get3A_271 = arith.index_cast %scan3A_90 : i32 to index
        %get3A_272 = arith.constant 208 : index
        %get3A_273 = tpu.vector_load %arg13[%get3A_271, %get3A_272] {strides = array<i32>} : memref<80x256xf32, #tpu.memory_space<vmem>>, vector<1x16xf32>,
        %get3A_274 = vector.shape_cast %get3A_273 : vector<1x16xf32> to vector<16xf32>
        %get3A_275 = arith.index_cast %scan3A_90 : i32 to index
        %get3A_276 = arith.constant 208 : index
        %get3A_277 = tpu.vector_load %arg14[%get3A_275, %get3A_276] {strides = array<i32>} : memref<80x256xf32, #tpu.memory_space<vmem>>, vector<1x16xf32>,
        %get3A_278 = vector.shape_cast %get3A_277 : vector<1x16xf32> to vector<16xf32>
        %add3A_279 = arith.addf %get3A_274, %get3A_278 : vector<16xf32>
        %swap3A_280 = arith.index_cast %scan3A_90 : i32 to index
        %swap3A_281 = arith.constant 208 : index
        %swap3A_282 = tpu.vector_load %arg13[%swap3A_280, %swap3A_281] {strides = array<i32>} : memref<80x256xf32, #tpu.memory_space<vmem>>, vector<1x16xf32>,
        %swap3A_283 = vector.shape_cast %swap3A_282 : vector<1x16xf32> to vector<16xf32>
        %swap3A_284 = vector.shape_cast %add3A_279 : vector<16xf32> to vector<1x16xf32>
        tpu.vector_store %arg13[%swap3A_280, %swap3A_281], %swap3A_284 {strides = array<i32>} : memref<80x256xf32, #tpu.memory_space<vmem>>, vector<1x16xf32>,
        %get3A_285 = arith.index_cast %scan3A_90 : i32 to index
        %get3A_286 = arith.constant 224 : index
        %get3A_287 = tpu.vector_load %arg13[%get3A_285, %get3A_286] {strides = array<i32>} : memref<80x256xf32, #tpu.memory_space<vmem>>, vector<1x16xf32>,
        %get3A_288 = vector.shape_cast %get3A_287 : vector<1x16xf32> to vector<16xf32>
        %get3A_289 = arith.index_cast %scan3A_90 : i32 to index
        %get3A_290 = arith.constant 224 : index
        %get3A_291 = tpu.vector_load %arg14[%get3A_289, %get3A_290] {strides = array<i32>} : memref<80x256xf32, #tpu.memory_space<vmem>>, vector<1x16xf32>,
        %get3A_292 = vector.shape_cast %get3A_291 : vector<1x16xf32> to vector<16xf32>
        %add3A_293 = arith.addf %get3A_288, %get3A_292 : vector<16xf32>
        %swap3A_294 = arith.index_cast %scan3A_90 : i32 to index
        %swap3A_295 = arith.constant 224 : index
        %swap3A_296 = tpu.vector_load %arg13[%swap3A_294, %swap3A_295] {strides = array<i32>} : memref<80x256xf32, #tpu.memory_space<vmem>>, vector<1x16xf32>,
        %swap3A_297 = vector.shape_cast %swap3A_296 : vector<1x16xf32> to vector<16xf32>
        %swap3A_298 = vector.shape_cast %add3A_293 : vector<16xf32> to vector<1x16xf32>
        tpu.vector_store %arg13[%swap3A_294, %swap3A_295], %swap3A_298 {strides = array<i32>} : memref<80x256xf32, #tpu.memory_space<vmem>>, vector<1x16xf32>,
        %get3A_299 = arith.index_cast %scan3A_90 : i32 to index
        %get3A_300 = arith.constant 240 : index
        %get3A_301 = tpu.vector_load %arg13[%get3A_299, %get3A_300] {strides = array<i32>} : memref<80x256xf32, #tpu.memory_space<vmem>>, vector<1x16xf32>,
        %get3A_302 = vector.shape_cast %get3A_301 : vector<1x16xf32> to vector<16xf32>
        %get3A_303 = arith.index_cast %scan3A_90 : i32 to index
        %get3A_304 = arith.constant 240 : index
        %get3A_305 = tpu.vector_load %arg14[%get3A_303, %get3A_304] {strides = array<i32>} : memref<80x256xf32, #tpu.memory_space<vmem>>, vector<1x16xf32>,
        %get3A_306 = vector.shape_cast %get3A_305 : vector<1x16xf32> to vector<16xf32>
        %add3A_307 = arith.addf %get3A_302, %get3A_306 : vector<16xf32>
        %swap3A_308 = arith.index_cast %scan3A_90 : i32 to index
        %swap3A_309 = arith.constant 240 : index
        %swap3A_310 = tpu.vector_load %arg13[%swap3A_308, %swap3A_309] {strides = array<i32>} : memref<80x256xf32, #tpu.memory_space<vmem>>, vector<1x16xf32>,
        %swap3A_311 = vector.shape_cast %swap3A_310 : vector<1x16xf32> to vector<16xf32>
        %swap3A_312 = vector.shape_cast %add3A_307 : vector<16xf32> to vector<1x16xf32>
        tpu.vector_store %arg13[%swap3A_308, %swap3A_309], %swap3A_312 {strides = array<i32>} : memref<80x256xf32, #tpu.memory_space<vmem>>, vector<1x16xf32>,
      }
      %scan3A_85 = arith.constant 80 : i32
      %mul3A_86 = arith.constant 80 : i32
      %mul3A_87 = arith.muli %add3A_73, %mul3A_86 : i32
      %add3A_88 = arith.addi %mul3A_2, %mul3A_87 : i32
      %multiple_of3A_89 = tpu.assume_multiple %add3A_88, 8 : i32
      "tpu.region"() ({
        %run_scoped3A = tpu.sem_alloc : memref<!tpu.dma_semaphore, #tpu.memory_space<semaphore_mem>>
        %dma_start3A_90 = arith.constant 0 : i32
        %dma_start3A_91 = tpu.memref_slice %arg6[%multiple_of3A_89, %dma_start3A_90] : memref<320000x256xf32, #tpu.memory_space<hbm>> -> memref<80x256xf32, #tpu.memory_space<hbm>>
        %dma_start3A_92 = arith.constant 0 : i32
        %dma_start3A_93 = tpu.memref_slice %arg6[%multiple_of3A_89, %dma_start3A_92] : memref<320000x256xf32, #tpu.memory_space<hbm>> -> memref<80x256xf32, #tpu.memory_space<hbm>>
        tpu.enqueue_dma source(%arg13 : memref<80x256xf32, #tpu.memory_space<vmem>>) target(%dma_start3A_93 : memref<80x256xf32, #tpu.memory_space<hbm>>) target_semaphore(%run_scoped3A : memref<!tpu.dma_semaphore, #tpu.memory_space<semaphore_mem>>)
        %dma_wait3A_94 = arith.constant 0 : i32
        %dma_wait3A_95 = tpu.memref_slice %arg6[%multiple_of3A_89, %dma_wait3A_94] : memref<320000x256xf32, #tpu.memory_space<hbm>> -> memref<80x256xf32, #tpu.memory_space<hbm>>
        %dma_wait3A_96 = arith.constant 0 : i32
        %dma_wait3A_97 = tpu.memref_slice %arg6[%multiple_of3A_89, %dma_wait3A_96] : memref<320000x256xf32, #tpu.memory_space<hbm>> -> memref<80x256xf32, #tpu.memory_space<hbm>>
        tpu.wait_dma2 semaphore(%run_scoped3A : memref<!tpu.dma_semaphore, #tpu.memory_space<semaphore_mem>>) src(%arg13 : memref<80x256xf32, #tpu.memory_space<vmem>>) dst(%dma_wait3A_97 : memref<80x256xf32, #tpu.memory_space<hbm>>)
        tpu.yield
      }) : () -> ()
    }
    %scan3A_14 = arith.constant 62 : i32
    %dma_wait3A = arith.constant 0 : i32
    %dma_wait3A_15 = arith.constant 0 : i32
    %dma_wait3A_16 = tpu.memref_slice %arg2[%dma_wait3A, %dma_wait3A_15] : memref<10000x256xf32, #tpu.memory_space<hbm>> -> memref<10000x256xf32, #tpu.memory_space<hbm>>
    tpu.wait_indirect_dma semaphore(%arg15 : memref<!tpu.dma_semaphore, #tpu.memory_space<semaphore_mem>>) src(%dma_wait3A_16 : memref<10000x256xf32, #tpu.memory_space<hbm>>) dst(%arg9 : memref<80x256xf32, #tpu.memory_space<vmem>>)
    %dma_wait3A_17 = arith.constant 0 : i32
    %dma_wait3A_18 = arith.constant 0 : i32
    %dma_wait3A_19 = tpu.memref_slice %arg3[%dma_wait3A_17, %dma_wait3A_18] : memref<10000x256xf32, #tpu.memory_space<hbm>> -> memref<10000x256xf32, #tpu.memory_space<hbm>>
    tpu.wait_indirect_dma semaphore(%arg16 : memref<!tpu.dma_semaphore, #tpu.memory_space<semaphore_mem>>) src(%dma_wait3A_19 : memref<10000x256xf32, #tpu.memory_space<hbm>>) dst(%arg10 : memref<80x256xf32, #tpu.memory_space<vmem>>)
    %scan3A_20 = arith.constant 0 : i32
    %scan3A_21 = arith.constant 0 : i32
    %scan3A_22 = arith.constant 80 : i32
    %scan3A_23 = arith.addi %scan3A_21, %scan3A_22 : i32
    %scan3A_24 = arith.constant 1 : i32
    scf.for %scan3A_29 = %scan3A_21 to %scan3A_23 step %scan3A_24  : i32 {
      %get3A = arith.index_cast %scan3A_29 : i32 to index
      %get3A_30 = arith.constant 0 : index
      %get3A_31 = tpu.vector_load %arg9[%get3A, %get3A_30] {strides = array<i32>} : memref<80x256xf32, #tpu.memory_space<vmem>>, vector<1x16xf32>,
      %get3A_32 = vector.shape_cast %get3A_31 : vector<1x16xf32> to vector<16xf32>
      %get3A_33 = arith.index_cast %scan3A_29 : i32 to index
      %get3A_34 = arith.constant 0 : index
      %get3A_35 = tpu.vector_load %arg10[%get3A_33, %get3A_34] {strides = array<i32>} : memref<80x256xf32, #tpu.memory_space<vmem>>, vector<1x16xf32>,
      %get3A_36 = vector.shape_cast %get3A_35 : vector<1x16xf32> to vector<16xf32>
      %add3A_37 = arith.addf %get3A_32, %get3A_36 : vector<16xf32>
      %swap3A = arith.index_cast %scan3A_29 : i32 to index
      %swap3A_38 = arith.constant 0 : index
      %swap3A_39 = tpu.vector_load %arg9[%swap3A, %swap3A_38] {strides = array<i32>} : memref<80x256xf32, #tpu.memory_space<vmem>>, vector<1x16xf32>,
      %swap3A_40 = vector.shape_cast %swap3A_39 : vector<1x16xf32> to vector<16xf32>
      %swap3A_41 = vector.shape_cast %add3A_37 : vector<16xf32> to vector<1x16xf32>
      tpu.vector_store %arg9[%swap3A, %swap3A_38], %swap3A_41 {strides = array<i32>} : memref<80x256xf32, #tpu.memory_space<vmem>>, vector<1x16xf32>,
      %get3A_42 = arith.index_cast %scan3A_29 : i32 to index
      %get3A_43 = arith.constant 16 : index
      %get3A_44 = tpu.vector_load %arg9[%get3A_42, %get3A_43] {strides = array<i32>} : memref<80x256xf32, #tpu.memory_space<vmem>>, vector<1x16xf32>,
      %get3A_45 = vector.shape_cast %get3A_44 : vector<1x16xf32> to vector<16xf32>
      %get3A_46 = arith.index_cast %scan3A_29 : i32 to index
      %get3A_47 = arith.constant 16 : index
      %get3A_48 = tpu.vector_load %arg10[%get3A_46, %get3A_47] {strides = array<i32>} : memref<80x256xf32, #tpu.memory_space<vmem>>, vector<1x16xf32>,
      %get3A_49 = vector.shape_cast %get3A_48 : vector<1x16xf32> to vector<16xf32>
      %add3A_50 = arith.addf %get3A_45, %get3A_49 : vector<16xf32>
      %swap3A_51 = arith.index_cast %scan3A_29 : i32 to index
      %swap3A_52 = arith.constant 16 : index
      %swap3A_53 = tpu.vector_load %arg9[%swap3A_51, %swap3A_52] {strides = array<i32>} : memref<80x256xf32, #tpu.memory_space<vmem>>, vector<1x16xf32>,
      %swap3A_54 = vector.shape_cast %swap3A_53 : vector<1x16xf32> to vector<16xf32>
      %swap3A_55 = vector.shape_cast %add3A_50 : vector<16xf32> to vector<1x16xf32>
      tpu.vector_store %arg9[%swap3A_51, %swap3A_52], %swap3A_55 {strides = array<i32>} : memref<80x256xf32, #tpu.memory_space<vmem>>, vector<1x16xf32>,
      %get3A_56 = arith.index_cast %scan3A_29 : i32 to index
      %get3A_57 = arith.constant 32 : index
      %get3A_58 = tpu.vector_load %arg9[%get3A_56, %get3A_57] {strides = array<i32>} : memref<80x256xf32, #tpu.memory_space<vmem>>, vector<1x16xf32>,
      %get3A_59 = vector.shape_cast %get3A_58 : vector<1x16xf32> to vector<16xf32>
      %get3A_60 = arith.index_cast %scan3A_29 : i32 to index
      %get3A_61 = arith.constant 32 : index
      %get3A_62 = tpu.vector_load %arg10[%get3A_60, %get3A_61] {strides = array<i32>} : memref<80x256xf32, #tpu.memory_space<vmem>>, vector<1x16xf32>,
      %get3A_63 = vector.shape_cast %get3A_62 : vector<1x16xf32> to vector<16xf32>
      %add3A_64 = arith.addf %get3A_59, %get3A_63 : vector<16xf32>
      %swap3A_65 = arith.index_cast %scan3A_29 : i32 to index
      %swap3A_66 = arith.constant 32 : index
      %swap3A_67 = tpu.vector_load %arg9[%swap3A_65, %swap3A_66] {strides = array<i32>} : memref<80x256xf32, #tpu.memory_space<vmem>>, vector<1x16xf32>,
      %swap3A_68 = vector.shape_cast %swap3A_67 : vector<1x16xf32> to vector<16xf32>
      %swap3A_69 = vector.shape_cast %add3A_64 : vector<16xf32> to vector<1x16xf32>
      tpu.vector_store %arg9[%swap3A_65, %swap3A_66], %swap3A_69 {strides = array<i32>} : memref<80x256xf32, #tpu.memory_space<vmem>>, vector<1x16xf32>,
      %get3A_70 = arith.index_cast %scan3A_29 : i32 to index
      %get3A_71 = arith.constant 48 : index
      %get3A_72 = tpu.vector_load %arg9[%get3A_70, %get3A_71] {strides = array<i32>} : memref<80x256xf32, #tpu.memory_space<vmem>>, vector<1x16xf32>,
      %get3A_73 = vector.shape_cast %get3A_72 : vector<1x16xf32> to vector<16xf32>
      %get3A_74 = arith.index_cast %scan3A_29 : i32 to index
      %get3A_75 = arith.constant 48 : index
      %get3A_76 = tpu.vector_load %arg10[%get3A_74, %get3A_75] {strides = array<i32>} : memref<80x256xf32, #tpu.memory_space<vmem>>, vector<1x16xf32>,
      %get3A_77 = vector.shape_cast %get3A_76 : vector<1x16xf32> to vector<16xf32>
      %add3A_78 = arith.addf %get3A_73, %get3A_77 : vector<16xf32>
      %swap3A_79 = arith.index_cast %scan3A_29 : i32 to index
      %swap3A_80 = arith.constant 48 : index
      %swap3A_81 = tpu.vector_load %arg9[%swap3A_79, %swap3A_80] {strides = array<i32>} : memref<80x256xf32, #tpu.memory_space<vmem>>, vector<1x16xf32>,
      %swap3A_82 = vector.shape_cast %swap3A_81 : vector<1x16xf32> to vector<16xf32>
      %swap3A_83 = vector.shape_cast %add3A_78 : vector<16xf32> to vector<1x16xf32>
      tpu.vector_store %arg9[%swap3A_79, %swap3A_80], %swap3A_83 {strides = array<i32>} : memref<80x256xf32, #tpu.memory_space<vmem>>, vector<1x16xf32>,
      %get3A_84 = arith.index_cast %scan3A_29 : i32 to index
      %get3A_85 = arith.constant 64 : index
      %get3A_86 = tpu.vector_load %arg9[%get3A_84, %get3A_85] {strides = array<i32>} : memref<80x256xf32, #tpu.memory_space<vmem>>, vector<1x16xf32>,
      %get3A_87 = vector.shape_cast %get3A_86 : vector<1x16xf32> to vector<16xf32>
      %get3A_88 = arith.index_cast %scan3A_29 : i32 to index
      %get3A_89 = arith.constant 64 : index
      %get3A_90 = tpu.vector_load %arg10[%get3A_88, %get3A_89] {strides = array<i32>} : memref<80x256xf32, #tpu.memory_space<vmem>>, vector<1x16xf32>,
      %get3A_91 = vector.shape_cast %get3A_90 : vector<1x16xf32> to vector<16xf32>
      %add3A_92 = arith.addf %get3A_87, %get3A_91 : vector<16xf32>
      %swap3A_93 = arith.index_cast %scan3A_29 : i32 to index
      %swap3A_94 = arith.constant 64 : index
      %swap3A_95 = tpu.vector_load %arg9[%swap3A_93, %swap3A_94] {strides = array<i32>} : memref<80x256xf32, #tpu.memory_space<vmem>>, vector<1x16xf32>,
      %swap3A_96 = vector.shape_cast %swap3A_95 : vector<1x16xf32> to vector<16xf32>
      %swap3A_97 = vector.shape_cast %add3A_92 : vector<16xf32> to vector<1x16xf32>
      tpu.vector_store %arg9[%swap3A_93, %swap3A_94], %swap3A_97 {strides = array<i32>} : memref<80x256xf32, #tpu.memory_space<vmem>>, vector<1x16xf32>,
      %get3A_98 = arith.index_cast %scan3A_29 : i32 to index
      %get3A_99 = arith.constant 80 : index
      %get3A_100 = tpu.vector_load %arg9[%get3A_98, %get3A_99] {strides = array<i32>} : memref<80x256xf32, #tpu.memory_space<vmem>>, vector<1x16xf32>,
      %get3A_101 = vector.shape_cast %get3A_100 : vector<1x16xf32> to vector<16xf32>
      %get3A_102 = arith.index_cast %scan3A_29 : i32 to index
      %get3A_103 = arith.constant 80 : index
      %get3A_104 = tpu.vector_load %arg10[%get3A_102, %get3A_103] {strides = array<i32>} : memref<80x256xf32, #tpu.memory_space<vmem>>, vector<1x16xf32>,
      %get3A_105 = vector.shape_cast %get3A_104 : vector<1x16xf32> to vector<16xf32>
      %add3A_106 = arith.addf %get3A_101, %get3A_105 : vector<16xf32>
      %swap3A_107 = arith.index_cast %scan3A_29 : i32 to index
      %swap3A_108 = arith.constant 80 : index
      %swap3A_109 = tpu.vector_load %arg9[%swap3A_107, %swap3A_108] {strides = array<i32>} : memref<80x256xf32, #tpu.memory_space<vmem>>, vector<1x16xf32>,
      %swap3A_110 = vector.shape_cast %swap3A_109 : vector<1x16xf32> to vector<16xf32>
      %swap3A_111 = vector.shape_cast %add3A_106 : vector<16xf32> to vector<1x16xf32>
      tpu.vector_store %arg9[%swap3A_107, %swap3A_108], %swap3A_111 {strides = array<i32>} : memref<80x256xf32, #tpu.memory_space<vmem>>, vector<1x16xf32>,
      %get3A_112 = arith.index_cast %scan3A_29 : i32 to index
      %get3A_113 = arith.constant 96 : index
      %get3A_114 = tpu.vector_load %arg9[%get3A_112, %get3A_113] {strides = array<i32>} : memref<80x256xf32, #tpu.memory_space<vmem>>, vector<1x16xf32>,
      %get3A_115 = vector.shape_cast %get3A_114 : vector<1x16xf32> to vector<16xf32>
      %get3A_116 = arith.index_cast %scan3A_29 : i32 to index
      %get3A_117 = arith.constant 96 : index
      %get3A_118 = tpu.vector_load %arg10[%get3A_116, %get3A_117] {strides = array<i32>} : memref<80x256xf32, #tpu.memory_space<vmem>>, vector<1x16xf32>,
      %get3A_119 = vector.shape_cast %get3A_118 : vector<1x16xf32> to vector<16xf32>
      %add3A_120 = arith.addf %get3A_115, %get3A_119 : vector<16xf32>
      %swap3A_121 = arith.index_cast %scan3A_29 : i32 to index
      %swap3A_122 = arith.constant 96 : index
      %swap3A_123 = tpu.vector_load %arg9[%swap3A_121, %swap3A_122] {strides = array<i32>} : memref<80x256xf32, #tpu.memory_space<vmem>>, vector<1x16xf32>,
      %swap3A_124 = vector.shape_cast %swap3A_123 : vector<1x16xf32> to vector<16xf32>
      %swap3A_125 = vector.shape_cast %add3A_120 : vector<16xf32> to vector<1x16xf32>
      tpu.vector_store %arg9[%swap3A_121, %swap3A_122], %swap3A_125 {strides = array<i32>} : memref<80x256xf32, #tpu.memory_space<vmem>>, vector<1x16xf32>,
      %get3A_126 = arith.index_cast %scan3A_29 : i32 to index
      %get3A_127 = arith.constant 112 : index
      %get3A_128 = tpu.vector_load %arg9[%get3A_126, %get3A_127] {strides = array<i32>} : memref<80x256xf32, #tpu.memory_space<vmem>>, vector<1x16xf32>,
      %get3A_129 = vector.shape_cast %get3A_128 : vector<1x16xf32> to vector<16xf32>
      %get3A_130 = arith.index_cast %scan3A_29 : i32 to index
      %get3A_131 = arith.constant 112 : index
      %get3A_132 = tpu.vector_load %arg10[%get3A_130, %get3A_131] {strides = array<i32>} : memref<80x256xf32, #tpu.memory_space<vmem>>, vector<1x16xf32>,
      %get3A_133 = vector.shape_cast %get3A_132 : vector<1x16xf32> to vector<16xf32>
      %add3A_134 = arith.addf %get3A_129, %get3A_133 : vector<16xf32>
      %swap3A_135 = arith.index_cast %scan3A_29 : i32 to index
      %swap3A_136 = arith.constant 112 : index
      %swap3A_137 = tpu.vector_load %arg9[%swap3A_135, %swap3A_136] {strides = array<i32>} : memref<80x256xf32, #tpu.memory_space<vmem>>, vector<1x16xf32>,
      %swap3A_138 = vector.shape_cast %swap3A_137 : vector<1x16xf32> to vector<16xf32>
      %swap3A_139 = vector.shape_cast %add3A_134 : vector<16xf32> to vector<1x16xf32>
      tpu.vector_store %arg9[%swap3A_135, %swap3A_136], %swap3A_139 {strides = array<i32>} : memref<80x256xf32, #tpu.memory_space<vmem>>, vector<1x16xf32>,
      %get3A_140 = arith.index_cast %scan3A_29 : i32 to index
      %get3A_141 = arith.constant 128 : index
      %get3A_142 = tpu.vector_load %arg9[%get3A_140, %get3A_141] {strides = array<i32>} : memref<80x256xf32, #tpu.memory_space<vmem>>, vector<1x16xf32>,
      %get3A_143 = vector.shape_cast %get3A_142 : vector<1x16xf32> to vector<16xf32>
      %get3A_144 = arith.index_cast %scan3A_29 : i32 to index
      %get3A_145 = arith.constant 128 : index
      %get3A_146 = tpu.vector_load %arg10[%get3A_144, %get3A_145] {strides = array<i32>} : memref<80x256xf32, #tpu.memory_space<vmem>>, vector<1x16xf32>,
      %get3A_147 = vector.shape_cast %get3A_146 : vector<1x16xf32> to vector<16xf32>
      %add3A_148 = arith.addf %get3A_143, %get3A_147 : vector<16xf32>
      %swap3A_149 = arith.index_cast %scan3A_29 : i32 to index
      %swap3A_150 = arith.constant 128 : index
      %swap3A_151 = tpu.vector_load %arg9[%swap3A_149, %swap3A_150] {strides = array<i32>} : memref<80x256xf32, #tpu.memory_space<vmem>>, vector<1x16xf32>,
      %swap3A_152 = vector.shape_cast %swap3A_151 : vector<1x16xf32> to vector<16xf32>
      %swap3A_153 = vector.shape_cast %add3A_148 : vector<16xf32> to vector<1x16xf32>
      tpu.vector_store %arg9[%swap3A_149, %swap3A_150], %swap3A_153 {strides = array<i32>} : memref<80x256xf32, #tpu.memory_space<vmem>>, vector<1x16xf32>,
      %get3A_154 = arith.index_cast %scan3A_29 : i32 to index
      %get3A_155 = arith.constant 144 : index
      %get3A_156 = tpu.vector_load %arg9[%get3A_154, %get3A_155] {strides = array<i32>} : memref<80x256xf32, #tpu.memory_space<vmem>>, vector<1x16xf32>,
      %get3A_157 = vector.shape_cast %get3A_156 : vector<1x16xf32> to vector<16xf32>
      %get3A_158 = arith.index_cast %scan3A_29 : i32 to index
      %get3A_159 = arith.constant 144 : index
      %get3A_160 = tpu.vector_load %arg10[%get3A_158, %get3A_159] {strides = array<i32>} : memref<80x256xf32, #tpu.memory_space<vmem>>, vector<1x16xf32>,
      %get3A_161 = vector.shape_cast %get3A_160 : vector<1x16xf32> to vector<16xf32>
      %add3A_162 = arith.addf %get3A_157, %get3A_161 : vector<16xf32>
      %swap3A_163 = arith.index_cast %scan3A_29 : i32 to index
      %swap3A_164 = arith.constant 144 : index
      %swap3A_165 = tpu.vector_load %arg9[%swap3A_163, %swap3A_164] {strides = array<i32>} : memref<80x256xf32, #tpu.memory_space<vmem>>, vector<1x16xf32>,
      %swap3A_166 = vector.shape_cast %swap3A_165 : vector<1x16xf32> to vector<16xf32>
      %swap3A_167 = vector.shape_cast %add3A_162 : vector<16xf32> to vector<1x16xf32>
      tpu.vector_store %arg9[%swap3A_163, %swap3A_164], %swap3A_167 {strides = array<i32>} : memref<80x256xf32, #tpu.memory_space<vmem>>, vector<1x16xf32>,
      %get3A_168 = arith.index_cast %scan3A_29 : i32 to index
      %get3A_169 = arith.constant 160 : index
      %get3A_170 = tpu.vector_load %arg9[%get3A_168, %get3A_169] {strides = array<i32>} : memref<80x256xf32, #tpu.memory_space<vmem>>, vector<1x16xf32>,
      %get3A_171 = vector.shape_cast %get3A_170 : vector<1x16xf32> to vector<16xf32>
      %get3A_172 = arith.index_cast %scan3A_29 : i32 to index
      %get3A_173 = arith.constant 160 : index
      %get3A_174 = tpu.vector_load %arg10[%get3A_172, %get3A_173] {strides = array<i32>} : memref<80x256xf32, #tpu.memory_space<vmem>>, vector<1x16xf32>,
      %get3A_175 = vector.shape_cast %get3A_174 : vector<1x16xf32> to vector<16xf32>
      %add3A_176 = arith.addf %get3A_171, %get3A_175 : vector<16xf32>
      %swap3A_177 = arith.index_cast %scan3A_29 : i32 to index
      %swap3A_178 = arith.constant 160 : index
      %swap3A_179 = tpu.vector_load %arg9[%swap3A_177, %swap3A_178] {strides = array<i32>} : memref<80x256xf32, #tpu.memory_space<vmem>>, vector<1x16xf32>,
      %swap3A_180 = vector.shape_cast %swap3A_179 : vector<1x16xf32> to vector<16xf32>
      %swap3A_181 = vector.shape_cast %add3A_176 : vector<16xf32> to vector<1x16xf32>
      tpu.vector_store %arg9[%swap3A_177, %swap3A_178], %swap3A_181 {strides = array<i32>} : memref<80x256xf32, #tpu.memory_space<vmem>>, vector<1x16xf32>,
      %get3A_182 = arith.index_cast %scan3A_29 : i32 to index
      %get3A_183 = arith.constant 176 : index
      %get3A_184 = tpu.vector_load %arg9[%get3A_182, %get3A_183] {strides = array<i32>} : memref<80x256xf32, #tpu.memory_space<vmem>>, vector<1x16xf32>,
      %get3A_185 = vector.shape_cast %get3A_184 : vector<1x16xf32> to vector<16xf32>
      %get3A_186 = arith.index_cast %scan3A_29 : i32 to index
      %get3A_187 = arith.constant 176 : index
      %get3A_188 = tpu.vector_load %arg10[%get3A_186, %get3A_187] {strides = array<i32>} : memref<80x256xf32, #tpu.memory_space<vmem>>, vector<1x16xf32>,
      %get3A_189 = vector.shape_cast %get3A_188 : vector<1x16xf32> to vector<16xf32>
      %add3A_190 = arith.addf %get3A_185, %get3A_189 : vector<16xf32>
      %swap3A_191 = arith.index_cast %scan3A_29 : i32 to index
      %swap3A_192 = arith.constant 176 : index
      %swap3A_193 = tpu.vector_load %arg9[%swap3A_191, %swap3A_192] {strides = array<i32>} : memref<80x256xf32, #tpu.memory_space<vmem>>, vector<1x16xf32>,
      %swap3A_194 = vector.shape_cast %swap3A_193 : vector<1x16xf32> to vector<16xf32>
      %swap3A_195 = vector.shape_cast %add3A_190 : vector<16xf32> to vector<1x16xf32>
      tpu.vector_store %arg9[%swap3A_191, %swap3A_192], %swap3A_195 {strides = array<i32>} : memref<80x256xf32, #tpu.memory_space<vmem>>, vector<1x16xf32>,
      %get3A_196 = arith.index_cast %scan3A_29 : i32 to index
      %get3A_197 = arith.constant 192 : index
      %get3A_198 = tpu.vector_load %arg9[%get3A_196, %get3A_197] {strides = array<i32>} : memref<80x256xf32, #tpu.memory_space<vmem>>, vector<1x16xf32>,
      %get3A_199 = vector.shape_cast %get3A_198 : vector<1x16xf32> to vector<16xf32>
      %get3A_200 = arith.index_cast %scan3A_29 : i32 to index
      %get3A_201 = arith.constant 192 : index
      %get3A_202 = tpu.vector_load %arg10[%get3A_200, %get3A_201] {strides = array<i32>} : memref<80x256xf32, #tpu.memory_space<vmem>>, vector<1x16xf32>,
      %get3A_203 = vector.shape_cast %get3A_202 : vector<1x16xf32> to vector<16xf32>
      %add3A_204 = arith.addf %get3A_199, %get3A_203 : vector<16xf32>
      %swap3A_205 = arith.index_cast %scan3A_29 : i32 to index
      %swap3A_206 = arith.constant 192 : index
      %swap3A_207 = tpu.vector_load %arg9[%swap3A_205, %swap3A_206] {strides = array<i32>} : memref<80x256xf32, #tpu.memory_space<vmem>>, vector<1x16xf32>,
      %swap3A_208 = vector.shape_cast %swap3A_207 : vector<1x16xf32> to vector<16xf32>
      %swap3A_209 = vector.shape_cast %add3A_204 : vector<16xf32> to vector<1x16xf32>
      tpu.vector_store %arg9[%swap3A_205, %swap3A_206], %swap3A_209 {strides = array<i32>} : memref<80x256xf32, #tpu.memory_space<vmem>>, vector<1x16xf32>,
      %get3A_210 = arith.index_cast %scan3A_29 : i32 to index
      %get3A_211 = arith.constant 208 : index
      %get3A_212 = tpu.vector_load %arg9[%get3A_210, %get3A_211] {strides = array<i32>} : memref<80x256xf32, #tpu.memory_space<vmem>>, vector<1x16xf32>,
      %get3A_213 = vector.shape_cast %get3A_212 : vector<1x16xf32> to vector<16xf32>
      %get3A_214 = arith.index_cast %scan3A_29 : i32 to index
      %get3A_215 = arith.constant 208 : index
      %get3A_216 = tpu.vector_load %arg10[%get3A_214, %get3A_215] {strides = array<i32>} : memref<80x256xf32, #tpu.memory_space<vmem>>, vector<1x16xf32>,
      %get3A_217 = vector.shape_cast %get3A_216 : vector<1x16xf32> to vector<16xf32>
      %add3A_218 = arith.addf %get3A_213, %get3A_217 : vector<16xf32>
      %swap3A_219 = arith.index_cast %scan3A_29 : i32 to index
      %swap3A_220 = arith.constant 208 : index
      %swap3A_221 = tpu.vector_load %arg9[%swap3A_219, %swap3A_220] {strides = array<i32>} : memref<80x256xf32, #tpu.memory_space<vmem>>, vector<1x16xf32>,
      %swap3A_222 = vector.shape_cast %swap3A_221 : vector<1x16xf32> to vector<16xf32>
      %swap3A_223 = vector.shape_cast %add3A_218 : vector<16xf32> to vector<1x16xf32>
      tpu.vector_store %arg9[%swap3A_219, %swap3A_220], %swap3A_223 {strides = array<i32>} : memref<80x256xf32, #tpu.memory_space<vmem>>, vector<1x16xf32>,
      %get3A_224 = arith.index_cast %scan3A_29 : i32 to index
      %get3A_225 = arith.constant 224 : index
      %get3A_226 = tpu.vector_load %arg9[%get3A_224, %get3A_225] {strides = array<i32>} : memref<80x256xf32, #tpu.memory_space<vmem>>, vector<1x16xf32>,
      %get3A_227 = vector.shape_cast %get3A_226 : vector<1x16xf32> to vector<16xf32>
      %get3A_228 = arith.index_cast %scan3A_29 : i32 to index
      %get3A_229 = arith.constant 224 : index
      %get3A_230 = tpu.vector_load %arg10[%get3A_228, %get3A_229] {strides = array<i32>} : memref<80x256xf32, #tpu.memory_space<vmem>>, vector<1x16xf32>,
      %get3A_231 = vector.shape_cast %get3A_230 : vector<1x16xf32> to vector<16xf32>
      %add3A_232 = arith.addf %get3A_227, %get3A_231 : vector<16xf32>
      %swap3A_233 = arith.index_cast %scan3A_29 : i32 to index
      %swap3A_234 = arith.constant 224 : index
      %swap3A_235 = tpu.vector_load %arg9[%swap3A_233, %swap3A_234] {strides = array<i32>} : memref<80x256xf32, #tpu.memory_space<vmem>>, vector<1x16xf32>,
      %swap3A_236 = vector.shape_cast %swap3A_235 : vector<1x16xf32> to vector<16xf32>
      %swap3A_237 = vector.shape_cast %add3A_232 : vector<16xf32> to vector<1x16xf32>
      tpu.vector_store %arg9[%swap3A_233, %swap3A_234], %swap3A_237 {strides = array<i32>} : memref<80x256xf32, #tpu.memory_space<vmem>>, vector<1x16xf32>,
      %get3A_238 = arith.index_cast %scan3A_29 : i32 to index
      %get3A_239 = arith.constant 240 : index
      %get3A_240 = tpu.vector_load %arg9[%get3A_238, %get3A_239] {strides = array<i32>} : memref<80x256xf32, #tpu.memory_space<vmem>>, vector<1x16xf32>,
      %get3A_241 = vector.shape_cast %get3A_240 : vector<1x16xf32> to vector<16xf32>
      %get3A_242 = arith.index_cast %scan3A_29 : i32 to index
      %get3A_243 = arith.constant 240 : index
      %get3A_244 = tpu.vector_load %arg10[%get3A_242, %get3A_243] {strides = array<i32>} : memref<80x256xf32, #tpu.memory_space<vmem>>, vector<1x16xf32>,
      %get3A_245 = vector.shape_cast %get3A_244 : vector<1x16xf32> to vector<16xf32>
      %add3A_246 = arith.addf %get3A_241, %get3A_245 : vector<16xf32>
      %swap3A_247 = arith.index_cast %scan3A_29 : i32 to index
      %swap3A_248 = arith.constant 240 : index
      %swap3A_249 = tpu.vector_load %arg9[%swap3A_247, %swap3A_248] {strides = array<i32>} : memref<80x256xf32, #tpu.memory_space<vmem>>, vector<1x16xf32>,
      %swap3A_250 = vector.shape_cast %swap3A_249 : vector<1x16xf32> to vector<16xf32>
      %swap3A_251 = vector.shape_cast %add3A_246 : vector<16xf32> to vector<1x16xf32>
      tpu.vector_store %arg9[%swap3A_247, %swap3A_248], %swap3A_251 {strides = array<i32>} : memref<80x256xf32, #tpu.memory_space<vmem>>, vector<1x16xf32>,
    }
    %scan3A_25 = arith.constant 80 : i32
    %add3A_26 = arith.constant 9920 : i32
    %add3A_27 = arith.addi %mul3A_2, %add3A_26 : i32
    %multiple_of3A_28 = tpu.assume_multiple %add3A_27, 8 : i32
    "tpu.region"() ({
      %run_scoped3A = tpu.sem_alloc : memref<!tpu.dma_semaphore, #tpu.memory_space<semaphore_mem>>
      %dma_start3A_29 = arith.constant 0 : i32
      %dma_start3A_30 = tpu.memref_slice %arg6[%multiple_of3A_28, %dma_start3A_29] : memref<320000x256xf32, #tpu.memory_space<hbm>> -> memref<80x256xf32, #tpu.memory_space<hbm>>
      %dma_start3A_31 = arith.constant 0 : i32
      %dma_start3A_32 = tpu.memref_slice %arg6[%multiple_of3A_28, %dma_start3A_31] : memref<320000x256xf32, #tpu.memory_space<hbm>> -> memref<80x256xf32, #tpu.memory_space<hbm>>
      tpu.enqueue_dma source(%arg9 : memref<80x256xf32, #tpu.memory_space<vmem>>) target(%dma_start3A_32 : memref<80x256xf32, #tpu.memory_space<hbm>>) target_semaphore(%run_scoped3A : memref<!tpu.dma_semaphore, #tpu.memory_space<semaphore_mem>>)
      %dma_wait3A_33 = arith.constant 0 : i32
      %dma_wait3A_34 = tpu.memref_slice %arg6[%multiple_of3A_28, %dma_wait3A_33] : memref<320000x256xf32, #tpu.memory_space<hbm>> -> memref<80x256xf32, #tpu.memory_space<hbm>>
      %dma_wait3A_35 = arith.constant 0 : i32
      %dma_wait3A_36 = tpu.memref_slice %arg6[%multiple_of3A_28, %dma_wait3A_35] : memref<320000x256xf32, #tpu.memory_space<hbm>> -> memref<80x256xf32, #tpu.memory_space<hbm>>
      tpu.wait_dma2 semaphore(%run_scoped3A : memref<!tpu.dma_semaphore, #tpu.memory_space<semaphore_mem>>) src(%arg9 : memref<80x256xf32, #tpu.memory_space<vmem>>) dst(%dma_wait3A_36 : memref<80x256xf32, #tpu.memory_space<hbm>>)
      tpu.yield
    }) : () -> ()
    return
  }
}

#map = affine_map<(d0, d1) -> (0, 0)>
#map1 = affine_map<(d0, d1) -> (0)>
module attributes {stable_mosaic.version = 14 : i64} {
  func.func @_k3b_body(%arg0: i32, %arg1: i32, %arg2: memref<320000x256xf32, #tpu.memory_space<hbm>>, %arg3: memref<10373120xi32, #tpu.memory_space<hbm>>, %arg4: memref<512xi32, #tpu.memory_space<hbm>>, %arg5: memref<10240x256xf32, #tpu.memory_space<hbm>>, %arg6: memref<80xi32, #tpu.memory_space<vmem>>, %arg7: memref<80xi32, #tpu.memory_space<vmem>>, %arg8: memref<64xi32, #tpu.memory_space<vmem>>, %arg9: memref<64xi32, #tpu.memory_space<vmem>>, %arg10: memref<64x256xf32, #tpu.memory_space<vmem>>, %arg11: memref<64x256xf32, #tpu.memory_space<vmem>>, %arg12: memref<320x256xf32, #tpu.memory_space<vmem>>, %arg13: memref<16xi32, #tpu.memory_space<vmem>>, %arg14: memref<!tpu.dma_semaphore, #tpu.memory_space<semaphore_mem>>, %arg15: memref<!tpu.dma_semaphore, #tpu.memory_space<semaphore_mem>>) attributes {dimension_semantics = [#tpu.dimension_semantics<core_parallel>, #tpu.dimension_semantics<subcore_parallel>], iteration_bounds = array<i64: 2, 16>, scalar_prefetch = 0 : i64, scratch_operands = 10 : i64, tpu.core_type = #tpu.core_type<sc_vector_subcore>, window_params = [{transform_indices = #map}, {transform_indices = #map1}, {transform_indices = #map1}, {transform_indices = #map}]} {
    %mul3A = arith.constant 2 : i32
    %mul3A_0 = arith.muli %arg1, %mul3A : i32
    %add3A = arith.addi %mul3A_0, %arg0 : i32
    %mul3A_1 = arith.constant 320 : i32
    %mul3A_2 = arith.muli %add3A, %mul3A_1 : i32
    %mul3A_3 = arith.constant 324160 : i32
    %mul3A_4 = arith.muli %add3A, %mul3A_3 : i32
    %mul3A_5 = arith.constant 16 : i32
    %mul3A_6 = arith.muli %add3A, %mul3A_5 : i32
    %multiple_of3A = tpu.assume_multiple %mul3A_6, 8 : i32
    "tpu.region"() ({
      %run_scoped3A = tpu.sem_alloc : memref<!tpu.dma_semaphore, #tpu.memory_space<semaphore_mem>>
      %dma_start3A = tpu.memref_slice %arg4[%multiple_of3A] : memref<512xi32, #tpu.memory_space<hbm>> -> memref<16xi32, #tpu.memory_space<hbm>>
      %dma_start3A_73 = tpu.memref_slice %arg4[%multiple_of3A] : memref<512xi32, #tpu.memory_space<hbm>> -> memref<16xi32, #tpu.memory_space<hbm>>
      tpu.enqueue_dma source(%dma_start3A_73 : memref<16xi32, #tpu.memory_space<hbm>>) target(%arg13 : memref<16xi32, #tpu.memory_space<vmem>>) target_semaphore(%run_scoped3A : memref<!tpu.dma_semaphore, #tpu.memory_space<semaphore_mem>>)
      %dma_wait3A = tpu.memref_slice %arg4[%multiple_of3A] : memref<512xi32, #tpu.memory_space<hbm>> -> memref<16xi32, #tpu.memory_space<hbm>>
      %dma_wait3A_74 = tpu.memref_slice %arg4[%multiple_of3A] : memref<512xi32, #tpu.memory_space<hbm>> -> memref<16xi32, #tpu.memory_space<hbm>>
      tpu.wait_dma2 semaphore(%run_scoped3A : memref<!tpu.dma_semaphore, #tpu.memory_space<semaphore_mem>>) src(%dma_wait3A_74 : memref<16xi32, #tpu.memory_space<hbm>>) dst(%arg13 : memref<16xi32, #tpu.memory_space<vmem>>)
      tpu.yield
    }) : () -> ()
    %get3A = arith.constant 0 : index
    %get3A_7 = tpu.vector_load %arg13[%get3A] {strides = array<i32>} : memref<16xi32, #tpu.memory_space<vmem>>, vector<16xi32>,
    %get3A_8 = vector.shape_cast %get3A_7 : vector<16xi32> to vector<16xi32>
    %slice3A = vector.extract_strided_slice %get3A_8 {offsets = [0], sizes = [1], strides = [1]} : vector<16xi32> to vector<1xi32>
    %squeeze3A = vector.extract %slice3A[0] : i32 from vector<1xi32>
    %broadcast_in_dim3A = arith.constant 0.000000e+00 : f32
    %broadcast_in_dim3A_9 = vector.broadcast %broadcast_in_dim3A : f32 to vector<16xf32>
    %scan3A = arith.constant 0 : i32
    %scan3A_10 = arith.constant 0 : i32
    %scan3A_11 = arith.constant 320 : i32
    %scan3A_12 = arith.addi %scan3A_10, %scan3A_11 : i32
    %scan3A_13 = arith.constant 1 : i32
    scf.for %scan3A_73 = %scan3A_10 to %scan3A_12 step %scan3A_13  : i32 {
      %swap3A = arith.index_cast %scan3A_73 : i32 to index
      %swap3A_74 = arith.constant 0 : index
      %swap3A_75 = tpu.vector_load %arg12[%swap3A, %swap3A_74] {strides = array<i32>} : memref<320x256xf32, #tpu.memory_space<vmem>>, vector<1x16xf32>,
      %swap3A_76 = vector.shape_cast %swap3A_75 : vector<1x16xf32> to vector<16xf32>
      %swap3A_77 = vector.shape_cast %broadcast_in_dim3A_9 : vector<16xf32> to vector<1x16xf32>
      tpu.vector_store %arg12[%swap3A, %swap3A_74], %swap3A_77 {strides = array<i32>} : memref<320x256xf32, #tpu.memory_space<vmem>>, vector<1x16xf32>,
      %swap3A_78 = arith.index_cast %scan3A_73 : i32 to index
      %swap3A_79 = arith.constant 16 : index
      %swap3A_80 = tpu.vector_load %arg12[%swap3A_78, %swap3A_79] {strides = array<i32>} : memref<320x256xf32, #tpu.memory_space<vmem>>, vector<1x16xf32>,
      %swap3A_81 = vector.shape_cast %swap3A_80 : vector<1x16xf32> to vector<16xf32>
      %swap3A_82 = vector.shape_cast %broadcast_in_dim3A_9 : vector<16xf32> to vector<1x16xf32>
      tpu.vector_store %arg12[%swap3A_78, %swap3A_79], %swap3A_82 {strides = array<i32>} : memref<320x256xf32, #tpu.memory_space<vmem>>, vector<1x16xf32>,
      %swap3A_83 = arith.index_cast %scan3A_73 : i32 to index
      %swap3A_84 = arith.constant 32 : index
      %swap3A_85 = tpu.vector_load %arg12[%swap3A_83, %swap3A_84] {strides = array<i32>} : memref<320x256xf32, #tpu.memory_space<vmem>>, vector<1x16xf32>,
      %swap3A_86 = vector.shape_cast %swap3A_85 : vector<1x16xf32> to vector<16xf32>
      %swap3A_87 = vector.shape_cast %broadcast_in_dim3A_9 : vector<16xf32> to vector<1x16xf32>
      tpu.vector_store %arg12[%swap3A_83, %swap3A_84], %swap3A_87 {strides = array<i32>} : memref<320x256xf32, #tpu.memory_space<vmem>>, vector<1x16xf32>,
      %swap3A_88 = arith.index_cast %scan3A_73 : i32 to index
      %swap3A_89 = arith.constant 48 : index
      %swap3A_90 = tpu.vector_load %arg12[%swap3A_88, %swap3A_89] {strides = array<i32>} : memref<320x256xf32, #tpu.memory_space<vmem>>, vector<1x16xf32>,
      %swap3A_91 = vector.shape_cast %swap3A_90 : vector<1x16xf32> to vector<16xf32>
      %swap3A_92 = vector.shape_cast %broadcast_in_dim3A_9 : vector<16xf32> to vector<1x16xf32>
      tpu.vector_store %arg12[%swap3A_88, %swap3A_89], %swap3A_92 {strides = array<i32>} : memref<320x256xf32, #tpu.memory_space<vmem>>, vector<1x16xf32>,
      %swap3A_93 = arith.index_cast %scan3A_73 : i32 to index
      %swap3A_94 = arith.constant 64 : index
      %swap3A_95 = tpu.vector_load %arg12[%swap3A_93, %swap3A_94] {strides = array<i32>} : memref<320x256xf32, #tpu.memory_space<vmem>>, vector<1x16xf32>,
      %swap3A_96 = vector.shape_cast %swap3A_95 : vector<1x16xf32> to vector<16xf32>
      %swap3A_97 = vector.shape_cast %broadcast_in_dim3A_9 : vector<16xf32> to vector<1x16xf32>
      tpu.vector_store %arg12[%swap3A_93, %swap3A_94], %swap3A_97 {strides = array<i32>} : memref<320x256xf32, #tpu.memory_space<vmem>>, vector<1x16xf32>,
      %swap3A_98 = arith.index_cast %scan3A_73 : i32 to index
      %swap3A_99 = arith.constant 80 : index
      %swap3A_100 = tpu.vector_load %arg12[%swap3A_98, %swap3A_99] {strides = array<i32>} : memref<320x256xf32, #tpu.memory_space<vmem>>, vector<1x16xf32>,
      %swap3A_101 = vector.shape_cast %swap3A_100 : vector<1x16xf32> to vector<16xf32>
      %swap3A_102 = vector.shape_cast %broadcast_in_dim3A_9 : vector<16xf32> to vector<1x16xf32>
      tpu.vector_store %arg12[%swap3A_98, %swap3A_99], %swap3A_102 {strides = array<i32>} : memref<320x256xf32, #tpu.memory_space<vmem>>, vector<1x16xf32>,
      %swap3A_103 = arith.index_cast %scan3A_73 : i32 to index
      %swap3A_104 = arith.constant 96 : index
      %swap3A_105 = tpu.vector_load %arg12[%swap3A_103, %swap3A_104] {strides = array<i32>} : memref<320x256xf32, #tpu.memory_space<vmem>>, vector<1x16xf32>,
      %swap3A_106 = vector.shape_cast %swap3A_105 : vector<1x16xf32> to vector<16xf32>
      %swap3A_107 = vector.shape_cast %broadcast_in_dim3A_9 : vector<16xf32> to vector<1x16xf32>
      tpu.vector_store %arg12[%swap3A_103, %swap3A_104], %swap3A_107 {strides = array<i32>} : memref<320x256xf32, #tpu.memory_space<vmem>>, vector<1x16xf32>,
      %swap3A_108 = arith.index_cast %scan3A_73 : i32 to index
      %swap3A_109 = arith.constant 112 : index
      %swap3A_110 = tpu.vector_load %arg12[%swap3A_108, %swap3A_109] {strides = array<i32>} : memref<320x256xf32, #tpu.memory_space<vmem>>, vector<1x16xf32>,
      %swap3A_111 = vector.shape_cast %swap3A_110 : vector<1x16xf32> to vector<16xf32>
      %swap3A_112 = vector.shape_cast %broadcast_in_dim3A_9 : vector<16xf32> to vector<1x16xf32>
      tpu.vector_store %arg12[%swap3A_108, %swap3A_109], %swap3A_112 {strides = array<i32>} : memref<320x256xf32, #tpu.memory_space<vmem>>, vector<1x16xf32>,
      %swap3A_113 = arith.index_cast %scan3A_73 : i32 to index
      %swap3A_114 = arith.constant 128 : index
      %swap3A_115 = tpu.vector_load %arg12[%swap3A_113, %swap3A_114] {strides = array<i32>} : memref<320x256xf32, #tpu.memory_space<vmem>>, vector<1x16xf32>,
      %swap3A_116 = vector.shape_cast %swap3A_115 : vector<1x16xf32> to vector<16xf32>
      %swap3A_117 = vector.shape_cast %broadcast_in_dim3A_9 : vector<16xf32> to vector<1x16xf32>
      tpu.vector_store %arg12[%swap3A_113, %swap3A_114], %swap3A_117 {strides = array<i32>} : memref<320x256xf32, #tpu.memory_space<vmem>>, vector<1x16xf32>,
      %swap3A_118 = arith.index_cast %scan3A_73 : i32 to index
      %swap3A_119 = arith.constant 144 : index
      %swap3A_120 = tpu.vector_load %arg12[%swap3A_118, %swap3A_119] {strides = array<i32>} : memref<320x256xf32, #tpu.memory_space<vmem>>, vector<1x16xf32>,
      %swap3A_121 = vector.shape_cast %swap3A_120 : vector<1x16xf32> to vector<16xf32>
      %swap3A_122 = vector.shape_cast %broadcast_in_dim3A_9 : vector<16xf32> to vector<1x16xf32>
      tpu.vector_store %arg12[%swap3A_118, %swap3A_119], %swap3A_122 {strides = array<i32>} : memref<320x256xf32, #tpu.memory_space<vmem>>, vector<1x16xf32>,
      %swap3A_123 = arith.index_cast %scan3A_73 : i32 to index
      %swap3A_124 = arith.constant 160 : index
      %swap3A_125 = tpu.vector_load %arg12[%swap3A_123, %swap3A_124] {strides = array<i32>} : memref<320x256xf32, #tpu.memory_space<vmem>>, vector<1x16xf32>,
      %swap3A_126 = vector.shape_cast %swap3A_125 : vector<1x16xf32> to vector<16xf32>
      %swap3A_127 = vector.shape_cast %broadcast_in_dim3A_9 : vector<16xf32> to vector<1x16xf32>
      tpu.vector_store %arg12[%swap3A_123, %swap3A_124], %swap3A_127 {strides = array<i32>} : memref<320x256xf32, #tpu.memory_space<vmem>>, vector<1x16xf32>,
      %swap3A_128 = arith.index_cast %scan3A_73 : i32 to index
      %swap3A_129 = arith.constant 176 : index
      %swap3A_130 = tpu.vector_load %arg12[%swap3A_128, %swap3A_129] {strides = array<i32>} : memref<320x256xf32, #tpu.memory_space<vmem>>, vector<1x16xf32>,
      %swap3A_131 = vector.shape_cast %swap3A_130 : vector<1x16xf32> to vector<16xf32>
      %swap3A_132 = vector.shape_cast %broadcast_in_dim3A_9 : vector<16xf32> to vector<1x16xf32>
      tpu.vector_store %arg12[%swap3A_128, %swap3A_129], %swap3A_132 {strides = array<i32>} : memref<320x256xf32, #tpu.memory_space<vmem>>, vector<1x16xf32>,
      %swap3A_133 = arith.index_cast %scan3A_73 : i32 to index
      %swap3A_134 = arith.constant 192 : index
      %swap3A_135 = tpu.vector_load %arg12[%swap3A_133, %swap3A_134] {strides = array<i32>} : memref<320x256xf32, #tpu.memory_space<vmem>>, vector<1x16xf32>,
      %swap3A_136 = vector.shape_cast %swap3A_135 : vector<1x16xf32> to vector<16xf32>
      %swap3A_137 = vector.shape_cast %broadcast_in_dim3A_9 : vector<16xf32> to vector<1x16xf32>
      tpu.vector_store %arg12[%swap3A_133, %swap3A_134], %swap3A_137 {strides = array<i32>} : memref<320x256xf32, #tpu.memory_space<vmem>>, vector<1x16xf32>,
      %swap3A_138 = arith.index_cast %scan3A_73 : i32 to index
      %swap3A_139 = arith.constant 208 : index
      %swap3A_140 = tpu.vector_load %arg12[%swap3A_138, %swap3A_139] {strides = array<i32>} : memref<320x256xf32, #tpu.memory_space<vmem>>, vector<1x16xf32>,
      %swap3A_141 = vector.shape_cast %swap3A_140 : vector<1x16xf32> to vector<16xf32>
      %swap3A_142 = vector.shape_cast %broadcast_in_dim3A_9 : vector<16xf32> to vector<1x16xf32>
      tpu.vector_store %arg12[%swap3A_138, %swap3A_139], %swap3A_142 {strides = array<i32>} : memref<320x256xf32, #tpu.memory_space<vmem>>, vector<1x16xf32>,
      %swap3A_143 = arith.index_cast %scan3A_73 : i32 to index
      %swap3A_144 = arith.constant 224 : index
      %swap3A_145 = tpu.vector_load %arg12[%swap3A_143, %swap3A_144] {strides = array<i32>} : memref<320x256xf32, #tpu.memory_space<vmem>>, vector<1x16xf32>,
      %swap3A_146 = vector.shape_cast %swap3A_145 : vector<1x16xf32> to vector<16xf32>
      %swap3A_147 = vector.shape_cast %broadcast_in_dim3A_9 : vector<16xf32> to vector<1x16xf32>
      tpu.vector_store %arg12[%swap3A_143, %swap3A_144], %swap3A_147 {strides = array<i32>} : memref<320x256xf32, #tpu.memory_space<vmem>>, vector<1x16xf32>,
      %swap3A_148 = arith.index_cast %scan3A_73 : i32 to index
      %swap3A_149 = arith.constant 240 : index
      %swap3A_150 = tpu.vector_load %arg12[%swap3A_148, %swap3A_149] {strides = array<i32>} : memref<320x256xf32, #tpu.memory_space<vmem>>, vector<1x16xf32>,
      %swap3A_151 = vector.shape_cast %swap3A_150 : vector<1x16xf32> to vector<16xf32>
      %swap3A_152 = vector.shape_cast %broadcast_in_dim3A_9 : vector<16xf32> to vector<1x16xf32>
      tpu.vector_store %arg12[%swap3A_148, %swap3A_149], %swap3A_152 {strides = array<i32>} : memref<320x256xf32, #tpu.memory_space<vmem>>, vector<1x16xf32>,
    }
    %scan3A_14 = arith.constant 320 : i32
    %add3A_15 = arith.constant 64 : i32
    %add3A_16 = arith.addi %squeeze3A, %add3A_15 : i32
    %sub3A = arith.constant 1 : i32
    %sub3A_17 = arith.subi %add3A_16, %sub3A : i32
    %jit3A = arith.constant 64 : i32
    %div3A = arith.divsi %sub3A_17, %jit3A : i32
    %sign3A = arith.constant 0 : i32
    %sign3A_18 = arith.cmpi sgt, %sub3A_17, %sign3A : i32
    %sign3A_19 = arith.extui %sign3A_18 : i1 to i32
    %sign3A_20 = arith.constant 0 : i32
    %sign3A_21 = arith.cmpi slt, %sub3A_17, %sign3A_20 : i32
    %sign3A_22 = arith.extui %sign3A_21 : i1 to i32
    %sign3A_23 = arith.subi %sign3A_19, %sign3A_22 : i32
    %sign3A_24 = arith.constant 0 : i32
    %sign3A_25 = arith.cmpi sgt, %jit3A, %sign3A_24 : i32
    %sign3A_26 = arith.extui %sign3A_25 : i1 to i32
    %sign3A_27 = arith.constant 0 : i32
    %sign3A_28 = arith.cmpi slt, %jit3A, %sign3A_27 : i32
    %sign3A_29 = arith.extui %sign3A_28 : i1 to i32
    %sign3A_30 = arith.subi %sign3A_26, %sign3A_29 : i32
    %ne3A = arith.cmpi ne, %sign3A_23, %sign3A_30 : i32
    %rem3A = arith.remsi %sub3A_17, %jit3A : i32
    %ne3A_31 = arith.constant 0 : i32
    %ne3A_32 = arith.cmpi ne, %rem3A, %ne3A_31 : i32
    %and3A = arith.andi %ne3A, %ne3A_32 : i1
    %sub3A_33 = arith.constant 1 : i32
    %sub3A_34 = arith.subi %div3A, %sub3A_33 : i32
    %select_n3A = arith.select %and3A, %sub3A_34, %div3A : i32
    %gt3A = arith.constant 0 : i32
    %gt3A_35 = arith.cmpi sgt, %select_n3A, %gt3A : i32
    %convert_element_type3A = arith.extui %gt3A_35 : i1 to i32
    %cond3A = arith.constant 0 : i32
    %cond3A_36 = arith.cmpi ne, %convert_element_type3A, %cond3A : i32
    scf.if %cond3A_36 {
      %add3A_73 = arith.constant 0 : i32
      %add3A_74 = arith.addi %mul3A_4, %add3A_73 : i32
      %multiple_of3A_75 = tpu.assume_multiple %add3A_74, 8 : i32
      "tpu.region"() ({
        %run_scoped3A = tpu.sem_alloc : memref<!tpu.dma_semaphore, #tpu.memory_space<semaphore_mem>>
        %dma_start3A_138 = arith.constant 0 : i32
        %dma_start3A_139 = tpu.memref_slice %arg6[%dma_start3A_138] : memref<80xi32, #tpu.memory_space<vmem>> -> memref<64xi32, #tpu.memory_space<vmem>>
        %dma_start3A_140 = tpu.memref_slice %arg3[%multiple_of3A_75] : memref<10373120xi32, #tpu.memory_space<hbm>> -> memref<64xi32, #tpu.memory_space<hbm>>
        %dma_start3A_141 = arith.constant 0 : i32
        %dma_start3A_142 = tpu.memref_slice %arg6[%dma_start3A_141] : memref<80xi32, #tpu.memory_space<vmem>> -> memref<64xi32, #tpu.memory_space<vmem>>
        %dma_start3A_143 = tpu.memref_slice %arg3[%multiple_of3A_75] : memref<10373120xi32, #tpu.memory_space<hbm>> -> memref<64xi32, #tpu.memory_space<hbm>>
        tpu.enqueue_dma source(%dma_start3A_143 : memref<64xi32, #tpu.memory_space<hbm>>) target(%dma_start3A_142 : memref<64xi32, #tpu.memory_space<vmem>>) target_semaphore(%run_scoped3A : memref<!tpu.dma_semaphore, #tpu.memory_space<semaphore_mem>>)
        %dma_wait3A = arith.constant 0 : i32
        %dma_wait3A_144 = tpu.memref_slice %arg6[%dma_wait3A] : memref<80xi32, #tpu.memory_space<vmem>> -> memref<64xi32, #tpu.memory_space<vmem>>
        %dma_wait3A_145 = tpu.memref_slice %arg3[%multiple_of3A_75] : memref<10373120xi32, #tpu.memory_space<hbm>> -> memref<64xi32, #tpu.memory_space<hbm>>
        %dma_wait3A_146 = arith.constant 0 : i32
        %dma_wait3A_147 = tpu.memref_slice %arg6[%dma_wait3A_146] : memref<80xi32, #tpu.memory_space<vmem>> -> memref<64xi32, #tpu.memory_space<vmem>>
        %dma_wait3A_148 = tpu.memref_slice %arg3[%multiple_of3A_75] : memref<10373120xi32, #tpu.memory_space<hbm>> -> memref<64xi32, #tpu.memory_space<hbm>>
        tpu.wait_dma2 semaphore(%run_scoped3A : memref<!tpu.dma_semaphore, #tpu.memory_space<semaphore_mem>>) src(%dma_wait3A_148 : memref<64xi32, #tpu.memory_space<hbm>>) dst(%dma_wait3A_147 : memref<64xi32, #tpu.memory_space<vmem>>)
        tpu.yield
      }) : () -> ()
      %get3A_76 = arith.constant 0 : index
      %get3A_77 = tpu.vector_load %arg6[%get3A_76] {strides = array<i32>} : memref<80xi32, #tpu.memory_space<vmem>>, vector<16xi32>,
      %get3A_78 = vector.shape_cast %get3A_77 : vector<16xi32> to vector<16xi32>
      %shift_right_arithmetic3A = arith.constant 9 : i32
      %shift_right_arithmetic3A_79 = vector.broadcast %shift_right_arithmetic3A : i32 to vector<16xi32>
      %shift_right_arithmetic3A_80 = arith.shrsi %get3A_78, %shift_right_arithmetic3A_79 : vector<16xi32>
      %max3A = arith.constant 0 : i32
      %max3A_81 = vector.broadcast %max3A : i32 to vector<16xi32>
      %max3A_82 = arith.maxsi %shift_right_arithmetic3A_80, %max3A_81 : vector<16xi32>
      %min3A = arith.constant 319999 : i32
      %min3A_83 = vector.broadcast %min3A : i32 to vector<16xi32>
      %min3A_84 = arith.minsi %max3A_82, %min3A_83 : vector<16xi32>
      %swap3A = arith.constant 0 : index
      %swap3A_85 = tpu.vector_load %arg8[%swap3A] {strides = array<i32>} : memref<64xi32, #tpu.memory_space<vmem>>, vector<16xi32>,
      %swap3A_86 = vector.shape_cast %swap3A_85 : vector<16xi32> to vector<16xi32>
      %swap3A_87 = vector.shape_cast %min3A_84 : vector<16xi32> to vector<16xi32>
      tpu.vector_store %arg8[%swap3A], %swap3A_87 {strides = array<i32>} : memref<64xi32, #tpu.memory_space<vmem>>, vector<16xi32>,
      %get3A_88 = arith.constant 16 : index
      %get3A_89 = tpu.vector_load %arg6[%get3A_88] {strides = array<i32>} : memref<80xi32, #tpu.memory_space<vmem>>, vector<16xi32>,
      %get3A_90 = vector.shape_cast %get3A_89 : vector<16xi32> to vector<16xi32>
      %shift_right_arithmetic3A_91 = arith.constant 9 : i32
      %shift_right_arithmetic3A_92 = vector.broadcast %shift_right_arithmetic3A_91 : i32 to vector<16xi32>
      %shift_right_arithmetic3A_93 = arith.shrsi %get3A_90, %shift_right_arithmetic3A_92 : vector<16xi32>
      %max3A_94 = arith.constant 0 : i32
      %max3A_95 = vector.broadcast %max3A_94 : i32 to vector<16xi32>
      %max3A_96 = arith.maxsi %shift_right_arithmetic3A_93, %max3A_95 : vector<16xi32>
      %min3A_97 = arith.constant 319999 : i32
      %min3A_98 = vector.broadcast %min3A_97 : i32 to vector<16xi32>
      %min3A_99 = arith.minsi %max3A_96, %min3A_98 : vector<16xi32>
      %swap3A_100 = arith.constant 16 : index
      %swap3A_101 = tpu.vector_load %arg8[%swap3A_100] {strides = array<i32>} : memref<64xi32, #tpu.memory_space<vmem>>, vector<16xi32>,
      %swap3A_102 = vector.shape_cast %swap3A_101 : vector<16xi32> to vector<16xi32>
      %swap3A_103 = vector.shape_cast %min3A_99 : vector<16xi32> to vector<16xi32>
      tpu.vector_store %arg8[%swap3A_100], %swap3A_103 {strides = array<i32>} : memref<64xi32, #tpu.memory_space<vmem>>, vector<16xi32>,
      %get3A_104 = arith.constant 32 : index
      %get3A_105 = tpu.vector_load %arg6[%get3A_104] {strides = array<i32>} : memref<80xi32, #tpu.memory_space<vmem>>, vector<16xi32>,
      %get3A_106 = vector.shape_cast %get3A_105 : vector<16xi32> to vector<16xi32>
      %shift_right_arithmetic3A_107 = arith.constant 9 : i32
      %shift_right_arithmetic3A_108 = vector.broadcast %shift_right_arithmetic3A_107 : i32 to vector<16xi32>
      %shift_right_arithmetic3A_109 = arith.shrsi %get3A_106, %shift_right_arithmetic3A_108 : vector<16xi32>
      %max3A_110 = arith.constant 0 : i32
      %max3A_111 = vector.broadcast %max3A_110 : i32 to vector<16xi32>
      %max3A_112 = arith.maxsi %shift_right_arithmetic3A_109, %max3A_111 : vector<16xi32>
      %min3A_113 = arith.constant 319999 : i32
      %min3A_114 = vector.broadcast %min3A_113 : i32 to vector<16xi32>
      %min3A_115 = arith.minsi %max3A_112, %min3A_114 : vector<16xi32>
      %swap3A_116 = arith.constant 32 : index
      %swap3A_117 = tpu.vector_load %arg8[%swap3A_116] {strides = array<i32>} : memref<64xi32, #tpu.memory_space<vmem>>, vector<16xi32>,
      %swap3A_118 = vector.shape_cast %swap3A_117 : vector<16xi32> to vector<16xi32>
      %swap3A_119 = vector.shape_cast %min3A_115 : vector<16xi32> to vector<16xi32>
      tpu.vector_store %arg8[%swap3A_116], %swap3A_119 {strides = array<i32>} : memref<64xi32, #tpu.memory_space<vmem>>, vector<16xi32>,
      %get3A_120 = arith.constant 48 : index
      %get3A_121 = tpu.vector_load %arg6[%get3A_120] {strides = array<i32>} : memref<80xi32, #tpu.memory_space<vmem>>, vector<16xi32>,
      %get3A_122 = vector.shape_cast %get3A_121 : vector<16xi32> to vector<16xi32>
      %shift_right_arithmetic3A_123 = arith.constant 9 : i32
      %shift_right_arithmetic3A_124 = vector.broadcast %shift_right_arithmetic3A_123 : i32 to vector<16xi32>
      %shift_right_arithmetic3A_125 = arith.shrsi %get3A_122, %shift_right_arithmetic3A_124 : vector<16xi32>
      %max3A_126 = arith.constant 0 : i32
      %max3A_127 = vector.broadcast %max3A_126 : i32 to vector<16xi32>
      %max3A_128 = arith.maxsi %shift_right_arithmetic3A_125, %max3A_127 : vector<16xi32>
      %min3A_129 = arith.constant 319999 : i32
      %min3A_130 = vector.broadcast %min3A_129 : i32 to vector<16xi32>
      %min3A_131 = arith.minsi %max3A_128, %min3A_130 : vector<16xi32>
      %swap3A_132 = arith.constant 48 : index
      %swap3A_133 = tpu.vector_load %arg8[%swap3A_132] {strides = array<i32>} : memref<64xi32, #tpu.memory_space<vmem>>, vector<16xi32>,
      %swap3A_134 = vector.shape_cast %swap3A_133 : vector<16xi32> to vector<16xi32>
      %swap3A_135 = vector.shape_cast %min3A_131 : vector<16xi32> to vector<16xi32>
      tpu.vector_store %arg8[%swap3A_132], %swap3A_135 {strides = array<i32>} : memref<64xi32, #tpu.memory_space<vmem>>, vector<16xi32>,
      %dma_start3A = arith.constant 0 : i32
      %dma_start3A_136 = arith.constant 0 : i32
      %dma_start3A_137 = tpu.memref_slice %arg2[%dma_start3A, %dma_start3A_136] : memref<320000x256xf32, #tpu.memory_space<hbm>> -> memref<320000x256xf32, #tpu.memory_space<hbm>>
      tpu.enqueue_indirect_dma source(%dma_start3A_137 : memref<320000x256xf32, #tpu.memory_space<hbm>>) target(%arg10 : memref<64x256xf32, #tpu.memory_space<vmem>>) offsets(%arg8 : memref<64xi32, #tpu.memory_space<vmem>>) semaphore(%arg14 : memref<!tpu.dma_semaphore, #tpu.memory_space<semaphore_mem>>)
    } else {
    }
    %add3A_37 = arith.constant 1 : i32
    %add3A_38 = arith.addi %select_n3A, %add3A_37 : i32
    %jit3A_39 = arith.constant 2 : i32
    %div3A_40 = arith.divsi %add3A_38, %jit3A_39 : i32
    %sign3A_41 = arith.constant 0 : i32
    %sign3A_42 = arith.cmpi sgt, %add3A_38, %sign3A_41 : i32
    %sign3A_43 = arith.extui %sign3A_42 : i1 to i32
    %sign3A_44 = arith.constant 0 : i32
    %sign3A_45 = arith.cmpi slt, %add3A_38, %sign3A_44 : i32
    %sign3A_46 = arith.extui %sign3A_45 : i1 to i32
    %sign3A_47 = arith.subi %sign3A_43, %sign3A_46 : i32
    %sign3A_48 = arith.constant 0 : i32
    %sign3A_49 = arith.cmpi sgt, %jit3A_39, %sign3A_48 : i32
    %sign3A_50 = arith.extui %sign3A_49 : i1 to i32
    %sign3A_51 = arith.constant 0 : i32
    %sign3A_52 = arith.cmpi slt, %jit3A_39, %sign3A_51 : i32
    %sign3A_53 = arith.extui %sign3A_52 : i1 to i32
    %sign3A_54 = arith.subi %sign3A_50, %sign3A_53 : i32
    %ne3A_55 = arith.cmpi ne, %sign3A_47, %sign3A_54 : i32
    %rem3A_56 = arith.remsi %add3A_38, %jit3A_39 : i32
    %ne3A_57 = arith.constant 0 : i32
    %ne3A_58 = arith.cmpi ne, %rem3A_56, %ne3A_57 : i32
    %and3A_59 = arith.andi %ne3A_55, %ne3A_58 : i1
    %sub3A_60 = arith.constant 1 : i32
    %sub3A_61 = arith.subi %div3A_40, %sub3A_60 : i32
    %select_n3A_62 = arith.select %and3A_59, %sub3A_61, %div3A_40 : i32
    %while3A = arith.constant 0 : i32
    %while3A_63 = arith.constant 0 : i32
    %while3A_64 = arith.subi %select_n3A_62, %while3A_63 : i32
    %while3A_65 = arith.addi %while3A_63, %while3A_64 : i32
    %while3A_66 = arith.constant 1 : i32
    %while3A_67 = arith.divsi %while3A_64, %while3A_66 : i32
    %while3A_68 = arith.muli %while3A_67, %while3A_66 : i32
    %while3A_69 = arith.addi %while3A_63, %while3A_68 : i32
    %while3A_70 = arith.constant 1 : i32
    scf.for %while3A_73 = %while3A_63 to %while3A_69 step %while3A_70  : i32 {
      %mul3A_74 = arith.constant 2 : i32
      %mul3A_75 = arith.muli %mul3A_74, %while3A_73 : i32
      %add3A_76 = arith.constant 1 : i32
      %add3A_77 = arith.addi %mul3A_75, %add3A_76 : i32
      %lt3A = arith.cmpi slt, %add3A_77, %select_n3A : i32
      %convert_element_type3A_78 = arith.extui %lt3A : i1 to i32
      %cond3A_79 = arith.constant 0 : i32
      %cond3A_80 = arith.cmpi ne, %convert_element_type3A_78, %cond3A_79 : i32
      scf.if %cond3A_80 {
        %mul3A_101 = arith.constant 64 : i32
        %mul3A_102 = arith.muli %add3A_77, %mul3A_101 : i32
        %add3A_103 = arith.addi %mul3A_4, %mul3A_102 : i32
        %multiple_of3A_104 = tpu.assume_multiple %add3A_103, 8 : i32
        "tpu.region"() ({
          %run_scoped3A = tpu.sem_alloc : memref<!tpu.dma_semaphore, #tpu.memory_space<semaphore_mem>>
          %dma_start3A_168 = arith.constant 0 : i32
          %dma_start3A_169 = tpu.memref_slice %arg7[%dma_start3A_168] : memref<80xi32, #tpu.memory_space<vmem>> -> memref<64xi32, #tpu.memory_space<vmem>>
          %dma_start3A_170 = tpu.memref_slice %arg3[%multiple_of3A_104] : memref<10373120xi32, #tpu.memory_space<hbm>> -> memref<64xi32, #tpu.memory_space<hbm>>
          %dma_start3A_171 = arith.constant 0 : i32
          %dma_start3A_172 = tpu.memref_slice %arg7[%dma_start3A_171] : memref<80xi32, #tpu.memory_space<vmem>> -> memref<64xi32, #tpu.memory_space<vmem>>
          %dma_start3A_173 = tpu.memref_slice %arg3[%multiple_of3A_104] : memref<10373120xi32, #tpu.memory_space<hbm>> -> memref<64xi32, #tpu.memory_space<hbm>>
          tpu.enqueue_dma source(%dma_start3A_173 : memref<64xi32, #tpu.memory_space<hbm>>) target(%dma_start3A_172 : memref<64xi32, #tpu.memory_space<vmem>>) target_semaphore(%run_scoped3A : memref<!tpu.dma_semaphore, #tpu.memory_space<semaphore_mem>>)
          %dma_wait3A_174 = arith.constant 0 : i32
          %dma_wait3A_175 = tpu.memref_slice %arg7[%dma_wait3A_174] : memref<80xi32, #tpu.memory_space<vmem>> -> memref<64xi32, #tpu.memory_space<vmem>>
          %dma_wait3A_176 = tpu.memref_slice %arg3[%multiple_of3A_104] : memref<10373120xi32, #tpu.memory_space<hbm>> -> memref<64xi32, #tpu.memory_space<hbm>>
          %dma_wait3A_177 = arith.constant 0 : i32
          %dma_wait3A_178 = tpu.memref_slice %arg7[%dma_wait3A_177] : memref<80xi32, #tpu.memory_space<vmem>> -> memref<64xi32, #tpu.memory_space<vmem>>
          %dma_wait3A_179 = tpu.memref_slice %arg3[%multiple_of3A_104] : memref<10373120xi32, #tpu.memory_space<hbm>> -> memref<64xi32, #tpu.memory_space<hbm>>
          tpu.wait_dma2 semaphore(%run_scoped3A : memref<!tpu.dma_semaphore, #tpu.memory_space<semaphore_mem>>) src(%dma_wait3A_179 : memref<64xi32, #tpu.memory_space<hbm>>) dst(%dma_wait3A_178 : memref<64xi32, #tpu.memory_space<vmem>>)
          tpu.yield
        }) : () -> ()
        %get3A_105 = arith.constant 0 : index
        %get3A_106 = tpu.vector_load %arg7[%get3A_105] {strides = array<i32>} : memref<80xi32, #tpu.memory_space<vmem>>, vector<16xi32>,
        %get3A_107 = vector.shape_cast %get3A_106 : vector<16xi32> to vector<16xi32>
        %shift_right_arithmetic3A = arith.constant 9 : i32
        %shift_right_arithmetic3A_108 = vector.broadcast %shift_right_arithmetic3A : i32 to vector<16xi32>
        %shift_right_arithmetic3A_109 = arith.shrsi %get3A_107, %shift_right_arithmetic3A_108 : vector<16xi32>
        %max3A = arith.constant 0 : i32
        %max3A_110 = vector.broadcast %max3A : i32 to vector<16xi32>
        %max3A_111 = arith.maxsi %shift_right_arithmetic3A_109, %max3A_110 : vector<16xi32>
        %min3A_112 = arith.constant 319999 : i32
        %min3A_113 = vector.broadcast %min3A_112 : i32 to vector<16xi32>
        %min3A_114 = arith.minsi %max3A_111, %min3A_113 : vector<16xi32>
        %swap3A = arith.constant 0 : index
        %swap3A_115 = tpu.vector_load %arg9[%swap3A] {strides = array<i32>} : memref<64xi32, #tpu.memory_space<vmem>>, vector<16xi32>,
        %swap3A_116 = vector.shape_cast %swap3A_115 : vector<16xi32> to vector<16xi32>
        %swap3A_117 = vector.shape_cast %min3A_114 : vector<16xi32> to vector<16xi32>
        tpu.vector_store %arg9[%swap3A], %swap3A_117 {strides = array<i32>} : memref<64xi32, #tpu.memory_space<vmem>>, vector<16xi32>,
        %get3A_118 = arith.constant 16 : index
        %get3A_119 = tpu.vector_load %arg7[%get3A_118] {strides = array<i32>} : memref<80xi32, #tpu.memory_space<vmem>>, vector<16xi32>,
        %get3A_120 = vector.shape_cast %get3A_119 : vector<16xi32> to vector<16xi32>
        %shift_right_arithmetic3A_121 = arith.constant 9 : i32
        %shift_right_arithmetic3A_122 = vector.broadcast %shift_right_arithmetic3A_121 : i32 to vector<16xi32>
        %shift_right_arithmetic3A_123 = arith.shrsi %get3A_120, %shift_right_arithmetic3A_122 : vector<16xi32>
        %max3A_124 = arith.constant 0 : i32
        %max3A_125 = vector.broadcast %max3A_124 : i32 to vector<16xi32>
        %max3A_126 = arith.maxsi %shift_right_arithmetic3A_123, %max3A_125 : vector<16xi32>
        %min3A_127 = arith.constant 319999 : i32
        %min3A_128 = vector.broadcast %min3A_127 : i32 to vector<16xi32>
        %min3A_129 = arith.minsi %max3A_126, %min3A_128 : vector<16xi32>
        %swap3A_130 = arith.constant 16 : index
        %swap3A_131 = tpu.vector_load %arg9[%swap3A_130] {strides = array<i32>} : memref<64xi32, #tpu.memory_space<vmem>>, vector<16xi32>,
        %swap3A_132 = vector.shape_cast %swap3A_131 : vector<16xi32> to vector<16xi32>
        %swap3A_133 = vector.shape_cast %min3A_129 : vector<16xi32> to vector<16xi32>
        tpu.vector_store %arg9[%swap3A_130], %swap3A_133 {strides = array<i32>} : memref<64xi32, #tpu.memory_space<vmem>>, vector<16xi32>,
        %get3A_134 = arith.constant 32 : index
        %get3A_135 = tpu.vector_load %arg7[%get3A_134] {strides = array<i32>} : memref<80xi32, #tpu.memory_space<vmem>>, vector<16xi32>,
        %get3A_136 = vector.shape_cast %get3A_135 : vector<16xi32> to vector<16xi32>
        %shift_right_arithmetic3A_137 = arith.constant 9 : i32
        %shift_right_arithmetic3A_138 = vector.broadcast %shift_right_arithmetic3A_137 : i32 to vector<16xi32>
        %shift_right_arithmetic3A_139 = arith.shrsi %get3A_136, %shift_right_arithmetic3A_138 : vector<16xi32>
        %max3A_140 = arith.constant 0 : i32
        %max3A_141 = vector.broadcast %max3A_140 : i32 to vector<16xi32>
        %max3A_142 = arith.maxsi %shift_right_arithmetic3A_139, %max3A_141 : vector<16xi32>
        %min3A_143 = arith.constant 319999 : i32
        %min3A_144 = vector.broadcast %min3A_143 : i32 to vector<16xi32>
        %min3A_145 = arith.minsi %max3A_142, %min3A_144 : vector<16xi32>
        %swap3A_146 = arith.constant 32 : index
        %swap3A_147 = tpu.vector_load %arg9[%swap3A_146] {strides = array<i32>} : memref<64xi32, #tpu.memory_space<vmem>>, vector<16xi32>,
        %swap3A_148 = vector.shape_cast %swap3A_147 : vector<16xi32> to vector<16xi32>
        %swap3A_149 = vector.shape_cast %min3A_145 : vector<16xi32> to vector<16xi32>
        tpu.vector_store %arg9[%swap3A_146], %swap3A_149 {strides = array<i32>} : memref<64xi32, #tpu.memory_space<vmem>>, vector<16xi32>,
        %get3A_150 = arith.constant 48 : index
        %get3A_151 = tpu.vector_load %arg7[%get3A_150] {strides = array<i32>} : memref<80xi32, #tpu.memory_space<vmem>>, vector<16xi32>,
        %get3A_152 = vector.shape_cast %get3A_151 : vector<16xi32> to vector<16xi32>
        %shift_right_arithmetic3A_153 = arith.constant 9 : i32
        %shift_right_arithmetic3A_154 = vector.broadcast %shift_right_arithmetic3A_153 : i32 to vector<16xi32>
        %shift_right_arithmetic3A_155 = arith.shrsi %get3A_152, %shift_right_arithmetic3A_154 : vector<16xi32>
        %max3A_156 = arith.constant 0 : i32
        %max3A_157 = vector.broadcast %max3A_156 : i32 to vector<16xi32>
        %max3A_158 = arith.maxsi %shift_right_arithmetic3A_155, %max3A_157 : vector<16xi32>
        %min3A_159 = arith.constant 319999 : i32
        %min3A_160 = vector.broadcast %min3A_159 : i32 to vector<16xi32>
        %min3A_161 = arith.minsi %max3A_158, %min3A_160 : vector<16xi32>
        %swap3A_162 = arith.constant 48 : index
        %swap3A_163 = tpu.vector_load %arg9[%swap3A_162] {strides = array<i32>} : memref<64xi32, #tpu.memory_space<vmem>>, vector<16xi32>,
        %swap3A_164 = vector.shape_cast %swap3A_163 : vector<16xi32> to vector<16xi32>
        %swap3A_165 = vector.shape_cast %min3A_161 : vector<16xi32> to vector<16xi32>
        tpu.vector_store %arg9[%swap3A_162], %swap3A_165 {strides = array<i32>} : memref<64xi32, #tpu.memory_space<vmem>>, vector<16xi32>,
        %dma_start3A = arith.constant 0 : i32
        %dma_start3A_166 = arith.constant 0 : i32
        %dma_start3A_167 = tpu.memref_slice %arg2[%dma_start3A, %dma_start3A_166] : memref<320000x256xf32, #tpu.memory_space<hbm>> -> memref<320000x256xf32, #tpu.memory_space<hbm>>
        tpu.enqueue_indirect_dma source(%dma_start3A_167 : memref<320000x256xf32, #tpu.memory_space<hbm>>) target(%arg11 : memref<64x256xf32, #tpu.memory_space<vmem>>) offsets(%arg9 : memref<64xi32, #tpu.memory_space<vmem>>) semaphore(%arg15 : memref<!tpu.dma_semaphore, #tpu.memory_space<semaphore_mem>>)
      } else {
      }
      %dma_wait3A = arith.constant 0 : i32
      %dma_wait3A_81 = arith.constant 0 : i32
      %dma_wait3A_82 = tpu.memref_slice %arg2[%dma_wait3A, %dma_wait3A_81] : memref<320000x256xf32, #tpu.memory_space<hbm>> -> memref<320000x256xf32, #tpu.memory_space<hbm>>
      tpu.wait_indirect_dma semaphore(%arg14 : memref<!tpu.dma_semaphore, #tpu.memory_space<semaphore_mem>>) src(%dma_wait3A_82 : memref<320000x256xf32, #tpu.memory_space<hbm>>) dst(%arg10 : memref<64x256xf32, #tpu.memory_space<vmem>>)
      %mul3A_83 = arith.constant 64 : i32
      %mul3A_84 = arith.muli %mul3A_75, %mul3A_83 : i32
      %sub3A_85 = arith.subi %squeeze3A, %mul3A_84 : i32
      %min3A = arith.constant 64 : i32
      %min3A_86 = arith.minsi %min3A, %sub3A_85 : i32
      %while3A_87 = arith.constant 0 : i32
      %while3A_88 = arith.constant 0 : i32
      %while3A_89 = arith.subi %min3A_86, %while3A_88 : i32
      %while3A_90 = arith.addi %while3A_88, %while3A_89 : i32
      %while3A_91 = arith.constant 1 : i32
      %while3A_92 = arith.divsi %while3A_89, %while3A_91 : i32
      %while3A_93 = arith.muli %while3A_92, %while3A_91 : i32
      %while3A_94 = arith.addi %while3A_88, %while3A_93 : i32
      %while3A_95 = arith.constant 1 : i32
      scf.for %while3A_101 = %while3A_88 to %while3A_94 step %while3A_95  : i32 {
        %get3A_102 = arith.index_cast %while3A_101 : i32 to index
        %get3A_103 = tpu.vector_load %arg6[%get3A_102] {strides = array<i32>} : memref<80xi32, #tpu.memory_space<vmem>>, vector<16xi32>,
        %get3A_104 = vector.shape_cast %get3A_103 : vector<16xi32> to vector<16xi32>
        %slice3A_105 = vector.extract_strided_slice %get3A_104 {offsets = [0], sizes = [1], strides = [1]} : vector<16xi32> to vector<1xi32>
        %squeeze3A_106 = vector.extract %slice3A_105[0] : i32 from vector<1xi32>
        %and3A_107 = arith.constant 511 : i32
        %and3A_108 = arith.andi %squeeze3A_106, %and3A_107 : i32
        %get3A_109 = arith.index_cast %and3A_108 : i32 to index
        %get3A_110 = arith.constant 0 : index
        %get3A_111 = tpu.vector_load %arg12[%get3A_109, %get3A_110] {strides = array<i32>} : memref<320x256xf32, #tpu.memory_space<vmem>>, vector<1x16xf32>,
        %get3A_112 = vector.shape_cast %get3A_111 : vector<1x16xf32> to vector<16xf32>
        %get3A_113 = arith.index_cast %while3A_101 : i32 to index
        %get3A_114 = arith.constant 0 : index
        %get3A_115 = tpu.vector_load %arg10[%get3A_113, %get3A_114] {strides = array<i32>} : memref<64x256xf32, #tpu.memory_space<vmem>>, vector<1x16xf32>,
        %get3A_116 = vector.shape_cast %get3A_115 : vector<1x16xf32> to vector<16xf32>
        %max3A = arith.maximumf %get3A_112, %get3A_116 : vector<16xf32>
        %swap3A = arith.index_cast %and3A_108 : i32 to index
        %swap3A_117 = arith.constant 0 : index
        %swap3A_118 = tpu.vector_load %arg12[%swap3A, %swap3A_117] {strides = array<i32>} : memref<320x256xf32, #tpu.memory_space<vmem>>, vector<1x16xf32>,
        %swap3A_119 = vector.shape_cast %swap3A_118 : vector<1x16xf32> to vector<16xf32>
        %swap3A_120 = vector.shape_cast %max3A : vector<16xf32> to vector<1x16xf32>
        tpu.vector_store %arg12[%swap3A, %swap3A_117], %swap3A_120 {strides = array<i32>} : memref<320x256xf32, #tpu.memory_space<vmem>>, vector<1x16xf32>,
        %get3A_121 = arith.index_cast %and3A_108 : i32 to index
        %get3A_122 = arith.constant 16 : index
        %get3A_123 = tpu.vector_load %arg12[%get3A_121, %get3A_122] {strides = array<i32>} : memref<320x256xf32, #tpu.memory_space<vmem>>, vector<1x16xf32>,
        %get3A_124 = vector.shape_cast %get3A_123 : vector<1x16xf32> to vector<16xf32>
        %get3A_125 = arith.index_cast %while3A_101 : i32 to index
        %get3A_126 = arith.constant 16 : index
        %get3A_127 = tpu.vector_load %arg10[%get3A_125, %get3A_126] {strides = array<i32>} : memref<64x256xf32, #tpu.memory_space<vmem>>, vector<1x16xf32>,
        %get3A_128 = vector.shape_cast %get3A_127 : vector<1x16xf32> to vector<16xf32>
        %max3A_129 = arith.maximumf %get3A_124, %get3A_128 : vector<16xf32>
        %swap3A_130 = arith.index_cast %and3A_108 : i32 to index
        %swap3A_131 = arith.constant 16 : index
        %swap3A_132 = tpu.vector_load %arg12[%swap3A_130, %swap3A_131] {strides = array<i32>} : memref<320x256xf32, #tpu.memory_space<vmem>>, vector<1x16xf32>,
        %swap3A_133 = vector.shape_cast %swap3A_132 : vector<1x16xf32> to vector<16xf32>
        %swap3A_134 = vector.shape_cast %max3A_129 : vector<16xf32> to vector<1x16xf32>
        tpu.vector_store %arg12[%swap3A_130, %swap3A_131], %swap3A_134 {strides = array<i32>} : memref<320x256xf32, #tpu.memory_space<vmem>>, vector<1x16xf32>,
        %get3A_135 = arith.index_cast %and3A_108 : i32 to index
        %get3A_136 = arith.constant 32 : index
        %get3A_137 = tpu.vector_load %arg12[%get3A_135, %get3A_136] {strides = array<i32>} : memref<320x256xf32, #tpu.memory_space<vmem>>, vector<1x16xf32>,
        %get3A_138 = vector.shape_cast %get3A_137 : vector<1x16xf32> to vector<16xf32>
        %get3A_139 = arith.index_cast %while3A_101 : i32 to index
        %get3A_140 = arith.constant 32 : index
        %get3A_141 = tpu.vector_load %arg10[%get3A_139, %get3A_140] {strides = array<i32>} : memref<64x256xf32, #tpu.memory_space<vmem>>, vector<1x16xf32>,
        %get3A_142 = vector.shape_cast %get3A_141 : vector<1x16xf32> to vector<16xf32>
        %max3A_143 = arith.maximumf %get3A_138, %get3A_142 : vector<16xf32>
        %swap3A_144 = arith.index_cast %and3A_108 : i32 to index
        %swap3A_145 = arith.constant 32 : index
        %swap3A_146 = tpu.vector_load %arg12[%swap3A_144, %swap3A_145] {strides = array<i32>} : memref<320x256xf32, #tpu.memory_space<vmem>>, vector<1x16xf32>,
        %swap3A_147 = vector.shape_cast %swap3A_146 : vector<1x16xf32> to vector<16xf32>
        %swap3A_148 = vector.shape_cast %max3A_143 : vector<16xf32> to vector<1x16xf32>
        tpu.vector_store %arg12[%swap3A_144, %swap3A_145], %swap3A_148 {strides = array<i32>} : memref<320x256xf32, #tpu.memory_space<vmem>>, vector<1x16xf32>,
        %get3A_149 = arith.index_cast %and3A_108 : i32 to index
        %get3A_150 = arith.constant 48 : index
        %get3A_151 = tpu.vector_load %arg12[%get3A_149, %get3A_150] {strides = array<i32>} : memref<320x256xf32, #tpu.memory_space<vmem>>, vector<1x16xf32>,
        %get3A_152 = vector.shape_cast %get3A_151 : vector<1x16xf32> to vector<16xf32>
        %get3A_153 = arith.index_cast %while3A_101 : i32 to index
        %get3A_154 = arith.constant 48 : index
        %get3A_155 = tpu.vector_load %arg10[%get3A_153, %get3A_154] {strides = array<i32>} : memref<64x256xf32, #tpu.memory_space<vmem>>, vector<1x16xf32>,
        %get3A_156 = vector.shape_cast %get3A_155 : vector<1x16xf32> to vector<16xf32>
        %max3A_157 = arith.maximumf %get3A_152, %get3A_156 : vector<16xf32>
        %swap3A_158 = arith.index_cast %and3A_108 : i32 to index
        %swap3A_159 = arith.constant 48 : index
        %swap3A_160 = tpu.vector_load %arg12[%swap3A_158, %swap3A_159] {strides = array<i32>} : memref<320x256xf32, #tpu.memory_space<vmem>>, vector<1x16xf32>,
        %swap3A_161 = vector.shape_cast %swap3A_160 : vector<1x16xf32> to vector<16xf32>
        %swap3A_162 = vector.shape_cast %max3A_157 : vector<16xf32> to vector<1x16xf32>
        tpu.vector_store %arg12[%swap3A_158, %swap3A_159], %swap3A_162 {strides = array<i32>} : memref<320x256xf32, #tpu.memory_space<vmem>>, vector<1x16xf32>,
        %get3A_163 = arith.index_cast %and3A_108 : i32 to index
        %get3A_164 = arith.constant 64 : index
        %get3A_165 = tpu.vector_load %arg12[%get3A_163, %get3A_164] {strides = array<i32>} : memref<320x256xf32, #tpu.memory_space<vmem>>, vector<1x16xf32>,
        %get3A_166 = vector.shape_cast %get3A_165 : vector<1x16xf32> to vector<16xf32>
        %get3A_167 = arith.index_cast %while3A_101 : i32 to index
        %get3A_168 = arith.constant 64 : index
        %get3A_169 = tpu.vector_load %arg10[%get3A_167, %get3A_168] {strides = array<i32>} : memref<64x256xf32, #tpu.memory_space<vmem>>, vector<1x16xf32>,
        %get3A_170 = vector.shape_cast %get3A_169 : vector<1x16xf32> to vector<16xf32>
        %max3A_171 = arith.maximumf %get3A_166, %get3A_170 : vector<16xf32>
        %swap3A_172 = arith.index_cast %and3A_108 : i32 to index
        %swap3A_173 = arith.constant 64 : index
        %swap3A_174 = tpu.vector_load %arg12[%swap3A_172, %swap3A_173] {strides = array<i32>} : memref<320x256xf32, #tpu.memory_space<vmem>>, vector<1x16xf32>,
        %swap3A_175 = vector.shape_cast %swap3A_174 : vector<1x16xf32> to vector<16xf32>
        %swap3A_176 = vector.shape_cast %max3A_171 : vector<16xf32> to vector<1x16xf32>
        tpu.vector_store %arg12[%swap3A_172, %swap3A_173], %swap3A_176 {strides = array<i32>} : memref<320x256xf32, #tpu.memory_space<vmem>>, vector<1x16xf32>,
        %get3A_177 = arith.index_cast %and3A_108 : i32 to index
        %get3A_178 = arith.constant 80 : index
        %get3A_179 = tpu.vector_load %arg12[%get3A_177, %get3A_178] {strides = array<i32>} : memref<320x256xf32, #tpu.memory_space<vmem>>, vector<1x16xf32>,
        %get3A_180 = vector.shape_cast %get3A_179 : vector<1x16xf32> to vector<16xf32>
        %get3A_181 = arith.index_cast %while3A_101 : i32 to index
        %get3A_182 = arith.constant 80 : index
        %get3A_183 = tpu.vector_load %arg10[%get3A_181, %get3A_182] {strides = array<i32>} : memref<64x256xf32, #tpu.memory_space<vmem>>, vector<1x16xf32>,
        %get3A_184 = vector.shape_cast %get3A_183 : vector<1x16xf32> to vector<16xf32>
        %max3A_185 = arith.maximumf %get3A_180, %get3A_184 : vector<16xf32>
        %swap3A_186 = arith.index_cast %and3A_108 : i32 to index
        %swap3A_187 = arith.constant 80 : index
        %swap3A_188 = tpu.vector_load %arg12[%swap3A_186, %swap3A_187] {strides = array<i32>} : memref<320x256xf32, #tpu.memory_space<vmem>>, vector<1x16xf32>,
        %swap3A_189 = vector.shape_cast %swap3A_188 : vector<1x16xf32> to vector<16xf32>
        %swap3A_190 = vector.shape_cast %max3A_185 : vector<16xf32> to vector<1x16xf32>
        tpu.vector_store %arg12[%swap3A_186, %swap3A_187], %swap3A_190 {strides = array<i32>} : memref<320x256xf32, #tpu.memory_space<vmem>>, vector<1x16xf32>,
        %get3A_191 = arith.index_cast %and3A_108 : i32 to index
        %get3A_192 = arith.constant 96 : index
        %get3A_193 = tpu.vector_load %arg12[%get3A_191, %get3A_192] {strides = array<i32>} : memref<320x256xf32, #tpu.memory_space<vmem>>, vector<1x16xf32>,
        %get3A_194 = vector.shape_cast %get3A_193 : vector<1x16xf32> to vector<16xf32>
        %get3A_195 = arith.index_cast %while3A_101 : i32 to index
        %get3A_196 = arith.constant 96 : index
        %get3A_197 = tpu.vector_load %arg10[%get3A_195, %get3A_196] {strides = array<i32>} : memref<64x256xf32, #tpu.memory_space<vmem>>, vector<1x16xf32>,
        %get3A_198 = vector.shape_cast %get3A_197 : vector<1x16xf32> to vector<16xf32>
        %max3A_199 = arith.maximumf %get3A_194, %get3A_198 : vector<16xf32>
        %swap3A_200 = arith.index_cast %and3A_108 : i32 to index
        %swap3A_201 = arith.constant 96 : index
        %swap3A_202 = tpu.vector_load %arg12[%swap3A_200, %swap3A_201] {strides = array<i32>} : memref<320x256xf32, #tpu.memory_space<vmem>>, vector<1x16xf32>,
        %swap3A_203 = vector.shape_cast %swap3A_202 : vector<1x16xf32> to vector<16xf32>
        %swap3A_204 = vector.shape_cast %max3A_199 : vector<16xf32> to vector<1x16xf32>
        tpu.vector_store %arg12[%swap3A_200, %swap3A_201], %swap3A_204 {strides = array<i32>} : memref<320x256xf32, #tpu.memory_space<vmem>>, vector<1x16xf32>,
        %get3A_205 = arith.index_cast %and3A_108 : i32 to index
        %get3A_206 = arith.constant 112 : index
        %get3A_207 = tpu.vector_load %arg12[%get3A_205, %get3A_206] {strides = array<i32>} : memref<320x256xf32, #tpu.memory_space<vmem>>, vector<1x16xf32>,
        %get3A_208 = vector.shape_cast %get3A_207 : vector<1x16xf32> to vector<16xf32>
        %get3A_209 = arith.index_cast %while3A_101 : i32 to index
        %get3A_210 = arith.constant 112 : index
        %get3A_211 = tpu.vector_load %arg10[%get3A_209, %get3A_210] {strides = array<i32>} : memref<64x256xf32, #tpu.memory_space<vmem>>, vector<1x16xf32>,
        %get3A_212 = vector.shape_cast %get3A_211 : vector<1x16xf32> to vector<16xf32>
        %max3A_213 = arith.maximumf %get3A_208, %get3A_212 : vector<16xf32>
        %swap3A_214 = arith.index_cast %and3A_108 : i32 to index
        %swap3A_215 = arith.constant 112 : index
        %swap3A_216 = tpu.vector_load %arg12[%swap3A_214, %swap3A_215] {strides = array<i32>} : memref<320x256xf32, #tpu.memory_space<vmem>>, vector<1x16xf32>,
        %swap3A_217 = vector.shape_cast %swap3A_216 : vector<1x16xf32> to vector<16xf32>
        %swap3A_218 = vector.shape_cast %max3A_213 : vector<16xf32> to vector<1x16xf32>
        tpu.vector_store %arg12[%swap3A_214, %swap3A_215], %swap3A_218 {strides = array<i32>} : memref<320x256xf32, #tpu.memory_space<vmem>>, vector<1x16xf32>,
        %get3A_219 = arith.index_cast %and3A_108 : i32 to index
        %get3A_220 = arith.constant 128 : index
        %get3A_221 = tpu.vector_load %arg12[%get3A_219, %get3A_220] {strides = array<i32>} : memref<320x256xf32, #tpu.memory_space<vmem>>, vector<1x16xf32>,
        %get3A_222 = vector.shape_cast %get3A_221 : vector<1x16xf32> to vector<16xf32>
        %get3A_223 = arith.index_cast %while3A_101 : i32 to index
        %get3A_224 = arith.constant 128 : index
        %get3A_225 = tpu.vector_load %arg10[%get3A_223, %get3A_224] {strides = array<i32>} : memref<64x256xf32, #tpu.memory_space<vmem>>, vector<1x16xf32>,
        %get3A_226 = vector.shape_cast %get3A_225 : vector<1x16xf32> to vector<16xf32>
        %max3A_227 = arith.maximumf %get3A_222, %get3A_226 : vector<16xf32>
        %swap3A_228 = arith.index_cast %and3A_108 : i32 to index
        %swap3A_229 = arith.constant 128 : index
        %swap3A_230 = tpu.vector_load %arg12[%swap3A_228, %swap3A_229] {strides = array<i32>} : memref<320x256xf32, #tpu.memory_space<vmem>>, vector<1x16xf32>,
        %swap3A_231 = vector.shape_cast %swap3A_230 : vector<1x16xf32> to vector<16xf32>
        %swap3A_232 = vector.shape_cast %max3A_227 : vector<16xf32> to vector<1x16xf32>
        tpu.vector_store %arg12[%swap3A_228, %swap3A_229], %swap3A_232 {strides = array<i32>} : memref<320x256xf32, #tpu.memory_space<vmem>>, vector<1x16xf32>,
        %get3A_233 = arith.index_cast %and3A_108 : i32 to index
        %get3A_234 = arith.constant 144 : index
        %get3A_235 = tpu.vector_load %arg12[%get3A_233, %get3A_234] {strides = array<i32>} : memref<320x256xf32, #tpu.memory_space<vmem>>, vector<1x16xf32>,
        %get3A_236 = vector.shape_cast %get3A_235 : vector<1x16xf32> to vector<16xf32>
        %get3A_237 = arith.index_cast %while3A_101 : i32 to index
        %get3A_238 = arith.constant 144 : index
        %get3A_239 = tpu.vector_load %arg10[%get3A_237, %get3A_238] {strides = array<i32>} : memref<64x256xf32, #tpu.memory_space<vmem>>, vector<1x16xf32>,
        %get3A_240 = vector.shape_cast %get3A_239 : vector<1x16xf32> to vector<16xf32>
        %max3A_241 = arith.maximumf %get3A_236, %get3A_240 : vector<16xf32>
        %swap3A_242 = arith.index_cast %and3A_108 : i32 to index
        %swap3A_243 = arith.constant 144 : index
        %swap3A_244 = tpu.vector_load %arg12[%swap3A_242, %swap3A_243] {strides = array<i32>} : memref<320x256xf32, #tpu.memory_space<vmem>>, vector<1x16xf32>,
        %swap3A_245 = vector.shape_cast %swap3A_244 : vector<1x16xf32> to vector<16xf32>
        %swap3A_246 = vector.shape_cast %max3A_241 : vector<16xf32> to vector<1x16xf32>
        tpu.vector_store %arg12[%swap3A_242, %swap3A_243], %swap3A_246 {strides = array<i32>} : memref<320x256xf32, #tpu.memory_space<vmem>>, vector<1x16xf32>,
        %get3A_247 = arith.index_cast %and3A_108 : i32 to index
        %get3A_248 = arith.constant 160 : index
        %get3A_249 = tpu.vector_load %arg12[%get3A_247, %get3A_248] {strides = array<i32>} : memref<320x256xf32, #tpu.memory_space<vmem>>, vector<1x16xf32>,
        %get3A_250 = vector.shape_cast %get3A_249 : vector<1x16xf32> to vector<16xf32>
        %get3A_251 = arith.index_cast %while3A_101 : i32 to index
        %get3A_252 = arith.constant 160 : index
        %get3A_253 = tpu.vector_load %arg10[%get3A_251, %get3A_252] {strides = array<i32>} : memref<64x256xf32, #tpu.memory_space<vmem>>, vector<1x16xf32>,
        %get3A_254 = vector.shape_cast %get3A_253 : vector<1x16xf32> to vector<16xf32>
        %max3A_255 = arith.maximumf %get3A_250, %get3A_254 : vector<16xf32>
        %swap3A_256 = arith.index_cast %and3A_108 : i32 to index
        %swap3A_257 = arith.constant 160 : index
        %swap3A_258 = tpu.vector_load %arg12[%swap3A_256, %swap3A_257] {strides = array<i32>} : memref<320x256xf32, #tpu.memory_space<vmem>>, vector<1x16xf32>,
        %swap3A_259 = vector.shape_cast %swap3A_258 : vector<1x16xf32> to vector<16xf32>
        %swap3A_260 = vector.shape_cast %max3A_255 : vector<16xf32> to vector<1x16xf32>
        tpu.vector_store %arg12[%swap3A_256, %swap3A_257], %swap3A_260 {strides = array<i32>} : memref<320x256xf32, #tpu.memory_space<vmem>>, vector<1x16xf32>,
        %get3A_261 = arith.index_cast %and3A_108 : i32 to index
        %get3A_262 = arith.constant 176 : index
        %get3A_263 = tpu.vector_load %arg12[%get3A_261, %get3A_262] {strides = array<i32>} : memref<320x256xf32, #tpu.memory_space<vmem>>, vector<1x16xf32>,
        %get3A_264 = vector.shape_cast %get3A_263 : vector<1x16xf32> to vector<16xf32>
        %get3A_265 = arith.index_cast %while3A_101 : i32 to index
        %get3A_266 = arith.constant 176 : index
        %get3A_267 = tpu.vector_load %arg10[%get3A_265, %get3A_266] {strides = array<i32>} : memref<64x256xf32, #tpu.memory_space<vmem>>, vector<1x16xf32>,
        %get3A_268 = vector.shape_cast %get3A_267 : vector<1x16xf32> to vector<16xf32>
        %max3A_269 = arith.maximumf %get3A_264, %get3A_268 : vector<16xf32>
        %swap3A_270 = arith.index_cast %and3A_108 : i32 to index
        %swap3A_271 = arith.constant 176 : index
        %swap3A_272 = tpu.vector_load %arg12[%swap3A_270, %swap3A_271] {strides = array<i32>} : memref<320x256xf32, #tpu.memory_space<vmem>>, vector<1x16xf32>,
        %swap3A_273 = vector.shape_cast %swap3A_272 : vector<1x16xf32> to vector<16xf32>
        %swap3A_274 = vector.shape_cast %max3A_269 : vector<16xf32> to vector<1x16xf32>
        tpu.vector_store %arg12[%swap3A_270, %swap3A_271], %swap3A_274 {strides = array<i32>} : memref<320x256xf32, #tpu.memory_space<vmem>>, vector<1x16xf32>,
        %get3A_275 = arith.index_cast %and3A_108 : i32 to index
        %get3A_276 = arith.constant 192 : index
        %get3A_277 = tpu.vector_load %arg12[%get3A_275, %get3A_276] {strides = array<i32>} : memref<320x256xf32, #tpu.memory_space<vmem>>, vector<1x16xf32>,
        %get3A_278 = vector.shape_cast %get3A_277 : vector<1x16xf32> to vector<16xf32>
        %get3A_279 = arith.index_cast %while3A_101 : i32 to index
        %get3A_280 = arith.constant 192 : index
        %get3A_281 = tpu.vector_load %arg10[%get3A_279, %get3A_280] {strides = array<i32>} : memref<64x256xf32, #tpu.memory_space<vmem>>, vector<1x16xf32>,
        %get3A_282 = vector.shape_cast %get3A_281 : vector<1x16xf32> to vector<16xf32>
        %max3A_283 = arith.maximumf %get3A_278, %get3A_282 : vector<16xf32>
        %swap3A_284 = arith.index_cast %and3A_108 : i32 to index
        %swap3A_285 = arith.constant 192 : index
        %swap3A_286 = tpu.vector_load %arg12[%swap3A_284, %swap3A_285] {strides = array<i32>} : memref<320x256xf32, #tpu.memory_space<vmem>>, vector<1x16xf32>,
        %swap3A_287 = vector.shape_cast %swap3A_286 : vector<1x16xf32> to vector<16xf32>
        %swap3A_288 = vector.shape_cast %max3A_283 : vector<16xf32> to vector<1x16xf32>
        tpu.vector_store %arg12[%swap3A_284, %swap3A_285], %swap3A_288 {strides = array<i32>} : memref<320x256xf32, #tpu.memory_space<vmem>>, vector<1x16xf32>,
        %get3A_289 = arith.index_cast %and3A_108 : i32 to index
        %get3A_290 = arith.constant 208 : index
        %get3A_291 = tpu.vector_load %arg12[%get3A_289, %get3A_290] {strides = array<i32>} : memref<320x256xf32, #tpu.memory_space<vmem>>, vector<1x16xf32>,
        %get3A_292 = vector.shape_cast %get3A_291 : vector<1x16xf32> to vector<16xf32>
        %get3A_293 = arith.index_cast %while3A_101 : i32 to index
        %get3A_294 = arith.constant 208 : index
        %get3A_295 = tpu.vector_load %arg10[%get3A_293, %get3A_294] {strides = array<i32>} : memref<64x256xf32, #tpu.memory_space<vmem>>, vector<1x16xf32>,
        %get3A_296 = vector.shape_cast %get3A_295 : vector<1x16xf32> to vector<16xf32>
        %max3A_297 = arith.maximumf %get3A_292, %get3A_296 : vector<16xf32>
        %swap3A_298 = arith.index_cast %and3A_108 : i32 to index
        %swap3A_299 = arith.constant 208 : index
        %swap3A_300 = tpu.vector_load %arg12[%swap3A_298, %swap3A_299] {strides = array<i32>} : memref<320x256xf32, #tpu.memory_space<vmem>>, vector<1x16xf32>,
        %swap3A_301 = vector.shape_cast %swap3A_300 : vector<1x16xf32> to vector<16xf32>
        %swap3A_302 = vector.shape_cast %max3A_297 : vector<16xf32> to vector<1x16xf32>
        tpu.vector_store %arg12[%swap3A_298, %swap3A_299], %swap3A_302 {strides = array<i32>} : memref<320x256xf32, #tpu.memory_space<vmem>>, vector<1x16xf32>,
        %get3A_303 = arith.index_cast %and3A_108 : i32 to index
        %get3A_304 = arith.constant 224 : index
        %get3A_305 = tpu.vector_load %arg12[%get3A_303, %get3A_304] {strides = array<i32>} : memref<320x256xf32, #tpu.memory_space<vmem>>, vector<1x16xf32>,
        %get3A_306 = vector.shape_cast %get3A_305 : vector<1x16xf32> to vector<16xf32>
        %get3A_307 = arith.index_cast %while3A_101 : i32 to index
        %get3A_308 = arith.constant 224 : index
        %get3A_309 = tpu.vector_load %arg10[%get3A_307, %get3A_308] {strides = array<i32>} : memref<64x256xf32, #tpu.memory_space<vmem>>, vector<1x16xf32>,
        %get3A_310 = vector.shape_cast %get3A_309 : vector<1x16xf32> to vector<16xf32>
        %max3A_311 = arith.maximumf %get3A_306, %get3A_310 : vector<16xf32>
        %swap3A_312 = arith.index_cast %and3A_108 : i32 to index
        %swap3A_313 = arith.constant 224 : index
        %swap3A_314 = tpu.vector_load %arg12[%swap3A_312, %swap3A_313] {strides = array<i32>} : memref<320x256xf32, #tpu.memory_space<vmem>>, vector<1x16xf32>,
        %swap3A_315 = vector.shape_cast %swap3A_314 : vector<1x16xf32> to vector<16xf32>
        %swap3A_316 = vector.shape_cast %max3A_311 : vector<16xf32> to vector<1x16xf32>
        tpu.vector_store %arg12[%swap3A_312, %swap3A_313], %swap3A_316 {strides = array<i32>} : memref<320x256xf32, #tpu.memory_space<vmem>>, vector<1x16xf32>,
        %get3A_317 = arith.index_cast %and3A_108 : i32 to index
        %get3A_318 = arith.constant 240 : index
        %get3A_319 = tpu.vector_load %arg12[%get3A_317, %get3A_318] {strides = array<i32>} : memref<320x256xf32, #tpu.memory_space<vmem>>, vector<1x16xf32>,
        %get3A_320 = vector.shape_cast %get3A_319 : vector<1x16xf32> to vector<16xf32>
        %get3A_321 = arith.index_cast %while3A_101 : i32 to index
        %get3A_322 = arith.constant 240 : index
        %get3A_323 = tpu.vector_load %arg10[%get3A_321, %get3A_322] {strides = array<i32>} : memref<64x256xf32, #tpu.memory_space<vmem>>, vector<1x16xf32>,
        %get3A_324 = vector.shape_cast %get3A_323 : vector<1x16xf32> to vector<16xf32>
        %max3A_325 = arith.maximumf %get3A_320, %get3A_324 : vector<16xf32>
        %swap3A_326 = arith.index_cast %and3A_108 : i32 to index
        %swap3A_327 = arith.constant 240 : index
        %swap3A_328 = tpu.vector_load %arg12[%swap3A_326, %swap3A_327] {strides = array<i32>} : memref<320x256xf32, #tpu.memory_space<vmem>>, vector<1x16xf32>,
        %swap3A_329 = vector.shape_cast %swap3A_328 : vector<1x16xf32> to vector<16xf32>
        %swap3A_330 = vector.shape_cast %max3A_325 : vector<16xf32> to vector<1x16xf32>
        tpu.vector_store %arg12[%swap3A_326, %swap3A_327], %swap3A_330 {strides = array<i32>} : memref<320x256xf32, #tpu.memory_space<vmem>>, vector<1x16xf32>,
      }
      %while3A_96 = arith.constant 1 : i32
      scf.for %while3A_101 = %while3A_94 to %while3A_90 step %while3A_96  : i32 {
        %get3A_102 = arith.index_cast %while3A_101 : i32 to index
        %get3A_103 = tpu.vector_load %arg6[%get3A_102] {strides = array<i32>} : memref<80xi32, #tpu.memory_space<vmem>>, vector<16xi32>,
        %get3A_104 = vector.shape_cast %get3A_103 : vector<16xi32> to vector<16xi32>
        %slice3A_105 = vector.extract_strided_slice %get3A_104 {offsets = [0], sizes = [1], strides = [1]} : vector<16xi32> to vector<1xi32>
        %squeeze3A_106 = vector.extract %slice3A_105[0] : i32 from vector<1xi32>
        %and3A_107 = arith.constant 511 : i32
        %and3A_108 = arith.andi %squeeze3A_106, %and3A_107 : i32
        %get3A_109 = arith.index_cast %and3A_108 : i32 to index
        %get3A_110 = arith.constant 0 : index
        %get3A_111 = tpu.vector_load %arg12[%get3A_109, %get3A_110] {strides = array<i32>} : memref<320x256xf32, #tpu.memory_space<vmem>>, vector<1x16xf32>,
        %get3A_112 = vector.shape_cast %get3A_111 : vector<1x16xf32> to vector<16xf32>
        %get3A_113 = arith.index_cast %while3A_101 : i32 to index
        %get3A_114 = arith.constant 0 : index
        %get3A_115 = tpu.vector_load %arg10[%get3A_113, %get3A_114] {strides = array<i32>} : memref<64x256xf32, #tpu.memory_space<vmem>>, vector<1x16xf32>,
        %get3A_116 = vector.shape_cast %get3A_115 : vector<1x16xf32> to vector<16xf32>
        %max3A = arith.maximumf %get3A_112, %get3A_116 : vector<16xf32>
        %swap3A = arith.index_cast %and3A_108 : i32 to index
        %swap3A_117 = arith.constant 0 : index
        %swap3A_118 = tpu.vector_load %arg12[%swap3A, %swap3A_117] {strides = array<i32>} : memref<320x256xf32, #tpu.memory_space<vmem>>, vector<1x16xf32>,
        %swap3A_119 = vector.shape_cast %swap3A_118 : vector<1x16xf32> to vector<16xf32>
        %swap3A_120 = vector.shape_cast %max3A : vector<16xf32> to vector<1x16xf32>
        tpu.vector_store %arg12[%swap3A, %swap3A_117], %swap3A_120 {strides = array<i32>} : memref<320x256xf32, #tpu.memory_space<vmem>>, vector<1x16xf32>,
        %get3A_121 = arith.index_cast %and3A_108 : i32 to index
        %get3A_122 = arith.constant 16 : index
        %get3A_123 = tpu.vector_load %arg12[%get3A_121, %get3A_122] {strides = array<i32>} : memref<320x256xf32, #tpu.memory_space<vmem>>, vector<1x16xf32>,
        %get3A_124 = vector.shape_cast %get3A_123 : vector<1x16xf32> to vector<16xf32>
        %get3A_125 = arith.index_cast %while3A_101 : i32 to index
        %get3A_126 = arith.constant 16 : index
        %get3A_127 = tpu.vector_load %arg10[%get3A_125, %get3A_126] {strides = array<i32>} : memref<64x256xf32, #tpu.memory_space<vmem>>, vector<1x16xf32>,
        %get3A_128 = vector.shape_cast %get3A_127 : vector<1x16xf32> to vector<16xf32>
        %max3A_129 = arith.maximumf %get3A_124, %get3A_128 : vector<16xf32>
        %swap3A_130 = arith.index_cast %and3A_108 : i32 to index
        %swap3A_131 = arith.constant 16 : index
        %swap3A_132 = tpu.vector_load %arg12[%swap3A_130, %swap3A_131] {strides = array<i32>} : memref<320x256xf32, #tpu.memory_space<vmem>>, vector<1x16xf32>,
        %swap3A_133 = vector.shape_cast %swap3A_132 : vector<1x16xf32> to vector<16xf32>
        %swap3A_134 = vector.shape_cast %max3A_129 : vector<16xf32> to vector<1x16xf32>
        tpu.vector_store %arg12[%swap3A_130, %swap3A_131], %swap3A_134 {strides = array<i32>} : memref<320x256xf32, #tpu.memory_space<vmem>>, vector<1x16xf32>,
        %get3A_135 = arith.index_cast %and3A_108 : i32 to index
        %get3A_136 = arith.constant 32 : index
        %get3A_137 = tpu.vector_load %arg12[%get3A_135, %get3A_136] {strides = array<i32>} : memref<320x256xf32, #tpu.memory_space<vmem>>, vector<1x16xf32>,
        %get3A_138 = vector.shape_cast %get3A_137 : vector<1x16xf32> to vector<16xf32>
        %get3A_139 = arith.index_cast %while3A_101 : i32 to index
        %get3A_140 = arith.constant 32 : index
        %get3A_141 = tpu.vector_load %arg10[%get3A_139, %get3A_140] {strides = array<i32>} : memref<64x256xf32, #tpu.memory_space<vmem>>, vector<1x16xf32>,
        %get3A_142 = vector.shape_cast %get3A_141 : vector<1x16xf32> to vector<16xf32>
        %max3A_143 = arith.maximumf %get3A_138, %get3A_142 : vector<16xf32>
        %swap3A_144 = arith.index_cast %and3A_108 : i32 to index
        %swap3A_145 = arith.constant 32 : index
        %swap3A_146 = tpu.vector_load %arg12[%swap3A_144, %swap3A_145] {strides = array<i32>} : memref<320x256xf32, #tpu.memory_space<vmem>>, vector<1x16xf32>,
        %swap3A_147 = vector.shape_cast %swap3A_146 : vector<1x16xf32> to vector<16xf32>
        %swap3A_148 = vector.shape_cast %max3A_143 : vector<16xf32> to vector<1x16xf32>
        tpu.vector_store %arg12[%swap3A_144, %swap3A_145], %swap3A_148 {strides = array<i32>} : memref<320x256xf32, #tpu.memory_space<vmem>>, vector<1x16xf32>,
        %get3A_149 = arith.index_cast %and3A_108 : i32 to index
        %get3A_150 = arith.constant 48 : index
        %get3A_151 = tpu.vector_load %arg12[%get3A_149, %get3A_150] {strides = array<i32>} : memref<320x256xf32, #tpu.memory_space<vmem>>, vector<1x16xf32>,
        %get3A_152 = vector.shape_cast %get3A_151 : vector<1x16xf32> to vector<16xf32>
        %get3A_153 = arith.index_cast %while3A_101 : i32 to index
        %get3A_154 = arith.constant 48 : index
        %get3A_155 = tpu.vector_load %arg10[%get3A_153, %get3A_154] {strides = array<i32>} : memref<64x256xf32, #tpu.memory_space<vmem>>, vector<1x16xf32>,
        %get3A_156 = vector.shape_cast %get3A_155 : vector<1x16xf32> to vector<16xf32>
        %max3A_157 = arith.maximumf %get3A_152, %get3A_156 : vector<16xf32>
        %swap3A_158 = arith.index_cast %and3A_108 : i32 to index
        %swap3A_159 = arith.constant 48 : index
        %swap3A_160 = tpu.vector_load %arg12[%swap3A_158, %swap3A_159] {strides = array<i32>} : memref<320x256xf32, #tpu.memory_space<vmem>>, vector<1x16xf32>,
        %swap3A_161 = vector.shape_cast %swap3A_160 : vector<1x16xf32> to vector<16xf32>
        %swap3A_162 = vector.shape_cast %max3A_157 : vector<16xf32> to vector<1x16xf32>
        tpu.vector_store %arg12[%swap3A_158, %swap3A_159], %swap3A_162 {strides = array<i32>} : memref<320x256xf32, #tpu.memory_space<vmem>>, vector<1x16xf32>,
        %get3A_163 = arith.index_cast %and3A_108 : i32 to index
        %get3A_164 = arith.constant 64 : index
        %get3A_165 = tpu.vector_load %arg12[%get3A_163, %get3A_164] {strides = array<i32>} : memref<320x256xf32, #tpu.memory_space<vmem>>, vector<1x16xf32>,
        %get3A_166 = vector.shape_cast %get3A_165 : vector<1x16xf32> to vector<16xf32>
        %get3A_167 = arith.index_cast %while3A_101 : i32 to index
        %get3A_168 = arith.constant 64 : index
        %get3A_169 = tpu.vector_load %arg10[%get3A_167, %get3A_168] {strides = array<i32>} : memref<64x256xf32, #tpu.memory_space<vmem>>, vector<1x16xf32>,
        %get3A_170 = vector.shape_cast %get3A_169 : vector<1x16xf32> to vector<16xf32>
        %max3A_171 = arith.maximumf %get3A_166, %get3A_170 : vector<16xf32>
        %swap3A_172 = arith.index_cast %and3A_108 : i32 to index
        %swap3A_173 = arith.constant 64 : index
        %swap3A_174 = tpu.vector_load %arg12[%swap3A_172, %swap3A_173] {strides = array<i32>} : memref<320x256xf32, #tpu.memory_space<vmem>>, vector<1x16xf32>,
        %swap3A_175 = vector.shape_cast %swap3A_174 : vector<1x16xf32> to vector<16xf32>
        %swap3A_176 = vector.shape_cast %max3A_171 : vector<16xf32> to vector<1x16xf32>
        tpu.vector_store %arg12[%swap3A_172, %swap3A_173], %swap3A_176 {strides = array<i32>} : memref<320x256xf32, #tpu.memory_space<vmem>>, vector<1x16xf32>,
        %get3A_177 = arith.index_cast %and3A_108 : i32 to index
        %get3A_178 = arith.constant 80 : index
        %get3A_179 = tpu.vector_load %arg12[%get3A_177, %get3A_178] {strides = array<i32>} : memref<320x256xf32, #tpu.memory_space<vmem>>, vector<1x16xf32>,
        %get3A_180 = vector.shape_cast %get3A_179 : vector<1x16xf32> to vector<16xf32>
        %get3A_181 = arith.index_cast %while3A_101 : i32 to index
        %get3A_182 = arith.constant 80 : index
        %get3A_183 = tpu.vector_load %arg10[%get3A_181, %get3A_182] {strides = array<i32>} : memref<64x256xf32, #tpu.memory_space<vmem>>, vector<1x16xf32>,
        %get3A_184 = vector.shape_cast %get3A_183 : vector<1x16xf32> to vector<16xf32>
        %max3A_185 = arith.maximumf %get3A_180, %get3A_184 : vector<16xf32>
        %swap3A_186 = arith.index_cast %and3A_108 : i32 to index
        %swap3A_187 = arith.constant 80 : index
        %swap3A_188 = tpu.vector_load %arg12[%swap3A_186, %swap3A_187] {strides = array<i32>} : memref<320x256xf32, #tpu.memory_space<vmem>>, vector<1x16xf32>,
        %swap3A_189 = vector.shape_cast %swap3A_188 : vector<1x16xf32> to vector<16xf32>
        %swap3A_190 = vector.shape_cast %max3A_185 : vector<16xf32> to vector<1x16xf32>
        tpu.vector_store %arg12[%swap3A_186, %swap3A_187], %swap3A_190 {strides = array<i32>} : memref<320x256xf32, #tpu.memory_space<vmem>>, vector<1x16xf32>,
        %get3A_191 = arith.index_cast %and3A_108 : i32 to index
        %get3A_192 = arith.constant 96 : index
        %get3A_193 = tpu.vector_load %arg12[%get3A_191, %get3A_192] {strides = array<i32>} : memref<320x256xf32, #tpu.memory_space<vmem>>, vector<1x16xf32>,
        %get3A_194 = vector.shape_cast %get3A_193 : vector<1x16xf32> to vector<16xf32>
        %get3A_195 = arith.index_cast %while3A_101 : i32 to index
        %get3A_196 = arith.constant 96 : index
        %get3A_197 = tpu.vector_load %arg10[%get3A_195, %get3A_196] {strides = array<i32>} : memref<64x256xf32, #tpu.memory_space<vmem>>, vector<1x16xf32>,
        %get3A_198 = vector.shape_cast %get3A_197 : vector<1x16xf32> to vector<16xf32>
        %max3A_199 = arith.maximumf %get3A_194, %get3A_198 : vector<16xf32>
        %swap3A_200 = arith.index_cast %and3A_108 : i32 to index
        %swap3A_201 = arith.constant 96 : index
        %swap3A_202 = tpu.vector_load %arg12[%swap3A_200, %swap3A_201] {strides = array<i32>} : memref<320x256xf32, #tpu.memory_space<vmem>>, vector<1x16xf32>,
        %swap3A_203 = vector.shape_cast %swap3A_202 : vector<1x16xf32> to vector<16xf32>
        %swap3A_204 = vector.shape_cast %max3A_199 : vector<16xf32> to vector<1x16xf32>
        tpu.vector_store %arg12[%swap3A_200, %swap3A_201], %swap3A_204 {strides = array<i32>} : memref<320x256xf32, #tpu.memory_space<vmem>>, vector<1x16xf32>,
        %get3A_205 = arith.index_cast %and3A_108 : i32 to index
        %get3A_206 = arith.constant 112 : index
        %get3A_207 = tpu.vector_load %arg12[%get3A_205, %get3A_206] {strides = array<i32>} : memref<320x256xf32, #tpu.memory_space<vmem>>, vector<1x16xf32>,
        %get3A_208 = vector.shape_cast %get3A_207 : vector<1x16xf32> to vector<16xf32>
        %get3A_209 = arith.index_cast %while3A_101 : i32 to index
        %get3A_210 = arith.constant 112 : index
        %get3A_211 = tpu.vector_load %arg10[%get3A_209, %get3A_210] {strides = array<i32>} : memref<64x256xf32, #tpu.memory_space<vmem>>, vector<1x16xf32>,
        %get3A_212 = vector.shape_cast %get3A_211 : vector<1x16xf32> to vector<16xf32>
        %max3A_213 = arith.maximumf %get3A_208, %get3A_212 : vector<16xf32>
        %swap3A_214 = arith.index_cast %and3A_108 : i32 to index
        %swap3A_215 = arith.constant 112 : index
        %swap3A_216 = tpu.vector_load %arg12[%swap3A_214, %swap3A_215] {strides = array<i32>} : memref<320x256xf32, #tpu.memory_space<vmem>>, vector<1x16xf32>,
        %swap3A_217 = vector.shape_cast %swap3A_216 : vector<1x16xf32> to vector<16xf32>
        %swap3A_218 = vector.shape_cast %max3A_213 : vector<16xf32> to vector<1x16xf32>
        tpu.vector_store %arg12[%swap3A_214, %swap3A_215], %swap3A_218 {strides = array<i32>} : memref<320x256xf32, #tpu.memory_space<vmem>>, vector<1x16xf32>,
        %get3A_219 = arith.index_cast %and3A_108 : i32 to index
        %get3A_220 = arith.constant 128 : index
        %get3A_221 = tpu.vector_load %arg12[%get3A_219, %get3A_220] {strides = array<i32>} : memref<320x256xf32, #tpu.memory_space<vmem>>, vector<1x16xf32>,
        %get3A_222 = vector.shape_cast %get3A_221 : vector<1x16xf32> to vector<16xf32>
        %get3A_223 = arith.index_cast %while3A_101 : i32 to index
        %get3A_224 = arith.constant 128 : index
        %get3A_225 = tpu.vector_load %arg10[%get3A_223, %get3A_224] {strides = array<i32>} : memref<64x256xf32, #tpu.memory_space<vmem>>, vector<1x16xf32>,
        %get3A_226 = vector.shape_cast %get3A_225 : vector<1x16xf32> to vector<16xf32>
        %max3A_227 = arith.maximumf %get3A_222, %get3A_226 : vector<16xf32>
        %swap3A_228 = arith.index_cast %and3A_108 : i32 to index
        %swap3A_229 = arith.constant 128 : index
        %swap3A_230 = tpu.vector_load %arg12[%swap3A_228, %swap3A_229] {strides = array<i32>} : memref<320x256xf32, #tpu.memory_space<vmem>>, vector<1x16xf32>,
        %swap3A_231 = vector.shape_cast %swap3A_230 : vector<1x16xf32> to vector<16xf32>
        %swap3A_232 = vector.shape_cast %max3A_227 : vector<16xf32> to vector<1x16xf32>
        tpu.vector_store %arg12[%swap3A_228, %swap3A_229], %swap3A_232 {strides = array<i32>} : memref<320x256xf32, #tpu.memory_space<vmem>>, vector<1x16xf32>,
        %get3A_233 = arith.index_cast %and3A_108 : i32 to index
        %get3A_234 = arith.constant 144 : index
        %get3A_235 = tpu.vector_load %arg12[%get3A_233, %get3A_234] {strides = array<i32>} : memref<320x256xf32, #tpu.memory_space<vmem>>, vector<1x16xf32>,
        %get3A_236 = vector.shape_cast %get3A_235 : vector<1x16xf32> to vector<16xf32>
        %get3A_237 = arith.index_cast %while3A_101 : i32 to index
        %get3A_238 = arith.constant 144 : index
        %get3A_239 = tpu.vector_load %arg10[%get3A_237, %get3A_238] {strides = array<i32>} : memref<64x256xf32, #tpu.memory_space<vmem>>, vector<1x16xf32>,
        %get3A_240 = vector.shape_cast %get3A_239 : vector<1x16xf32> to vector<16xf32>
        %max3A_241 = arith.maximumf %get3A_236, %get3A_240 : vector<16xf32>
        %swap3A_242 = arith.index_cast %and3A_108 : i32 to index
        %swap3A_243 = arith.constant 144 : index
        %swap3A_244 = tpu.vector_load %arg12[%swap3A_242, %swap3A_243] {strides = array<i32>} : memref<320x256xf32, #tpu.memory_space<vmem>>, vector<1x16xf32>,
        %swap3A_245 = vector.shape_cast %swap3A_244 : vector<1x16xf32> to vector<16xf32>
        %swap3A_246 = vector.shape_cast %max3A_241 : vector<16xf32> to vector<1x16xf32>
        tpu.vector_store %arg12[%swap3A_242, %swap3A_243], %swap3A_246 {strides = array<i32>} : memref<320x256xf32, #tpu.memory_space<vmem>>, vector<1x16xf32>,
        %get3A_247 = arith.index_cast %and3A_108 : i32 to index
        %get3A_248 = arith.constant 160 : index
        %get3A_249 = tpu.vector_load %arg12[%get3A_247, %get3A_248] {strides = array<i32>} : memref<320x256xf32, #tpu.memory_space<vmem>>, vector<1x16xf32>,
        %get3A_250 = vector.shape_cast %get3A_249 : vector<1x16xf32> to vector<16xf32>
        %get3A_251 = arith.index_cast %while3A_101 : i32 to index
        %get3A_252 = arith.constant 160 : index
        %get3A_253 = tpu.vector_load %arg10[%get3A_251, %get3A_252] {strides = array<i32>} : memref<64x256xf32, #tpu.memory_space<vmem>>, vector<1x16xf32>,
        %get3A_254 = vector.shape_cast %get3A_253 : vector<1x16xf32> to vector<16xf32>
        %max3A_255 = arith.maximumf %get3A_250, %get3A_254 : vector<16xf32>
        %swap3A_256 = arith.index_cast %and3A_108 : i32 to index
        %swap3A_257 = arith.constant 160 : index
        %swap3A_258 = tpu.vector_load %arg12[%swap3A_256, %swap3A_257] {strides = array<i32>} : memref<320x256xf32, #tpu.memory_space<vmem>>, vector<1x16xf32>,
        %swap3A_259 = vector.shape_cast %swap3A_258 : vector<1x16xf32> to vector<16xf32>
        %swap3A_260 = vector.shape_cast %max3A_255 : vector<16xf32> to vector<1x16xf32>
        tpu.vector_store %arg12[%swap3A_256, %swap3A_257], %swap3A_260 {strides = array<i32>} : memref<320x256xf32, #tpu.memory_space<vmem>>, vector<1x16xf32>,
        %get3A_261 = arith.index_cast %and3A_108 : i32 to index
        %get3A_262 = arith.constant 176 : index
        %get3A_263 = tpu.vector_load %arg12[%get3A_261, %get3A_262] {strides = array<i32>} : memref<320x256xf32, #tpu.memory_space<vmem>>, vector<1x16xf32>,
        %get3A_264 = vector.shape_cast %get3A_263 : vector<1x16xf32> to vector<16xf32>
        %get3A_265 = arith.index_cast %while3A_101 : i32 to index
        %get3A_266 = arith.constant 176 : index
        %get3A_267 = tpu.vector_load %arg10[%get3A_265, %get3A_266] {strides = array<i32>} : memref<64x256xf32, #tpu.memory_space<vmem>>, vector<1x16xf32>,
        %get3A_268 = vector.shape_cast %get3A_267 : vector<1x16xf32> to vector<16xf32>
        %max3A_269 = arith.maximumf %get3A_264, %get3A_268 : vector<16xf32>
        %swap3A_270 = arith.index_cast %and3A_108 : i32 to index
        %swap3A_271 = arith.constant 176 : index
        %swap3A_272 = tpu.vector_load %arg12[%swap3A_270, %swap3A_271] {strides = array<i32>} : memref<320x256xf32, #tpu.memory_space<vmem>>, vector<1x16xf32>,
        %swap3A_273 = vector.shape_cast %swap3A_272 : vector<1x16xf32> to vector<16xf32>
        %swap3A_274 = vector.shape_cast %max3A_269 : vector<16xf32> to vector<1x16xf32>
        tpu.vector_store %arg12[%swap3A_270, %swap3A_271], %swap3A_274 {strides = array<i32>} : memref<320x256xf32, #tpu.memory_space<vmem>>, vector<1x16xf32>,
        %get3A_275 = arith.index_cast %and3A_108 : i32 to index
        %get3A_276 = arith.constant 192 : index
        %get3A_277 = tpu.vector_load %arg12[%get3A_275, %get3A_276] {strides = array<i32>} : memref<320x256xf32, #tpu.memory_space<vmem>>, vector<1x16xf32>,
        %get3A_278 = vector.shape_cast %get3A_277 : vector<1x16xf32> to vector<16xf32>
        %get3A_279 = arith.index_cast %while3A_101 : i32 to index
        %get3A_280 = arith.constant 192 : index
        %get3A_281 = tpu.vector_load %arg10[%get3A_279, %get3A_280] {strides = array<i32>} : memref<64x256xf32, #tpu.memory_space<vmem>>, vector<1x16xf32>,
        %get3A_282 = vector.shape_cast %get3A_281 : vector<1x16xf32> to vector<16xf32>
        %max3A_283 = arith.maximumf %get3A_278, %get3A_282 : vector<16xf32>
        %swap3A_284 = arith.index_cast %and3A_108 : i32 to index
        %swap3A_285 = arith.constant 192 : index
        %swap3A_286 = tpu.vector_load %arg12[%swap3A_284, %swap3A_285] {strides = array<i32>} : memref<320x256xf32, #tpu.memory_space<vmem>>, vector<1x16xf32>,
        %swap3A_287 = vector.shape_cast %swap3A_286 : vector<1x16xf32> to vector<16xf32>
        %swap3A_288 = vector.shape_cast %max3A_283 : vector<16xf32> to vector<1x16xf32>
        tpu.vector_store %arg12[%swap3A_284, %swap3A_285], %swap3A_288 {strides = array<i32>} : memref<320x256xf32, #tpu.memory_space<vmem>>, vector<1x16xf32>,
        %get3A_289 = arith.index_cast %and3A_108 : i32 to index
        %get3A_290 = arith.constant 208 : index
        %get3A_291 = tpu.vector_load %arg12[%get3A_289, %get3A_290] {strides = array<i32>} : memref<320x256xf32, #tpu.memory_space<vmem>>, vector<1x16xf32>,
        %get3A_292 = vector.shape_cast %get3A_291 : vector<1x16xf32> to vector<16xf32>
        %get3A_293 = arith.index_cast %while3A_101 : i32 to index
        %get3A_294 = arith.constant 208 : index
        %get3A_295 = tpu.vector_load %arg10[%get3A_293, %get3A_294] {strides = array<i32>} : memref<64x256xf32, #tpu.memory_space<vmem>>, vector<1x16xf32>,
        %get3A_296 = vector.shape_cast %get3A_295 : vector<1x16xf32> to vector<16xf32>
        %max3A_297 = arith.maximumf %get3A_292, %get3A_296 : vector<16xf32>
        %swap3A_298 = arith.index_cast %and3A_108 : i32 to index
        %swap3A_299 = arith.constant 208 : index
        %swap3A_300 = tpu.vector_load %arg12[%swap3A_298, %swap3A_299] {strides = array<i32>} : memref<320x256xf32, #tpu.memory_space<vmem>>, vector<1x16xf32>,
        %swap3A_301 = vector.shape_cast %swap3A_300 : vector<1x16xf32> to vector<16xf32>
        %swap3A_302 = vector.shape_cast %max3A_297 : vector<16xf32> to vector<1x16xf32>
        tpu.vector_store %arg12[%swap3A_298, %swap3A_299], %swap3A_302 {strides = array<i32>} : memref<320x256xf32, #tpu.memory_space<vmem>>, vector<1x16xf32>,
        %get3A_303 = arith.index_cast %and3A_108 : i32 to index
        %get3A_304 = arith.constant 224 : index
        %get3A_305 = tpu.vector_load %arg12[%get3A_303, %get3A_304] {strides = array<i32>} : memref<320x256xf32, #tpu.memory_space<vmem>>, vector<1x16xf32>,
        %get3A_306 = vector.shape_cast %get3A_305 : vector<1x16xf32> to vector<16xf32>
        %get3A_307 = arith.index_cast %while3A_101 : i32 to index
        %get3A_308 = arith.constant 224 : index
        %get3A_309 = tpu.vector_load %arg10[%get3A_307, %get3A_308] {strides = array<i32>} : memref<64x256xf32, #tpu.memory_space<vmem>>, vector<1x16xf32>,
        %get3A_310 = vector.shape_cast %get3A_309 : vector<1x16xf32> to vector<16xf32>
        %max3A_311 = arith.maximumf %get3A_306, %get3A_310 : vector<16xf32>
        %swap3A_312 = arith.index_cast %and3A_108 : i32 to index
        %swap3A_313 = arith.constant 224 : index
        %swap3A_314 = tpu.vector_load %arg12[%swap3A_312, %swap3A_313] {strides = array<i32>} : memref<320x256xf32, #tpu.memory_space<vmem>>, vector<1x16xf32>,
        %swap3A_315 = vector.shape_cast %swap3A_314 : vector<1x16xf32> to vector<16xf32>
        %swap3A_316 = vector.shape_cast %max3A_311 : vector<16xf32> to vector<1x16xf32>
        tpu.vector_store %arg12[%swap3A_312, %swap3A_313], %swap3A_316 {strides = array<i32>} : memref<320x256xf32, #tpu.memory_space<vmem>>, vector<1x16xf32>,
        %get3A_317 = arith.index_cast %and3A_108 : i32 to index
        %get3A_318 = arith.constant 240 : index
        %get3A_319 = tpu.vector_load %arg12[%get3A_317, %get3A_318] {strides = array<i32>} : memref<320x256xf32, #tpu.memory_space<vmem>>, vector<1x16xf32>,
        %get3A_320 = vector.shape_cast %get3A_319 : vector<1x16xf32> to vector<16xf32>
        %get3A_321 = arith.index_cast %while3A_101 : i32 to index
        %get3A_322 = arith.constant 240 : index
        %get3A_323 = tpu.vector_load %arg10[%get3A_321, %get3A_322] {strides = array<i32>} : memref<64x256xf32, #tpu.memory_space<vmem>>, vector<1x16xf32>,
        %get3A_324 = vector.shape_cast %get3A_323 : vector<1x16xf32> to vector<16xf32>
        %max3A_325 = arith.maximumf %get3A_320, %get3A_324 : vector<16xf32>
        %swap3A_326 = arith.index_cast %and3A_108 : i32 to index
        %swap3A_327 = arith.constant 240 : index
        %swap3A_328 = tpu.vector_load %arg12[%swap3A_326, %swap3A_327] {strides = array<i32>} : memref<320x256xf32, #tpu.memory_space<vmem>>, vector<1x16xf32>,
        %swap3A_329 = vector.shape_cast %swap3A_328 : vector<1x16xf32> to vector<16xf32>
        %swap3A_330 = vector.shape_cast %max3A_325 : vector<16xf32> to vector<1x16xf32>
        tpu.vector_store %arg12[%swap3A_326, %swap3A_327], %swap3A_330 {strides = array<i32>} : memref<320x256xf32, #tpu.memory_space<vmem>>, vector<1x16xf32>,
      }
      %lt3A_97 = arith.cmpi slt, %add3A_77, %select_n3A : i32
      %convert_element_type3A_98 = arith.extui %lt3A_97 : i1 to i32
      %cond3A_99 = arith.constant 0 : i32
      %cond3A_100 = arith.cmpi ne, %convert_element_type3A_98, %cond3A_99 : i32
      scf.if %cond3A_100 {
        %add3A_101 = arith.constant 1 : i32
        %add3A_102 = arith.addi %add3A_77, %add3A_101 : i32
        %lt3A_103 = arith.cmpi slt, %add3A_102, %select_n3A : i32
        %convert_element_type3A_104 = arith.extui %lt3A_103 : i1 to i32
        %cond3A_105 = arith.constant 0 : i32
        %cond3A_106 = arith.cmpi ne, %convert_element_type3A_104, %cond3A_105 : i32
        scf.if %cond3A_106 {
          %add3A_125 = arith.constant 1 : i32
          %add3A_126 = arith.addi %add3A_77, %add3A_125 : i32
          %mul3A_127 = arith.constant 64 : i32
          %mul3A_128 = arith.muli %add3A_126, %mul3A_127 : i32
          %add3A_129 = arith.addi %mul3A_4, %mul3A_128 : i32
          %multiple_of3A_130 = tpu.assume_multiple %add3A_129, 8 : i32
          "tpu.region"() ({
            %run_scoped3A = tpu.sem_alloc : memref<!tpu.dma_semaphore, #tpu.memory_space<semaphore_mem>>
            %dma_start3A_194 = arith.constant 0 : i32
            %dma_start3A_195 = tpu.memref_slice %arg6[%dma_start3A_194] : memref<80xi32, #tpu.memory_space<vmem>> -> memref<64xi32, #tpu.memory_space<vmem>>
            %dma_start3A_196 = tpu.memref_slice %arg3[%multiple_of3A_130] : memref<10373120xi32, #tpu.memory_space<hbm>> -> memref<64xi32, #tpu.memory_space<hbm>>
            %dma_start3A_197 = arith.constant 0 : i32
            %dma_start3A_198 = tpu.memref_slice %arg6[%dma_start3A_197] : memref<80xi32, #tpu.memory_space<vmem>> -> memref<64xi32, #tpu.memory_space<vmem>>
            %dma_start3A_199 = tpu.memref_slice %arg3[%multiple_of3A_130] : memref<10373120xi32, #tpu.memory_space<hbm>> -> memref<64xi32, #tpu.memory_space<hbm>>
            tpu.enqueue_dma source(%dma_start3A_199 : memref<64xi32, #tpu.memory_space<hbm>>) target(%dma_start3A_198 : memref<64xi32, #tpu.memory_space<vmem>>) target_semaphore(%run_scoped3A : memref<!tpu.dma_semaphore, #tpu.memory_space<semaphore_mem>>)
            %dma_wait3A_200 = arith.constant 0 : i32
            %dma_wait3A_201 = tpu.memref_slice %arg6[%dma_wait3A_200] : memref<80xi32, #tpu.memory_space<vmem>> -> memref<64xi32, #tpu.memory_space<vmem>>
            %dma_wait3A_202 = tpu.memref_slice %arg3[%multiple_of3A_130] : memref<10373120xi32, #tpu.memory_space<hbm>> -> memref<64xi32, #tpu.memory_space<hbm>>
            %dma_wait3A_203 = arith.constant 0 : i32
            %dma_wait3A_204 = tpu.memref_slice %arg6[%dma_wait3A_203] : memref<80xi32, #tpu.memory_space<vmem>> -> memref<64xi32, #tpu.memory_space<vmem>>
            %dma_wait3A_205 = tpu.memref_slice %arg3[%multiple_of3A_130] : memref<10373120xi32, #tpu.memory_space<hbm>> -> memref<64xi32, #tpu.memory_space<hbm>>
            tpu.wait_dma2 semaphore(%run_scoped3A : memref<!tpu.dma_semaphore, #tpu.memory_space<semaphore_mem>>) src(%dma_wait3A_205 : memref<64xi32, #tpu.memory_space<hbm>>) dst(%dma_wait3A_204 : memref<64xi32, #tpu.memory_space<vmem>>)
            tpu.yield
          }) : () -> ()
          %get3A_131 = arith.constant 0 : index
          %get3A_132 = tpu.vector_load %arg6[%get3A_131] {strides = array<i32>} : memref<80xi32, #tpu.memory_space<vmem>>, vector<16xi32>,
          %get3A_133 = vector.shape_cast %get3A_132 : vector<16xi32> to vector<16xi32>
          %shift_right_arithmetic3A = arith.constant 9 : i32
          %shift_right_arithmetic3A_134 = vector.broadcast %shift_right_arithmetic3A : i32 to vector<16xi32>
          %shift_right_arithmetic3A_135 = arith.shrsi %get3A_133, %shift_right_arithmetic3A_134 : vector<16xi32>
          %max3A = arith.constant 0 : i32
          %max3A_136 = vector.broadcast %max3A : i32 to vector<16xi32>
          %max3A_137 = arith.maxsi %shift_right_arithmetic3A_135, %max3A_136 : vector<16xi32>
          %min3A_138 = arith.constant 319999 : i32
          %min3A_139 = vector.broadcast %min3A_138 : i32 to vector<16xi32>
          %min3A_140 = arith.minsi %max3A_137, %min3A_139 : vector<16xi32>
          %swap3A = arith.constant 0 : index
          %swap3A_141 = tpu.vector_load %arg8[%swap3A] {strides = array<i32>} : memref<64xi32, #tpu.memory_space<vmem>>, vector<16xi32>,
          %swap3A_142 = vector.shape_cast %swap3A_141 : vector<16xi32> to vector<16xi32>
          %swap3A_143 = vector.shape_cast %min3A_140 : vector<16xi32> to vector<16xi32>
          tpu.vector_store %arg8[%swap3A], %swap3A_143 {strides = array<i32>} : memref<64xi32, #tpu.memory_space<vmem>>, vector<16xi32>,
          %get3A_144 = arith.constant 16 : index
          %get3A_145 = tpu.vector_load %arg6[%get3A_144] {strides = array<i32>} : memref<80xi32, #tpu.memory_space<vmem>>, vector<16xi32>,
          %get3A_146 = vector.shape_cast %get3A_145 : vector<16xi32> to vector<16xi32>
          %shift_right_arithmetic3A_147 = arith.constant 9 : i32
          %shift_right_arithmetic3A_148 = vector.broadcast %shift_right_arithmetic3A_147 : i32 to vector<16xi32>
          %shift_right_arithmetic3A_149 = arith.shrsi %get3A_146, %shift_right_arithmetic3A_148 : vector<16xi32>
          %max3A_150 = arith.constant 0 : i32
          %max3A_151 = vector.broadcast %max3A_150 : i32 to vector<16xi32>
          %max3A_152 = arith.maxsi %shift_right_arithmetic3A_149, %max3A_151 : vector<16xi32>
          %min3A_153 = arith.constant 319999 : i32
          %min3A_154 = vector.broadcast %min3A_153 : i32 to vector<16xi32>
          %min3A_155 = arith.minsi %max3A_152, %min3A_154 : vector<16xi32>
          %swap3A_156 = arith.constant 16 : index
          %swap3A_157 = tpu.vector_load %arg8[%swap3A_156] {strides = array<i32>} : memref<64xi32, #tpu.memory_space<vmem>>, vector<16xi32>,
          %swap3A_158 = vector.shape_cast %swap3A_157 : vector<16xi32> to vector<16xi32>
          %swap3A_159 = vector.shape_cast %min3A_155 : vector<16xi32> to vector<16xi32>
          tpu.vector_store %arg8[%swap3A_156], %swap3A_159 {strides = array<i32>} : memref<64xi32, #tpu.memory_space<vmem>>, vector<16xi32>,
          %get3A_160 = arith.constant 32 : index
          %get3A_161 = tpu.vector_load %arg6[%get3A_160] {strides = array<i32>} : memref<80xi32, #tpu.memory_space<vmem>>, vector<16xi32>,
          %get3A_162 = vector.shape_cast %get3A_161 : vector<16xi32> to vector<16xi32>
          %shift_right_arithmetic3A_163 = arith.constant 9 : i32
          %shift_right_arithmetic3A_164 = vector.broadcast %shift_right_arithmetic3A_163 : i32 to vector<16xi32>
          %shift_right_arithmetic3A_165 = arith.shrsi %get3A_162, %shift_right_arithmetic3A_164 : vector<16xi32>
          %max3A_166 = arith.constant 0 : i32
          %max3A_167 = vector.broadcast %max3A_166 : i32 to vector<16xi32>
          %max3A_168 = arith.maxsi %shift_right_arithmetic3A_165, %max3A_167 : vector<16xi32>
          %min3A_169 = arith.constant 319999 : i32
          %min3A_170 = vector.broadcast %min3A_169 : i32 to vector<16xi32>
          %min3A_171 = arith.minsi %max3A_168, %min3A_170 : vector<16xi32>
          %swap3A_172 = arith.constant 32 : index
          %swap3A_173 = tpu.vector_load %arg8[%swap3A_172] {strides = array<i32>} : memref<64xi32, #tpu.memory_space<vmem>>, vector<16xi32>,
          %swap3A_174 = vector.shape_cast %swap3A_173 : vector<16xi32> to vector<16xi32>
          %swap3A_175 = vector.shape_cast %min3A_171 : vector<16xi32> to vector<16xi32>
          tpu.vector_store %arg8[%swap3A_172], %swap3A_175 {strides = array<i32>} : memref<64xi32, #tpu.memory_space<vmem>>, vector<16xi32>,
          %get3A_176 = arith.constant 48 : index
          %get3A_177 = tpu.vector_load %arg6[%get3A_176] {strides = array<i32>} : memref<80xi32, #tpu.memory_space<vmem>>, vector<16xi32>,
          %get3A_178 = vector.shape_cast %get3A_177 : vector<16xi32> to vector<16xi32>
          %shift_right_arithmetic3A_179 = arith.constant 9 : i32
          %shift_right_arithmetic3A_180 = vector.broadcast %shift_right_arithmetic3A_179 : i32 to vector<16xi32>
          %shift_right_arithmetic3A_181 = arith.shrsi %get3A_178, %shift_right_arithmetic3A_180 : vector<16xi32>
          %max3A_182 = arith.constant 0 : i32
          %max3A_183 = vector.broadcast %max3A_182 : i32 to vector<16xi32>
          %max3A_184 = arith.maxsi %shift_right_arithmetic3A_181, %max3A_183 : vector<16xi32>
          %min3A_185 = arith.constant 319999 : i32
          %min3A_186 = vector.broadcast %min3A_185 : i32 to vector<16xi32>
          %min3A_187 = arith.minsi %max3A_184, %min3A_186 : vector<16xi32>
          %swap3A_188 = arith.constant 48 : index
          %swap3A_189 = tpu.vector_load %arg8[%swap3A_188] {strides = array<i32>} : memref<64xi32, #tpu.memory_space<vmem>>, vector<16xi32>,
          %swap3A_190 = vector.shape_cast %swap3A_189 : vector<16xi32> to vector<16xi32>
          %swap3A_191 = vector.shape_cast %min3A_187 : vector<16xi32> to vector<16xi32>
          tpu.vector_store %arg8[%swap3A_188], %swap3A_191 {strides = array<i32>} : memref<64xi32, #tpu.memory_space<vmem>>, vector<16xi32>,
          %dma_start3A = arith.constant 0 : i32
          %dma_start3A_192 = arith.constant 0 : i32
          %dma_start3A_193 = tpu.memref_slice %arg2[%dma_start3A, %dma_start3A_192] : memref<320000x256xf32, #tpu.memory_space<hbm>> -> memref<320000x256xf32, #tpu.memory_space<hbm>>
          tpu.enqueue_indirect_dma source(%dma_start3A_193 : memref<320000x256xf32, #tpu.memory_space<hbm>>) target(%arg10 : memref<64x256xf32, #tpu.memory_space<vmem>>) offsets(%arg8 : memref<64xi32, #tpu.memory_space<vmem>>) semaphore(%arg14 : memref<!tpu.dma_semaphore, #tpu.memory_space<semaphore_mem>>)
        } else {
        }
        %dma_wait3A_107 = arith.constant 0 : i32
        %dma_wait3A_108 = arith.constant 0 : i32
        %dma_wait3A_109 = tpu.memref_slice %arg2[%dma_wait3A_107, %dma_wait3A_108] : memref<320000x256xf32, #tpu.memory_space<hbm>> -> memref<320000x256xf32, #tpu.memory_space<hbm>>
        tpu.wait_indirect_dma semaphore(%arg15 : memref<!tpu.dma_semaphore, #tpu.memory_space<semaphore_mem>>) src(%dma_wait3A_109 : memref<320000x256xf32, #tpu.memory_space<hbm>>) dst(%arg11 : memref<64x256xf32, #tpu.memory_space<vmem>>)
        %mul3A_110 = arith.constant 64 : i32
        %mul3A_111 = arith.muli %add3A_77, %mul3A_110 : i32
        %sub3A_112 = arith.subi %squeeze3A, %mul3A_111 : i32
        %min3A_113 = arith.constant 64 : i32
        %min3A_114 = arith.minsi %min3A_113, %sub3A_112 : i32
        %while3A_115 = arith.constant 0 : i32
        %while3A_116 = arith.constant 0 : i32
        %while3A_117 = arith.subi %min3A_114, %while3A_116 : i32
        %while3A_118 = arith.addi %while3A_116, %while3A_117 : i32
        %while3A_119 = arith.constant 1 : i32
        %while3A_120 = arith.divsi %while3A_117, %while3A_119 : i32
        %while3A_121 = arith.muli %while3A_120, %while3A_119 : i32
        %while3A_122 = arith.addi %while3A_116, %while3A_121 : i32
        %while3A_123 = arith.constant 1 : i32
        scf.for %while3A_125 = %while3A_116 to %while3A_122 step %while3A_123  : i32 {
          %get3A_126 = arith.index_cast %while3A_125 : i32 to index
          %get3A_127 = tpu.vector_load %arg7[%get3A_126] {strides = array<i32>} : memref<80xi32, #tpu.memory_space<vmem>>, vector<16xi32>,
          %get3A_128 = vector.shape_cast %get3A_127 : vector<16xi32> to vector<16xi32>
          %slice3A_129 = vector.extract_strided_slice %get3A_128 {offsets = [0], sizes = [1], strides = [1]} : vector<16xi32> to vector<1xi32>
          %squeeze3A_130 = vector.extract %slice3A_129[0] : i32 from vector<1xi32>
          %and3A_131 = arith.constant 511 : i32
          %and3A_132 = arith.andi %squeeze3A_130, %and3A_131 : i32
          %get3A_133 = arith.index_cast %and3A_132 : i32 to index
          %get3A_134 = arith.constant 0 : index
          %get3A_135 = tpu.vector_load %arg12[%get3A_133, %get3A_134] {strides = array<i32>} : memref<320x256xf32, #tpu.memory_space<vmem>>, vector<1x16xf32>,
          %get3A_136 = vector.shape_cast %get3A_135 : vector<1x16xf32> to vector<16xf32>
          %get3A_137 = arith.index_cast %while3A_125 : i32 to index
          %get3A_138 = arith.constant 0 : index
          %get3A_139 = tpu.vector_load %arg11[%get3A_137, %get3A_138] {strides = array<i32>} : memref<64x256xf32, #tpu.memory_space<vmem>>, vector<1x16xf32>,
          %get3A_140 = vector.shape_cast %get3A_139 : vector<1x16xf32> to vector<16xf32>
          %max3A = arith.maximumf %get3A_136, %get3A_140 : vector<16xf32>
          %swap3A = arith.index_cast %and3A_132 : i32 to index
          %swap3A_141 = arith.constant 0 : index
          %swap3A_142 = tpu.vector_load %arg12[%swap3A, %swap3A_141] {strides = array<i32>} : memref<320x256xf32, #tpu.memory_space<vmem>>, vector<1x16xf32>,
          %swap3A_143 = vector.shape_cast %swap3A_142 : vector<1x16xf32> to vector<16xf32>
          %swap3A_144 = vector.shape_cast %max3A : vector<16xf32> to vector<1x16xf32>
          tpu.vector_store %arg12[%swap3A, %swap3A_141], %swap3A_144 {strides = array<i32>} : memref<320x256xf32, #tpu.memory_space<vmem>>, vector<1x16xf32>,
          %get3A_145 = arith.index_cast %and3A_132 : i32 to index
          %get3A_146 = arith.constant 16 : index
          %get3A_147 = tpu.vector_load %arg12[%get3A_145, %get3A_146] {strides = array<i32>} : memref<320x256xf32, #tpu.memory_space<vmem>>, vector<1x16xf32>,
          %get3A_148 = vector.shape_cast %get3A_147 : vector<1x16xf32> to vector<16xf32>
          %get3A_149 = arith.index_cast %while3A_125 : i32 to index
          %get3A_150 = arith.constant 16 : index
          %get3A_151 = tpu.vector_load %arg11[%get3A_149, %get3A_150] {strides = array<i32>} : memref<64x256xf32, #tpu.memory_space<vmem>>, vector<1x16xf32>,
          %get3A_152 = vector.shape_cast %get3A_151 : vector<1x16xf32> to vector<16xf32>
          %max3A_153 = arith.maximumf %get3A_148, %get3A_152 : vector<16xf32>
          %swap3A_154 = arith.index_cast %and3A_132 : i32 to index
          %swap3A_155 = arith.constant 16 : index
          %swap3A_156 = tpu.vector_load %arg12[%swap3A_154, %swap3A_155] {strides = array<i32>} : memref<320x256xf32, #tpu.memory_space<vmem>>, vector<1x16xf32>,
          %swap3A_157 = vector.shape_cast %swap3A_156 : vector<1x16xf32> to vector<16xf32>
          %swap3A_158 = vector.shape_cast %max3A_153 : vector<16xf32> to vector<1x16xf32>
          tpu.vector_store %arg12[%swap3A_154, %swap3A_155], %swap3A_158 {strides = array<i32>} : memref<320x256xf32, #tpu.memory_space<vmem>>, vector<1x16xf32>,
          %get3A_159 = arith.index_cast %and3A_132 : i32 to index
          %get3A_160 = arith.constant 32 : index
          %get3A_161 = tpu.vector_load %arg12[%get3A_159, %get3A_160] {strides = array<i32>} : memref<320x256xf32, #tpu.memory_space<vmem>>, vector<1x16xf32>,
          %get3A_162 = vector.shape_cast %get3A_161 : vector<1x16xf32> to vector<16xf32>
          %get3A_163 = arith.index_cast %while3A_125 : i32 to index
          %get3A_164 = arith.constant 32 : index
          %get3A_165 = tpu.vector_load %arg11[%get3A_163, %get3A_164] {strides = array<i32>} : memref<64x256xf32, #tpu.memory_space<vmem>>, vector<1x16xf32>,
          %get3A_166 = vector.shape_cast %get3A_165 : vector<1x16xf32> to vector<16xf32>
          %max3A_167 = arith.maximumf %get3A_162, %get3A_166 : vector<16xf32>
          %swap3A_168 = arith.index_cast %and3A_132 : i32 to index
          %swap3A_169 = arith.constant 32 : index
          %swap3A_170 = tpu.vector_load %arg12[%swap3A_168, %swap3A_169] {strides = array<i32>} : memref<320x256xf32, #tpu.memory_space<vmem>>, vector<1x16xf32>,
          %swap3A_171 = vector.shape_cast %swap3A_170 : vector<1x16xf32> to vector<16xf32>
          %swap3A_172 = vector.shape_cast %max3A_167 : vector<16xf32> to vector<1x16xf32>
          tpu.vector_store %arg12[%swap3A_168, %swap3A_169], %swap3A_172 {strides = array<i32>} : memref<320x256xf32, #tpu.memory_space<vmem>>, vector<1x16xf32>,
          %get3A_173 = arith.index_cast %and3A_132 : i32 to index
          %get3A_174 = arith.constant 48 : index
          %get3A_175 = tpu.vector_load %arg12[%get3A_173, %get3A_174] {strides = array<i32>} : memref<320x256xf32, #tpu.memory_space<vmem>>, vector<1x16xf32>,
          %get3A_176 = vector.shape_cast %get3A_175 : vector<1x16xf32> to vector<16xf32>
          %get3A_177 = arith.index_cast %while3A_125 : i32 to index
          %get3A_178 = arith.constant 48 : index
          %get3A_179 = tpu.vector_load %arg11[%get3A_177, %get3A_178] {strides = array<i32>} : memref<64x256xf32, #tpu.memory_space<vmem>>, vector<1x16xf32>,
          %get3A_180 = vector.shape_cast %get3A_179 : vector<1x16xf32> to vector<16xf32>
          %max3A_181 = arith.maximumf %get3A_176, %get3A_180 : vector<16xf32>
          %swap3A_182 = arith.index_cast %and3A_132 : i32 to index
          %swap3A_183 = arith.constant 48 : index
          %swap3A_184 = tpu.vector_load %arg12[%swap3A_182, %swap3A_183] {strides = array<i32>} : memref<320x256xf32, #tpu.memory_space<vmem>>, vector<1x16xf32>,
          %swap3A_185 = vector.shape_cast %swap3A_184 : vector<1x16xf32> to vector<16xf32>
          %swap3A_186 = vector.shape_cast %max3A_181 : vector<16xf32> to vector<1x16xf32>
          tpu.vector_store %arg12[%swap3A_182, %swap3A_183], %swap3A_186 {strides = array<i32>} : memref<320x256xf32, #tpu.memory_space<vmem>>, vector<1x16xf32>,
          %get3A_187 = arith.index_cast %and3A_132 : i32 to index
          %get3A_188 = arith.constant 64 : index
          %get3A_189 = tpu.vector_load %arg12[%get3A_187, %get3A_188] {strides = array<i32>} : memref<320x256xf32, #tpu.memory_space<vmem>>, vector<1x16xf32>,
          %get3A_190 = vector.shape_cast %get3A_189 : vector<1x16xf32> to vector<16xf32>
          %get3A_191 = arith.index_cast %while3A_125 : i32 to index
          %get3A_192 = arith.constant 64 : index
          %get3A_193 = tpu.vector_load %arg11[%get3A_191, %get3A_192] {strides = array<i32>} : memref<64x256xf32, #tpu.memory_space<vmem>>, vector<1x16xf32>,
          %get3A_194 = vector.shape_cast %get3A_193 : vector<1x16xf32> to vector<16xf32>
          %max3A_195 = arith.maximumf %get3A_190, %get3A_194 : vector<16xf32>
          %swap3A_196 = arith.index_cast %and3A_132 : i32 to index
          %swap3A_197 = arith.constant 64 : index
          %swap3A_198 = tpu.vector_load %arg12[%swap3A_196, %swap3A_197] {strides = array<i32>} : memref<320x256xf32, #tpu.memory_space<vmem>>, vector<1x16xf32>,
          %swap3A_199 = vector.shape_cast %swap3A_198 : vector<1x16xf32> to vector<16xf32>
          %swap3A_200 = vector.shape_cast %max3A_195 : vector<16xf32> to vector<1x16xf32>
          tpu.vector_store %arg12[%swap3A_196, %swap3A_197], %swap3A_200 {strides = array<i32>} : memref<320x256xf32, #tpu.memory_space<vmem>>, vector<1x16xf32>,
          %get3A_201 = arith.index_cast %and3A_132 : i32 to index
          %get3A_202 = arith.constant 80 : index
          %get3A_203 = tpu.vector_load %arg12[%get3A_201, %get3A_202] {strides = array<i32>} : memref<320x256xf32, #tpu.memory_space<vmem>>, vector<1x16xf32>,
          %get3A_204 = vector.shape_cast %get3A_203 : vector<1x16xf32> to vector<16xf32>
          %get3A_205 = arith.index_cast %while3A_125 : i32 to index
          %get3A_206 = arith.constant 80 : index
          %get3A_207 = tpu.vector_load %arg11[%get3A_205, %get3A_206] {strides = array<i32>} : memref<64x256xf32, #tpu.memory_space<vmem>>, vector<1x16xf32>,
          %get3A_208 = vector.shape_cast %get3A_207 : vector<1x16xf32> to vector<16xf32>
          %max3A_209 = arith.maximumf %get3A_204, %get3A_208 : vector<16xf32>
          %swap3A_210 = arith.index_cast %and3A_132 : i32 to index
          %swap3A_211 = arith.constant 80 : index
          %swap3A_212 = tpu.vector_load %arg12[%swap3A_210, %swap3A_211] {strides = array<i32>} : memref<320x256xf32, #tpu.memory_space<vmem>>, vector<1x16xf32>,
          %swap3A_213 = vector.shape_cast %swap3A_212 : vector<1x16xf32> to vector<16xf32>
          %swap3A_214 = vector.shape_cast %max3A_209 : vector<16xf32> to vector<1x16xf32>
          tpu.vector_store %arg12[%swap3A_210, %swap3A_211], %swap3A_214 {strides = array<i32>} : memref<320x256xf32, #tpu.memory_space<vmem>>, vector<1x16xf32>,
          %get3A_215 = arith.index_cast %and3A_132 : i32 to index
          %get3A_216 = arith.constant 96 : index
          %get3A_217 = tpu.vector_load %arg12[%get3A_215, %get3A_216] {strides = array<i32>} : memref<320x256xf32, #tpu.memory_space<vmem>>, vector<1x16xf32>,
          %get3A_218 = vector.shape_cast %get3A_217 : vector<1x16xf32> to vector<16xf32>
          %get3A_219 = arith.index_cast %while3A_125 : i32 to index
          %get3A_220 = arith.constant 96 : index
          %get3A_221 = tpu.vector_load %arg11[%get3A_219, %get3A_220] {strides = array<i32>} : memref<64x256xf32, #tpu.memory_space<vmem>>, vector<1x16xf32>,
          %get3A_222 = vector.shape_cast %get3A_221 : vector<1x16xf32> to vector<16xf32>
          %max3A_223 = arith.maximumf %get3A_218, %get3A_222 : vector<16xf32>
          %swap3A_224 = arith.index_cast %and3A_132 : i32 to index
          %swap3A_225 = arith.constant 96 : index
          %swap3A_226 = tpu.vector_load %arg12[%swap3A_224, %swap3A_225] {strides = array<i32>} : memref<320x256xf32, #tpu.memory_space<vmem>>, vector<1x16xf32>,
          %swap3A_227 = vector.shape_cast %swap3A_226 : vector<1x16xf32> to vector<16xf32>
          %swap3A_228 = vector.shape_cast %max3A_223 : vector<16xf32> to vector<1x16xf32>
          tpu.vector_store %arg12[%swap3A_224, %swap3A_225], %swap3A_228 {strides = array<i32>} : memref<320x256xf32, #tpu.memory_space<vmem>>, vector<1x16xf32>,
          %get3A_229 = arith.index_cast %and3A_132 : i32 to index
          %get3A_230 = arith.constant 112 : index
          %get3A_231 = tpu.vector_load %arg12[%get3A_229, %get3A_230] {strides = array<i32>} : memref<320x256xf32, #tpu.memory_space<vmem>>, vector<1x16xf32>,
          %get3A_232 = vector.shape_cast %get3A_231 : vector<1x16xf32> to vector<16xf32>
          %get3A_233 = arith.index_cast %while3A_125 : i32 to index
          %get3A_234 = arith.constant 112 : index
          %get3A_235 = tpu.vector_load %arg11[%get3A_233, %get3A_234] {strides = array<i32>} : memref<64x256xf32, #tpu.memory_space<vmem>>, vector<1x16xf32>,
          %get3A_236 = vector.shape_cast %get3A_235 : vector<1x16xf32> to vector<16xf32>
          %max3A_237 = arith.maximumf %get3A_232, %get3A_236 : vector<16xf32>
          %swap3A_238 = arith.index_cast %and3A_132 : i32 to index
          %swap3A_239 = arith.constant 112 : index
          %swap3A_240 = tpu.vector_load %arg12[%swap3A_238, %swap3A_239] {strides = array<i32>} : memref<320x256xf32, #tpu.memory_space<vmem>>, vector<1x16xf32>,
          %swap3A_241 = vector.shape_cast %swap3A_240 : vector<1x16xf32> to vector<16xf32>
          %swap3A_242 = vector.shape_cast %max3A_237 : vector<16xf32> to vector<1x16xf32>
          tpu.vector_store %arg12[%swap3A_238, %swap3A_239], %swap3A_242 {strides = array<i32>} : memref<320x256xf32, #tpu.memory_space<vmem>>, vector<1x16xf32>,
          %get3A_243 = arith.index_cast %and3A_132 : i32 to index
          %get3A_244 = arith.constant 128 : index
          %get3A_245 = tpu.vector_load %arg12[%get3A_243, %get3A_244] {strides = array<i32>} : memref<320x256xf32, #tpu.memory_space<vmem>>, vector<1x16xf32>,
          %get3A_246 = vector.shape_cast %get3A_245 : vector<1x16xf32> to vector<16xf32>
          %get3A_247 = arith.index_cast %while3A_125 : i32 to index
          %get3A_248 = arith.constant 128 : index
          %get3A_249 = tpu.vector_load %arg11[%get3A_247, %get3A_248] {strides = array<i32>} : memref<64x256xf32, #tpu.memory_space<vmem>>, vector<1x16xf32>,
          %get3A_250 = vector.shape_cast %get3A_249 : vector<1x16xf32> to vector<16xf32>
          %max3A_251 = arith.maximumf %get3A_246, %get3A_250 : vector<16xf32>
          %swap3A_252 = arith.index_cast %and3A_132 : i32 to index
          %swap3A_253 = arith.constant 128 : index
          %swap3A_254 = tpu.vector_load %arg12[%swap3A_252, %swap3A_253] {strides = array<i32>} : memref<320x256xf32, #tpu.memory_space<vmem>>, vector<1x16xf32>,
          %swap3A_255 = vector.shape_cast %swap3A_254 : vector<1x16xf32> to vector<16xf32>
          %swap3A_256 = vector.shape_cast %max3A_251 : vector<16xf32> to vector<1x16xf32>
          tpu.vector_store %arg12[%swap3A_252, %swap3A_253], %swap3A_256 {strides = array<i32>} : memref<320x256xf32, #tpu.memory_space<vmem>>, vector<1x16xf32>,
          %get3A_257 = arith.index_cast %and3A_132 : i32 to index
          %get3A_258 = arith.constant 144 : index
          %get3A_259 = tpu.vector_load %arg12[%get3A_257, %get3A_258] {strides = array<i32>} : memref<320x256xf32, #tpu.memory_space<vmem>>, vector<1x16xf32>,
          %get3A_260 = vector.shape_cast %get3A_259 : vector<1x16xf32> to vector<16xf32>
          %get3A_261 = arith.index_cast %while3A_125 : i32 to index
          %get3A_262 = arith.constant 144 : index
          %get3A_263 = tpu.vector_load %arg11[%get3A_261, %get3A_262] {strides = array<i32>} : memref<64x256xf32, #tpu.memory_space<vmem>>, vector<1x16xf32>,
          %get3A_264 = vector.shape_cast %get3A_263 : vector<1x16xf32> to vector<16xf32>
          %max3A_265 = arith.maximumf %get3A_260, %get3A_264 : vector<16xf32>
          %swap3A_266 = arith.index_cast %and3A_132 : i32 to index
          %swap3A_267 = arith.constant 144 : index
          %swap3A_268 = tpu.vector_load %arg12[%swap3A_266, %swap3A_267] {strides = array<i32>} : memref<320x256xf32, #tpu.memory_space<vmem>>, vector<1x16xf32>,
          %swap3A_269 = vector.shape_cast %swap3A_268 : vector<1x16xf32> to vector<16xf32>
          %swap3A_270 = vector.shape_cast %max3A_265 : vector<16xf32> to vector<1x16xf32>
          tpu.vector_store %arg12[%swap3A_266, %swap3A_267], %swap3A_270 {strides = array<i32>} : memref<320x256xf32, #tpu.memory_space<vmem>>, vector<1x16xf32>,
          %get3A_271 = arith.index_cast %and3A_132 : i32 to index
          %get3A_272 = arith.constant 160 : index
          %get3A_273 = tpu.vector_load %arg12[%get3A_271, %get3A_272] {strides = array<i32>} : memref<320x256xf32, #tpu.memory_space<vmem>>, vector<1x16xf32>,
          %get3A_274 = vector.shape_cast %get3A_273 : vector<1x16xf32> to vector<16xf32>
          %get3A_275 = arith.index_cast %while3A_125 : i32 to index
          %get3A_276 = arith.constant 160 : index
          %get3A_277 = tpu.vector_load %arg11[%get3A_275, %get3A_276] {strides = array<i32>} : memref<64x256xf32, #tpu.memory_space<vmem>>, vector<1x16xf32>,
          %get3A_278 = vector.shape_cast %get3A_277 : vector<1x16xf32> to vector<16xf32>
          %max3A_279 = arith.maximumf %get3A_274, %get3A_278 : vector<16xf32>
          %swap3A_280 = arith.index_cast %and3A_132 : i32 to index
          %swap3A_281 = arith.constant 160 : index
          %swap3A_282 = tpu.vector_load %arg12[%swap3A_280, %swap3A_281] {strides = array<i32>} : memref<320x256xf32, #tpu.memory_space<vmem>>, vector<1x16xf32>,
          %swap3A_283 = vector.shape_cast %swap3A_282 : vector<1x16xf32> to vector<16xf32>
          %swap3A_284 = vector.shape_cast %max3A_279 : vector<16xf32> to vector<1x16xf32>
          tpu.vector_store %arg12[%swap3A_280, %swap3A_281], %swap3A_284 {strides = array<i32>} : memref<320x256xf32, #tpu.memory_space<vmem>>, vector<1x16xf32>,
          %get3A_285 = arith.index_cast %and3A_132 : i32 to index
          %get3A_286 = arith.constant 176 : index
          %get3A_287 = tpu.vector_load %arg12[%get3A_285, %get3A_286] {strides = array<i32>} : memref<320x256xf32, #tpu.memory_space<vmem>>, vector<1x16xf32>,
          %get3A_288 = vector.shape_cast %get3A_287 : vector<1x16xf32> to vector<16xf32>
          %get3A_289 = arith.index_cast %while3A_125 : i32 to index
          %get3A_290 = arith.constant 176 : index
          %get3A_291 = tpu.vector_load %arg11[%get3A_289, %get3A_290] {strides = array<i32>} : memref<64x256xf32, #tpu.memory_space<vmem>>, vector<1x16xf32>,
          %get3A_292 = vector.shape_cast %get3A_291 : vector<1x16xf32> to vector<16xf32>
          %max3A_293 = arith.maximumf %get3A_288, %get3A_292 : vector<16xf32>
          %swap3A_294 = arith.index_cast %and3A_132 : i32 to index
          %swap3A_295 = arith.constant 176 : index
          %swap3A_296 = tpu.vector_load %arg12[%swap3A_294, %swap3A_295] {strides = array<i32>} : memref<320x256xf32, #tpu.memory_space<vmem>>, vector<1x16xf32>,
          %swap3A_297 = vector.shape_cast %swap3A_296 : vector<1x16xf32> to vector<16xf32>
          %swap3A_298 = vector.shape_cast %max3A_293 : vector<16xf32> to vector<1x16xf32>
          tpu.vector_store %arg12[%swap3A_294, %swap3A_295], %swap3A_298 {strides = array<i32>} : memref<320x256xf32, #tpu.memory_space<vmem>>, vector<1x16xf32>,
          %get3A_299 = arith.index_cast %and3A_132 : i32 to index
          %get3A_300 = arith.constant 192 : index
          %get3A_301 = tpu.vector_load %arg12[%get3A_299, %get3A_300] {strides = array<i32>} : memref<320x256xf32, #tpu.memory_space<vmem>>, vector<1x16xf32>,
          %get3A_302 = vector.shape_cast %get3A_301 : vector<1x16xf32> to vector<16xf32>
          %get3A_303 = arith.index_cast %while3A_125 : i32 to index
          %get3A_304 = arith.constant 192 : index
          %get3A_305 = tpu.vector_load %arg11[%get3A_303, %get3A_304] {strides = array<i32>} : memref<64x256xf32, #tpu.memory_space<vmem>>, vector<1x16xf32>,
          %get3A_306 = vector.shape_cast %get3A_305 : vector<1x16xf32> to vector<16xf32>
          %max3A_307 = arith.maximumf %get3A_302, %get3A_306 : vector<16xf32>
          %swap3A_308 = arith.index_cast %and3A_132 : i32 to index
          %swap3A_309 = arith.constant 192 : index
          %swap3A_310 = tpu.vector_load %arg12[%swap3A_308, %swap3A_309] {strides = array<i32>} : memref<320x256xf32, #tpu.memory_space<vmem>>, vector<1x16xf32>,
          %swap3A_311 = vector.shape_cast %swap3A_310 : vector<1x16xf32> to vector<16xf32>
          %swap3A_312 = vector.shape_cast %max3A_307 : vector<16xf32> to vector<1x16xf32>
          tpu.vector_store %arg12[%swap3A_308, %swap3A_309], %swap3A_312 {strides = array<i32>} : memref<320x256xf32, #tpu.memory_space<vmem>>, vector<1x16xf32>,
          %get3A_313 = arith.index_cast %and3A_132 : i32 to index
          %get3A_314 = arith.constant 208 : index
          %get3A_315 = tpu.vector_load %arg12[%get3A_313, %get3A_314] {strides = array<i32>} : memref<320x256xf32, #tpu.memory_space<vmem>>, vector<1x16xf32>,
          %get3A_316 = vector.shape_cast %get3A_315 : vector<1x16xf32> to vector<16xf32>
          %get3A_317 = arith.index_cast %while3A_125 : i32 to index
          %get3A_318 = arith.constant 208 : index
          %get3A_319 = tpu.vector_load %arg11[%get3A_317, %get3A_318] {strides = array<i32>} : memref<64x256xf32, #tpu.memory_space<vmem>>, vector<1x16xf32>,
          %get3A_320 = vector.shape_cast %get3A_319 : vector<1x16xf32> to vector<16xf32>
          %max3A_321 = arith.maximumf %get3A_316, %get3A_320 : vector<16xf32>
          %swap3A_322 = arith.index_cast %and3A_132 : i32 to index
          %swap3A_323 = arith.constant 208 : index
          %swap3A_324 = tpu.vector_load %arg12[%swap3A_322, %swap3A_323] {strides = array<i32>} : memref<320x256xf32, #tpu.memory_space<vmem>>, vector<1x16xf32>,
          %swap3A_325 = vector.shape_cast %swap3A_324 : vector<1x16xf32> to vector<16xf32>
          %swap3A_326 = vector.shape_cast %max3A_321 : vector<16xf32> to vector<1x16xf32>
          tpu.vector_store %arg12[%swap3A_322, %swap3A_323], %swap3A_326 {strides = array<i32>} : memref<320x256xf32, #tpu.memory_space<vmem>>, vector<1x16xf32>,
          %get3A_327 = arith.index_cast %and3A_132 : i32 to index
          %get3A_328 = arith.constant 224 : index
          %get3A_329 = tpu.vector_load %arg12[%get3A_327, %get3A_328] {strides = array<i32>} : memref<320x256xf32, #tpu.memory_space<vmem>>, vector<1x16xf32>,
          %get3A_330 = vector.shape_cast %get3A_329 : vector<1x16xf32> to vector<16xf32>
          %get3A_331 = arith.index_cast %while3A_125 : i32 to index
          %get3A_332 = arith.constant 224 : index
          %get3A_333 = tpu.vector_load %arg11[%get3A_331, %get3A_332] {strides = array<i32>} : memref<64x256xf32, #tpu.memory_space<vmem>>, vector<1x16xf32>,
          %get3A_334 = vector.shape_cast %get3A_333 : vector<1x16xf32> to vector<16xf32>
          %max3A_335 = arith.maximumf %get3A_330, %get3A_334 : vector<16xf32>
          %swap3A_336 = arith.index_cast %and3A_132 : i32 to index
          %swap3A_337 = arith.constant 224 : index
          %swap3A_338 = tpu.vector_load %arg12[%swap3A_336, %swap3A_337] {strides = array<i32>} : memref<320x256xf32, #tpu.memory_space<vmem>>, vector<1x16xf32>,
          %swap3A_339 = vector.shape_cast %swap3A_338 : vector<1x16xf32> to vector<16xf32>
          %swap3A_340 = vector.shape_cast %max3A_335 : vector<16xf32> to vector<1x16xf32>
          tpu.vector_store %arg12[%swap3A_336, %swap3A_337], %swap3A_340 {strides = array<i32>} : memref<320x256xf32, #tpu.memory_space<vmem>>, vector<1x16xf32>,
          %get3A_341 = arith.index_cast %and3A_132 : i32 to index
          %get3A_342 = arith.constant 240 : index
          %get3A_343 = tpu.vector_load %arg12[%get3A_341, %get3A_342] {strides = array<i32>} : memref<320x256xf32, #tpu.memory_space<vmem>>, vector<1x16xf32>,
          %get3A_344 = vector.shape_cast %get3A_343 : vector<1x16xf32> to vector<16xf32>
          %get3A_345 = arith.index_cast %while3A_125 : i32 to index
          %get3A_346 = arith.constant 240 : index
          %get3A_347 = tpu.vector_load %arg11[%get3A_345, %get3A_346] {strides = array<i32>} : memref<64x256xf32, #tpu.memory_space<vmem>>, vector<1x16xf32>,
          %get3A_348 = vector.shape_cast %get3A_347 : vector<1x16xf32> to vector<16xf32>
          %max3A_349 = arith.maximumf %get3A_344, %get3A_348 : vector<16xf32>
          %swap3A_350 = arith.index_cast %and3A_132 : i32 to index
          %swap3A_351 = arith.constant 240 : index
          %swap3A_352 = tpu.vector_load %arg12[%swap3A_350, %swap3A_351] {strides = array<i32>} : memref<320x256xf32, #tpu.memory_space<vmem>>, vector<1x16xf32>,
          %swap3A_353 = vector.shape_cast %swap3A_352 : vector<1x16xf32> to vector<16xf32>
          %swap3A_354 = vector.shape_cast %max3A_349 : vector<16xf32> to vector<1x16xf32>
          tpu.vector_store %arg12[%swap3A_350, %swap3A_351], %swap3A_354 {strides = array<i32>} : memref<320x256xf32, #tpu.memory_space<vmem>>, vector<1x16xf32>,
        }
        %while3A_124 = arith.constant 1 : i32
        scf.for %while3A_125 = %while3A_122 to %while3A_118 step %while3A_124  : i32 {
          %get3A_126 = arith.index_cast %while3A_125 : i32 to index
          %get3A_127 = tpu.vector_load %arg7[%get3A_126] {strides = array<i32>} : memref<80xi32, #tpu.memory_space<vmem>>, vector<16xi32>,
          %get3A_128 = vector.shape_cast %get3A_127 : vector<16xi32> to vector<16xi32>
          %slice3A_129 = vector.extract_strided_slice %get3A_128 {offsets = [0], sizes = [1], strides = [1]} : vector<16xi32> to vector<1xi32>
          %squeeze3A_130 = vector.extract %slice3A_129[0] : i32 from vector<1xi32>
          %and3A_131 = arith.constant 511 : i32
          %and3A_132 = arith.andi %squeeze3A_130, %and3A_131 : i32
          %get3A_133 = arith.index_cast %and3A_132 : i32 to index
          %get3A_134 = arith.constant 0 : index
          %get3A_135 = tpu.vector_load %arg12[%get3A_133, %get3A_134] {strides = array<i32>} : memref<320x256xf32, #tpu.memory_space<vmem>>, vector<1x16xf32>,
          %get3A_136 = vector.shape_cast %get3A_135 : vector<1x16xf32> to vector<16xf32>
          %get3A_137 = arith.index_cast %while3A_125 : i32 to index
          %get3A_138 = arith.constant 0 : index
          %get3A_139 = tpu.vector_load %arg11[%get3A_137, %get3A_138] {strides = array<i32>} : memref<64x256xf32, #tpu.memory_space<vmem>>, vector<1x16xf32>,
          %get3A_140 = vector.shape_cast %get3A_139 : vector<1x16xf32> to vector<16xf32>
          %max3A = arith.maximumf %get3A_136, %get3A_140 : vector<16xf32>
          %swap3A = arith.index_cast %and3A_132 : i32 to index
          %swap3A_141 = arith.constant 0 : index
          %swap3A_142 = tpu.vector_load %arg12[%swap3A, %swap3A_141] {strides = array<i32>} : memref<320x256xf32, #tpu.memory_space<vmem>>, vector<1x16xf32>,
          %swap3A_143 = vector.shape_cast %swap3A_142 : vector<1x16xf32> to vector<16xf32>
          %swap3A_144 = vector.shape_cast %max3A : vector<16xf32> to vector<1x16xf32>
          tpu.vector_store %arg12[%swap3A, %swap3A_141], %swap3A_144 {strides = array<i32>} : memref<320x256xf32, #tpu.memory_space<vmem>>, vector<1x16xf32>,
          %get3A_145 = arith.index_cast %and3A_132 : i32 to index
          %get3A_146 = arith.constant 16 : index
          %get3A_147 = tpu.vector_load %arg12[%get3A_145, %get3A_146] {strides = array<i32>} : memref<320x256xf32, #tpu.memory_space<vmem>>, vector<1x16xf32>,
          %get3A_148 = vector.shape_cast %get3A_147 : vector<1x16xf32> to vector<16xf32>
          %get3A_149 = arith.index_cast %while3A_125 : i32 to index
          %get3A_150 = arith.constant 16 : index
          %get3A_151 = tpu.vector_load %arg11[%get3A_149, %get3A_150] {strides = array<i32>} : memref<64x256xf32, #tpu.memory_space<vmem>>, vector<1x16xf32>,
          %get3A_152 = vector.shape_cast %get3A_151 : vector<1x16xf32> to vector<16xf32>
          %max3A_153 = arith.maximumf %get3A_148, %get3A_152 : vector<16xf32>
          %swap3A_154 = arith.index_cast %and3A_132 : i32 to index
          %swap3A_155 = arith.constant 16 : index
          %swap3A_156 = tpu.vector_load %arg12[%swap3A_154, %swap3A_155] {strides = array<i32>} : memref<320x256xf32, #tpu.memory_space<vmem>>, vector<1x16xf32>,
          %swap3A_157 = vector.shape_cast %swap3A_156 : vector<1x16xf32> to vector<16xf32>
          %swap3A_158 = vector.shape_cast %max3A_153 : vector<16xf32> to vector<1x16xf32>
          tpu.vector_store %arg12[%swap3A_154, %swap3A_155], %swap3A_158 {strides = array<i32>} : memref<320x256xf32, #tpu.memory_space<vmem>>, vector<1x16xf32>,
          %get3A_159 = arith.index_cast %and3A_132 : i32 to index
          %get3A_160 = arith.constant 32 : index
          %get3A_161 = tpu.vector_load %arg12[%get3A_159, %get3A_160] {strides = array<i32>} : memref<320x256xf32, #tpu.memory_space<vmem>>, vector<1x16xf32>,
          %get3A_162 = vector.shape_cast %get3A_161 : vector<1x16xf32> to vector<16xf32>
          %get3A_163 = arith.index_cast %while3A_125 : i32 to index
          %get3A_164 = arith.constant 32 : index
          %get3A_165 = tpu.vector_load %arg11[%get3A_163, %get3A_164] {strides = array<i32>} : memref<64x256xf32, #tpu.memory_space<vmem>>, vector<1x16xf32>,
          %get3A_166 = vector.shape_cast %get3A_165 : vector<1x16xf32> to vector<16xf32>
          %max3A_167 = arith.maximumf %get3A_162, %get3A_166 : vector<16xf32>
          %swap3A_168 = arith.index_cast %and3A_132 : i32 to index
          %swap3A_169 = arith.constant 32 : index
          %swap3A_170 = tpu.vector_load %arg12[%swap3A_168, %swap3A_169] {strides = array<i32>} : memref<320x256xf32, #tpu.memory_space<vmem>>, vector<1x16xf32>,
          %swap3A_171 = vector.shape_cast %swap3A_170 : vector<1x16xf32> to vector<16xf32>
          %swap3A_172 = vector.shape_cast %max3A_167 : vector<16xf32> to vector<1x16xf32>
          tpu.vector_store %arg12[%swap3A_168, %swap3A_169], %swap3A_172 {strides = array<i32>} : memref<320x256xf32, #tpu.memory_space<vmem>>, vector<1x16xf32>,
          %get3A_173 = arith.index_cast %and3A_132 : i32 to index
          %get3A_174 = arith.constant 48 : index
          %get3A_175 = tpu.vector_load %arg12[%get3A_173, %get3A_174] {strides = array<i32>} : memref<320x256xf32, #tpu.memory_space<vmem>>, vector<1x16xf32>,
          %get3A_176 = vector.shape_cast %get3A_175 : vector<1x16xf32> to vector<16xf32>
          %get3A_177 = arith.index_cast %while3A_125 : i32 to index
          %get3A_178 = arith.constant 48 : index
          %get3A_179 = tpu.vector_load %arg11[%get3A_177, %get3A_178] {strides = array<i32>} : memref<64x256xf32, #tpu.memory_space<vmem>>, vector<1x16xf32>,
          %get3A_180 = vector.shape_cast %get3A_179 : vector<1x16xf32> to vector<16xf32>
          %max3A_181 = arith.maximumf %get3A_176, %get3A_180 : vector<16xf32>
          %swap3A_182 = arith.index_cast %and3A_132 : i32 to index
          %swap3A_183 = arith.constant 48 : index
          %swap3A_184 = tpu.vector_load %arg12[%swap3A_182, %swap3A_183] {strides = array<i32>} : memref<320x256xf32, #tpu.memory_space<vmem>>, vector<1x16xf32>,
          %swap3A_185 = vector.shape_cast %swap3A_184 : vector<1x16xf32> to vector<16xf32>
          %swap3A_186 = vector.shape_cast %max3A_181 : vector<16xf32> to vector<1x16xf32>
          tpu.vector_store %arg12[%swap3A_182, %swap3A_183], %swap3A_186 {strides = array<i32>} : memref<320x256xf32, #tpu.memory_space<vmem>>, vector<1x16xf32>,
          %get3A_187 = arith.index_cast %and3A_132 : i32 to index
          %get3A_188 = arith.constant 64 : index
          %get3A_189 = tpu.vector_load %arg12[%get3A_187, %get3A_188] {strides = array<i32>} : memref<320x256xf32, #tpu.memory_space<vmem>>, vector<1x16xf32>,
          %get3A_190 = vector.shape_cast %get3A_189 : vector<1x16xf32> to vector<16xf32>
          %get3A_191 = arith.index_cast %while3A_125 : i32 to index
          %get3A_192 = arith.constant 64 : index
          %get3A_193 = tpu.vector_load %arg11[%get3A_191, %get3A_192] {strides = array<i32>} : memref<64x256xf32, #tpu.memory_space<vmem>>, vector<1x16xf32>,
          %get3A_194 = vector.shape_cast %get3A_193 : vector<1x16xf32> to vector<16xf32>
          %max3A_195 = arith.maximumf %get3A_190, %get3A_194 : vector<16xf32>
          %swap3A_196 = arith.index_cast %and3A_132 : i32 to index
          %swap3A_197 = arith.constant 64 : index
          %swap3A_198 = tpu.vector_load %arg12[%swap3A_196, %swap3A_197] {strides = array<i32>} : memref<320x256xf32, #tpu.memory_space<vmem>>, vector<1x16xf32>,
          %swap3A_199 = vector.shape_cast %swap3A_198 : vector<1x16xf32> to vector<16xf32>
          %swap3A_200 = vector.shape_cast %max3A_195 : vector<16xf32> to vector<1x16xf32>
          tpu.vector_store %arg12[%swap3A_196, %swap3A_197], %swap3A_200 {strides = array<i32>} : memref<320x256xf32, #tpu.memory_space<vmem>>, vector<1x16xf32>,
          %get3A_201 = arith.index_cast %and3A_132 : i32 to index
          %get3A_202 = arith.constant 80 : index
          %get3A_203 = tpu.vector_load %arg12[%get3A_201, %get3A_202] {strides = array<i32>} : memref<320x256xf32, #tpu.memory_space<vmem>>, vector<1x16xf32>,
          %get3A_204 = vector.shape_cast %get3A_203 : vector<1x16xf32> to vector<16xf32>
          %get3A_205 = arith.index_cast %while3A_125 : i32 to index
          %get3A_206 = arith.constant 80 : index
          %get3A_207 = tpu.vector_load %arg11[%get3A_205, %get3A_206] {strides = array<i32>} : memref<64x256xf32, #tpu.memory_space<vmem>>, vector<1x16xf32>,
          %get3A_208 = vector.shape_cast %get3A_207 : vector<1x16xf32> to vector<16xf32>
          %max3A_209 = arith.maximumf %get3A_204, %get3A_208 : vector<16xf32>
          %swap3A_210 = arith.index_cast %and3A_132 : i32 to index
          %swap3A_211 = arith.constant 80 : index
          %swap3A_212 = tpu.vector_load %arg12[%swap3A_210, %swap3A_211] {strides = array<i32>} : memref<320x256xf32, #tpu.memory_space<vmem>>, vector<1x16xf32>,
          %swap3A_213 = vector.shape_cast %swap3A_212 : vector<1x16xf32> to vector<16xf32>
          %swap3A_214 = vector.shape_cast %max3A_209 : vector<16xf32> to vector<1x16xf32>
          tpu.vector_store %arg12[%swap3A_210, %swap3A_211], %swap3A_214 {strides = array<i32>} : memref<320x256xf32, #tpu.memory_space<vmem>>, vector<1x16xf32>,
          %get3A_215 = arith.index_cast %and3A_132 : i32 to index
          %get3A_216 = arith.constant 96 : index
          %get3A_217 = tpu.vector_load %arg12[%get3A_215, %get3A_216] {strides = array<i32>} : memref<320x256xf32, #tpu.memory_space<vmem>>, vector<1x16xf32>,
          %get3A_218 = vector.shape_cast %get3A_217 : vector<1x16xf32> to vector<16xf32>
          %get3A_219 = arith.index_cast %while3A_125 : i32 to index
          %get3A_220 = arith.constant 96 : index
          %get3A_221 = tpu.vector_load %arg11[%get3A_219, %get3A_220] {strides = array<i32>} : memref<64x256xf32, #tpu.memory_space<vmem>>, vector<1x16xf32>,
          %get3A_222 = vector.shape_cast %get3A_221 : vector<1x16xf32> to vector<16xf32>
          %max3A_223 = arith.maximumf %get3A_218, %get3A_222 : vector<16xf32>
          %swap3A_224 = arith.index_cast %and3A_132 : i32 to index
          %swap3A_225 = arith.constant 96 : index
          %swap3A_226 = tpu.vector_load %arg12[%swap3A_224, %swap3A_225] {strides = array<i32>} : memref<320x256xf32, #tpu.memory_space<vmem>>, vector<1x16xf32>,
          %swap3A_227 = vector.shape_cast %swap3A_226 : vector<1x16xf32> to vector<16xf32>
          %swap3A_228 = vector.shape_cast %max3A_223 : vector<16xf32> to vector<1x16xf32>
          tpu.vector_store %arg12[%swap3A_224, %swap3A_225], %swap3A_228 {strides = array<i32>} : memref<320x256xf32, #tpu.memory_space<vmem>>, vector<1x16xf32>,
          %get3A_229 = arith.index_cast %and3A_132 : i32 to index
          %get3A_230 = arith.constant 112 : index
          %get3A_231 = tpu.vector_load %arg12[%get3A_229, %get3A_230] {strides = array<i32>} : memref<320x256xf32, #tpu.memory_space<vmem>>, vector<1x16xf32>,
          %get3A_232 = vector.shape_cast %get3A_231 : vector<1x16xf32> to vector<16xf32>
          %get3A_233 = arith.index_cast %while3A_125 : i32 to index
          %get3A_234 = arith.constant 112 : index
          %get3A_235 = tpu.vector_load %arg11[%get3A_233, %get3A_234] {strides = array<i32>} : memref<64x256xf32, #tpu.memory_space<vmem>>, vector<1x16xf32>,
          %get3A_236 = vector.shape_cast %get3A_235 : vector<1x16xf32> to vector<16xf32>
          %max3A_237 = arith.maximumf %get3A_232, %get3A_236 : vector<16xf32>
          %swap3A_238 = arith.index_cast %and3A_132 : i32 to index
          %swap3A_239 = arith.constant 112 : index
          %swap3A_240 = tpu.vector_load %arg12[%swap3A_238, %swap3A_239] {strides = array<i32>} : memref<320x256xf32, #tpu.memory_space<vmem>>, vector<1x16xf32>,
          %swap3A_241 = vector.shape_cast %swap3A_240 : vector<1x16xf32> to vector<16xf32>
          %swap3A_242 = vector.shape_cast %max3A_237 : vector<16xf32> to vector<1x16xf32>
          tpu.vector_store %arg12[%swap3A_238, %swap3A_239], %swap3A_242 {strides = array<i32>} : memref<320x256xf32, #tpu.memory_space<vmem>>, vector<1x16xf32>,
          %get3A_243 = arith.index_cast %and3A_132 : i32 to index
          %get3A_244 = arith.constant 128 : index
          %get3A_245 = tpu.vector_load %arg12[%get3A_243, %get3A_244] {strides = array<i32>} : memref<320x256xf32, #tpu.memory_space<vmem>>, vector<1x16xf32>,
          %get3A_246 = vector.shape_cast %get3A_245 : vector<1x16xf32> to vector<16xf32>
          %get3A_247 = arith.index_cast %while3A_125 : i32 to index
          %get3A_248 = arith.constant 128 : index
          %get3A_249 = tpu.vector_load %arg11[%get3A_247, %get3A_248] {strides = array<i32>} : memref<64x256xf32, #tpu.memory_space<vmem>>, vector<1x16xf32>,
          %get3A_250 = vector.shape_cast %get3A_249 : vector<1x16xf32> to vector<16xf32>
          %max3A_251 = arith.maximumf %get3A_246, %get3A_250 : vector<16xf32>
          %swap3A_252 = arith.index_cast %and3A_132 : i32 to index
          %swap3A_253 = arith.constant 128 : index
          %swap3A_254 = tpu.vector_load %arg12[%swap3A_252, %swap3A_253] {strides = array<i32>} : memref<320x256xf32, #tpu.memory_space<vmem>>, vector<1x16xf32>,
          %swap3A_255 = vector.shape_cast %swap3A_254 : vector<1x16xf32> to vector<16xf32>
          %swap3A_256 = vector.shape_cast %max3A_251 : vector<16xf32> to vector<1x16xf32>
          tpu.vector_store %arg12[%swap3A_252, %swap3A_253], %swap3A_256 {strides = array<i32>} : memref<320x256xf32, #tpu.memory_space<vmem>>, vector<1x16xf32>,
          %get3A_257 = arith.index_cast %and3A_132 : i32 to index
          %get3A_258 = arith.constant 144 : index
          %get3A_259 = tpu.vector_load %arg12[%get3A_257, %get3A_258] {strides = array<i32>} : memref<320x256xf32, #tpu.memory_space<vmem>>, vector<1x16xf32>,
          %get3A_260 = vector.shape_cast %get3A_259 : vector<1x16xf32> to vector<16xf32>
          %get3A_261 = arith.index_cast %while3A_125 : i32 to index
          %get3A_262 = arith.constant 144 : index
          %get3A_263 = tpu.vector_load %arg11[%get3A_261, %get3A_262] {strides = array<i32>} : memref<64x256xf32, #tpu.memory_space<vmem>>, vector<1x16xf32>,
          %get3A_264 = vector.shape_cast %get3A_263 : vector<1x16xf32> to vector<16xf32>
          %max3A_265 = arith.maximumf %get3A_260, %get3A_264 : vector<16xf32>
          %swap3A_266 = arith.index_cast %and3A_132 : i32 to index
          %swap3A_267 = arith.constant 144 : index
          %swap3A_268 = tpu.vector_load %arg12[%swap3A_266, %swap3A_267] {strides = array<i32>} : memref<320x256xf32, #tpu.memory_space<vmem>>, vector<1x16xf32>,
          %swap3A_269 = vector.shape_cast %swap3A_268 : vector<1x16xf32> to vector<16xf32>
          %swap3A_270 = vector.shape_cast %max3A_265 : vector<16xf32> to vector<1x16xf32>
          tpu.vector_store %arg12[%swap3A_266, %swap3A_267], %swap3A_270 {strides = array<i32>} : memref<320x256xf32, #tpu.memory_space<vmem>>, vector<1x16xf32>,
          %get3A_271 = arith.index_cast %and3A_132 : i32 to index
          %get3A_272 = arith.constant 160 : index
          %get3A_273 = tpu.vector_load %arg12[%get3A_271, %get3A_272] {strides = array<i32>} : memref<320x256xf32, #tpu.memory_space<vmem>>, vector<1x16xf32>,
          %get3A_274 = vector.shape_cast %get3A_273 : vector<1x16xf32> to vector<16xf32>
          %get3A_275 = arith.index_cast %while3A_125 : i32 to index
          %get3A_276 = arith.constant 160 : index
          %get3A_277 = tpu.vector_load %arg11[%get3A_275, %get3A_276] {strides = array<i32>} : memref<64x256xf32, #tpu.memory_space<vmem>>, vector<1x16xf32>,
          %get3A_278 = vector.shape_cast %get3A_277 : vector<1x16xf32> to vector<16xf32>
          %max3A_279 = arith.maximumf %get3A_274, %get3A_278 : vector<16xf32>
          %swap3A_280 = arith.index_cast %and3A_132 : i32 to index
          %swap3A_281 = arith.constant 160 : index
          %swap3A_282 = tpu.vector_load %arg12[%swap3A_280, %swap3A_281] {strides = array<i32>} : memref<320x256xf32, #tpu.memory_space<vmem>>, vector<1x16xf32>,
          %swap3A_283 = vector.shape_cast %swap3A_282 : vector<1x16xf32> to vector<16xf32>
          %swap3A_284 = vector.shape_cast %max3A_279 : vector<16xf32> to vector<1x16xf32>
          tpu.vector_store %arg12[%swap3A_280, %swap3A_281], %swap3A_284 {strides = array<i32>} : memref<320x256xf32, #tpu.memory_space<vmem>>, vector<1x16xf32>,
          %get3A_285 = arith.index_cast %and3A_132 : i32 to index
          %get3A_286 = arith.constant 176 : index
          %get3A_287 = tpu.vector_load %arg12[%get3A_285, %get3A_286] {strides = array<i32>} : memref<320x256xf32, #tpu.memory_space<vmem>>, vector<1x16xf32>,
          %get3A_288 = vector.shape_cast %get3A_287 : vector<1x16xf32> to vector<16xf32>
          %get3A_289 = arith.index_cast %while3A_125 : i32 to index
          %get3A_290 = arith.constant 176 : index
          %get3A_291 = tpu.vector_load %arg11[%get3A_289, %get3A_290] {strides = array<i32>} : memref<64x256xf32, #tpu.memory_space<vmem>>, vector<1x16xf32>,
          %get3A_292 = vector.shape_cast %get3A_291 : vector<1x16xf32> to vector<16xf32>
          %max3A_293 = arith.maximumf %get3A_288, %get3A_292 : vector<16xf32>
          %swap3A_294 = arith.index_cast %and3A_132 : i32 to index
          %swap3A_295 = arith.constant 176 : index
          %swap3A_296 = tpu.vector_load %arg12[%swap3A_294, %swap3A_295] {strides = array<i32>} : memref<320x256xf32, #tpu.memory_space<vmem>>, vector<1x16xf32>,
          %swap3A_297 = vector.shape_cast %swap3A_296 : vector<1x16xf32> to vector<16xf32>
          %swap3A_298 = vector.shape_cast %max3A_293 : vector<16xf32> to vector<1x16xf32>
          tpu.vector_store %arg12[%swap3A_294, %swap3A_295], %swap3A_298 {strides = array<i32>} : memref<320x256xf32, #tpu.memory_space<vmem>>, vector<1x16xf32>,
          %get3A_299 = arith.index_cast %and3A_132 : i32 to index
          %get3A_300 = arith.constant 192 : index
          %get3A_301 = tpu.vector_load %arg12[%get3A_299, %get3A_300] {strides = array<i32>} : memref<320x256xf32, #tpu.memory_space<vmem>>, vector<1x16xf32>,
          %get3A_302 = vector.shape_cast %get3A_301 : vector<1x16xf32> to vector<16xf32>
          %get3A_303 = arith.index_cast %while3A_125 : i32 to index
          %get3A_304 = arith.constant 192 : index
          %get3A_305 = tpu.vector_load %arg11[%get3A_303, %get3A_304] {strides = array<i32>} : memref<64x256xf32, #tpu.memory_space<vmem>>, vector<1x16xf32>,
          %get3A_306 = vector.shape_cast %get3A_305 : vector<1x16xf32> to vector<16xf32>
          %max3A_307 = arith.maximumf %get3A_302, %get3A_306 : vector<16xf32>
          %swap3A_308 = arith.index_cast %and3A_132 : i32 to index
          %swap3A_309 = arith.constant 192 : index
          %swap3A_310 = tpu.vector_load %arg12[%swap3A_308, %swap3A_309] {strides = array<i32>} : memref<320x256xf32, #tpu.memory_space<vmem>>, vector<1x16xf32>,
          %swap3A_311 = vector.shape_cast %swap3A_310 : vector<1x16xf32> to vector<16xf32>
          %swap3A_312 = vector.shape_cast %max3A_307 : vector<16xf32> to vector<1x16xf32>
          tpu.vector_store %arg12[%swap3A_308, %swap3A_309], %swap3A_312 {strides = array<i32>} : memref<320x256xf32, #tpu.memory_space<vmem>>, vector<1x16xf32>,
          %get3A_313 = arith.index_cast %and3A_132 : i32 to index
          %get3A_314 = arith.constant 208 : index
          %get3A_315 = tpu.vector_load %arg12[%get3A_313, %get3A_314] {strides = array<i32>} : memref<320x256xf32, #tpu.memory_space<vmem>>, vector<1x16xf32>,
          %get3A_316 = vector.shape_cast %get3A_315 : vector<1x16xf32> to vector<16xf32>
          %get3A_317 = arith.index_cast %while3A_125 : i32 to index
          %get3A_318 = arith.constant 208 : index
          %get3A_319 = tpu.vector_load %arg11[%get3A_317, %get3A_318] {strides = array<i32>} : memref<64x256xf32, #tpu.memory_space<vmem>>, vector<1x16xf32>,
          %get3A_320 = vector.shape_cast %get3A_319 : vector<1x16xf32> to vector<16xf32>
          %max3A_321 = arith.maximumf %get3A_316, %get3A_320 : vector<16xf32>
          %swap3A_322 = arith.index_cast %and3A_132 : i32 to index
          %swap3A_323 = arith.constant 208 : index
          %swap3A_324 = tpu.vector_load %arg12[%swap3A_322, %swap3A_323] {strides = array<i32>} : memref<320x256xf32, #tpu.memory_space<vmem>>, vector<1x16xf32>,
          %swap3A_325 = vector.shape_cast %swap3A_324 : vector<1x16xf32> to vector<16xf32>
          %swap3A_326 = vector.shape_cast %max3A_321 : vector<16xf32> to vector<1x16xf32>
          tpu.vector_store %arg12[%swap3A_322, %swap3A_323], %swap3A_326 {strides = array<i32>} : memref<320x256xf32, #tpu.memory_space<vmem>>, vector<1x16xf32>,
          %get3A_327 = arith.index_cast %and3A_132 : i32 to index
          %get3A_328 = arith.constant 224 : index
          %get3A_329 = tpu.vector_load %arg12[%get3A_327, %get3A_328] {strides = array<i32>} : memref<320x256xf32, #tpu.memory_space<vmem>>, vector<1x16xf32>,
          %get3A_330 = vector.shape_cast %get3A_329 : vector<1x16xf32> to vector<16xf32>
          %get3A_331 = arith.index_cast %while3A_125 : i32 to index
          %get3A_332 = arith.constant 224 : index
          %get3A_333 = tpu.vector_load %arg11[%get3A_331, %get3A_332] {strides = array<i32>} : memref<64x256xf32, #tpu.memory_space<vmem>>, vector<1x16xf32>,
          %get3A_334 = vector.shape_cast %get3A_333 : vector<1x16xf32> to vector<16xf32>
          %max3A_335 = arith.maximumf %get3A_330, %get3A_334 : vector<16xf32>
          %swap3A_336 = arith.index_cast %and3A_132 : i32 to index
          %swap3A_337 = arith.constant 224 : index
          %swap3A_338 = tpu.vector_load %arg12[%swap3A_336, %swap3A_337] {strides = array<i32>} : memref<320x256xf32, #tpu.memory_space<vmem>>, vector<1x16xf32>,
          %swap3A_339 = vector.shape_cast %swap3A_338 : vector<1x16xf32> to vector<16xf32>
          %swap3A_340 = vector.shape_cast %max3A_335 : vector<16xf32> to vector<1x16xf32>
          tpu.vector_store %arg12[%swap3A_336, %swap3A_337], %swap3A_340 {strides = array<i32>} : memref<320x256xf32, #tpu.memory_space<vmem>>, vector<1x16xf32>,
          %get3A_341 = arith.index_cast %and3A_132 : i32 to index
          %get3A_342 = arith.constant 240 : index
          %get3A_343 = tpu.vector_load %arg12[%get3A_341, %get3A_342] {strides = array<i32>} : memref<320x256xf32, #tpu.memory_space<vmem>>, vector<1x16xf32>,
          %get3A_344 = vector.shape_cast %get3A_343 : vector<1x16xf32> to vector<16xf32>
          %get3A_345 = arith.index_cast %while3A_125 : i32 to index
          %get3A_346 = arith.constant 240 : index
          %get3A_347 = tpu.vector_load %arg11[%get3A_345, %get3A_346] {strides = array<i32>} : memref<64x256xf32, #tpu.memory_space<vmem>>, vector<1x16xf32>,
          %get3A_348 = vector.shape_cast %get3A_347 : vector<1x16xf32> to vector<16xf32>
          %max3A_349 = arith.maximumf %get3A_344, %get3A_348 : vector<16xf32>
          %swap3A_350 = arith.index_cast %and3A_132 : i32 to index
          %swap3A_351 = arith.constant 240 : index
          %swap3A_352 = tpu.vector_load %arg12[%swap3A_350, %swap3A_351] {strides = array<i32>} : memref<320x256xf32, #tpu.memory_space<vmem>>, vector<1x16xf32>,
          %swap3A_353 = vector.shape_cast %swap3A_352 : vector<1x16xf32> to vector<16xf32>
          %swap3A_354 = vector.shape_cast %max3A_349 : vector<16xf32> to vector<1x16xf32>
          tpu.vector_store %arg12[%swap3A_350, %swap3A_351], %swap3A_354 {strides = array<i32>} : memref<320x256xf32, #tpu.memory_space<vmem>>, vector<1x16xf32>,
        }
      } else {
      }
    }
    %while3A_71 = arith.constant 1 : i32
    scf.for %while3A_73 = %while3A_69 to %while3A_65 step %while3A_71  : i32 {
      %mul3A_74 = arith.constant 2 : i32
      %mul3A_75 = arith.muli %mul3A_74, %while3A_73 : i32
      %add3A_76 = arith.constant 1 : i32
      %add3A_77 = arith.addi %mul3A_75, %add3A_76 : i32
      %lt3A = arith.cmpi slt, %add3A_77, %select_n3A : i32
      %convert_element_type3A_78 = arith.extui %lt3A : i1 to i32
      %cond3A_79 = arith.constant 0 : i32
      %cond3A_80 = arith.cmpi ne, %convert_element_type3A_78, %cond3A_79 : i32
      scf.if %cond3A_80 {
        %mul3A_101 = arith.constant 64 : i32
        %mul3A_102 = arith.muli %add3A_77, %mul3A_101 : i32
        %add3A_103 = arith.addi %mul3A_4, %mul3A_102 : i32
        %multiple_of3A_104 = tpu.assume_multiple %add3A_103, 8 : i32
        "tpu.region"() ({
          %run_scoped3A = tpu.sem_alloc : memref<!tpu.dma_semaphore, #tpu.memory_space<semaphore_mem>>
          %dma_start3A_168 = arith.constant 0 : i32
          %dma_start3A_169 = tpu.memref_slice %arg7[%dma_start3A_168] : memref<80xi32, #tpu.memory_space<vmem>> -> memref<64xi32, #tpu.memory_space<vmem>>
          %dma_start3A_170 = tpu.memref_slice %arg3[%multiple_of3A_104] : memref<10373120xi32, #tpu.memory_space<hbm>> -> memref<64xi32, #tpu.memory_space<hbm>>
          %dma_start3A_171 = arith.constant 0 : i32
          %dma_start3A_172 = tpu.memref_slice %arg7[%dma_start3A_171] : memref<80xi32, #tpu.memory_space<vmem>> -> memref<64xi32, #tpu.memory_space<vmem>>
          %dma_start3A_173 = tpu.memref_slice %arg3[%multiple_of3A_104] : memref<10373120xi32, #tpu.memory_space<hbm>> -> memref<64xi32, #tpu.memory_space<hbm>>
          tpu.enqueue_dma source(%dma_start3A_173 : memref<64xi32, #tpu.memory_space<hbm>>) target(%dma_start3A_172 : memref<64xi32, #tpu.memory_space<vmem>>) target_semaphore(%run_scoped3A : memref<!tpu.dma_semaphore, #tpu.memory_space<semaphore_mem>>)
          %dma_wait3A_174 = arith.constant 0 : i32
          %dma_wait3A_175 = tpu.memref_slice %arg7[%dma_wait3A_174] : memref<80xi32, #tpu.memory_space<vmem>> -> memref<64xi32, #tpu.memory_space<vmem>>
          %dma_wait3A_176 = tpu.memref_slice %arg3[%multiple_of3A_104] : memref<10373120xi32, #tpu.memory_space<hbm>> -> memref<64xi32, #tpu.memory_space<hbm>>
          %dma_wait3A_177 = arith.constant 0 : i32
          %dma_wait3A_178 = tpu.memref_slice %arg7[%dma_wait3A_177] : memref<80xi32, #tpu.memory_space<vmem>> -> memref<64xi32, #tpu.memory_space<vmem>>
          %dma_wait3A_179 = tpu.memref_slice %arg3[%multiple_of3A_104] : memref<10373120xi32, #tpu.memory_space<hbm>> -> memref<64xi32, #tpu.memory_space<hbm>>
          tpu.wait_dma2 semaphore(%run_scoped3A : memref<!tpu.dma_semaphore, #tpu.memory_space<semaphore_mem>>) src(%dma_wait3A_179 : memref<64xi32, #tpu.memory_space<hbm>>) dst(%dma_wait3A_178 : memref<64xi32, #tpu.memory_space<vmem>>)
          tpu.yield
        }) : () -> ()
        %get3A_105 = arith.constant 0 : index
        %get3A_106 = tpu.vector_load %arg7[%get3A_105] {strides = array<i32>} : memref<80xi32, #tpu.memory_space<vmem>>, vector<16xi32>,
        %get3A_107 = vector.shape_cast %get3A_106 : vector<16xi32> to vector<16xi32>
        %shift_right_arithmetic3A = arith.constant 9 : i32
        %shift_right_arithmetic3A_108 = vector.broadcast %shift_right_arithmetic3A : i32 to vector<16xi32>
        %shift_right_arithmetic3A_109 = arith.shrsi %get3A_107, %shift_right_arithmetic3A_108 : vector<16xi32>
        %max3A = arith.constant 0 : i32
        %max3A_110 = vector.broadcast %max3A : i32 to vector<16xi32>
        %max3A_111 = arith.maxsi %shift_right_arithmetic3A_109, %max3A_110 : vector<16xi32>
        %min3A_112 = arith.constant 319999 : i32
        %min3A_113 = vector.broadcast %min3A_112 : i32 to vector<16xi32>
        %min3A_114 = arith.minsi %max3A_111, %min3A_113 : vector<16xi32>
        %swap3A = arith.constant 0 : index
        %swap3A_115 = tpu.vector_load %arg9[%swap3A] {strides = array<i32>} : memref<64xi32, #tpu.memory_space<vmem>>, vector<16xi32>,
        %swap3A_116 = vector.shape_cast %swap3A_115 : vector<16xi32> to vector<16xi32>
        %swap3A_117 = vector.shape_cast %min3A_114 : vector<16xi32> to vector<16xi32>
        tpu.vector_store %arg9[%swap3A], %swap3A_117 {strides = array<i32>} : memref<64xi32, #tpu.memory_space<vmem>>, vector<16xi32>,
        %get3A_118 = arith.constant 16 : index
        %get3A_119 = tpu.vector_load %arg7[%get3A_118] {strides = array<i32>} : memref<80xi32, #tpu.memory_space<vmem>>, vector<16xi32>,
        %get3A_120 = vector.shape_cast %get3A_119 : vector<16xi32> to vector<16xi32>
        %shift_right_arithmetic3A_121 = arith.constant 9 : i32
        %shift_right_arithmetic3A_122 = vector.broadcast %shift_right_arithmetic3A_121 : i32 to vector<16xi32>
        %shift_right_arithmetic3A_123 = arith.shrsi %get3A_120, %shift_right_arithmetic3A_122 : vector<16xi32>
        %max3A_124 = arith.constant 0 : i32
        %max3A_125 = vector.broadcast %max3A_124 : i32 to vector<16xi32>
        %max3A_126 = arith.maxsi %shift_right_arithmetic3A_123, %max3A_125 : vector<16xi32>
        %min3A_127 = arith.constant 319999 : i32
        %min3A_128 = vector.broadcast %min3A_127 : i32 to vector<16xi32>
        %min3A_129 = arith.minsi %max3A_126, %min3A_128 : vector<16xi32>
        %swap3A_130 = arith.constant 16 : index
        %swap3A_131 = tpu.vector_load %arg9[%swap3A_130] {strides = array<i32>} : memref<64xi32, #tpu.memory_space<vmem>>, vector<16xi32>,
        %swap3A_132 = vector.shape_cast %swap3A_131 : vector<16xi32> to vector<16xi32>
        %swap3A_133 = vector.shape_cast %min3A_129 : vector<16xi32> to vector<16xi32>
        tpu.vector_store %arg9[%swap3A_130], %swap3A_133 {strides = array<i32>} : memref<64xi32, #tpu.memory_space<vmem>>, vector<16xi32>,
        %get3A_134 = arith.constant 32 : index
        %get3A_135 = tpu.vector_load %arg7[%get3A_134] {strides = array<i32>} : memref<80xi32, #tpu.memory_space<vmem>>, vector<16xi32>,
        %get3A_136 = vector.shape_cast %get3A_135 : vector<16xi32> to vector<16xi32>
        %shift_right_arithmetic3A_137 = arith.constant 9 : i32
        %shift_right_arithmetic3A_138 = vector.broadcast %shift_right_arithmetic3A_137 : i32 to vector<16xi32>
        %shift_right_arithmetic3A_139 = arith.shrsi %get3A_136, %shift_right_arithmetic3A_138 : vector<16xi32>
        %max3A_140 = arith.constant 0 : i32
        %max3A_141 = vector.broadcast %max3A_140 : i32 to vector<16xi32>
        %max3A_142 = arith.maxsi %shift_right_arithmetic3A_139, %max3A_141 : vector<16xi32>
        %min3A_143 = arith.constant 319999 : i32
        %min3A_144 = vector.broadcast %min3A_143 : i32 to vector<16xi32>
        %min3A_145 = arith.minsi %max3A_142, %min3A_144 : vector<16xi32>
        %swap3A_146 = arith.constant 32 : index
        %swap3A_147 = tpu.vector_load %arg9[%swap3A_146] {strides = array<i32>} : memref<64xi32, #tpu.memory_space<vmem>>, vector<16xi32>,
        %swap3A_148 = vector.shape_cast %swap3A_147 : vector<16xi32> to vector<16xi32>
        %swap3A_149 = vector.shape_cast %min3A_145 : vector<16xi32> to vector<16xi32>
        tpu.vector_store %arg9[%swap3A_146], %swap3A_149 {strides = array<i32>} : memref<64xi32, #tpu.memory_space<vmem>>, vector<16xi32>,
        %get3A_150 = arith.constant 48 : index
        %get3A_151 = tpu.vector_load %arg7[%get3A_150] {strides = array<i32>} : memref<80xi32, #tpu.memory_space<vmem>>, vector<16xi32>,
        %get3A_152 = vector.shape_cast %get3A_151 : vector<16xi32> to vector<16xi32>
        %shift_right_arithmetic3A_153 = arith.constant 9 : i32
        %shift_right_arithmetic3A_154 = vector.broadcast %shift_right_arithmetic3A_153 : i32 to vector<16xi32>
        %shift_right_arithmetic3A_155 = arith.shrsi %get3A_152, %shift_right_arithmetic3A_154 : vector<16xi32>
        %max3A_156 = arith.constant 0 : i32
        %max3A_157 = vector.broadcast %max3A_156 : i32 to vector<16xi32>
        %max3A_158 = arith.maxsi %shift_right_arithmetic3A_155, %max3A_157 : vector<16xi32>
        %min3A_159 = arith.constant 319999 : i32
        %min3A_160 = vector.broadcast %min3A_159 : i32 to vector<16xi32>
        %min3A_161 = arith.minsi %max3A_158, %min3A_160 : vector<16xi32>
        %swap3A_162 = arith.constant 48 : index
        %swap3A_163 = tpu.vector_load %arg9[%swap3A_162] {strides = array<i32>} : memref<64xi32, #tpu.memory_space<vmem>>, vector<16xi32>,
        %swap3A_164 = vector.shape_cast %swap3A_163 : vector<16xi32> to vector<16xi32>
        %swap3A_165 = vector.shape_cast %min3A_161 : vector<16xi32> to vector<16xi32>
        tpu.vector_store %arg9[%swap3A_162], %swap3A_165 {strides = array<i32>} : memref<64xi32, #tpu.memory_space<vmem>>, vector<16xi32>,
        %dma_start3A = arith.constant 0 : i32
        %dma_start3A_166 = arith.constant 0 : i32
        %dma_start3A_167 = tpu.memref_slice %arg2[%dma_start3A, %dma_start3A_166] : memref<320000x256xf32, #tpu.memory_space<hbm>> -> memref<320000x256xf32, #tpu.memory_space<hbm>>
        tpu.enqueue_indirect_dma source(%dma_start3A_167 : memref<320000x256xf32, #tpu.memory_space<hbm>>) target(%arg11 : memref<64x256xf32, #tpu.memory_space<vmem>>) offsets(%arg9 : memref<64xi32, #tpu.memory_space<vmem>>) semaphore(%arg15 : memref<!tpu.dma_semaphore, #tpu.memory_space<semaphore_mem>>)
      } else {
      }
      %dma_wait3A = arith.constant 0 : i32
      %dma_wait3A_81 = arith.constant 0 : i32
      %dma_wait3A_82 = tpu.memref_slice %arg2[%dma_wait3A, %dma_wait3A_81] : memref<320000x256xf32, #tpu.memory_space<hbm>> -> memref<320000x256xf32, #tpu.memory_space<hbm>>
      tpu.wait_indirect_dma semaphore(%arg14 : memref<!tpu.dma_semaphore, #tpu.memory_space<semaphore_mem>>) src(%dma_wait3A_82 : memref<320000x256xf32, #tpu.memory_space<hbm>>) dst(%arg10 : memref<64x256xf32, #tpu.memory_space<vmem>>)
      %mul3A_83 = arith.constant 64 : i32
      %mul3A_84 = arith.muli %mul3A_75, %mul3A_83 : i32
      %sub3A_85 = arith.subi %squeeze3A, %mul3A_84 : i32
      %min3A = arith.constant 64 : i32
      %min3A_86 = arith.minsi %min3A, %sub3A_85 : i32
      %while3A_87 = arith.constant 0 : i32
      %while3A_88 = arith.constant 0 : i32
      %while3A_89 = arith.subi %min3A_86, %while3A_88 : i32
      %while3A_90 = arith.addi %while3A_88, %while3A_89 : i32
      %while3A_91 = arith.constant 1 : i32
      %while3A_92 = arith.divsi %while3A_89, %while3A_91 : i32
      %while3A_93 = arith.muli %while3A_92, %while3A_91 : i32
      %while3A_94 = arith.addi %while3A_88, %while3A_93 : i32
      %while3A_95 = arith.constant 1 : i32
      scf.for %while3A_101 = %while3A_88 to %while3A_94 step %while3A_95  : i32 {
        %get3A_102 = arith.index_cast %while3A_101 : i32 to index
        %get3A_103 = tpu.vector_load %arg6[%get3A_102] {strides = array<i32>} : memref<80xi32, #tpu.memory_space<vmem>>, vector<16xi32>,
        %get3A_104 = vector.shape_cast %get3A_103 : vector<16xi32> to vector<16xi32>
        %slice3A_105 = vector.extract_strided_slice %get3A_104 {offsets = [0], sizes = [1], strides = [1]} : vector<16xi32> to vector<1xi32>
        %squeeze3A_106 = vector.extract %slice3A_105[0] : i32 from vector<1xi32>
        %and3A_107 = arith.constant 511 : i32
        %and3A_108 = arith.andi %squeeze3A_106, %and3A_107 : i32
        %get3A_109 = arith.index_cast %and3A_108 : i32 to index
        %get3A_110 = arith.constant 0 : index
        %get3A_111 = tpu.vector_load %arg12[%get3A_109, %get3A_110] {strides = array<i32>} : memref<320x256xf32, #tpu.memory_space<vmem>>, vector<1x16xf32>,
        %get3A_112 = vector.shape_cast %get3A_111 : vector<1x16xf32> to vector<16xf32>
        %get3A_113 = arith.index_cast %while3A_101 : i32 to index
        %get3A_114 = arith.constant 0 : index
        %get3A_115 = tpu.vector_load %arg10[%get3A_113, %get3A_114] {strides = array<i32>} : memref<64x256xf32, #tpu.memory_space<vmem>>, vector<1x16xf32>,
        %get3A_116 = vector.shape_cast %get3A_115 : vector<1x16xf32> to vector<16xf32>
        %max3A = arith.maximumf %get3A_112, %get3A_116 : vector<16xf32>
        %swap3A = arith.index_cast %and3A_108 : i32 to index
        %swap3A_117 = arith.constant 0 : index
        %swap3A_118 = tpu.vector_load %arg12[%swap3A, %swap3A_117] {strides = array<i32>} : memref<320x256xf32, #tpu.memory_space<vmem>>, vector<1x16xf32>,
        %swap3A_119 = vector.shape_cast %swap3A_118 : vector<1x16xf32> to vector<16xf32>
        %swap3A_120 = vector.shape_cast %max3A : vector<16xf32> to vector<1x16xf32>
        tpu.vector_store %arg12[%swap3A, %swap3A_117], %swap3A_120 {strides = array<i32>} : memref<320x256xf32, #tpu.memory_space<vmem>>, vector<1x16xf32>,
        %get3A_121 = arith.index_cast %and3A_108 : i32 to index
        %get3A_122 = arith.constant 16 : index
        %get3A_123 = tpu.vector_load %arg12[%get3A_121, %get3A_122] {strides = array<i32>} : memref<320x256xf32, #tpu.memory_space<vmem>>, vector<1x16xf32>,
        %get3A_124 = vector.shape_cast %get3A_123 : vector<1x16xf32> to vector<16xf32>
        %get3A_125 = arith.index_cast %while3A_101 : i32 to index
        %get3A_126 = arith.constant 16 : index
        %get3A_127 = tpu.vector_load %arg10[%get3A_125, %get3A_126] {strides = array<i32>} : memref<64x256xf32, #tpu.memory_space<vmem>>, vector<1x16xf32>,
        %get3A_128 = vector.shape_cast %get3A_127 : vector<1x16xf32> to vector<16xf32>
        %max3A_129 = arith.maximumf %get3A_124, %get3A_128 : vector<16xf32>
        %swap3A_130 = arith.index_cast %and3A_108 : i32 to index
        %swap3A_131 = arith.constant 16 : index
        %swap3A_132 = tpu.vector_load %arg12[%swap3A_130, %swap3A_131] {strides = array<i32>} : memref<320x256xf32, #tpu.memory_space<vmem>>, vector<1x16xf32>,
        %swap3A_133 = vector.shape_cast %swap3A_132 : vector<1x16xf32> to vector<16xf32>
        %swap3A_134 = vector.shape_cast %max3A_129 : vector<16xf32> to vector<1x16xf32>
        tpu.vector_store %arg12[%swap3A_130, %swap3A_131], %swap3A_134 {strides = array<i32>} : memref<320x256xf32, #tpu.memory_space<vmem>>, vector<1x16xf32>,
        %get3A_135 = arith.index_cast %and3A_108 : i32 to index
        %get3A_136 = arith.constant 32 : index
        %get3A_137 = tpu.vector_load %arg12[%get3A_135, %get3A_136] {strides = array<i32>} : memref<320x256xf32, #tpu.memory_space<vmem>>, vector<1x16xf32>,
        %get3A_138 = vector.shape_cast %get3A_137 : vector<1x16xf32> to vector<16xf32>
        %get3A_139 = arith.index_cast %while3A_101 : i32 to index
        %get3A_140 = arith.constant 32 : index
        %get3A_141 = tpu.vector_load %arg10[%get3A_139, %get3A_140] {strides = array<i32>} : memref<64x256xf32, #tpu.memory_space<vmem>>, vector<1x16xf32>,
        %get3A_142 = vector.shape_cast %get3A_141 : vector<1x16xf32> to vector<16xf32>
        %max3A_143 = arith.maximumf %get3A_138, %get3A_142 : vector<16xf32>
        %swap3A_144 = arith.index_cast %and3A_108 : i32 to index
        %swap3A_145 = arith.constant 32 : index
        %swap3A_146 = tpu.vector_load %arg12[%swap3A_144, %swap3A_145] {strides = array<i32>} : memref<320x256xf32, #tpu.memory_space<vmem>>, vector<1x16xf32>,
        %swap3A_147 = vector.shape_cast %swap3A_146 : vector<1x16xf32> to vector<16xf32>
        %swap3A_148 = vector.shape_cast %max3A_143 : vector<16xf32> to vector<1x16xf32>
        tpu.vector_store %arg12[%swap3A_144, %swap3A_145], %swap3A_148 {strides = array<i32>} : memref<320x256xf32, #tpu.memory_space<vmem>>, vector<1x16xf32>,
        %get3A_149 = arith.index_cast %and3A_108 : i32 to index
        %get3A_150 = arith.constant 48 : index
        %get3A_151 = tpu.vector_load %arg12[%get3A_149, %get3A_150] {strides = array<i32>} : memref<320x256xf32, #tpu.memory_space<vmem>>, vector<1x16xf32>,
        %get3A_152 = vector.shape_cast %get3A_151 : vector<1x16xf32> to vector<16xf32>
        %get3A_153 = arith.index_cast %while3A_101 : i32 to index
        %get3A_154 = arith.constant 48 : index
        %get3A_155 = tpu.vector_load %arg10[%get3A_153, %get3A_154] {strides = array<i32>} : memref<64x256xf32, #tpu.memory_space<vmem>>, vector<1x16xf32>,
        %get3A_156 = vector.shape_cast %get3A_155 : vector<1x16xf32> to vector<16xf32>
        %max3A_157 = arith.maximumf %get3A_152, %get3A_156 : vector<16xf32>
        %swap3A_158 = arith.index_cast %and3A_108 : i32 to index
        %swap3A_159 = arith.constant 48 : index
        %swap3A_160 = tpu.vector_load %arg12[%swap3A_158, %swap3A_159] {strides = array<i32>} : memref<320x256xf32, #tpu.memory_space<vmem>>, vector<1x16xf32>,
        %swap3A_161 = vector.shape_cast %swap3A_160 : vector<1x16xf32> to vector<16xf32>
        %swap3A_162 = vector.shape_cast %max3A_157 : vector<16xf32> to vector<1x16xf32>
        tpu.vector_store %arg12[%swap3A_158, %swap3A_159], %swap3A_162 {strides = array<i32>} : memref<320x256xf32, #tpu.memory_space<vmem>>, vector<1x16xf32>,
        %get3A_163 = arith.index_cast %and3A_108 : i32 to index
        %get3A_164 = arith.constant 64 : index
        %get3A_165 = tpu.vector_load %arg12[%get3A_163, %get3A_164] {strides = array<i32>} : memref<320x256xf32, #tpu.memory_space<vmem>>, vector<1x16xf32>,
        %get3A_166 = vector.shape_cast %get3A_165 : vector<1x16xf32> to vector<16xf32>
        %get3A_167 = arith.index_cast %while3A_101 : i32 to index
        %get3A_168 = arith.constant 64 : index
        %get3A_169 = tpu.vector_load %arg10[%get3A_167, %get3A_168] {strides = array<i32>} : memref<64x256xf32, #tpu.memory_space<vmem>>, vector<1x16xf32>,
        %get3A_170 = vector.shape_cast %get3A_169 : vector<1x16xf32> to vector<16xf32>
        %max3A_171 = arith.maximumf %get3A_166, %get3A_170 : vector<16xf32>
        %swap3A_172 = arith.index_cast %and3A_108 : i32 to index
        %swap3A_173 = arith.constant 64 : index
        %swap3A_174 = tpu.vector_load %arg12[%swap3A_172, %swap3A_173] {strides = array<i32>} : memref<320x256xf32, #tpu.memory_space<vmem>>, vector<1x16xf32>,
        %swap3A_175 = vector.shape_cast %swap3A_174 : vector<1x16xf32> to vector<16xf32>
        %swap3A_176 = vector.shape_cast %max3A_171 : vector<16xf32> to vector<1x16xf32>
        tpu.vector_store %arg12[%swap3A_172, %swap3A_173], %swap3A_176 {strides = array<i32>} : memref<320x256xf32, #tpu.memory_space<vmem>>, vector<1x16xf32>,
        %get3A_177 = arith.index_cast %and3A_108 : i32 to index
        %get3A_178 = arith.constant 80 : index
        %get3A_179 = tpu.vector_load %arg12[%get3A_177, %get3A_178] {strides = array<i32>} : memref<320x256xf32, #tpu.memory_space<vmem>>, vector<1x16xf32>,
        %get3A_180 = vector.shape_cast %get3A_179 : vector<1x16xf32> to vector<16xf32>
        %get3A_181 = arith.index_cast %while3A_101 : i32 to index
        %get3A_182 = arith.constant 80 : index
        %get3A_183 = tpu.vector_load %arg10[%get3A_181, %get3A_182] {strides = array<i32>} : memref<64x256xf32, #tpu.memory_space<vmem>>, vector<1x16xf32>,
        %get3A_184 = vector.shape_cast %get3A_183 : vector<1x16xf32> to vector<16xf32>
        %max3A_185 = arith.maximumf %get3A_180, %get3A_184 : vector<16xf32>
        %swap3A_186 = arith.index_cast %and3A_108 : i32 to index
        %swap3A_187 = arith.constant 80 : index
        %swap3A_188 = tpu.vector_load %arg12[%swap3A_186, %swap3A_187] {strides = array<i32>} : memref<320x256xf32, #tpu.memory_space<vmem>>, vector<1x16xf32>,
        %swap3A_189 = vector.shape_cast %swap3A_188 : vector<1x16xf32> to vector<16xf32>
        %swap3A_190 = vector.shape_cast %max3A_185 : vector<16xf32> to vector<1x16xf32>
        tpu.vector_store %arg12[%swap3A_186, %swap3A_187], %swap3A_190 {strides = array<i32>} : memref<320x256xf32, #tpu.memory_space<vmem>>, vector<1x16xf32>,
        %get3A_191 = arith.index_cast %and3A_108 : i32 to index
        %get3A_192 = arith.constant 96 : index
        %get3A_193 = tpu.vector_load %arg12[%get3A_191, %get3A_192] {strides = array<i32>} : memref<320x256xf32, #tpu.memory_space<vmem>>, vector<1x16xf32>,
        %get3A_194 = vector.shape_cast %get3A_193 : vector<1x16xf32> to vector<16xf32>
        %get3A_195 = arith.index_cast %while3A_101 : i32 to index
        %get3A_196 = arith.constant 96 : index
        %get3A_197 = tpu.vector_load %arg10[%get3A_195, %get3A_196] {strides = array<i32>} : memref<64x256xf32, #tpu.memory_space<vmem>>, vector<1x16xf32>,
        %get3A_198 = vector.shape_cast %get3A_197 : vector<1x16xf32> to vector<16xf32>
        %max3A_199 = arith.maximumf %get3A_194, %get3A_198 : vector<16xf32>
        %swap3A_200 = arith.index_cast %and3A_108 : i32 to index
        %swap3A_201 = arith.constant 96 : index
        %swap3A_202 = tpu.vector_load %arg12[%swap3A_200, %swap3A_201] {strides = array<i32>} : memref<320x256xf32, #tpu.memory_space<vmem>>, vector<1x16xf32>,
        %swap3A_203 = vector.shape_cast %swap3A_202 : vector<1x16xf32> to vector<16xf32>
        %swap3A_204 = vector.shape_cast %max3A_199 : vector<16xf32> to vector<1x16xf32>
        tpu.vector_store %arg12[%swap3A_200, %swap3A_201], %swap3A_204 {strides = array<i32>} : memref<320x256xf32, #tpu.memory_space<vmem>>, vector<1x16xf32>,
        %get3A_205 = arith.index_cast %and3A_108 : i32 to index
        %get3A_206 = arith.constant 112 : index
        %get3A_207 = tpu.vector_load %arg12[%get3A_205, %get3A_206] {strides = array<i32>} : memref<320x256xf32, #tpu.memory_space<vmem>>, vector<1x16xf32>,
        %get3A_208 = vector.shape_cast %get3A_207 : vector<1x16xf32> to vector<16xf32>
        %get3A_209 = arith.index_cast %while3A_101 : i32 to index
        %get3A_210 = arith.constant 112 : index
        %get3A_211 = tpu.vector_load %arg10[%get3A_209, %get3A_210] {strides = array<i32>} : memref<64x256xf32, #tpu.memory_space<vmem>>, vector<1x16xf32>,
        %get3A_212 = vector.shape_cast %get3A_211 : vector<1x16xf32> to vector<16xf32>
        %max3A_213 = arith.maximumf %get3A_208, %get3A_212 : vector<16xf32>
        %swap3A_214 = arith.index_cast %and3A_108 : i32 to index
        %swap3A_215 = arith.constant 112 : index
        %swap3A_216 = tpu.vector_load %arg12[%swap3A_214, %swap3A_215] {strides = array<i32>} : memref<320x256xf32, #tpu.memory_space<vmem>>, vector<1x16xf32>,
        %swap3A_217 = vector.shape_cast %swap3A_216 : vector<1x16xf32> to vector<16xf32>
        %swap3A_218 = vector.shape_cast %max3A_213 : vector<16xf32> to vector<1x16xf32>
        tpu.vector_store %arg12[%swap3A_214, %swap3A_215], %swap3A_218 {strides = array<i32>} : memref<320x256xf32, #tpu.memory_space<vmem>>, vector<1x16xf32>,
        %get3A_219 = arith.index_cast %and3A_108 : i32 to index
        %get3A_220 = arith.constant 128 : index
        %get3A_221 = tpu.vector_load %arg12[%get3A_219, %get3A_220] {strides = array<i32>} : memref<320x256xf32, #tpu.memory_space<vmem>>, vector<1x16xf32>,
        %get3A_222 = vector.shape_cast %get3A_221 : vector<1x16xf32> to vector<16xf32>
        %get3A_223 = arith.index_cast %while3A_101 : i32 to index
        %get3A_224 = arith.constant 128 : index
        %get3A_225 = tpu.vector_load %arg10[%get3A_223, %get3A_224] {strides = array<i32>} : memref<64x256xf32, #tpu.memory_space<vmem>>, vector<1x16xf32>,
        %get3A_226 = vector.shape_cast %get3A_225 : vector<1x16xf32> to vector<16xf32>
        %max3A_227 = arith.maximumf %get3A_222, %get3A_226 : vector<16xf32>
        %swap3A_228 = arith.index_cast %and3A_108 : i32 to index
        %swap3A_229 = arith.constant 128 : index
        %swap3A_230 = tpu.vector_load %arg12[%swap3A_228, %swap3A_229] {strides = array<i32>} : memref<320x256xf32, #tpu.memory_space<vmem>>, vector<1x16xf32>,
        %swap3A_231 = vector.shape_cast %swap3A_230 : vector<1x16xf32> to vector<16xf32>
        %swap3A_232 = vector.shape_cast %max3A_227 : vector<16xf32> to vector<1x16xf32>
        tpu.vector_store %arg12[%swap3A_228, %swap3A_229], %swap3A_232 {strides = array<i32>} : memref<320x256xf32, #tpu.memory_space<vmem>>, vector<1x16xf32>,
        %get3A_233 = arith.index_cast %and3A_108 : i32 to index
        %get3A_234 = arith.constant 144 : index
        %get3A_235 = tpu.vector_load %arg12[%get3A_233, %get3A_234] {strides = array<i32>} : memref<320x256xf32, #tpu.memory_space<vmem>>, vector<1x16xf32>,
        %get3A_236 = vector.shape_cast %get3A_235 : vector<1x16xf32> to vector<16xf32>
        %get3A_237 = arith.index_cast %while3A_101 : i32 to index
        %get3A_238 = arith.constant 144 : index
        %get3A_239 = tpu.vector_load %arg10[%get3A_237, %get3A_238] {strides = array<i32>} : memref<64x256xf32, #tpu.memory_space<vmem>>, vector<1x16xf32>,
        %get3A_240 = vector.shape_cast %get3A_239 : vector<1x16xf32> to vector<16xf32>
        %max3A_241 = arith.maximumf %get3A_236, %get3A_240 : vector<16xf32>
        %swap3A_242 = arith.index_cast %and3A_108 : i32 to index
        %swap3A_243 = arith.constant 144 : index
        %swap3A_244 = tpu.vector_load %arg12[%swap3A_242, %swap3A_243] {strides = array<i32>} : memref<320x256xf32, #tpu.memory_space<vmem>>, vector<1x16xf32>,
        %swap3A_245 = vector.shape_cast %swap3A_244 : vector<1x16xf32> to vector<16xf32>
        %swap3A_246 = vector.shape_cast %max3A_241 : vector<16xf32> to vector<1x16xf32>
        tpu.vector_store %arg12[%swap3A_242, %swap3A_243], %swap3A_246 {strides = array<i32>} : memref<320x256xf32, #tpu.memory_space<vmem>>, vector<1x16xf32>,
        %get3A_247 = arith.index_cast %and3A_108 : i32 to index
        %get3A_248 = arith.constant 160 : index
        %get3A_249 = tpu.vector_load %arg12[%get3A_247, %get3A_248] {strides = array<i32>} : memref<320x256xf32, #tpu.memory_space<vmem>>, vector<1x16xf32>,
        %get3A_250 = vector.shape_cast %get3A_249 : vector<1x16xf32> to vector<16xf32>
        %get3A_251 = arith.index_cast %while3A_101 : i32 to index
        %get3A_252 = arith.constant 160 : index
        %get3A_253 = tpu.vector_load %arg10[%get3A_251, %get3A_252] {strides = array<i32>} : memref<64x256xf32, #tpu.memory_space<vmem>>, vector<1x16xf32>,
        %get3A_254 = vector.shape_cast %get3A_253 : vector<1x16xf32> to vector<16xf32>
        %max3A_255 = arith.maximumf %get3A_250, %get3A_254 : vector<16xf32>
        %swap3A_256 = arith.index_cast %and3A_108 : i32 to index
        %swap3A_257 = arith.constant 160 : index
        %swap3A_258 = tpu.vector_load %arg12[%swap3A_256, %swap3A_257] {strides = array<i32>} : memref<320x256xf32, #tpu.memory_space<vmem>>, vector<1x16xf32>,
        %swap3A_259 = vector.shape_cast %swap3A_258 : vector<1x16xf32> to vector<16xf32>
        %swap3A_260 = vector.shape_cast %max3A_255 : vector<16xf32> to vector<1x16xf32>
        tpu.vector_store %arg12[%swap3A_256, %swap3A_257], %swap3A_260 {strides = array<i32>} : memref<320x256xf32, #tpu.memory_space<vmem>>, vector<1x16xf32>,
        %get3A_261 = arith.index_cast %and3A_108 : i32 to index
        %get3A_262 = arith.constant 176 : index
        %get3A_263 = tpu.vector_load %arg12[%get3A_261, %get3A_262] {strides = array<i32>} : memref<320x256xf32, #tpu.memory_space<vmem>>, vector<1x16xf32>,
        %get3A_264 = vector.shape_cast %get3A_263 : vector<1x16xf32> to vector<16xf32>
        %get3A_265 = arith.index_cast %while3A_101 : i32 to index
        %get3A_266 = arith.constant 176 : index
        %get3A_267 = tpu.vector_load %arg10[%get3A_265, %get3A_266] {strides = array<i32>} : memref<64x256xf32, #tpu.memory_space<vmem>>, vector<1x16xf32>,
        %get3A_268 = vector.shape_cast %get3A_267 : vector<1x16xf32> to vector<16xf32>
        %max3A_269 = arith.maximumf %get3A_264, %get3A_268 : vector<16xf32>
        %swap3A_270 = arith.index_cast %and3A_108 : i32 to index
        %swap3A_271 = arith.constant 176 : index
        %swap3A_272 = tpu.vector_load %arg12[%swap3A_270, %swap3A_271] {strides = array<i32>} : memref<320x256xf32, #tpu.memory_space<vmem>>, vector<1x16xf32>,
        %swap3A_273 = vector.shape_cast %swap3A_272 : vector<1x16xf32> to vector<16xf32>
        %swap3A_274 = vector.shape_cast %max3A_269 : vector<16xf32> to vector<1x16xf32>
        tpu.vector_store %arg12[%swap3A_270, %swap3A_271], %swap3A_274 {strides = array<i32>} : memref<320x256xf32, #tpu.memory_space<vmem>>, vector<1x16xf32>,
        %get3A_275 = arith.index_cast %and3A_108 : i32 to index
        %get3A_276 = arith.constant 192 : index
        %get3A_277 = tpu.vector_load %arg12[%get3A_275, %get3A_276] {strides = array<i32>} : memref<320x256xf32, #tpu.memory_space<vmem>>, vector<1x16xf32>,
        %get3A_278 = vector.shape_cast %get3A_277 : vector<1x16xf32> to vector<16xf32>
        %get3A_279 = arith.index_cast %while3A_101 : i32 to index
        %get3A_280 = arith.constant 192 : index
        %get3A_281 = tpu.vector_load %arg10[%get3A_279, %get3A_280] {strides = array<i32>} : memref<64x256xf32, #tpu.memory_space<vmem>>, vector<1x16xf32>,
        %get3A_282 = vector.shape_cast %get3A_281 : vector<1x16xf32> to vector<16xf32>
        %max3A_283 = arith.maximumf %get3A_278, %get3A_282 : vector<16xf32>
        %swap3A_284 = arith.index_cast %and3A_108 : i32 to index
        %swap3A_285 = arith.constant 192 : index
        %swap3A_286 = tpu.vector_load %arg12[%swap3A_284, %swap3A_285] {strides = array<i32>} : memref<320x256xf32, #tpu.memory_space<vmem>>, vector<1x16xf32>,
        %swap3A_287 = vector.shape_cast %swap3A_286 : vector<1x16xf32> to vector<16xf32>
        %swap3A_288 = vector.shape_cast %max3A_283 : vector<16xf32> to vector<1x16xf32>
        tpu.vector_store %arg12[%swap3A_284, %swap3A_285], %swap3A_288 {strides = array<i32>} : memref<320x256xf32, #tpu.memory_space<vmem>>, vector<1x16xf32>,
        %get3A_289 = arith.index_cast %and3A_108 : i32 to index
        %get3A_290 = arith.constant 208 : index
        %get3A_291 = tpu.vector_load %arg12[%get3A_289, %get3A_290] {strides = array<i32>} : memref<320x256xf32, #tpu.memory_space<vmem>>, vector<1x16xf32>,
        %get3A_292 = vector.shape_cast %get3A_291 : vector<1x16xf32> to vector<16xf32>
        %get3A_293 = arith.index_cast %while3A_101 : i32 to index
        %get3A_294 = arith.constant 208 : index
        %get3A_295 = tpu.vector_load %arg10[%get3A_293, %get3A_294] {strides = array<i32>} : memref<64x256xf32, #tpu.memory_space<vmem>>, vector<1x16xf32>,
        %get3A_296 = vector.shape_cast %get3A_295 : vector<1x16xf32> to vector<16xf32>
        %max3A_297 = arith.maximumf %get3A_292, %get3A_296 : vector<16xf32>
        %swap3A_298 = arith.index_cast %and3A_108 : i32 to index
        %swap3A_299 = arith.constant 208 : index
        %swap3A_300 = tpu.vector_load %arg12[%swap3A_298, %swap3A_299] {strides = array<i32>} : memref<320x256xf32, #tpu.memory_space<vmem>>, vector<1x16xf32>,
        %swap3A_301 = vector.shape_cast %swap3A_300 : vector<1x16xf32> to vector<16xf32>
        %swap3A_302 = vector.shape_cast %max3A_297 : vector<16xf32> to vector<1x16xf32>
        tpu.vector_store %arg12[%swap3A_298, %swap3A_299], %swap3A_302 {strides = array<i32>} : memref<320x256xf32, #tpu.memory_space<vmem>>, vector<1x16xf32>,
        %get3A_303 = arith.index_cast %and3A_108 : i32 to index
        %get3A_304 = arith.constant 224 : index
        %get3A_305 = tpu.vector_load %arg12[%get3A_303, %get3A_304] {strides = array<i32>} : memref<320x256xf32, #tpu.memory_space<vmem>>, vector<1x16xf32>,
        %get3A_306 = vector.shape_cast %get3A_305 : vector<1x16xf32> to vector<16xf32>
        %get3A_307 = arith.index_cast %while3A_101 : i32 to index
        %get3A_308 = arith.constant 224 : index
        %get3A_309 = tpu.vector_load %arg10[%get3A_307, %get3A_308] {strides = array<i32>} : memref<64x256xf32, #tpu.memory_space<vmem>>, vector<1x16xf32>,
        %get3A_310 = vector.shape_cast %get3A_309 : vector<1x16xf32> to vector<16xf32>
        %max3A_311 = arith.maximumf %get3A_306, %get3A_310 : vector<16xf32>
        %swap3A_312 = arith.index_cast %and3A_108 : i32 to index
        %swap3A_313 = arith.constant 224 : index
        %swap3A_314 = tpu.vector_load %arg12[%swap3A_312, %swap3A_313] {strides = array<i32>} : memref<320x256xf32, #tpu.memory_space<vmem>>, vector<1x16xf32>,
        %swap3A_315 = vector.shape_cast %swap3A_314 : vector<1x16xf32> to vector<16xf32>
        %swap3A_316 = vector.shape_cast %max3A_311 : vector<16xf32> to vector<1x16xf32>
        tpu.vector_store %arg12[%swap3A_312, %swap3A_313], %swap3A_316 {strides = array<i32>} : memref<320x256xf32, #tpu.memory_space<vmem>>, vector<1x16xf32>,
        %get3A_317 = arith.index_cast %and3A_108 : i32 to index
        %get3A_318 = arith.constant 240 : index
        %get3A_319 = tpu.vector_load %arg12[%get3A_317, %get3A_318] {strides = array<i32>} : memref<320x256xf32, #tpu.memory_space<vmem>>, vector<1x16xf32>,
        %get3A_320 = vector.shape_cast %get3A_319 : vector<1x16xf32> to vector<16xf32>
        %get3A_321 = arith.index_cast %while3A_101 : i32 to index
        %get3A_322 = arith.constant 240 : index
        %get3A_323 = tpu.vector_load %arg10[%get3A_321, %get3A_322] {strides = array<i32>} : memref<64x256xf32, #tpu.memory_space<vmem>>, vector<1x16xf32>,
        %get3A_324 = vector.shape_cast %get3A_323 : vector<1x16xf32> to vector<16xf32>
        %max3A_325 = arith.maximumf %get3A_320, %get3A_324 : vector<16xf32>
        %swap3A_326 = arith.index_cast %and3A_108 : i32 to index
        %swap3A_327 = arith.constant 240 : index
        %swap3A_328 = tpu.vector_load %arg12[%swap3A_326, %swap3A_327] {strides = array<i32>} : memref<320x256xf32, #tpu.memory_space<vmem>>, vector<1x16xf32>,
        %swap3A_329 = vector.shape_cast %swap3A_328 : vector<1x16xf32> to vector<16xf32>
        %swap3A_330 = vector.shape_cast %max3A_325 : vector<16xf32> to vector<1x16xf32>
        tpu.vector_store %arg12[%swap3A_326, %swap3A_327], %swap3A_330 {strides = array<i32>} : memref<320x256xf32, #tpu.memory_space<vmem>>, vector<1x16xf32>,
      }
      %while3A_96 = arith.constant 1 : i32
      scf.for %while3A_101 = %while3A_94 to %while3A_90 step %while3A_96  : i32 {
        %get3A_102 = arith.index_cast %while3A_101 : i32 to index
        %get3A_103 = tpu.vector_load %arg6[%get3A_102] {strides = array<i32>} : memref<80xi32, #tpu.memory_space<vmem>>, vector<16xi32>,
        %get3A_104 = vector.shape_cast %get3A_103 : vector<16xi32> to vector<16xi32>
        %slice3A_105 = vector.extract_strided_slice %get3A_104 {offsets = [0], sizes = [1], strides = [1]} : vector<16xi32> to vector<1xi32>
        %squeeze3A_106 = vector.extract %slice3A_105[0] : i32 from vector<1xi32>
        %and3A_107 = arith.constant 511 : i32
        %and3A_108 = arith.andi %squeeze3A_106, %and3A_107 : i32
        %get3A_109 = arith.index_cast %and3A_108 : i32 to index
        %get3A_110 = arith.constant 0 : index
        %get3A_111 = tpu.vector_load %arg12[%get3A_109, %get3A_110] {strides = array<i32>} : memref<320x256xf32, #tpu.memory_space<vmem>>, vector<1x16xf32>,
        %get3A_112 = vector.shape_cast %get3A_111 : vector<1x16xf32> to vector<16xf32>
        %get3A_113 = arith.index_cast %while3A_101 : i32 to index
        %get3A_114 = arith.constant 0 : index
        %get3A_115 = tpu.vector_load %arg10[%get3A_113, %get3A_114] {strides = array<i32>} : memref<64x256xf32, #tpu.memory_space<vmem>>, vector<1x16xf32>,
        %get3A_116 = vector.shape_cast %get3A_115 : vector<1x16xf32> to vector<16xf32>
        %max3A = arith.maximumf %get3A_112, %get3A_116 : vector<16xf32>
        %swap3A = arith.index_cast %and3A_108 : i32 to index
        %swap3A_117 = arith.constant 0 : index
        %swap3A_118 = tpu.vector_load %arg12[%swap3A, %swap3A_117] {strides = array<i32>} : memref<320x256xf32, #tpu.memory_space<vmem>>, vector<1x16xf32>,
        %swap3A_119 = vector.shape_cast %swap3A_118 : vector<1x16xf32> to vector<16xf32>
        %swap3A_120 = vector.shape_cast %max3A : vector<16xf32> to vector<1x16xf32>
        tpu.vector_store %arg12[%swap3A, %swap3A_117], %swap3A_120 {strides = array<i32>} : memref<320x256xf32, #tpu.memory_space<vmem>>, vector<1x16xf32>,
        %get3A_121 = arith.index_cast %and3A_108 : i32 to index
        %get3A_122 = arith.constant 16 : index
        %get3A_123 = tpu.vector_load %arg12[%get3A_121, %get3A_122] {strides = array<i32>} : memref<320x256xf32, #tpu.memory_space<vmem>>, vector<1x16xf32>,
        %get3A_124 = vector.shape_cast %get3A_123 : vector<1x16xf32> to vector<16xf32>
        %get3A_125 = arith.index_cast %while3A_101 : i32 to index
        %get3A_126 = arith.constant 16 : index
        %get3A_127 = tpu.vector_load %arg10[%get3A_125, %get3A_126] {strides = array<i32>} : memref<64x256xf32, #tpu.memory_space<vmem>>, vector<1x16xf32>,
        %get3A_128 = vector.shape_cast %get3A_127 : vector<1x16xf32> to vector<16xf32>
        %max3A_129 = arith.maximumf %get3A_124, %get3A_128 : vector<16xf32>
        %swap3A_130 = arith.index_cast %and3A_108 : i32 to index
        %swap3A_131 = arith.constant 16 : index
        %swap3A_132 = tpu.vector_load %arg12[%swap3A_130, %swap3A_131] {strides = array<i32>} : memref<320x256xf32, #tpu.memory_space<vmem>>, vector<1x16xf32>,
        %swap3A_133 = vector.shape_cast %swap3A_132 : vector<1x16xf32> to vector<16xf32>
        %swap3A_134 = vector.shape_cast %max3A_129 : vector<16xf32> to vector<1x16xf32>
        tpu.vector_store %arg12[%swap3A_130, %swap3A_131], %swap3A_134 {strides = array<i32>} : memref<320x256xf32, #tpu.memory_space<vmem>>, vector<1x16xf32>,
        %get3A_135 = arith.index_cast %and3A_108 : i32 to index
        %get3A_136 = arith.constant 32 : index
        %get3A_137 = tpu.vector_load %arg12[%get3A_135, %get3A_136] {strides = array<i32>} : memref<320x256xf32, #tpu.memory_space<vmem>>, vector<1x16xf32>,
        %get3A_138 = vector.shape_cast %get3A_137 : vector<1x16xf32> to vector<16xf32>
        %get3A_139 = arith.index_cast %while3A_101 : i32 to index
        %get3A_140 = arith.constant 32 : index
        %get3A_141 = tpu.vector_load %arg10[%get3A_139, %get3A_140] {strides = array<i32>} : memref<64x256xf32, #tpu.memory_space<vmem>>, vector<1x16xf32>,
        %get3A_142 = vector.shape_cast %get3A_141 : vector<1x16xf32> to vector<16xf32>
        %max3A_143 = arith.maximumf %get3A_138, %get3A_142 : vector<16xf32>
        %swap3A_144 = arith.index_cast %and3A_108 : i32 to index
        %swap3A_145 = arith.constant 32 : index
        %swap3A_146 = tpu.vector_load %arg12[%swap3A_144, %swap3A_145] {strides = array<i32>} : memref<320x256xf32, #tpu.memory_space<vmem>>, vector<1x16xf32>,
        %swap3A_147 = vector.shape_cast %swap3A_146 : vector<1x16xf32> to vector<16xf32>
        %swap3A_148 = vector.shape_cast %max3A_143 : vector<16xf32> to vector<1x16xf32>
        tpu.vector_store %arg12[%swap3A_144, %swap3A_145], %swap3A_148 {strides = array<i32>} : memref<320x256xf32, #tpu.memory_space<vmem>>, vector<1x16xf32>,
        %get3A_149 = arith.index_cast %and3A_108 : i32 to index
        %get3A_150 = arith.constant 48 : index
        %get3A_151 = tpu.vector_load %arg12[%get3A_149, %get3A_150] {strides = array<i32>} : memref<320x256xf32, #tpu.memory_space<vmem>>, vector<1x16xf32>,
        %get3A_152 = vector.shape_cast %get3A_151 : vector<1x16xf32> to vector<16xf32>
        %get3A_153 = arith.index_cast %while3A_101 : i32 to index
        %get3A_154 = arith.constant 48 : index
        %get3A_155 = tpu.vector_load %arg10[%get3A_153, %get3A_154] {strides = array<i32>} : memref<64x256xf32, #tpu.memory_space<vmem>>, vector<1x16xf32>,
        %get3A_156 = vector.shape_cast %get3A_155 : vector<1x16xf32> to vector<16xf32>
        %max3A_157 = arith.maximumf %get3A_152, %get3A_156 : vector<16xf32>
        %swap3A_158 = arith.index_cast %and3A_108 : i32 to index
        %swap3A_159 = arith.constant 48 : index
        %swap3A_160 = tpu.vector_load %arg12[%swap3A_158, %swap3A_159] {strides = array<i32>} : memref<320x256xf32, #tpu.memory_space<vmem>>, vector<1x16xf32>,
        %swap3A_161 = vector.shape_cast %swap3A_160 : vector<1x16xf32> to vector<16xf32>
        %swap3A_162 = vector.shape_cast %max3A_157 : vector<16xf32> to vector<1x16xf32>
        tpu.vector_store %arg12[%swap3A_158, %swap3A_159], %swap3A_162 {strides = array<i32>} : memref<320x256xf32, #tpu.memory_space<vmem>>, vector<1x16xf32>,
        %get3A_163 = arith.index_cast %and3A_108 : i32 to index
        %get3A_164 = arith.constant 64 : index
        %get3A_165 = tpu.vector_load %arg12[%get3A_163, %get3A_164] {strides = array<i32>} : memref<320x256xf32, #tpu.memory_space<vmem>>, vector<1x16xf32>,
        %get3A_166 = vector.shape_cast %get3A_165 : vector<1x16xf32> to vector<16xf32>
        %get3A_167 = arith.index_cast %while3A_101 : i32 to index
        %get3A_168 = arith.constant 64 : index
        %get3A_169 = tpu.vector_load %arg10[%get3A_167, %get3A_168] {strides = array<i32>} : memref<64x256xf32, #tpu.memory_space<vmem>>, vector<1x16xf32>,
        %get3A_170 = vector.shape_cast %get3A_169 : vector<1x16xf32> to vector<16xf32>
        %max3A_171 = arith.maximumf %get3A_166, %get3A_170 : vector<16xf32>
        %swap3A_172 = arith.index_cast %and3A_108 : i32 to index
        %swap3A_173 = arith.constant 64 : index
        %swap3A_174 = tpu.vector_load %arg12[%swap3A_172, %swap3A_173] {strides = array<i32>} : memref<320x256xf32, #tpu.memory_space<vmem>>, vector<1x16xf32>,
        %swap3A_175 = vector.shape_cast %swap3A_174 : vector<1x16xf32> to vector<16xf32>
        %swap3A_176 = vector.shape_cast %max3A_171 : vector<16xf32> to vector<1x16xf32>
        tpu.vector_store %arg12[%swap3A_172, %swap3A_173], %swap3A_176 {strides = array<i32>} : memref<320x256xf32, #tpu.memory_space<vmem>>, vector<1x16xf32>,
        %get3A_177 = arith.index_cast %and3A_108 : i32 to index
        %get3A_178 = arith.constant 80 : index
        %get3A_179 = tpu.vector_load %arg12[%get3A_177, %get3A_178] {strides = array<i32>} : memref<320x256xf32, #tpu.memory_space<vmem>>, vector<1x16xf32>,
        %get3A_180 = vector.shape_cast %get3A_179 : vector<1x16xf32> to vector<16xf32>
        %get3A_181 = arith.index_cast %while3A_101 : i32 to index
        %get3A_182 = arith.constant 80 : index
        %get3A_183 = tpu.vector_load %arg10[%get3A_181, %get3A_182] {strides = array<i32>} : memref<64x256xf32, #tpu.memory_space<vmem>>, vector<1x16xf32>,
        %get3A_184 = vector.shape_cast %get3A_183 : vector<1x16xf32> to vector<16xf32>
        %max3A_185 = arith.maximumf %get3A_180, %get3A_184 : vector<16xf32>
        %swap3A_186 = arith.index_cast %and3A_108 : i32 to index
        %swap3A_187 = arith.constant 80 : index
        %swap3A_188 = tpu.vector_load %arg12[%swap3A_186, %swap3A_187] {strides = array<i32>} : memref<320x256xf32, #tpu.memory_space<vmem>>, vector<1x16xf32>,
        %swap3A_189 = vector.shape_cast %swap3A_188 : vector<1x16xf32> to vector<16xf32>
        %swap3A_190 = vector.shape_cast %max3A_185 : vector<16xf32> to vector<1x16xf32>
        tpu.vector_store %arg12[%swap3A_186, %swap3A_187], %swap3A_190 {strides = array<i32>} : memref<320x256xf32, #tpu.memory_space<vmem>>, vector<1x16xf32>,
        %get3A_191 = arith.index_cast %and3A_108 : i32 to index
        %get3A_192 = arith.constant 96 : index
        %get3A_193 = tpu.vector_load %arg12[%get3A_191, %get3A_192] {strides = array<i32>} : memref<320x256xf32, #tpu.memory_space<vmem>>, vector<1x16xf32>,
        %get3A_194 = vector.shape_cast %get3A_193 : vector<1x16xf32> to vector<16xf32>
        %get3A_195 = arith.index_cast %while3A_101 : i32 to index
        %get3A_196 = arith.constant 96 : index
        %get3A_197 = tpu.vector_load %arg10[%get3A_195, %get3A_196] {strides = array<i32>} : memref<64x256xf32, #tpu.memory_space<vmem>>, vector<1x16xf32>,
        %get3A_198 = vector.shape_cast %get3A_197 : vector<1x16xf32> to vector<16xf32>
        %max3A_199 = arith.maximumf %get3A_194, %get3A_198 : vector<16xf32>
        %swap3A_200 = arith.index_cast %and3A_108 : i32 to index
        %swap3A_201 = arith.constant 96 : index
        %swap3A_202 = tpu.vector_load %arg12[%swap3A_200, %swap3A_201] {strides = array<i32>} : memref<320x256xf32, #tpu.memory_space<vmem>>, vector<1x16xf32>,
        %swap3A_203 = vector.shape_cast %swap3A_202 : vector<1x16xf32> to vector<16xf32>
        %swap3A_204 = vector.shape_cast %max3A_199 : vector<16xf32> to vector<1x16xf32>
        tpu.vector_store %arg12[%swap3A_200, %swap3A_201], %swap3A_204 {strides = array<i32>} : memref<320x256xf32, #tpu.memory_space<vmem>>, vector<1x16xf32>,
        %get3A_205 = arith.index_cast %and3A_108 : i32 to index
        %get3A_206 = arith.constant 112 : index
        %get3A_207 = tpu.vector_load %arg12[%get3A_205, %get3A_206] {strides = array<i32>} : memref<320x256xf32, #tpu.memory_space<vmem>>, vector<1x16xf32>,
        %get3A_208 = vector.shape_cast %get3A_207 : vector<1x16xf32> to vector<16xf32>
        %get3A_209 = arith.index_cast %while3A_101 : i32 to index
        %get3A_210 = arith.constant 112 : index
        %get3A_211 = tpu.vector_load %arg10[%get3A_209, %get3A_210] {strides = array<i32>} : memref<64x256xf32, #tpu.memory_space<vmem>>, vector<1x16xf32>,
        %get3A_212 = vector.shape_cast %get3A_211 : vector<1x16xf32> to vector<16xf32>
        %max3A_213 = arith.maximumf %get3A_208, %get3A_212 : vector<16xf32>
        %swap3A_214 = arith.index_cast %and3A_108 : i32 to index
        %swap3A_215 = arith.constant 112 : index
        %swap3A_216 = tpu.vector_load %arg12[%swap3A_214, %swap3A_215] {strides = array<i32>} : memref<320x256xf32, #tpu.memory_space<vmem>>, vector<1x16xf32>,
        %swap3A_217 = vector.shape_cast %swap3A_216 : vector<1x16xf32> to vector<16xf32>
        %swap3A_218 = vector.shape_cast %max3A_213 : vector<16xf32> to vector<1x16xf32>
        tpu.vector_store %arg12[%swap3A_214, %swap3A_215], %swap3A_218 {strides = array<i32>} : memref<320x256xf32, #tpu.memory_space<vmem>>, vector<1x16xf32>,
        %get3A_219 = arith.index_cast %and3A_108 : i32 to index
        %get3A_220 = arith.constant 128 : index
        %get3A_221 = tpu.vector_load %arg12[%get3A_219, %get3A_220] {strides = array<i32>} : memref<320x256xf32, #tpu.memory_space<vmem>>, vector<1x16xf32>,
        %get3A_222 = vector.shape_cast %get3A_221 : vector<1x16xf32> to vector<16xf32>
        %get3A_223 = arith.index_cast %while3A_101 : i32 to index
        %get3A_224 = arith.constant 128 : index
        %get3A_225 = tpu.vector_load %arg10[%get3A_223, %get3A_224] {strides = array<i32>} : memref<64x256xf32, #tpu.memory_space<vmem>>, vector<1x16xf32>,
        %get3A_226 = vector.shape_cast %get3A_225 : vector<1x16xf32> to vector<16xf32>
        %max3A_227 = arith.maximumf %get3A_222, %get3A_226 : vector<16xf32>
        %swap3A_228 = arith.index_cast %and3A_108 : i32 to index
        %swap3A_229 = arith.constant 128 : index
        %swap3A_230 = tpu.vector_load %arg12[%swap3A_228, %swap3A_229] {strides = array<i32>} : memref<320x256xf32, #tpu.memory_space<vmem>>, vector<1x16xf32>,
        %swap3A_231 = vector.shape_cast %swap3A_230 : vector<1x16xf32> to vector<16xf32>
        %swap3A_232 = vector.shape_cast %max3A_227 : vector<16xf32> to vector<1x16xf32>
        tpu.vector_store %arg12[%swap3A_228, %swap3A_229], %swap3A_232 {strides = array<i32>} : memref<320x256xf32, #tpu.memory_space<vmem>>, vector<1x16xf32>,
        %get3A_233 = arith.index_cast %and3A_108 : i32 to index
        %get3A_234 = arith.constant 144 : index
        %get3A_235 = tpu.vector_load %arg12[%get3A_233, %get3A_234] {strides = array<i32>} : memref<320x256xf32, #tpu.memory_space<vmem>>, vector<1x16xf32>,
        %get3A_236 = vector.shape_cast %get3A_235 : vector<1x16xf32> to vector<16xf32>
        %get3A_237 = arith.index_cast %while3A_101 : i32 to index
        %get3A_238 = arith.constant 144 : index
        %get3A_239 = tpu.vector_load %arg10[%get3A_237, %get3A_238] {strides = array<i32>} : memref<64x256xf32, #tpu.memory_space<vmem>>, vector<1x16xf32>,
        %get3A_240 = vector.shape_cast %get3A_239 : vector<1x16xf32> to vector<16xf32>
        %max3A_241 = arith.maximumf %get3A_236, %get3A_240 : vector<16xf32>
        %swap3A_242 = arith.index_cast %and3A_108 : i32 to index
        %swap3A_243 = arith.constant 144 : index
        %swap3A_244 = tpu.vector_load %arg12[%swap3A_242, %swap3A_243] {strides = array<i32>} : memref<320x256xf32, #tpu.memory_space<vmem>>, vector<1x16xf32>,
        %swap3A_245 = vector.shape_cast %swap3A_244 : vector<1x16xf32> to vector<16xf32>
        %swap3A_246 = vector.shape_cast %max3A_241 : vector<16xf32> to vector<1x16xf32>
        tpu.vector_store %arg12[%swap3A_242, %swap3A_243], %swap3A_246 {strides = array<i32>} : memref<320x256xf32, #tpu.memory_space<vmem>>, vector<1x16xf32>,
        %get3A_247 = arith.index_cast %and3A_108 : i32 to index
        %get3A_248 = arith.constant 160 : index
        %get3A_249 = tpu.vector_load %arg12[%get3A_247, %get3A_248] {strides = array<i32>} : memref<320x256xf32, #tpu.memory_space<vmem>>, vector<1x16xf32>,
        %get3A_250 = vector.shape_cast %get3A_249 : vector<1x16xf32> to vector<16xf32>
        %get3A_251 = arith.index_cast %while3A_101 : i32 to index
        %get3A_252 = arith.constant 160 : index
        %get3A_253 = tpu.vector_load %arg10[%get3A_251, %get3A_252] {strides = array<i32>} : memref<64x256xf32, #tpu.memory_space<vmem>>, vector<1x16xf32>,
        %get3A_254 = vector.shape_cast %get3A_253 : vector<1x16xf32> to vector<16xf32>
        %max3A_255 = arith.maximumf %get3A_250, %get3A_254 : vector<16xf32>
        %swap3A_256 = arith.index_cast %and3A_108 : i32 to index
        %swap3A_257 = arith.constant 160 : index
        %swap3A_258 = tpu.vector_load %arg12[%swap3A_256, %swap3A_257] {strides = array<i32>} : memref<320x256xf32, #tpu.memory_space<vmem>>, vector<1x16xf32>,
        %swap3A_259 = vector.shape_cast %swap3A_258 : vector<1x16xf32> to vector<16xf32>
        %swap3A_260 = vector.shape_cast %max3A_255 : vector<16xf32> to vector<1x16xf32>
        tpu.vector_store %arg12[%swap3A_256, %swap3A_257], %swap3A_260 {strides = array<i32>} : memref<320x256xf32, #tpu.memory_space<vmem>>, vector<1x16xf32>,
        %get3A_261 = arith.index_cast %and3A_108 : i32 to index
        %get3A_262 = arith.constant 176 : index
        %get3A_263 = tpu.vector_load %arg12[%get3A_261, %get3A_262] {strides = array<i32>} : memref<320x256xf32, #tpu.memory_space<vmem>>, vector<1x16xf32>,
        %get3A_264 = vector.shape_cast %get3A_263 : vector<1x16xf32> to vector<16xf32>
        %get3A_265 = arith.index_cast %while3A_101 : i32 to index
        %get3A_266 = arith.constant 176 : index
        %get3A_267 = tpu.vector_load %arg10[%get3A_265, %get3A_266] {strides = array<i32>} : memref<64x256xf32, #tpu.memory_space<vmem>>, vector<1x16xf32>,
        %get3A_268 = vector.shape_cast %get3A_267 : vector<1x16xf32> to vector<16xf32>
        %max3A_269 = arith.maximumf %get3A_264, %get3A_268 : vector<16xf32>
        %swap3A_270 = arith.index_cast %and3A_108 : i32 to index
        %swap3A_271 = arith.constant 176 : index
        %swap3A_272 = tpu.vector_load %arg12[%swap3A_270, %swap3A_271] {strides = array<i32>} : memref<320x256xf32, #tpu.memory_space<vmem>>, vector<1x16xf32>,
        %swap3A_273 = vector.shape_cast %swap3A_272 : vector<1x16xf32> to vector<16xf32>
        %swap3A_274 = vector.shape_cast %max3A_269 : vector<16xf32> to vector<1x16xf32>
        tpu.vector_store %arg12[%swap3A_270, %swap3A_271], %swap3A_274 {strides = array<i32>} : memref<320x256xf32, #tpu.memory_space<vmem>>, vector<1x16xf32>,
        %get3A_275 = arith.index_cast %and3A_108 : i32 to index
        %get3A_276 = arith.constant 192 : index
        %get3A_277 = tpu.vector_load %arg12[%get3A_275, %get3A_276] {strides = array<i32>} : memref<320x256xf32, #tpu.memory_space<vmem>>, vector<1x16xf32>,
        %get3A_278 = vector.shape_cast %get3A_277 : vector<1x16xf32> to vector<16xf32>
        %get3A_279 = arith.index_cast %while3A_101 : i32 to index
        %get3A_280 = arith.constant 192 : index
        %get3A_281 = tpu.vector_load %arg10[%get3A_279, %get3A_280] {strides = array<i32>} : memref<64x256xf32, #tpu.memory_space<vmem>>, vector<1x16xf32>,
        %get3A_282 = vector.shape_cast %get3A_281 : vector<1x16xf32> to vector<16xf32>
        %max3A_283 = arith.maximumf %get3A_278, %get3A_282 : vector<16xf32>
        %swap3A_284 = arith.index_cast %and3A_108 : i32 to index
        %swap3A_285 = arith.constant 192 : index
        %swap3A_286 = tpu.vector_load %arg12[%swap3A_284, %swap3A_285] {strides = array<i32>} : memref<320x256xf32, #tpu.memory_space<vmem>>, vector<1x16xf32>,
        %swap3A_287 = vector.shape_cast %swap3A_286 : vector<1x16xf32> to vector<16xf32>
        %swap3A_288 = vector.shape_cast %max3A_283 : vector<16xf32> to vector<1x16xf32>
        tpu.vector_store %arg12[%swap3A_284, %swap3A_285], %swap3A_288 {strides = array<i32>} : memref<320x256xf32, #tpu.memory_space<vmem>>, vector<1x16xf32>,
        %get3A_289 = arith.index_cast %and3A_108 : i32 to index
        %get3A_290 = arith.constant 208 : index
        %get3A_291 = tpu.vector_load %arg12[%get3A_289, %get3A_290] {strides = array<i32>} : memref<320x256xf32, #tpu.memory_space<vmem>>, vector<1x16xf32>,
        %get3A_292 = vector.shape_cast %get3A_291 : vector<1x16xf32> to vector<16xf32>
        %get3A_293 = arith.index_cast %while3A_101 : i32 to index
        %get3A_294 = arith.constant 208 : index
        %get3A_295 = tpu.vector_load %arg10[%get3A_293, %get3A_294] {strides = array<i32>} : memref<64x256xf32, #tpu.memory_space<vmem>>, vector<1x16xf32>,
        %get3A_296 = vector.shape_cast %get3A_295 : vector<1x16xf32> to vector<16xf32>
        %max3A_297 = arith.maximumf %get3A_292, %get3A_296 : vector<16xf32>
        %swap3A_298 = arith.index_cast %and3A_108 : i32 to index
        %swap3A_299 = arith.constant 208 : index
        %swap3A_300 = tpu.vector_load %arg12[%swap3A_298, %swap3A_299] {strides = array<i32>} : memref<320x256xf32, #tpu.memory_space<vmem>>, vector<1x16xf32>,
        %swap3A_301 = vector.shape_cast %swap3A_300 : vector<1x16xf32> to vector<16xf32>
        %swap3A_302 = vector.shape_cast %max3A_297 : vector<16xf32> to vector<1x16xf32>
        tpu.vector_store %arg12[%swap3A_298, %swap3A_299], %swap3A_302 {strides = array<i32>} : memref<320x256xf32, #tpu.memory_space<vmem>>, vector<1x16xf32>,
        %get3A_303 = arith.index_cast %and3A_108 : i32 to index
        %get3A_304 = arith.constant 224 : index
        %get3A_305 = tpu.vector_load %arg12[%get3A_303, %get3A_304] {strides = array<i32>} : memref<320x256xf32, #tpu.memory_space<vmem>>, vector<1x16xf32>,
        %get3A_306 = vector.shape_cast %get3A_305 : vector<1x16xf32> to vector<16xf32>
        %get3A_307 = arith.index_cast %while3A_101 : i32 to index
        %get3A_308 = arith.constant 224 : index
        %get3A_309 = tpu.vector_load %arg10[%get3A_307, %get3A_308] {strides = array<i32>} : memref<64x256xf32, #tpu.memory_space<vmem>>, vector<1x16xf32>,
        %get3A_310 = vector.shape_cast %get3A_309 : vector<1x16xf32> to vector<16xf32>
        %max3A_311 = arith.maximumf %get3A_306, %get3A_310 : vector<16xf32>
        %swap3A_312 = arith.index_cast %and3A_108 : i32 to index
        %swap3A_313 = arith.constant 224 : index
        %swap3A_314 = tpu.vector_load %arg12[%swap3A_312, %swap3A_313] {strides = array<i32>} : memref<320x256xf32, #tpu.memory_space<vmem>>, vector<1x16xf32>,
        %swap3A_315 = vector.shape_cast %swap3A_314 : vector<1x16xf32> to vector<16xf32>
        %swap3A_316 = vector.shape_cast %max3A_311 : vector<16xf32> to vector<1x16xf32>
        tpu.vector_store %arg12[%swap3A_312, %swap3A_313], %swap3A_316 {strides = array<i32>} : memref<320x256xf32, #tpu.memory_space<vmem>>, vector<1x16xf32>,
        %get3A_317 = arith.index_cast %and3A_108 : i32 to index
        %get3A_318 = arith.constant 240 : index
        %get3A_319 = tpu.vector_load %arg12[%get3A_317, %get3A_318] {strides = array<i32>} : memref<320x256xf32, #tpu.memory_space<vmem>>, vector<1x16xf32>,
        %get3A_320 = vector.shape_cast %get3A_319 : vector<1x16xf32> to vector<16xf32>
        %get3A_321 = arith.index_cast %while3A_101 : i32 to index
        %get3A_322 = arith.constant 240 : index
        %get3A_323 = tpu.vector_load %arg10[%get3A_321, %get3A_322] {strides = array<i32>} : memref<64x256xf32, #tpu.memory_space<vmem>>, vector<1x16xf32>,
        %get3A_324 = vector.shape_cast %get3A_323 : vector<1x16xf32> to vector<16xf32>
        %max3A_325 = arith.maximumf %get3A_320, %get3A_324 : vector<16xf32>
        %swap3A_326 = arith.index_cast %and3A_108 : i32 to index
        %swap3A_327 = arith.constant 240 : index
        %swap3A_328 = tpu.vector_load %arg12[%swap3A_326, %swap3A_327] {strides = array<i32>} : memref<320x256xf32, #tpu.memory_space<vmem>>, vector<1x16xf32>,
        %swap3A_329 = vector.shape_cast %swap3A_328 : vector<1x16xf32> to vector<16xf32>
        %swap3A_330 = vector.shape_cast %max3A_325 : vector<16xf32> to vector<1x16xf32>
        tpu.vector_store %arg12[%swap3A_326, %swap3A_327], %swap3A_330 {strides = array<i32>} : memref<320x256xf32, #tpu.memory_space<vmem>>, vector<1x16xf32>,
      }
      %lt3A_97 = arith.cmpi slt, %add3A_77, %select_n3A : i32
      %convert_element_type3A_98 = arith.extui %lt3A_97 : i1 to i32
      %cond3A_99 = arith.constant 0 : i32
      %cond3A_100 = arith.cmpi ne, %convert_element_type3A_98, %cond3A_99 : i32
      scf.if %cond3A_100 {
        %add3A_101 = arith.constant 1 : i32
        %add3A_102 = arith.addi %add3A_77, %add3A_101 : i32
        %lt3A_103 = arith.cmpi slt, %add3A_102, %select_n3A : i32
        %convert_element_type3A_104 = arith.extui %lt3A_103 : i1 to i32
        %cond3A_105 = arith.constant 0 : i32
        %cond3A_106 = arith.cmpi ne, %convert_element_type3A_104, %cond3A_105 : i32
        scf.if %cond3A_106 {
          %add3A_125 = arith.constant 1 : i32
          %add3A_126 = arith.addi %add3A_77, %add3A_125 : i32
          %mul3A_127 = arith.constant 64 : i32
          %mul3A_128 = arith.muli %add3A_126, %mul3A_127 : i32
          %add3A_129 = arith.addi %mul3A_4, %mul3A_128 : i32
          %multiple_of3A_130 = tpu.assume_multiple %add3A_129, 8 : i32
          "tpu.region"() ({
            %run_scoped3A = tpu.sem_alloc : memref<!tpu.dma_semaphore, #tpu.memory_space<semaphore_mem>>
            %dma_start3A_194 = arith.constant 0 : i32
            %dma_start3A_195 = tpu.memref_slice %arg6[%dma_start3A_194] : memref<80xi32, #tpu.memory_space<vmem>> -> memref<64xi32, #tpu.memory_space<vmem>>
            %dma_start3A_196 = tpu.memref_slice %arg3[%multiple_of3A_130] : memref<10373120xi32, #tpu.memory_space<hbm>> -> memref<64xi32, #tpu.memory_space<hbm>>
            %dma_start3A_197 = arith.constant 0 : i32
            %dma_start3A_198 = tpu.memref_slice %arg6[%dma_start3A_197] : memref<80xi32, #tpu.memory_space<vmem>> -> memref<64xi32, #tpu.memory_space<vmem>>
            %dma_start3A_199 = tpu.memref_slice %arg3[%multiple_of3A_130] : memref<10373120xi32, #tpu.memory_space<hbm>> -> memref<64xi32, #tpu.memory_space<hbm>>
            tpu.enqueue_dma source(%dma_start3A_199 : memref<64xi32, #tpu.memory_space<hbm>>) target(%dma_start3A_198 : memref<64xi32, #tpu.memory_space<vmem>>) target_semaphore(%run_scoped3A : memref<!tpu.dma_semaphore, #tpu.memory_space<semaphore_mem>>)
            %dma_wait3A_200 = arith.constant 0 : i32
            %dma_wait3A_201 = tpu.memref_slice %arg6[%dma_wait3A_200] : memref<80xi32, #tpu.memory_space<vmem>> -> memref<64xi32, #tpu.memory_space<vmem>>
            %dma_wait3A_202 = tpu.memref_slice %arg3[%multiple_of3A_130] : memref<10373120xi32, #tpu.memory_space<hbm>> -> memref<64xi32, #tpu.memory_space<hbm>>
            %dma_wait3A_203 = arith.constant 0 : i32
            %dma_wait3A_204 = tpu.memref_slice %arg6[%dma_wait3A_203] : memref<80xi32, #tpu.memory_space<vmem>> -> memref<64xi32, #tpu.memory_space<vmem>>
            %dma_wait3A_205 = tpu.memref_slice %arg3[%multiple_of3A_130] : memref<10373120xi32, #tpu.memory_space<hbm>> -> memref<64xi32, #tpu.memory_space<hbm>>
            tpu.wait_dma2 semaphore(%run_scoped3A : memref<!tpu.dma_semaphore, #tpu.memory_space<semaphore_mem>>) src(%dma_wait3A_205 : memref<64xi32, #tpu.memory_space<hbm>>) dst(%dma_wait3A_204 : memref<64xi32, #tpu.memory_space<vmem>>)
            tpu.yield
          }) : () -> ()
          %get3A_131 = arith.constant 0 : index
          %get3A_132 = tpu.vector_load %arg6[%get3A_131] {strides = array<i32>} : memref<80xi32, #tpu.memory_space<vmem>>, vector<16xi32>,
          %get3A_133 = vector.shape_cast %get3A_132 : vector<16xi32> to vector<16xi32>
          %shift_right_arithmetic3A = arith.constant 9 : i32
          %shift_right_arithmetic3A_134 = vector.broadcast %shift_right_arithmetic3A : i32 to vector<16xi32>
          %shift_right_arithmetic3A_135 = arith.shrsi %get3A_133, %shift_right_arithmetic3A_134 : vector<16xi32>
          %max3A = arith.constant 0 : i32
          %max3A_136 = vector.broadcast %max3A : i32 to vector<16xi32>
          %max3A_137 = arith.maxsi %shift_right_arithmetic3A_135, %max3A_136 : vector<16xi32>
          %min3A_138 = arith.constant 319999 : i32
          %min3A_139 = vector.broadcast %min3A_138 : i32 to vector<16xi32>
          %min3A_140 = arith.minsi %max3A_137, %min3A_139 : vector<16xi32>
          %swap3A = arith.constant 0 : index
          %swap3A_141 = tpu.vector_load %arg8[%swap3A] {strides = array<i32>} : memref<64xi32, #tpu.memory_space<vmem>>, vector<16xi32>,
          %swap3A_142 = vector.shape_cast %swap3A_141 : vector<16xi32> to vector<16xi32>
          %swap3A_143 = vector.shape_cast %min3A_140 : vector<16xi32> to vector<16xi32>
          tpu.vector_store %arg8[%swap3A], %swap3A_143 {strides = array<i32>} : memref<64xi32, #tpu.memory_space<vmem>>, vector<16xi32>,
          %get3A_144 = arith.constant 16 : index
          %get3A_145 = tpu.vector_load %arg6[%get3A_144] {strides = array<i32>} : memref<80xi32, #tpu.memory_space<vmem>>, vector<16xi32>,
          %get3A_146 = vector.shape_cast %get3A_145 : vector<16xi32> to vector<16xi32>
          %shift_right_arithmetic3A_147 = arith.constant 9 : i32
          %shift_right_arithmetic3A_148 = vector.broadcast %shift_right_arithmetic3A_147 : i32 to vector<16xi32>
          %shift_right_arithmetic3A_149 = arith.shrsi %get3A_146, %shift_right_arithmetic3A_148 : vector<16xi32>
          %max3A_150 = arith.constant 0 : i32
          %max3A_151 = vector.broadcast %max3A_150 : i32 to vector<16xi32>
          %max3A_152 = arith.maxsi %shift_right_arithmetic3A_149, %max3A_151 : vector<16xi32>
          %min3A_153 = arith.constant 319999 : i32
          %min3A_154 = vector.broadcast %min3A_153 : i32 to vector<16xi32>
          %min3A_155 = arith.minsi %max3A_152, %min3A_154 : vector<16xi32>
          %swap3A_156 = arith.constant 16 : index
          %swap3A_157 = tpu.vector_load %arg8[%swap3A_156] {strides = array<i32>} : memref<64xi32, #tpu.memory_space<vmem>>, vector<16xi32>,
          %swap3A_158 = vector.shape_cast %swap3A_157 : vector<16xi32> to vector<16xi32>
          %swap3A_159 = vector.shape_cast %min3A_155 : vector<16xi32> to vector<16xi32>
          tpu.vector_store %arg8[%swap3A_156], %swap3A_159 {strides = array<i32>} : memref<64xi32, #tpu.memory_space<vmem>>, vector<16xi32>,
          %get3A_160 = arith.constant 32 : index
          %get3A_161 = tpu.vector_load %arg6[%get3A_160] {strides = array<i32>} : memref<80xi32, #tpu.memory_space<vmem>>, vector<16xi32>,
          %get3A_162 = vector.shape_cast %get3A_161 : vector<16xi32> to vector<16xi32>
          %shift_right_arithmetic3A_163 = arith.constant 9 : i32
          %shift_right_arithmetic3A_164 = vector.broadcast %shift_right_arithmetic3A_163 : i32 to vector<16xi32>
          %shift_right_arithmetic3A_165 = arith.shrsi %get3A_162, %shift_right_arithmetic3A_164 : vector<16xi32>
          %max3A_166 = arith.constant 0 : i32
          %max3A_167 = vector.broadcast %max3A_166 : i32 to vector<16xi32>
          %max3A_168 = arith.maxsi %shift_right_arithmetic3A_165, %max3A_167 : vector<16xi32>
          %min3A_169 = arith.constant 319999 : i32
          %min3A_170 = vector.broadcast %min3A_169 : i32 to vector<16xi32>
          %min3A_171 = arith.minsi %max3A_168, %min3A_170 : vector<16xi32>
          %swap3A_172 = arith.constant 32 : index
          %swap3A_173 = tpu.vector_load %arg8[%swap3A_172] {strides = array<i32>} : memref<64xi32, #tpu.memory_space<vmem>>, vector<16xi32>,
          %swap3A_174 = vector.shape_cast %swap3A_173 : vector<16xi32> to vector<16xi32>
          %swap3A_175 = vector.shape_cast %min3A_171 : vector<16xi32> to vector<16xi32>
          tpu.vector_store %arg8[%swap3A_172], %swap3A_175 {strides = array<i32>} : memref<64xi32, #tpu.memory_space<vmem>>, vector<16xi32>,
          %get3A_176 = arith.constant 48 : index
          %get3A_177 = tpu.vector_load %arg6[%get3A_176] {strides = array<i32>} : memref<80xi32, #tpu.memory_space<vmem>>, vector<16xi32>,
          %get3A_178 = vector.shape_cast %get3A_177 : vector<16xi32> to vector<16xi32>
          %shift_right_arithmetic3A_179 = arith.constant 9 : i32
          %shift_right_arithmetic3A_180 = vector.broadcast %shift_right_arithmetic3A_179 : i32 to vector<16xi32>
          %shift_right_arithmetic3A_181 = arith.shrsi %get3A_178, %shift_right_arithmetic3A_180 : vector<16xi32>
          %max3A_182 = arith.constant 0 : i32
          %max3A_183 = vector.broadcast %max3A_182 : i32 to vector<16xi32>
          %max3A_184 = arith.maxsi %shift_right_arithmetic3A_181, %max3A_183 : vector<16xi32>
          %min3A_185 = arith.constant 319999 : i32
          %min3A_186 = vector.broadcast %min3A_185 : i32 to vector<16xi32>
          %min3A_187 = arith.minsi %max3A_184, %min3A_186 : vector<16xi32>
          %swap3A_188 = arith.constant 48 : index
          %swap3A_189 = tpu.vector_load %arg8[%swap3A_188] {strides = array<i32>} : memref<64xi32, #tpu.memory_space<vmem>>, vector<16xi32>,
          %swap3A_190 = vector.shape_cast %swap3A_189 : vector<16xi32> to vector<16xi32>
          %swap3A_191 = vector.shape_cast %min3A_187 : vector<16xi32> to vector<16xi32>
          tpu.vector_store %arg8[%swap3A_188], %swap3A_191 {strides = array<i32>} : memref<64xi32, #tpu.memory_space<vmem>>, vector<16xi32>,
          %dma_start3A = arith.constant 0 : i32
          %dma_start3A_192 = arith.constant 0 : i32
          %dma_start3A_193 = tpu.memref_slice %arg2[%dma_start3A, %dma_start3A_192] : memref<320000x256xf32, #tpu.memory_space<hbm>> -> memref<320000x256xf32, #tpu.memory_space<hbm>>
          tpu.enqueue_indirect_dma source(%dma_start3A_193 : memref<320000x256xf32, #tpu.memory_space<hbm>>) target(%arg10 : memref<64x256xf32, #tpu.memory_space<vmem>>) offsets(%arg8 : memref<64xi32, #tpu.memory_space<vmem>>) semaphore(%arg14 : memref<!tpu.dma_semaphore, #tpu.memory_space<semaphore_mem>>)
        } else {
        }
        %dma_wait3A_107 = arith.constant 0 : i32
        %dma_wait3A_108 = arith.constant 0 : i32
        %dma_wait3A_109 = tpu.memref_slice %arg2[%dma_wait3A_107, %dma_wait3A_108] : memref<320000x256xf32, #tpu.memory_space<hbm>> -> memref<320000x256xf32, #tpu.memory_space<hbm>>
        tpu.wait_indirect_dma semaphore(%arg15 : memref<!tpu.dma_semaphore, #tpu.memory_space<semaphore_mem>>) src(%dma_wait3A_109 : memref<320000x256xf32, #tpu.memory_space<hbm>>) dst(%arg11 : memref<64x256xf32, #tpu.memory_space<vmem>>)
        %mul3A_110 = arith.constant 64 : i32
        %mul3A_111 = arith.muli %add3A_77, %mul3A_110 : i32
        %sub3A_112 = arith.subi %squeeze3A, %mul3A_111 : i32
        %min3A_113 = arith.constant 64 : i32
        %min3A_114 = arith.minsi %min3A_113, %sub3A_112 : i32
        %while3A_115 = arith.constant 0 : i32
        %while3A_116 = arith.constant 0 : i32
        %while3A_117 = arith.subi %min3A_114, %while3A_116 : i32
        %while3A_118 = arith.addi %while3A_116, %while3A_117 : i32
        %while3A_119 = arith.constant 1 : i32
        %while3A_120 = arith.divsi %while3A_117, %while3A_119 : i32
        %while3A_121 = arith.muli %while3A_120, %while3A_119 : i32
        %while3A_122 = arith.addi %while3A_116, %while3A_121 : i32
        %while3A_123 = arith.constant 1 : i32
        scf.for %while3A_125 = %while3A_116 to %while3A_122 step %while3A_123  : i32 {
          %get3A_126 = arith.index_cast %while3A_125 : i32 to index
          %get3A_127 = tpu.vector_load %arg7[%get3A_126] {strides = array<i32>} : memref<80xi32, #tpu.memory_space<vmem>>, vector<16xi32>,
          %get3A_128 = vector.shape_cast %get3A_127 : vector<16xi32> to vector<16xi32>
          %slice3A_129 = vector.extract_strided_slice %get3A_128 {offsets = [0], sizes = [1], strides = [1]} : vector<16xi32> to vector<1xi32>
          %squeeze3A_130 = vector.extract %slice3A_129[0] : i32 from vector<1xi32>
          %and3A_131 = arith.constant 511 : i32
          %and3A_132 = arith.andi %squeeze3A_130, %and3A_131 : i32
          %get3A_133 = arith.index_cast %and3A_132 : i32 to index
          %get3A_134 = arith.constant 0 : index
          %get3A_135 = tpu.vector_load %arg12[%get3A_133, %get3A_134] {strides = array<i32>} : memref<320x256xf32, #tpu.memory_space<vmem>>, vector<1x16xf32>,
          %get3A_136 = vector.shape_cast %get3A_135 : vector<1x16xf32> to vector<16xf32>
          %get3A_137 = arith.index_cast %while3A_125 : i32 to index
          %get3A_138 = arith.constant 0 : index
          %get3A_139 = tpu.vector_load %arg11[%get3A_137, %get3A_138] {strides = array<i32>} : memref<64x256xf32, #tpu.memory_space<vmem>>, vector<1x16xf32>,
          %get3A_140 = vector.shape_cast %get3A_139 : vector<1x16xf32> to vector<16xf32>
          %max3A = arith.maximumf %get3A_136, %get3A_140 : vector<16xf32>
          %swap3A = arith.index_cast %and3A_132 : i32 to index
          %swap3A_141 = arith.constant 0 : index
          %swap3A_142 = tpu.vector_load %arg12[%swap3A, %swap3A_141] {strides = array<i32>} : memref<320x256xf32, #tpu.memory_space<vmem>>, vector<1x16xf32>,
          %swap3A_143 = vector.shape_cast %swap3A_142 : vector<1x16xf32> to vector<16xf32>
          %swap3A_144 = vector.shape_cast %max3A : vector<16xf32> to vector<1x16xf32>
          tpu.vector_store %arg12[%swap3A, %swap3A_141], %swap3A_144 {strides = array<i32>} : memref<320x256xf32, #tpu.memory_space<vmem>>, vector<1x16xf32>,
          %get3A_145 = arith.index_cast %and3A_132 : i32 to index
          %get3A_146 = arith.constant 16 : index
          %get3A_147 = tpu.vector_load %arg12[%get3A_145, %get3A_146] {strides = array<i32>} : memref<320x256xf32, #tpu.memory_space<vmem>>, vector<1x16xf32>,
          %get3A_148 = vector.shape_cast %get3A_147 : vector<1x16xf32> to vector<16xf32>
          %get3A_149 = arith.index_cast %while3A_125 : i32 to index
          %get3A_150 = arith.constant 16 : index
          %get3A_151 = tpu.vector_load %arg11[%get3A_149, %get3A_150] {strides = array<i32>} : memref<64x256xf32, #tpu.memory_space<vmem>>, vector<1x16xf32>,
          %get3A_152 = vector.shape_cast %get3A_151 : vector<1x16xf32> to vector<16xf32>
          %max3A_153 = arith.maximumf %get3A_148, %get3A_152 : vector<16xf32>
          %swap3A_154 = arith.index_cast %and3A_132 : i32 to index
          %swap3A_155 = arith.constant 16 : index
          %swap3A_156 = tpu.vector_load %arg12[%swap3A_154, %swap3A_155] {strides = array<i32>} : memref<320x256xf32, #tpu.memory_space<vmem>>, vector<1x16xf32>,
          %swap3A_157 = vector.shape_cast %swap3A_156 : vector<1x16xf32> to vector<16xf32>
          %swap3A_158 = vector.shape_cast %max3A_153 : vector<16xf32> to vector<1x16xf32>
          tpu.vector_store %arg12[%swap3A_154, %swap3A_155], %swap3A_158 {strides = array<i32>} : memref<320x256xf32, #tpu.memory_space<vmem>>, vector<1x16xf32>,
          %get3A_159 = arith.index_cast %and3A_132 : i32 to index
          %get3A_160 = arith.constant 32 : index
          %get3A_161 = tpu.vector_load %arg12[%get3A_159, %get3A_160] {strides = array<i32>} : memref<320x256xf32, #tpu.memory_space<vmem>>, vector<1x16xf32>,
          %get3A_162 = vector.shape_cast %get3A_161 : vector<1x16xf32> to vector<16xf32>
          %get3A_163 = arith.index_cast %while3A_125 : i32 to index
          %get3A_164 = arith.constant 32 : index
          %get3A_165 = tpu.vector_load %arg11[%get3A_163, %get3A_164] {strides = array<i32>} : memref<64x256xf32, #tpu.memory_space<vmem>>, vector<1x16xf32>,
          %get3A_166 = vector.shape_cast %get3A_165 : vector<1x16xf32> to vector<16xf32>
          %max3A_167 = arith.maximumf %get3A_162, %get3A_166 : vector<16xf32>
          %swap3A_168 = arith.index_cast %and3A_132 : i32 to index
          %swap3A_169 = arith.constant 32 : index
          %swap3A_170 = tpu.vector_load %arg12[%swap3A_168, %swap3A_169] {strides = array<i32>} : memref<320x256xf32, #tpu.memory_space<vmem>>, vector<1x16xf32>,
          %swap3A_171 = vector.shape_cast %swap3A_170 : vector<1x16xf32> to vector<16xf32>
          %swap3A_172 = vector.shape_cast %max3A_167 : vector<16xf32> to vector<1x16xf32>
          tpu.vector_store %arg12[%swap3A_168, %swap3A_169], %swap3A_172 {strides = array<i32>} : memref<320x256xf32, #tpu.memory_space<vmem>>, vector<1x16xf32>,
          %get3A_173 = arith.index_cast %and3A_132 : i32 to index
          %get3A_174 = arith.constant 48 : index
          %get3A_175 = tpu.vector_load %arg12[%get3A_173, %get3A_174] {strides = array<i32>} : memref<320x256xf32, #tpu.memory_space<vmem>>, vector<1x16xf32>,
          %get3A_176 = vector.shape_cast %get3A_175 : vector<1x16xf32> to vector<16xf32>
          %get3A_177 = arith.index_cast %while3A_125 : i32 to index
          %get3A_178 = arith.constant 48 : index
          %get3A_179 = tpu.vector_load %arg11[%get3A_177, %get3A_178] {strides = array<i32>} : memref<64x256xf32, #tpu.memory_space<vmem>>, vector<1x16xf32>,
          %get3A_180 = vector.shape_cast %get3A_179 : vector<1x16xf32> to vector<16xf32>
          %max3A_181 = arith.maximumf %get3A_176, %get3A_180 : vector<16xf32>
          %swap3A_182 = arith.index_cast %and3A_132 : i32 to index
          %swap3A_183 = arith.constant 48 : index
          %swap3A_184 = tpu.vector_load %arg12[%swap3A_182, %swap3A_183] {strides = array<i32>} : memref<320x256xf32, #tpu.memory_space<vmem>>, vector<1x16xf32>,
          %swap3A_185 = vector.shape_cast %swap3A_184 : vector<1x16xf32> to vector<16xf32>
          %swap3A_186 = vector.shape_cast %max3A_181 : vector<16xf32> to vector<1x16xf32>
          tpu.vector_store %arg12[%swap3A_182, %swap3A_183], %swap3A_186 {strides = array<i32>} : memref<320x256xf32, #tpu.memory_space<vmem>>, vector<1x16xf32>,
          %get3A_187 = arith.index_cast %and3A_132 : i32 to index
          %get3A_188 = arith.constant 64 : index
          %get3A_189 = tpu.vector_load %arg12[%get3A_187, %get3A_188] {strides = array<i32>} : memref<320x256xf32, #tpu.memory_space<vmem>>, vector<1x16xf32>,
          %get3A_190 = vector.shape_cast %get3A_189 : vector<1x16xf32> to vector<16xf32>
          %get3A_191 = arith.index_cast %while3A_125 : i32 to index
          %get3A_192 = arith.constant 64 : index
          %get3A_193 = tpu.vector_load %arg11[%get3A_191, %get3A_192] {strides = array<i32>} : memref<64x256xf32, #tpu.memory_space<vmem>>, vector<1x16xf32>,
          %get3A_194 = vector.shape_cast %get3A_193 : vector<1x16xf32> to vector<16xf32>
          %max3A_195 = arith.maximumf %get3A_190, %get3A_194 : vector<16xf32>
          %swap3A_196 = arith.index_cast %and3A_132 : i32 to index
          %swap3A_197 = arith.constant 64 : index
          %swap3A_198 = tpu.vector_load %arg12[%swap3A_196, %swap3A_197] {strides = array<i32>} : memref<320x256xf32, #tpu.memory_space<vmem>>, vector<1x16xf32>,
          %swap3A_199 = vector.shape_cast %swap3A_198 : vector<1x16xf32> to vector<16xf32>
          %swap3A_200 = vector.shape_cast %max3A_195 : vector<16xf32> to vector<1x16xf32>
          tpu.vector_store %arg12[%swap3A_196, %swap3A_197], %swap3A_200 {strides = array<i32>} : memref<320x256xf32, #tpu.memory_space<vmem>>, vector<1x16xf32>,
          %get3A_201 = arith.index_cast %and3A_132 : i32 to index
          %get3A_202 = arith.constant 80 : index
          %get3A_203 = tpu.vector_load %arg12[%get3A_201, %get3A_202] {strides = array<i32>} : memref<320x256xf32, #tpu.memory_space<vmem>>, vector<1x16xf32>,
          %get3A_204 = vector.shape_cast %get3A_203 : vector<1x16xf32> to vector<16xf32>
          %get3A_205 = arith.index_cast %while3A_125 : i32 to index
          %get3A_206 = arith.constant 80 : index
          %get3A_207 = tpu.vector_load %arg11[%get3A_205, %get3A_206] {strides = array<i32>} : memref<64x256xf32, #tpu.memory_space<vmem>>, vector<1x16xf32>,
          %get3A_208 = vector.shape_cast %get3A_207 : vector<1x16xf32> to vector<16xf32>
          %max3A_209 = arith.maximumf %get3A_204, %get3A_208 : vector<16xf32>
          %swap3A_210 = arith.index_cast %and3A_132 : i32 to index
          %swap3A_211 = arith.constant 80 : index
          %swap3A_212 = tpu.vector_load %arg12[%swap3A_210, %swap3A_211] {strides = array<i32>} : memref<320x256xf32, #tpu.memory_space<vmem>>, vector<1x16xf32>,
          %swap3A_213 = vector.shape_cast %swap3A_212 : vector<1x16xf32> to vector<16xf32>
          %swap3A_214 = vector.shape_cast %max3A_209 : vector<16xf32> to vector<1x16xf32>
          tpu.vector_store %arg12[%swap3A_210, %swap3A_211], %swap3A_214 {strides = array<i32>} : memref<320x256xf32, #tpu.memory_space<vmem>>, vector<1x16xf32>,
          %get3A_215 = arith.index_cast %and3A_132 : i32 to index
          %get3A_216 = arith.constant 96 : index
          %get3A_217 = tpu.vector_load %arg12[%get3A_215, %get3A_216] {strides = array<i32>} : memref<320x256xf32, #tpu.memory_space<vmem>>, vector<1x16xf32>,
          %get3A_218 = vector.shape_cast %get3A_217 : vector<1x16xf32> to vector<16xf32>
          %get3A_219 = arith.index_cast %while3A_125 : i32 to index
          %get3A_220 = arith.constant 96 : index
          %get3A_221 = tpu.vector_load %arg11[%get3A_219, %get3A_220] {strides = array<i32>} : memref<64x256xf32, #tpu.memory_space<vmem>>, vector<1x16xf32>,
          %get3A_222 = vector.shape_cast %get3A_221 : vector<1x16xf32> to vector<16xf32>
          %max3A_223 = arith.maximumf %get3A_218, %get3A_222 : vector<16xf32>
          %swap3A_224 = arith.index_cast %and3A_132 : i32 to index
          %swap3A_225 = arith.constant 96 : index
          %swap3A_226 = tpu.vector_load %arg12[%swap3A_224, %swap3A_225] {strides = array<i32>} : memref<320x256xf32, #tpu.memory_space<vmem>>, vector<1x16xf32>,
          %swap3A_227 = vector.shape_cast %swap3A_226 : vector<1x16xf32> to vector<16xf32>
          %swap3A_228 = vector.shape_cast %max3A_223 : vector<16xf32> to vector<1x16xf32>
          tpu.vector_store %arg12[%swap3A_224, %swap3A_225], %swap3A_228 {strides = array<i32>} : memref<320x256xf32, #tpu.memory_space<vmem>>, vector<1x16xf32>,
          %get3A_229 = arith.index_cast %and3A_132 : i32 to index
          %get3A_230 = arith.constant 112 : index
          %get3A_231 = tpu.vector_load %arg12[%get3A_229, %get3A_230] {strides = array<i32>} : memref<320x256xf32, #tpu.memory_space<vmem>>, vector<1x16xf32>,
          %get3A_232 = vector.shape_cast %get3A_231 : vector<1x16xf32> to vector<16xf32>
          %get3A_233 = arith.index_cast %while3A_125 : i32 to index
          %get3A_234 = arith.constant 112 : index
          %get3A_235 = tpu.vector_load %arg11[%get3A_233, %get3A_234] {strides = array<i32>} : memref<64x256xf32, #tpu.memory_space<vmem>>, vector<1x16xf32>,
          %get3A_236 = vector.shape_cast %get3A_235 : vector<1x16xf32> to vector<16xf32>
          %max3A_237 = arith.maximumf %get3A_232, %get3A_236 : vector<16xf32>
          %swap3A_238 = arith.index_cast %and3A_132 : i32 to index
          %swap3A_239 = arith.constant 112 : index
          %swap3A_240 = tpu.vector_load %arg12[%swap3A_238, %swap3A_239] {strides = array<i32>} : memref<320x256xf32, #tpu.memory_space<vmem>>, vector<1x16xf32>,
          %swap3A_241 = vector.shape_cast %swap3A_240 : vector<1x16xf32> to vector<16xf32>
          %swap3A_242 = vector.shape_cast %max3A_237 : vector<16xf32> to vector<1x16xf32>
          tpu.vector_store %arg12[%swap3A_238, %swap3A_239], %swap3A_242 {strides = array<i32>} : memref<320x256xf32, #tpu.memory_space<vmem>>, vector<1x16xf32>,
          %get3A_243 = arith.index_cast %and3A_132 : i32 to index
          %get3A_244 = arith.constant 128 : index
          %get3A_245 = tpu.vector_load %arg12[%get3A_243, %get3A_244] {strides = array<i32>} : memref<320x256xf32, #tpu.memory_space<vmem>>, vector<1x16xf32>,
          %get3A_246 = vector.shape_cast %get3A_245 : vector<1x16xf32> to vector<16xf32>
          %get3A_247 = arith.index_cast %while3A_125 : i32 to index
          %get3A_248 = arith.constant 128 : index
          %get3A_249 = tpu.vector_load %arg11[%get3A_247, %get3A_248] {strides = array<i32>} : memref<64x256xf32, #tpu.memory_space<vmem>>, vector<1x16xf32>,
          %get3A_250 = vector.shape_cast %get3A_249 : vector<1x16xf32> to vector<16xf32>
          %max3A_251 = arith.maximumf %get3A_246, %get3A_250 : vector<16xf32>
          %swap3A_252 = arith.index_cast %and3A_132 : i32 to index
          %swap3A_253 = arith.constant 128 : index
          %swap3A_254 = tpu.vector_load %arg12[%swap3A_252, %swap3A_253] {strides = array<i32>} : memref<320x256xf32, #tpu.memory_space<vmem>>, vector<1x16xf32>,
          %swap3A_255 = vector.shape_cast %swap3A_254 : vector<1x16xf32> to vector<16xf32>
          %swap3A_256 = vector.shape_cast %max3A_251 : vector<16xf32> to vector<1x16xf32>
          tpu.vector_store %arg12[%swap3A_252, %swap3A_253], %swap3A_256 {strides = array<i32>} : memref<320x256xf32, #tpu.memory_space<vmem>>, vector<1x16xf32>,
          %get3A_257 = arith.index_cast %and3A_132 : i32 to index
          %get3A_258 = arith.constant 144 : index
          %get3A_259 = tpu.vector_load %arg12[%get3A_257, %get3A_258] {strides = array<i32>} : memref<320x256xf32, #tpu.memory_space<vmem>>, vector<1x16xf32>,
          %get3A_260 = vector.shape_cast %get3A_259 : vector<1x16xf32> to vector<16xf32>
          %get3A_261 = arith.index_cast %while3A_125 : i32 to index
          %get3A_262 = arith.constant 144 : index
          %get3A_263 = tpu.vector_load %arg11[%get3A_261, %get3A_262] {strides = array<i32>} : memref<64x256xf32, #tpu.memory_space<vmem>>, vector<1x16xf32>,
          %get3A_264 = vector.shape_cast %get3A_263 : vector<1x16xf32> to vector<16xf32>
          %max3A_265 = arith.maximumf %get3A_260, %get3A_264 : vector<16xf32>
          %swap3A_266 = arith.index_cast %and3A_132 : i32 to index
          %swap3A_267 = arith.constant 144 : index
          %swap3A_268 = tpu.vector_load %arg12[%swap3A_266, %swap3A_267] {strides = array<i32>} : memref<320x256xf32, #tpu.memory_space<vmem>>, vector<1x16xf32>,
          %swap3A_269 = vector.shape_cast %swap3A_268 : vector<1x16xf32> to vector<16xf32>
          %swap3A_270 = vector.shape_cast %max3A_265 : vector<16xf32> to vector<1x16xf32>
          tpu.vector_store %arg12[%swap3A_266, %swap3A_267], %swap3A_270 {strides = array<i32>} : memref<320x256xf32, #tpu.memory_space<vmem>>, vector<1x16xf32>,
          %get3A_271 = arith.index_cast %and3A_132 : i32 to index
          %get3A_272 = arith.constant 160 : index
          %get3A_273 = tpu.vector_load %arg12[%get3A_271, %get3A_272] {strides = array<i32>} : memref<320x256xf32, #tpu.memory_space<vmem>>, vector<1x16xf32>,
          %get3A_274 = vector.shape_cast %get3A_273 : vector<1x16xf32> to vector<16xf32>
          %get3A_275 = arith.index_cast %while3A_125 : i32 to index
          %get3A_276 = arith.constant 160 : index
          %get3A_277 = tpu.vector_load %arg11[%get3A_275, %get3A_276] {strides = array<i32>} : memref<64x256xf32, #tpu.memory_space<vmem>>, vector<1x16xf32>,
          %get3A_278 = vector.shape_cast %get3A_277 : vector<1x16xf32> to vector<16xf32>
          %max3A_279 = arith.maximumf %get3A_274, %get3A_278 : vector<16xf32>
          %swap3A_280 = arith.index_cast %and3A_132 : i32 to index
          %swap3A_281 = arith.constant 160 : index
          %swap3A_282 = tpu.vector_load %arg12[%swap3A_280, %swap3A_281] {strides = array<i32>} : memref<320x256xf32, #tpu.memory_space<vmem>>, vector<1x16xf32>,
          %swap3A_283 = vector.shape_cast %swap3A_282 : vector<1x16xf32> to vector<16xf32>
          %swap3A_284 = vector.shape_cast %max3A_279 : vector<16xf32> to vector<1x16xf32>
          tpu.vector_store %arg12[%swap3A_280, %swap3A_281], %swap3A_284 {strides = array<i32>} : memref<320x256xf32, #tpu.memory_space<vmem>>, vector<1x16xf32>,
          %get3A_285 = arith.index_cast %and3A_132 : i32 to index
          %get3A_286 = arith.constant 176 : index
          %get3A_287 = tpu.vector_load %arg12[%get3A_285, %get3A_286] {strides = array<i32>} : memref<320x256xf32, #tpu.memory_space<vmem>>, vector<1x16xf32>,
          %get3A_288 = vector.shape_cast %get3A_287 : vector<1x16xf32> to vector<16xf32>
          %get3A_289 = arith.index_cast %while3A_125 : i32 to index
          %get3A_290 = arith.constant 176 : index
          %get3A_291 = tpu.vector_load %arg11[%get3A_289, %get3A_290] {strides = array<i32>} : memref<64x256xf32, #tpu.memory_space<vmem>>, vector<1x16xf32>,
          %get3A_292 = vector.shape_cast %get3A_291 : vector<1x16xf32> to vector<16xf32>
          %max3A_293 = arith.maximumf %get3A_288, %get3A_292 : vector<16xf32>
          %swap3A_294 = arith.index_cast %and3A_132 : i32 to index
          %swap3A_295 = arith.constant 176 : index
          %swap3A_296 = tpu.vector_load %arg12[%swap3A_294, %swap3A_295] {strides = array<i32>} : memref<320x256xf32, #tpu.memory_space<vmem>>, vector<1x16xf32>,
          %swap3A_297 = vector.shape_cast %swap3A_296 : vector<1x16xf32> to vector<16xf32>
          %swap3A_298 = vector.shape_cast %max3A_293 : vector<16xf32> to vector<1x16xf32>
          tpu.vector_store %arg12[%swap3A_294, %swap3A_295], %swap3A_298 {strides = array<i32>} : memref<320x256xf32, #tpu.memory_space<vmem>>, vector<1x16xf32>,
          %get3A_299 = arith.index_cast %and3A_132 : i32 to index
          %get3A_300 = arith.constant 192 : index
          %get3A_301 = tpu.vector_load %arg12[%get3A_299, %get3A_300] {strides = array<i32>} : memref<320x256xf32, #tpu.memory_space<vmem>>, vector<1x16xf32>,
          %get3A_302 = vector.shape_cast %get3A_301 : vector<1x16xf32> to vector<16xf32>
          %get3A_303 = arith.index_cast %while3A_125 : i32 to index
          %get3A_304 = arith.constant 192 : index
          %get3A_305 = tpu.vector_load %arg11[%get3A_303, %get3A_304] {strides = array<i32>} : memref<64x256xf32, #tpu.memory_space<vmem>>, vector<1x16xf32>,
          %get3A_306 = vector.shape_cast %get3A_305 : vector<1x16xf32> to vector<16xf32>
          %max3A_307 = arith.maximumf %get3A_302, %get3A_306 : vector<16xf32>
          %swap3A_308 = arith.index_cast %and3A_132 : i32 to index
          %swap3A_309 = arith.constant 192 : index
          %swap3A_310 = tpu.vector_load %arg12[%swap3A_308, %swap3A_309] {strides = array<i32>} : memref<320x256xf32, #tpu.memory_space<vmem>>, vector<1x16xf32>,
          %swap3A_311 = vector.shape_cast %swap3A_310 : vector<1x16xf32> to vector<16xf32>
          %swap3A_312 = vector.shape_cast %max3A_307 : vector<16xf32> to vector<1x16xf32>
          tpu.vector_store %arg12[%swap3A_308, %swap3A_309], %swap3A_312 {strides = array<i32>} : memref<320x256xf32, #tpu.memory_space<vmem>>, vector<1x16xf32>,
          %get3A_313 = arith.index_cast %and3A_132 : i32 to index
          %get3A_314 = arith.constant 208 : index
          %get3A_315 = tpu.vector_load %arg12[%get3A_313, %get3A_314] {strides = array<i32>} : memref<320x256xf32, #tpu.memory_space<vmem>>, vector<1x16xf32>,
          %get3A_316 = vector.shape_cast %get3A_315 : vector<1x16xf32> to vector<16xf32>
          %get3A_317 = arith.index_cast %while3A_125 : i32 to index
          %get3A_318 = arith.constant 208 : index
          %get3A_319 = tpu.vector_load %arg11[%get3A_317, %get3A_318] {strides = array<i32>} : memref<64x256xf32, #tpu.memory_space<vmem>>, vector<1x16xf32>,
          %get3A_320 = vector.shape_cast %get3A_319 : vector<1x16xf32> to vector<16xf32>
          %max3A_321 = arith.maximumf %get3A_316, %get3A_320 : vector<16xf32>
          %swap3A_322 = arith.index_cast %and3A_132 : i32 to index
          %swap3A_323 = arith.constant 208 : index
          %swap3A_324 = tpu.vector_load %arg12[%swap3A_322, %swap3A_323] {strides = array<i32>} : memref<320x256xf32, #tpu.memory_space<vmem>>, vector<1x16xf32>,
          %swap3A_325 = vector.shape_cast %swap3A_324 : vector<1x16xf32> to vector<16xf32>
          %swap3A_326 = vector.shape_cast %max3A_321 : vector<16xf32> to vector<1x16xf32>
          tpu.vector_store %arg12[%swap3A_322, %swap3A_323], %swap3A_326 {strides = array<i32>} : memref<320x256xf32, #tpu.memory_space<vmem>>, vector<1x16xf32>,
          %get3A_327 = arith.index_cast %and3A_132 : i32 to index
          %get3A_328 = arith.constant 224 : index
          %get3A_329 = tpu.vector_load %arg12[%get3A_327, %get3A_328] {strides = array<i32>} : memref<320x256xf32, #tpu.memory_space<vmem>>, vector<1x16xf32>,
          %get3A_330 = vector.shape_cast %get3A_329 : vector<1x16xf32> to vector<16xf32>
          %get3A_331 = arith.index_cast %while3A_125 : i32 to index
          %get3A_332 = arith.constant 224 : index
          %get3A_333 = tpu.vector_load %arg11[%get3A_331, %get3A_332] {strides = array<i32>} : memref<64x256xf32, #tpu.memory_space<vmem>>, vector<1x16xf32>,
          %get3A_334 = vector.shape_cast %get3A_333 : vector<1x16xf32> to vector<16xf32>
          %max3A_335 = arith.maximumf %get3A_330, %get3A_334 : vector<16xf32>
          %swap3A_336 = arith.index_cast %and3A_132 : i32 to index
          %swap3A_337 = arith.constant 224 : index
          %swap3A_338 = tpu.vector_load %arg12[%swap3A_336, %swap3A_337] {strides = array<i32>} : memref<320x256xf32, #tpu.memory_space<vmem>>, vector<1x16xf32>,
          %swap3A_339 = vector.shape_cast %swap3A_338 : vector<1x16xf32> to vector<16xf32>
          %swap3A_340 = vector.shape_cast %max3A_335 : vector<16xf32> to vector<1x16xf32>
          tpu.vector_store %arg12[%swap3A_336, %swap3A_337], %swap3A_340 {strides = array<i32>} : memref<320x256xf32, #tpu.memory_space<vmem>>, vector<1x16xf32>,
          %get3A_341 = arith.index_cast %and3A_132 : i32 to index
          %get3A_342 = arith.constant 240 : index
          %get3A_343 = tpu.vector_load %arg12[%get3A_341, %get3A_342] {strides = array<i32>} : memref<320x256xf32, #tpu.memory_space<vmem>>, vector<1x16xf32>,
          %get3A_344 = vector.shape_cast %get3A_343 : vector<1x16xf32> to vector<16xf32>
          %get3A_345 = arith.index_cast %while3A_125 : i32 to index
          %get3A_346 = arith.constant 240 : index
          %get3A_347 = tpu.vector_load %arg11[%get3A_345, %get3A_346] {strides = array<i32>} : memref<64x256xf32, #tpu.memory_space<vmem>>, vector<1x16xf32>,
          %get3A_348 = vector.shape_cast %get3A_347 : vector<1x16xf32> to vector<16xf32>
          %max3A_349 = arith.maximumf %get3A_344, %get3A_348 : vector<16xf32>
          %swap3A_350 = arith.index_cast %and3A_132 : i32 to index
          %swap3A_351 = arith.constant 240 : index
          %swap3A_352 = tpu.vector_load %arg12[%swap3A_350, %swap3A_351] {strides = array<i32>} : memref<320x256xf32, #tpu.memory_space<vmem>>, vector<1x16xf32>,
          %swap3A_353 = vector.shape_cast %swap3A_352 : vector<1x16xf32> to vector<16xf32>
          %swap3A_354 = vector.shape_cast %max3A_349 : vector<16xf32> to vector<1x16xf32>
          tpu.vector_store %arg12[%swap3A_350, %swap3A_351], %swap3A_354 {strides = array<i32>} : memref<320x256xf32, #tpu.memory_space<vmem>>, vector<1x16xf32>,
        }
        %while3A_124 = arith.constant 1 : i32
        scf.for %while3A_125 = %while3A_122 to %while3A_118 step %while3A_124  : i32 {
          %get3A_126 = arith.index_cast %while3A_125 : i32 to index
          %get3A_127 = tpu.vector_load %arg7[%get3A_126] {strides = array<i32>} : memref<80xi32, #tpu.memory_space<vmem>>, vector<16xi32>,
          %get3A_128 = vector.shape_cast %get3A_127 : vector<16xi32> to vector<16xi32>
          %slice3A_129 = vector.extract_strided_slice %get3A_128 {offsets = [0], sizes = [1], strides = [1]} : vector<16xi32> to vector<1xi32>
          %squeeze3A_130 = vector.extract %slice3A_129[0] : i32 from vector<1xi32>
          %and3A_131 = arith.constant 511 : i32
          %and3A_132 = arith.andi %squeeze3A_130, %and3A_131 : i32
          %get3A_133 = arith.index_cast %and3A_132 : i32 to index
          %get3A_134 = arith.constant 0 : index
          %get3A_135 = tpu.vector_load %arg12[%get3A_133, %get3A_134] {strides = array<i32>} : memref<320x256xf32, #tpu.memory_space<vmem>>, vector<1x16xf32>,
          %get3A_136 = vector.shape_cast %get3A_135 : vector<1x16xf32> to vector<16xf32>
          %get3A_137 = arith.index_cast %while3A_125 : i32 to index
          %get3A_138 = arith.constant 0 : index
          %get3A_139 = tpu.vector_load %arg11[%get3A_137, %get3A_138] {strides = array<i32>} : memref<64x256xf32, #tpu.memory_space<vmem>>, vector<1x16xf32>,
          %get3A_140 = vector.shape_cast %get3A_139 : vector<1x16xf32> to vector<16xf32>
          %max3A = arith.maximumf %get3A_136, %get3A_140 : vector<16xf32>
          %swap3A = arith.index_cast %and3A_132 : i32 to index
          %swap3A_141 = arith.constant 0 : index
          %swap3A_142 = tpu.vector_load %arg12[%swap3A, %swap3A_141] {strides = array<i32>} : memref<320x256xf32, #tpu.memory_space<vmem>>, vector<1x16xf32>,
          %swap3A_143 = vector.shape_cast %swap3A_142 : vector<1x16xf32> to vector<16xf32>
          %swap3A_144 = vector.shape_cast %max3A : vector<16xf32> to vector<1x16xf32>
          tpu.vector_store %arg12[%swap3A, %swap3A_141], %swap3A_144 {strides = array<i32>} : memref<320x256xf32, #tpu.memory_space<vmem>>, vector<1x16xf32>,
          %get3A_145 = arith.index_cast %and3A_132 : i32 to index
          %get3A_146 = arith.constant 16 : index
          %get3A_147 = tpu.vector_load %arg12[%get3A_145, %get3A_146] {strides = array<i32>} : memref<320x256xf32, #tpu.memory_space<vmem>>, vector<1x16xf32>,
          %get3A_148 = vector.shape_cast %get3A_147 : vector<1x16xf32> to vector<16xf32>
          %get3A_149 = arith.index_cast %while3A_125 : i32 to index
          %get3A_150 = arith.constant 16 : index
          %get3A_151 = tpu.vector_load %arg11[%get3A_149, %get3A_150] {strides = array<i32>} : memref<64x256xf32, #tpu.memory_space<vmem>>, vector<1x16xf32>,
          %get3A_152 = vector.shape_cast %get3A_151 : vector<1x16xf32> to vector<16xf32>
          %max3A_153 = arith.maximumf %get3A_148, %get3A_152 : vector<16xf32>
          %swap3A_154 = arith.index_cast %and3A_132 : i32 to index
          %swap3A_155 = arith.constant 16 : index
          %swap3A_156 = tpu.vector_load %arg12[%swap3A_154, %swap3A_155] {strides = array<i32>} : memref<320x256xf32, #tpu.memory_space<vmem>>, vector<1x16xf32>,
          %swap3A_157 = vector.shape_cast %swap3A_156 : vector<1x16xf32> to vector<16xf32>
          %swap3A_158 = vector.shape_cast %max3A_153 : vector<16xf32> to vector<1x16xf32>
          tpu.vector_store %arg12[%swap3A_154, %swap3A_155], %swap3A_158 {strides = array<i32>} : memref<320x256xf32, #tpu.memory_space<vmem>>, vector<1x16xf32>,
          %get3A_159 = arith.index_cast %and3A_132 : i32 to index
          %get3A_160 = arith.constant 32 : index
          %get3A_161 = tpu.vector_load %arg12[%get3A_159, %get3A_160] {strides = array<i32>} : memref<320x256xf32, #tpu.memory_space<vmem>>, vector<1x16xf32>,
          %get3A_162 = vector.shape_cast %get3A_161 : vector<1x16xf32> to vector<16xf32>
          %get3A_163 = arith.index_cast %while3A_125 : i32 to index
          %get3A_164 = arith.constant 32 : index
          %get3A_165 = tpu.vector_load %arg11[%get3A_163, %get3A_164] {strides = array<i32>} : memref<64x256xf32, #tpu.memory_space<vmem>>, vector<1x16xf32>,
          %get3A_166 = vector.shape_cast %get3A_165 : vector<1x16xf32> to vector<16xf32>
          %max3A_167 = arith.maximumf %get3A_162, %get3A_166 : vector<16xf32>
          %swap3A_168 = arith.index_cast %and3A_132 : i32 to index
          %swap3A_169 = arith.constant 32 : index
          %swap3A_170 = tpu.vector_load %arg12[%swap3A_168, %swap3A_169] {strides = array<i32>} : memref<320x256xf32, #tpu.memory_space<vmem>>, vector<1x16xf32>,
          %swap3A_171 = vector.shape_cast %swap3A_170 : vector<1x16xf32> to vector<16xf32>
          %swap3A_172 = vector.shape_cast %max3A_167 : vector<16xf32> to vector<1x16xf32>
          tpu.vector_store %arg12[%swap3A_168, %swap3A_169], %swap3A_172 {strides = array<i32>} : memref<320x256xf32, #tpu.memory_space<vmem>>, vector<1x16xf32>,
          %get3A_173 = arith.index_cast %and3A_132 : i32 to index
          %get3A_174 = arith.constant 48 : index
          %get3A_175 = tpu.vector_load %arg12[%get3A_173, %get3A_174] {strides = array<i32>} : memref<320x256xf32, #tpu.memory_space<vmem>>, vector<1x16xf32>,
          %get3A_176 = vector.shape_cast %get3A_175 : vector<1x16xf32> to vector<16xf32>
          %get3A_177 = arith.index_cast %while3A_125 : i32 to index
          %get3A_178 = arith.constant 48 : index
          %get3A_179 = tpu.vector_load %arg11[%get3A_177, %get3A_178] {strides = array<i32>} : memref<64x256xf32, #tpu.memory_space<vmem>>, vector<1x16xf32>,
          %get3A_180 = vector.shape_cast %get3A_179 : vector<1x16xf32> to vector<16xf32>
          %max3A_181 = arith.maximumf %get3A_176, %get3A_180 : vector<16xf32>
          %swap3A_182 = arith.index_cast %and3A_132 : i32 to index
          %swap3A_183 = arith.constant 48 : index
          %swap3A_184 = tpu.vector_load %arg12[%swap3A_182, %swap3A_183] {strides = array<i32>} : memref<320x256xf32, #tpu.memory_space<vmem>>, vector<1x16xf32>,
          %swap3A_185 = vector.shape_cast %swap3A_184 : vector<1x16xf32> to vector<16xf32>
          %swap3A_186 = vector.shape_cast %max3A_181 : vector<16xf32> to vector<1x16xf32>
          tpu.vector_store %arg12[%swap3A_182, %swap3A_183], %swap3A_186 {strides = array<i32>} : memref<320x256xf32, #tpu.memory_space<vmem>>, vector<1x16xf32>,
          %get3A_187 = arith.index_cast %and3A_132 : i32 to index
          %get3A_188 = arith.constant 64 : index
          %get3A_189 = tpu.vector_load %arg12[%get3A_187, %get3A_188] {strides = array<i32>} : memref<320x256xf32, #tpu.memory_space<vmem>>, vector<1x16xf32>,
          %get3A_190 = vector.shape_cast %get3A_189 : vector<1x16xf32> to vector<16xf32>
          %get3A_191 = arith.index_cast %while3A_125 : i32 to index
          %get3A_192 = arith.constant 64 : index
          %get3A_193 = tpu.vector_load %arg11[%get3A_191, %get3A_192] {strides = array<i32>} : memref<64x256xf32, #tpu.memory_space<vmem>>, vector<1x16xf32>,
          %get3A_194 = vector.shape_cast %get3A_193 : vector<1x16xf32> to vector<16xf32>
          %max3A_195 = arith.maximumf %get3A_190, %get3A_194 : vector<16xf32>
          %swap3A_196 = arith.index_cast %and3A_132 : i32 to index
          %swap3A_197 = arith.constant 64 : index
          %swap3A_198 = tpu.vector_load %arg12[%swap3A_196, %swap3A_197] {strides = array<i32>} : memref<320x256xf32, #tpu.memory_space<vmem>>, vector<1x16xf32>,
          %swap3A_199 = vector.shape_cast %swap3A_198 : vector<1x16xf32> to vector<16xf32>
          %swap3A_200 = vector.shape_cast %max3A_195 : vector<16xf32> to vector<1x16xf32>
          tpu.vector_store %arg12[%swap3A_196, %swap3A_197], %swap3A_200 {strides = array<i32>} : memref<320x256xf32, #tpu.memory_space<vmem>>, vector<1x16xf32>,
          %get3A_201 = arith.index_cast %and3A_132 : i32 to index
          %get3A_202 = arith.constant 80 : index
          %get3A_203 = tpu.vector_load %arg12[%get3A_201, %get3A_202] {strides = array<i32>} : memref<320x256xf32, #tpu.memory_space<vmem>>, vector<1x16xf32>,
          %get3A_204 = vector.shape_cast %get3A_203 : vector<1x16xf32> to vector<16xf32>
          %get3A_205 = arith.index_cast %while3A_125 : i32 to index
          %get3A_206 = arith.constant 80 : index
          %get3A_207 = tpu.vector_load %arg11[%get3A_205, %get3A_206] {strides = array<i32>} : memref<64x256xf32, #tpu.memory_space<vmem>>, vector<1x16xf32>,
          %get3A_208 = vector.shape_cast %get3A_207 : vector<1x16xf32> to vector<16xf32>
          %max3A_209 = arith.maximumf %get3A_204, %get3A_208 : vector<16xf32>
          %swap3A_210 = arith.index_cast %and3A_132 : i32 to index
          %swap3A_211 = arith.constant 80 : index
          %swap3A_212 = tpu.vector_load %arg12[%swap3A_210, %swap3A_211] {strides = array<i32>} : memref<320x256xf32, #tpu.memory_space<vmem>>, vector<1x16xf32>,
          %swap3A_213 = vector.shape_cast %swap3A_212 : vector<1x16xf32> to vector<16xf32>
          %swap3A_214 = vector.shape_cast %max3A_209 : vector<16xf32> to vector<1x16xf32>
          tpu.vector_store %arg12[%swap3A_210, %swap3A_211], %swap3A_214 {strides = array<i32>} : memref<320x256xf32, #tpu.memory_space<vmem>>, vector<1x16xf32>,
          %get3A_215 = arith.index_cast %and3A_132 : i32 to index
          %get3A_216 = arith.constant 96 : index
          %get3A_217 = tpu.vector_load %arg12[%get3A_215, %get3A_216] {strides = array<i32>} : memref<320x256xf32, #tpu.memory_space<vmem>>, vector<1x16xf32>,
          %get3A_218 = vector.shape_cast %get3A_217 : vector<1x16xf32> to vector<16xf32>
          %get3A_219 = arith.index_cast %while3A_125 : i32 to index
          %get3A_220 = arith.constant 96 : index
          %get3A_221 = tpu.vector_load %arg11[%get3A_219, %get3A_220] {strides = array<i32>} : memref<64x256xf32, #tpu.memory_space<vmem>>, vector<1x16xf32>,
          %get3A_222 = vector.shape_cast %get3A_221 : vector<1x16xf32> to vector<16xf32>
          %max3A_223 = arith.maximumf %get3A_218, %get3A_222 : vector<16xf32>
          %swap3A_224 = arith.index_cast %and3A_132 : i32 to index
          %swap3A_225 = arith.constant 96 : index
          %swap3A_226 = tpu.vector_load %arg12[%swap3A_224, %swap3A_225] {strides = array<i32>} : memref<320x256xf32, #tpu.memory_space<vmem>>, vector<1x16xf32>,
          %swap3A_227 = vector.shape_cast %swap3A_226 : vector<1x16xf32> to vector<16xf32>
          %swap3A_228 = vector.shape_cast %max3A_223 : vector<16xf32> to vector<1x16xf32>
          tpu.vector_store %arg12[%swap3A_224, %swap3A_225], %swap3A_228 {strides = array<i32>} : memref<320x256xf32, #tpu.memory_space<vmem>>, vector<1x16xf32>,
          %get3A_229 = arith.index_cast %and3A_132 : i32 to index
          %get3A_230 = arith.constant 112 : index
          %get3A_231 = tpu.vector_load %arg12[%get3A_229, %get3A_230] {strides = array<i32>} : memref<320x256xf32, #tpu.memory_space<vmem>>, vector<1x16xf32>,
          %get3A_232 = vector.shape_cast %get3A_231 : vector<1x16xf32> to vector<16xf32>
          %get3A_233 = arith.index_cast %while3A_125 : i32 to index
          %get3A_234 = arith.constant 112 : index
          %get3A_235 = tpu.vector_load %arg11[%get3A_233, %get3A_234] {strides = array<i32>} : memref<64x256xf32, #tpu.memory_space<vmem>>, vector<1x16xf32>,
          %get3A_236 = vector.shape_cast %get3A_235 : vector<1x16xf32> to vector<16xf32>
          %max3A_237 = arith.maximumf %get3A_232, %get3A_236 : vector<16xf32>
          %swap3A_238 = arith.index_cast %and3A_132 : i32 to index
          %swap3A_239 = arith.constant 112 : index
          %swap3A_240 = tpu.vector_load %arg12[%swap3A_238, %swap3A_239] {strides = array<i32>} : memref<320x256xf32, #tpu.memory_space<vmem>>, vector<1x16xf32>,
          %swap3A_241 = vector.shape_cast %swap3A_240 : vector<1x16xf32> to vector<16xf32>
          %swap3A_242 = vector.shape_cast %max3A_237 : vector<16xf32> to vector<1x16xf32>
          tpu.vector_store %arg12[%swap3A_238, %swap3A_239], %swap3A_242 {strides = array<i32>} : memref<320x256xf32, #tpu.memory_space<vmem>>, vector<1x16xf32>,
          %get3A_243 = arith.index_cast %and3A_132 : i32 to index
          %get3A_244 = arith.constant 128 : index
          %get3A_245 = tpu.vector_load %arg12[%get3A_243, %get3A_244] {strides = array<i32>} : memref<320x256xf32, #tpu.memory_space<vmem>>, vector<1x16xf32>,
          %get3A_246 = vector.shape_cast %get3A_245 : vector<1x16xf32> to vector<16xf32>
          %get3A_247 = arith.index_cast %while3A_125 : i32 to index
          %get3A_248 = arith.constant 128 : index
          %get3A_249 = tpu.vector_load %arg11[%get3A_247, %get3A_248] {strides = array<i32>} : memref<64x256xf32, #tpu.memory_space<vmem>>, vector<1x16xf32>,
          %get3A_250 = vector.shape_cast %get3A_249 : vector<1x16xf32> to vector<16xf32>
          %max3A_251 = arith.maximumf %get3A_246, %get3A_250 : vector<16xf32>
          %swap3A_252 = arith.index_cast %and3A_132 : i32 to index
          %swap3A_253 = arith.constant 128 : index
          %swap3A_254 = tpu.vector_load %arg12[%swap3A_252, %swap3A_253] {strides = array<i32>} : memref<320x256xf32, #tpu.memory_space<vmem>>, vector<1x16xf32>,
          %swap3A_255 = vector.shape_cast %swap3A_254 : vector<1x16xf32> to vector<16xf32>
          %swap3A_256 = vector.shape_cast %max3A_251 : vector<16xf32> to vector<1x16xf32>
          tpu.vector_store %arg12[%swap3A_252, %swap3A_253], %swap3A_256 {strides = array<i32>} : memref<320x256xf32, #tpu.memory_space<vmem>>, vector<1x16xf32>,
          %get3A_257 = arith.index_cast %and3A_132 : i32 to index
          %get3A_258 = arith.constant 144 : index
          %get3A_259 = tpu.vector_load %arg12[%get3A_257, %get3A_258] {strides = array<i32>} : memref<320x256xf32, #tpu.memory_space<vmem>>, vector<1x16xf32>,
          %get3A_260 = vector.shape_cast %get3A_259 : vector<1x16xf32> to vector<16xf32>
          %get3A_261 = arith.index_cast %while3A_125 : i32 to index
          %get3A_262 = arith.constant 144 : index
          %get3A_263 = tpu.vector_load %arg11[%get3A_261, %get3A_262] {strides = array<i32>} : memref<64x256xf32, #tpu.memory_space<vmem>>, vector<1x16xf32>,
          %get3A_264 = vector.shape_cast %get3A_263 : vector<1x16xf32> to vector<16xf32>
          %max3A_265 = arith.maximumf %get3A_260, %get3A_264 : vector<16xf32>
          %swap3A_266 = arith.index_cast %and3A_132 : i32 to index
          %swap3A_267 = arith.constant 144 : index
          %swap3A_268 = tpu.vector_load %arg12[%swap3A_266, %swap3A_267] {strides = array<i32>} : memref<320x256xf32, #tpu.memory_space<vmem>>, vector<1x16xf32>,
          %swap3A_269 = vector.shape_cast %swap3A_268 : vector<1x16xf32> to vector<16xf32>
          %swap3A_270 = vector.shape_cast %max3A_265 : vector<16xf32> to vector<1x16xf32>
          tpu.vector_store %arg12[%swap3A_266, %swap3A_267], %swap3A_270 {strides = array<i32>} : memref<320x256xf32, #tpu.memory_space<vmem>>, vector<1x16xf32>,
          %get3A_271 = arith.index_cast %and3A_132 : i32 to index
          %get3A_272 = arith.constant 160 : index
          %get3A_273 = tpu.vector_load %arg12[%get3A_271, %get3A_272] {strides = array<i32>} : memref<320x256xf32, #tpu.memory_space<vmem>>, vector<1x16xf32>,
          %get3A_274 = vector.shape_cast %get3A_273 : vector<1x16xf32> to vector<16xf32>
          %get3A_275 = arith.index_cast %while3A_125 : i32 to index
          %get3A_276 = arith.constant 160 : index
          %get3A_277 = tpu.vector_load %arg11[%get3A_275, %get3A_276] {strides = array<i32>} : memref<64x256xf32, #tpu.memory_space<vmem>>, vector<1x16xf32>,
          %get3A_278 = vector.shape_cast %get3A_277 : vector<1x16xf32> to vector<16xf32>
          %max3A_279 = arith.maximumf %get3A_274, %get3A_278 : vector<16xf32>
          %swap3A_280 = arith.index_cast %and3A_132 : i32 to index
          %swap3A_281 = arith.constant 160 : index
          %swap3A_282 = tpu.vector_load %arg12[%swap3A_280, %swap3A_281] {strides = array<i32>} : memref<320x256xf32, #tpu.memory_space<vmem>>, vector<1x16xf32>,
          %swap3A_283 = vector.shape_cast %swap3A_282 : vector<1x16xf32> to vector<16xf32>
          %swap3A_284 = vector.shape_cast %max3A_279 : vector<16xf32> to vector<1x16xf32>
          tpu.vector_store %arg12[%swap3A_280, %swap3A_281], %swap3A_284 {strides = array<i32>} : memref<320x256xf32, #tpu.memory_space<vmem>>, vector<1x16xf32>,
          %get3A_285 = arith.index_cast %and3A_132 : i32 to index
          %get3A_286 = arith.constant 176 : index
          %get3A_287 = tpu.vector_load %arg12[%get3A_285, %get3A_286] {strides = array<i32>} : memref<320x256xf32, #tpu.memory_space<vmem>>, vector<1x16xf32>,
          %get3A_288 = vector.shape_cast %get3A_287 : vector<1x16xf32> to vector<16xf32>
          %get3A_289 = arith.index_cast %while3A_125 : i32 to index
          %get3A_290 = arith.constant 176 : index
          %get3A_291 = tpu.vector_load %arg11[%get3A_289, %get3A_290] {strides = array<i32>} : memref<64x256xf32, #tpu.memory_space<vmem>>, vector<1x16xf32>,
          %get3A_292 = vector.shape_cast %get3A_291 : vector<1x16xf32> to vector<16xf32>
          %max3A_293 = arith.maximumf %get3A_288, %get3A_292 : vector<16xf32>
          %swap3A_294 = arith.index_cast %and3A_132 : i32 to index
          %swap3A_295 = arith.constant 176 : index
          %swap3A_296 = tpu.vector_load %arg12[%swap3A_294, %swap3A_295] {strides = array<i32>} : memref<320x256xf32, #tpu.memory_space<vmem>>, vector<1x16xf32>,
          %swap3A_297 = vector.shape_cast %swap3A_296 : vector<1x16xf32> to vector<16xf32>
          %swap3A_298 = vector.shape_cast %max3A_293 : vector<16xf32> to vector<1x16xf32>
          tpu.vector_store %arg12[%swap3A_294, %swap3A_295], %swap3A_298 {strides = array<i32>} : memref<320x256xf32, #tpu.memory_space<vmem>>, vector<1x16xf32>,
          %get3A_299 = arith.index_cast %and3A_132 : i32 to index
          %get3A_300 = arith.constant 192 : index
          %get3A_301 = tpu.vector_load %arg12[%get3A_299, %get3A_300] {strides = array<i32>} : memref<320x256xf32, #tpu.memory_space<vmem>>, vector<1x16xf32>,
          %get3A_302 = vector.shape_cast %get3A_301 : vector<1x16xf32> to vector<16xf32>
          %get3A_303 = arith.index_cast %while3A_125 : i32 to index
          %get3A_304 = arith.constant 192 : index
          %get3A_305 = tpu.vector_load %arg11[%get3A_303, %get3A_304] {strides = array<i32>} : memref<64x256xf32, #tpu.memory_space<vmem>>, vector<1x16xf32>,
          %get3A_306 = vector.shape_cast %get3A_305 : vector<1x16xf32> to vector<16xf32>
          %max3A_307 = arith.maximumf %get3A_302, %get3A_306 : vector<16xf32>
          %swap3A_308 = arith.index_cast %and3A_132 : i32 to index
          %swap3A_309 = arith.constant 192 : index
          %swap3A_310 = tpu.vector_load %arg12[%swap3A_308, %swap3A_309] {strides = array<i32>} : memref<320x256xf32, #tpu.memory_space<vmem>>, vector<1x16xf32>,
          %swap3A_311 = vector.shape_cast %swap3A_310 : vector<1x16xf32> to vector<16xf32>
          %swap3A_312 = vector.shape_cast %max3A_307 : vector<16xf32> to vector<1x16xf32>
          tpu.vector_store %arg12[%swap3A_308, %swap3A_309], %swap3A_312 {strides = array<i32>} : memref<320x256xf32, #tpu.memory_space<vmem>>, vector<1x16xf32>,
          %get3A_313 = arith.index_cast %and3A_132 : i32 to index
          %get3A_314 = arith.constant 208 : index
          %get3A_315 = tpu.vector_load %arg12[%get3A_313, %get3A_314] {strides = array<i32>} : memref<320x256xf32, #tpu.memory_space<vmem>>, vector<1x16xf32>,
          %get3A_316 = vector.shape_cast %get3A_315 : vector<1x16xf32> to vector<16xf32>
          %get3A_317 = arith.index_cast %while3A_125 : i32 to index
          %get3A_318 = arith.constant 208 : index
          %get3A_319 = tpu.vector_load %arg11[%get3A_317, %get3A_318] {strides = array<i32>} : memref<64x256xf32, #tpu.memory_space<vmem>>, vector<1x16xf32>,
          %get3A_320 = vector.shape_cast %get3A_319 : vector<1x16xf32> to vector<16xf32>
          %max3A_321 = arith.maximumf %get3A_316, %get3A_320 : vector<16xf32>
          %swap3A_322 = arith.index_cast %and3A_132 : i32 to index
          %swap3A_323 = arith.constant 208 : index
          %swap3A_324 = tpu.vector_load %arg12[%swap3A_322, %swap3A_323] {strides = array<i32>} : memref<320x256xf32, #tpu.memory_space<vmem>>, vector<1x16xf32>,
          %swap3A_325 = vector.shape_cast %swap3A_324 : vector<1x16xf32> to vector<16xf32>
          %swap3A_326 = vector.shape_cast %max3A_321 : vector<16xf32> to vector<1x16xf32>
          tpu.vector_store %arg12[%swap3A_322, %swap3A_323], %swap3A_326 {strides = array<i32>} : memref<320x256xf32, #tpu.memory_space<vmem>>, vector<1x16xf32>,
          %get3A_327 = arith.index_cast %and3A_132 : i32 to index
          %get3A_328 = arith.constant 224 : index
          %get3A_329 = tpu.vector_load %arg12[%get3A_327, %get3A_328] {strides = array<i32>} : memref<320x256xf32, #tpu.memory_space<vmem>>, vector<1x16xf32>,
          %get3A_330 = vector.shape_cast %get3A_329 : vector<1x16xf32> to vector<16xf32>
          %get3A_331 = arith.index_cast %while3A_125 : i32 to index
          %get3A_332 = arith.constant 224 : index
          %get3A_333 = tpu.vector_load %arg11[%get3A_331, %get3A_332] {strides = array<i32>} : memref<64x256xf32, #tpu.memory_space<vmem>>, vector<1x16xf32>,
          %get3A_334 = vector.shape_cast %get3A_333 : vector<1x16xf32> to vector<16xf32>
          %max3A_335 = arith.maximumf %get3A_330, %get3A_334 : vector<16xf32>
          %swap3A_336 = arith.index_cast %and3A_132 : i32 to index
          %swap3A_337 = arith.constant 224 : index
          %swap3A_338 = tpu.vector_load %arg12[%swap3A_336, %swap3A_337] {strides = array<i32>} : memref<320x256xf32, #tpu.memory_space<vmem>>, vector<1x16xf32>,
          %swap3A_339 = vector.shape_cast %swap3A_338 : vector<1x16xf32> to vector<16xf32>
          %swap3A_340 = vector.shape_cast %max3A_335 : vector<16xf32> to vector<1x16xf32>
          tpu.vector_store %arg12[%swap3A_336, %swap3A_337], %swap3A_340 {strides = array<i32>} : memref<320x256xf32, #tpu.memory_space<vmem>>, vector<1x16xf32>,
          %get3A_341 = arith.index_cast %and3A_132 : i32 to index
          %get3A_342 = arith.constant 240 : index
          %get3A_343 = tpu.vector_load %arg12[%get3A_341, %get3A_342] {strides = array<i32>} : memref<320x256xf32, #tpu.memory_space<vmem>>, vector<1x16xf32>,
          %get3A_344 = vector.shape_cast %get3A_343 : vector<1x16xf32> to vector<16xf32>
          %get3A_345 = arith.index_cast %while3A_125 : i32 to index
          %get3A_346 = arith.constant 240 : index
          %get3A_347 = tpu.vector_load %arg11[%get3A_345, %get3A_346] {strides = array<i32>} : memref<64x256xf32, #tpu.memory_space<vmem>>, vector<1x16xf32>,
          %get3A_348 = vector.shape_cast %get3A_347 : vector<1x16xf32> to vector<16xf32>
          %max3A_349 = arith.maximumf %get3A_344, %get3A_348 : vector<16xf32>
          %swap3A_350 = arith.index_cast %and3A_132 : i32 to index
          %swap3A_351 = arith.constant 240 : index
          %swap3A_352 = tpu.vector_load %arg12[%swap3A_350, %swap3A_351] {strides = array<i32>} : memref<320x256xf32, #tpu.memory_space<vmem>>, vector<1x16xf32>,
          %swap3A_353 = vector.shape_cast %swap3A_352 : vector<1x16xf32> to vector<16xf32>
          %swap3A_354 = vector.shape_cast %max3A_349 : vector<16xf32> to vector<1x16xf32>
          tpu.vector_store %arg12[%swap3A_350, %swap3A_351], %swap3A_354 {strides = array<i32>} : memref<320x256xf32, #tpu.memory_space<vmem>>, vector<1x16xf32>,
        }
      } else {
      }
    }
    %multiple_of3A_72 = tpu.assume_multiple %mul3A_2, 8 : i32
    "tpu.region"() ({
      %run_scoped3A = tpu.sem_alloc : memref<!tpu.dma_semaphore, #tpu.memory_space<semaphore_mem>>
      %dma_start3A = arith.constant 0 : i32
      %dma_start3A_73 = tpu.memref_slice %arg5[%multiple_of3A_72, %dma_start3A] : memref<10240x256xf32, #tpu.memory_space<hbm>> -> memref<320x256xf32, #tpu.memory_space<hbm>>
      %dma_start3A_74 = arith.constant 0 : i32
      %dma_start3A_75 = tpu.memref_slice %arg5[%multiple_of3A_72, %dma_start3A_74] : memref<10240x256xf32, #tpu.memory_space<hbm>> -> memref<320x256xf32, #tpu.memory_space<hbm>>
      tpu.enqueue_dma source(%arg12 : memref<320x256xf32, #tpu.memory_space<vmem>>) target(%dma_start3A_75 : memref<320x256xf32, #tpu.memory_space<hbm>>) target_semaphore(%run_scoped3A : memref<!tpu.dma_semaphore, #tpu.memory_space<semaphore_mem>>)
      %dma_wait3A = arith.constant 0 : i32
      %dma_wait3A_76 = tpu.memref_slice %arg5[%multiple_of3A_72, %dma_wait3A] : memref<10240x256xf32, #tpu.memory_space<hbm>> -> memref<320x256xf32, #tpu.memory_space<hbm>>
      %dma_wait3A_77 = arith.constant 0 : i32
      %dma_wait3A_78 = tpu.memref_slice %arg5[%multiple_of3A_72, %dma_wait3A_77] : memref<10240x256xf32, #tpu.memory_space<hbm>> -> memref<320x256xf32, #tpu.memory_space<hbm>>
      tpu.wait_dma2 semaphore(%run_scoped3A : memref<!tpu.dma_semaphore, #tpu.memory_space<semaphore_mem>>) src(%arg12 : memref<320x256xf32, #tpu.memory_space<vmem>>) dst(%dma_wait3A_78 : memref<320x256xf32, #tpu.memory_space<hbm>>)
      tpu.yield
    }) : () -> ()
    return
  }
}

#map = affine_map<(d0, d1) -> (0)>
module attributes {stable_mosaic.version = 14 : i64} {
  func.func @_k3a_body(%arg0: i32, %arg1: i32, %arg2: memref<320000xi32, #tpu.memory_space<hbm>>, %arg3: memref<10373120xi32, #tpu.memory_space<hbm>>, %arg4: memref<512xi32, #tpu.memory_space<hbm>>, %arg5: memref<2000xi32, #tpu.memory_space<vmem>>, %arg6: memref<4128xi32, #tpu.memory_space<vmem>>, %arg7: memref<16xi32, #tpu.memory_space<vmem>>) attributes {dimension_semantics = [#tpu.dimension_semantics<core_parallel>, #tpu.dimension_semantics<subcore_parallel>], iteration_bounds = array<i64: 2, 16>, scalar_prefetch = 0 : i64, scratch_operands = 3 : i64, tpu.core_type = #tpu.core_type<sc_vector_subcore>, window_params = [{transform_indices = #map}, {transform_indices = #map}, {transform_indices = #map}]} {
    %mul3A = arith.constant 2 : i32
    %mul3A_0 = arith.muli %arg1, %mul3A : i32
    %add3A = arith.addi %mul3A_0, %arg0 : i32
    %mul3A_1 = arith.constant 320 : i32
    %mul3A_2 = arith.muli %add3A, %mul3A_1 : i32
    %mul3A_3 = arith.constant 324160 : i32
    %mul3A_4 = arith.muli %add3A, %mul3A_3 : i32
    %iota3A = tpu.iota {dimensions = array<i32: 0>} : vector<16xi32>
    %add3A_5 = arith.constant 1 : i32
    %add3A_6 = vector.broadcast %add3A_5 : i32 to vector<16xi32>
    %add3A_7 = arith.addi %iota3A, %add3A_6 : vector<16xi32>
    %scan3A = arith.constant 0 : i32
    %scan3A_8 = arith.constant 0 : i32
    %scan3A_9 = arith.constant 0 : i32
    %scan3A_10 = arith.constant 160 : i32
    %scan3A_11 = arith.addi %scan3A_9, %scan3A_10 : i32
    %scan3A_12 = arith.constant 1 : i32
    %scan3A_13:2 = scf.for %scan3A_36 = %scan3A_9 to %scan3A_11 step %scan3A_12 iter_args(%scan3A_37 = %scan3A, %scan3A_38 = %scan3A_8) -> (i32, i32)  : i32 {
      %mul3A_39 = arith.constant 2000 : i32
      %mul3A_40 = arith.muli %scan3A_36, %mul3A_39 : i32
      %multiple_of3A_41 = tpu.assume_multiple %mul3A_40, 8 : i32
      "tpu.region"() ({
        %run_scoped3A = tpu.sem_alloc : memref<!tpu.dma_semaphore, #tpu.memory_space<semaphore_mem>>
        %dma_start3A = tpu.memref_slice %arg2[%multiple_of3A_41] : memref<320000xi32, #tpu.memory_space<hbm>> -> memref<2000xi32, #tpu.memory_space<hbm>>
        %dma_start3A_51 = tpu.memref_slice %arg2[%multiple_of3A_41] : memref<320000xi32, #tpu.memory_space<hbm>> -> memref<2000xi32, #tpu.memory_space<hbm>>
        tpu.enqueue_dma source(%dma_start3A_51 : memref<2000xi32, #tpu.memory_space<hbm>>) target(%arg5 : memref<2000xi32, #tpu.memory_space<vmem>>) target_semaphore(%run_scoped3A : memref<!tpu.dma_semaphore, #tpu.memory_space<semaphore_mem>>)
        %dma_wait3A = tpu.memref_slice %arg2[%multiple_of3A_41] : memref<320000xi32, #tpu.memory_space<hbm>> -> memref<2000xi32, #tpu.memory_space<hbm>>
        %dma_wait3A_52 = tpu.memref_slice %arg2[%multiple_of3A_41] : memref<320000xi32, #tpu.memory_space<hbm>> -> memref<2000xi32, #tpu.memory_space<hbm>>
        tpu.wait_dma2 semaphore(%run_scoped3A : memref<!tpu.dma_semaphore, #tpu.memory_space<semaphore_mem>>) src(%dma_wait3A_52 : memref<2000xi32, #tpu.memory_space<hbm>>) dst(%arg5 : memref<2000xi32, #tpu.memory_space<vmem>>)
        tpu.yield
      }) : () -> ()
      %scan3A_42 = arith.constant 0 : i32
      %scan3A_43 = arith.constant 125 : i32
      %scan3A_44 = arith.addi %scan3A_42, %scan3A_43 : i32
      %scan3A_45 = arith.constant 1 : i32
      %scan3A_46 = scf.for %scan3A_51 = %scan3A_42 to %scan3A_44 step %scan3A_45 iter_args(%scan3A_52 = %scan3A_37) -> (i32)  : i32 {
        %mul3A_53 = arith.constant 16 : i32
        %mul3A_54 = arith.muli %scan3A_51, %mul3A_53 : i32
        %multiple_of3A_55 = tpu.assume_multiple %mul3A_54, 8 : i32
        %get3A = arith.index_cast %multiple_of3A_55 : i32 to index
        %get3A_56 = tpu.vector_load %arg5[%get3A] {strides = array<i32>} : memref<2000xi32, #tpu.memory_space<vmem>>, vector<16xi32>,
        %get3A_57 = vector.shape_cast %get3A_56 : vector<16xi32> to vector<16xi32>
        %mul3A_58 = arith.constant 52429 : i32
        %mul3A_59 = vector.broadcast %mul3A_58 : i32 to vector<16xi32>
        %mul3A_60 = arith.muli %get3A_57, %mul3A_59 : vector<16xi32>
        %shift_right_arithmetic3A = arith.constant 24 : i32
        %shift_right_arithmetic3A_61 = vector.broadcast %shift_right_arithmetic3A : i32 to vector<16xi32>
        %shift_right_arithmetic3A_62 = arith.shrsi %mul3A_60, %shift_right_arithmetic3A_61 : vector<16xi32>
        %eq3A = vector.broadcast %add3A : i32 to vector<16xi32>
        %eq3A_63 = arith.cmpi eq, %shift_right_arithmetic3A_62, %eq3A : vector<16xi32>
        %jit3A = arith.constant 1 : i32
        %jit3A_64 = arith.constant 0 : i32
        %broadcast_in_dim3A_65 = vector.broadcast %jit3A : i32 to vector<16xi32>
        %broadcast_in_dim3A_66 = vector.broadcast %jit3A_64 : i32 to vector<16xi32>
        %select_n3A = arith.select %eq3A_63, %broadcast_in_dim3A_65, %broadcast_in_dim3A_66 : vector<16xi1>, vector<16xi32>
        %mul3A_67 = arith.constant 2000 : i32
        %mul3A_68 = arith.muli %scan3A_36, %mul3A_67 : i32
        %mul3A_69 = arith.constant 16 : i32
        %mul3A_70 = arith.muli %scan3A_51, %mul3A_69 : i32
        %add3A_71 = arith.addi %mul3A_68, %mul3A_70 : i32
        %add3A_72 = vector.broadcast %add3A_71 : i32 to vector<16xi32>
        %add3A_73 = arith.addi %add3A_72, %iota3A : vector<16xi32>
        %shift_left3A = arith.constant 9 : i32
        %shift_left3A_74 = vector.broadcast %shift_left3A : i32 to vector<16xi32>
        %shift_left3A_75 = arith.shli %add3A_73, %shift_left3A_74 : vector<16xi32>
        %sub3A = vector.broadcast %mul3A_2 : i32 to vector<16xi32>
        %sub3A_76 = arith.subi %get3A_57, %sub3A : vector<16xi32>
        %or3A = arith.ori %shift_left3A_75, %sub3A_76 : vector<16xi32>
        %sub3A_77 = arith.constant 1 : i32
        %sub3A_78 = vector.broadcast %sub3A_77 : i32 to vector<16xi32>
        %sub3A_79 = arith.subi %iota3A, %sub3A_78 : vector<16xi32>
        %max3A = arith.constant 0 : i32
        %max3A_80 = vector.broadcast %max3A : i32 to vector<16xi32>
        %max3A_81 = arith.maxsi %sub3A_79, %max3A_80 : vector<16xi32>
        %broadcast_in_dim3A_82 = vector.shape_cast %max3A_81 : vector<16xi32> to vector<16x1xi32>
        %gather3A = vector.shape_cast %broadcast_in_dim3A_82 : vector<16x1xi32> to vector<16xi32>
        %gather3A_83 = tpu.dynamic_gather %select_n3A[%gather3A] in [0] : vector<16xi32>, vector<16xi32> -> vector<16xi32>
        %ge3A_84 = arith.constant 1 : i32
        %ge3A_85 = vector.broadcast %ge3A_84 : i32 to vector<16xi32>
        %ge3A_86 = arith.cmpi sge, %iota3A, %ge3A_85 : vector<16xi32>
        %jit3A_87 = arith.constant 0 : i32
        %broadcast_in_dim3A_88 = vector.broadcast %jit3A_87 : i32 to vector<16xi32>
        %select_n3A_89 = arith.select %ge3A_86, %gather3A_83, %broadcast_in_dim3A_88 : vector<16xi1>, vector<16xi32>
        %add3A_90 = arith.addi %select_n3A, %select_n3A_89 : vector<16xi32>
        %sub3A_91 = arith.constant 2 : i32
        %sub3A_92 = vector.broadcast %sub3A_91 : i32 to vector<16xi32>
        %sub3A_93 = arith.subi %iota3A, %sub3A_92 : vector<16xi32>
        %max3A_94 = arith.constant 0 : i32
        %max3A_95 = vector.broadcast %max3A_94 : i32 to vector<16xi32>
        %max3A_96 = arith.maxsi %sub3A_93, %max3A_95 : vector<16xi32>
        %broadcast_in_dim3A_97 = vector.shape_cast %max3A_96 : vector<16xi32> to vector<16x1xi32>
        %gather3A_98 = vector.shape_cast %broadcast_in_dim3A_97 : vector<16x1xi32> to vector<16xi32>
        %gather3A_99 = tpu.dynamic_gather %add3A_90[%gather3A_98] in [0] : vector<16xi32>, vector<16xi32> -> vector<16xi32>
        %ge3A_100 = arith.constant 2 : i32
        %ge3A_101 = vector.broadcast %ge3A_100 : i32 to vector<16xi32>
        %ge3A_102 = arith.cmpi sge, %iota3A, %ge3A_101 : vector<16xi32>
        %jit3A_103 = arith.constant 0 : i32
        %broadcast_in_dim3A_104 = vector.broadcast %jit3A_103 : i32 to vector<16xi32>
        %select_n3A_105 = arith.select %ge3A_102, %gather3A_99, %broadcast_in_dim3A_104 : vector<16xi1>, vector<16xi32>
        %add3A_106 = arith.addi %add3A_90, %select_n3A_105 : vector<16xi32>
        %sub3A_107 = arith.constant 4 : i32
        %sub3A_108 = vector.broadcast %sub3A_107 : i32 to vector<16xi32>
        %sub3A_109 = arith.subi %iota3A, %sub3A_108 : vector<16xi32>
        %max3A_110 = arith.constant 0 : i32
        %max3A_111 = vector.broadcast %max3A_110 : i32 to vector<16xi32>
        %max3A_112 = arith.maxsi %sub3A_109, %max3A_111 : vector<16xi32>
        %broadcast_in_dim3A_113 = vector.shape_cast %max3A_112 : vector<16xi32> to vector<16x1xi32>
        %gather3A_114 = vector.shape_cast %broadcast_in_dim3A_113 : vector<16x1xi32> to vector<16xi32>
        %gather3A_115 = tpu.dynamic_gather %add3A_106[%gather3A_114] in [0] : vector<16xi32>, vector<16xi32> -> vector<16xi32>
        %ge3A_116 = arith.constant 4 : i32
        %ge3A_117 = vector.broadcast %ge3A_116 : i32 to vector<16xi32>
        %ge3A_118 = arith.cmpi sge, %iota3A, %ge3A_117 : vector<16xi32>
        %jit3A_119 = arith.constant 0 : i32
        %broadcast_in_dim3A_120 = vector.broadcast %jit3A_119 : i32 to vector<16xi32>
        %select_n3A_121 = arith.select %ge3A_118, %gather3A_115, %broadcast_in_dim3A_120 : vector<16xi1>, vector<16xi32>
        %add3A_122 = arith.addi %add3A_106, %select_n3A_121 : vector<16xi32>
        %sub3A_123 = arith.constant 8 : i32
        %sub3A_124 = vector.broadcast %sub3A_123 : i32 to vector<16xi32>
        %sub3A_125 = arith.subi %iota3A, %sub3A_124 : vector<16xi32>
        %max3A_126 = arith.constant 0 : i32
        %max3A_127 = vector.broadcast %max3A_126 : i32 to vector<16xi32>
        %max3A_128 = arith.maxsi %sub3A_125, %max3A_127 : vector<16xi32>
        %broadcast_in_dim3A_129 = vector.shape_cast %max3A_128 : vector<16xi32> to vector<16x1xi32>
        %gather3A_130 = vector.shape_cast %broadcast_in_dim3A_129 : vector<16x1xi32> to vector<16xi32>
        %gather3A_131 = tpu.dynamic_gather %add3A_122[%gather3A_130] in [0] : vector<16xi32>, vector<16xi32> -> vector<16xi32>
        %ge3A_132 = arith.constant 8 : i32
        %ge3A_133 = vector.broadcast %ge3A_132 : i32 to vector<16xi32>
        %ge3A_134 = arith.cmpi sge, %iota3A, %ge3A_133 : vector<16xi32>
        %jit3A_135 = arith.constant 0 : i32
        %broadcast_in_dim3A_136 = vector.broadcast %jit3A_135 : i32 to vector<16xi32>
        %select_n3A_137 = arith.select %ge3A_134, %gather3A_131, %broadcast_in_dim3A_136 : vector<16xi1>, vector<16xi32>
        %add3A_138 = arith.addi %add3A_122, %select_n3A_137 : vector<16xi32>
        %broadcast_in_dim3A_139 = arith.constant 0 : i32
        %broadcast_in_dim3A_140 = vector.broadcast %broadcast_in_dim3A_139 : i32 to vector<16xi32>
        %add3A_141 = arith.constant 7 : i32
        %add3A_142 = vector.broadcast %add3A_141 : i32 to vector<16xi32>
        %add3A_143 = arith.addi %broadcast_in_dim3A_140, %add3A_142 : vector<16xi32>
        %broadcast_in_dim3A_144 = vector.shape_cast %add3A_143 : vector<16xi32> to vector<16x1xi32>
        %gather3A_145 = vector.shape_cast %broadcast_in_dim3A_144 : vector<16x1xi32> to vector<16xi32>
        %gather3A_146 = tpu.dynamic_gather %add3A_138[%gather3A_145] in [0] : vector<16xi32>, vector<16xi32> -> vector<16xi32>
        %lt3A = arith.cmpi slt, %gather3A_146, %add3A_7 : vector<16xi32>
        %jit3A_147 = arith.constant 8 : i32
        %jit3A_148 = arith.constant 0 : i32
        %broadcast_in_dim3A_149 = vector.broadcast %jit3A_147 : i32 to vector<16xi32>
        %broadcast_in_dim3A_150 = vector.broadcast %jit3A_148 : i32 to vector<16xi32>
        %select_n3A_151 = arith.select %lt3A, %broadcast_in_dim3A_149, %broadcast_in_dim3A_150 : vector<16xi1>, vector<16xi32>
        %add3A_152 = arith.addi %broadcast_in_dim3A_140, %select_n3A_151 : vector<16xi32>
        %add3A_153 = arith.constant 3 : i32
        %add3A_154 = vector.broadcast %add3A_153 : i32 to vector<16xi32>
        %add3A_155 = arith.addi %add3A_152, %add3A_154 : vector<16xi32>
        %broadcast_in_dim3A_156 = vector.shape_cast %add3A_155 : vector<16xi32> to vector<16x1xi32>
        %gather3A_157 = vector.shape_cast %broadcast_in_dim3A_156 : vector<16x1xi32> to vector<16xi32>
        %gather3A_158 = tpu.dynamic_gather %add3A_138[%gather3A_157] in [0] : vector<16xi32>, vector<16xi32> -> vector<16xi32>
        %lt3A_159 = arith.cmpi slt, %gather3A_158, %add3A_7 : vector<16xi32>
        %jit3A_160 = arith.constant 4 : i32
        %jit3A_161 = arith.constant 0 : i32
        %broadcast_in_dim3A_162 = vector.broadcast %jit3A_160 : i32 to vector<16xi32>
        %broadcast_in_dim3A_163 = vector.broadcast %jit3A_161 : i32 to vector<16xi32>
        %select_n3A_164 = arith.select %lt3A_159, %broadcast_in_dim3A_162, %broadcast_in_dim3A_163 : vector<16xi1>, vector<16xi32>
        %add3A_165 = arith.addi %add3A_152, %select_n3A_164 : vector<16xi32>
        %add3A_166 = arith.constant 1 : i32
        %add3A_167 = vector.broadcast %add3A_166 : i32 to vector<16xi32>
        %add3A_168 = arith.addi %add3A_165, %add3A_167 : vector<16xi32>
        %broadcast_in_dim3A_169 = vector.shape_cast %add3A_168 : vector<16xi32> to vector<16x1xi32>
        %gather3A_170 = vector.shape_cast %broadcast_in_dim3A_169 : vector<16x1xi32> to vector<16xi32>
        %gather3A_171 = tpu.dynamic_gather %add3A_138[%gather3A_170] in [0] : vector<16xi32>, vector<16xi32> -> vector<16xi32>
        %lt3A_172 = arith.cmpi slt, %gather3A_171, %add3A_7 : vector<16xi32>
        %jit3A_173 = arith.constant 2 : i32
        %jit3A_174 = arith.constant 0 : i32
        %broadcast_in_dim3A_175 = vector.broadcast %jit3A_173 : i32 to vector<16xi32>
        %broadcast_in_dim3A_176 = vector.broadcast %jit3A_174 : i32 to vector<16xi32>
        %select_n3A_177 = arith.select %lt3A_172, %broadcast_in_dim3A_175, %broadcast_in_dim3A_176 : vector<16xi1>, vector<16xi32>
        %add3A_178 = arith.addi %add3A_165, %select_n3A_177 : vector<16xi32>
        %add3A_179 = arith.constant 0 : i32
        %add3A_180 = vector.broadcast %add3A_179 : i32 to vector<16xi32>
        %add3A_181 = arith.addi %add3A_178, %add3A_180 : vector<16xi32>
        %broadcast_in_dim3A_182 = vector.shape_cast %add3A_181 : vector<16xi32> to vector<16x1xi32>
        %gather3A_183 = vector.shape_cast %broadcast_in_dim3A_182 : vector<16x1xi32> to vector<16xi32>
        %gather3A_184 = tpu.dynamic_gather %add3A_138[%gather3A_183] in [0] : vector<16xi32>, vector<16xi32> -> vector<16xi32>
        %lt3A_185 = arith.cmpi slt, %gather3A_184, %add3A_7 : vector<16xi32>
        %jit3A_186 = arith.constant 1 : i32
        %jit3A_187 = arith.constant 0 : i32
        %broadcast_in_dim3A_188 = vector.broadcast %jit3A_186 : i32 to vector<16xi32>
        %broadcast_in_dim3A_189 = vector.broadcast %jit3A_187 : i32 to vector<16xi32>
        %select_n3A_190 = arith.select %lt3A_185, %broadcast_in_dim3A_188, %broadcast_in_dim3A_189 : vector<16xi1>, vector<16xi32>
        %add3A_191 = arith.addi %add3A_178, %select_n3A_190 : vector<16xi32>
        %min3A = arith.constant 15 : i32
        %min3A_192 = vector.broadcast %min3A : i32 to vector<16xi32>
        %min3A_193 = arith.minsi %add3A_191, %min3A_192 : vector<16xi32>
        %broadcast_in_dim3A_194 = vector.shape_cast %min3A_193 : vector<16xi32> to vector<16x1xi32>
        %gather3A_195 = vector.shape_cast %broadcast_in_dim3A_194 : vector<16x1xi32> to vector<16xi32>
        %gather3A_196 = tpu.dynamic_gather %or3A[%gather3A_195] in [0] : vector<16xi32>, vector<16xi32> -> vector<16xi32>
        %swap3A_197 = arith.index_cast %scan3A_52 : i32 to index
        %swap3A_198 = tpu.vector_load %arg6[%swap3A_197] {strides = array<i32>} : memref<4128xi32, #tpu.memory_space<vmem>>, vector<16xi32>,
        %swap3A_199 = vector.shape_cast %swap3A_198 : vector<16xi32> to vector<16xi32>
        %swap3A_200 = vector.shape_cast %gather3A_196 : vector<16xi32> to vector<16xi32>
        tpu.vector_store %arg6[%swap3A_197], %swap3A_200 {strides = array<i32>} : memref<4128xi32, #tpu.memory_space<vmem>>, vector<16xi32>,
        %slice3A = vector.extract_strided_slice %add3A_138 {offsets = [15], sizes = [1], strides = [1]} : vector<16xi32> to vector<1xi32>
        %squeeze3A = vector.extract %slice3A[0] : i32 from vector<1xi32>
        %add3A_201 = arith.addi %scan3A_52, %squeeze3A : i32
        scf.yield %add3A_201 : i32
      }
      %scan3A_47 = arith.constant 125 : i32
      %ge3A = arith.constant 2048 : i32
      %ge3A_48 = arith.cmpi sge, %scan3A_46, %ge3A : i32
      %convert_element_type3A = arith.extui %ge3A_48 : i1 to i32
      %cond3A = arith.constant 0 : i32
      %cond3A_49 = arith.cmpi ne, %convert_element_type3A, %cond3A : i32
      %cond3A_50:2 = scf.if %cond3A_49 -> (i32, i32) {
        %add3A_51 = arith.addi %mul3A_4, %scan3A_38 : i32
        %multiple_of3A_52 = tpu.assume_multiple %add3A_51, 8 : i32
        "tpu.region"() ({
          %run_scoped3A = tpu.sem_alloc : memref<!tpu.dma_semaphore, #tpu.memory_space<semaphore_mem>>
          %dma_start3A = arith.constant 0 : i32
          %dma_start3A_62 = tpu.memref_slice %arg6[%dma_start3A] : memref<4128xi32, #tpu.memory_space<vmem>> -> memref<2048xi32, #tpu.memory_space<vmem>>
          %dma_start3A_63 = tpu.memref_slice %arg3[%multiple_of3A_52] : memref<10373120xi32, #tpu.memory_space<hbm>> -> memref<2048xi32, #tpu.memory_space<hbm>>
          %dma_start3A_64 = tpu.memref_slice %arg3[%multiple_of3A_52] : memref<10373120xi32, #tpu.memory_space<hbm>> -> memref<2048xi32, #tpu.memory_space<hbm>>
          %dma_start3A_65 = arith.constant 0 : i32
          %dma_start3A_66 = tpu.memref_slice %arg6[%dma_start3A_65] : memref<4128xi32, #tpu.memory_space<vmem>> -> memref<2048xi32, #tpu.memory_space<vmem>>
          tpu.enqueue_dma source(%dma_start3A_66 : memref<2048xi32, #tpu.memory_space<vmem>>) target(%dma_start3A_64 : memref<2048xi32, #tpu.memory_space<hbm>>) target_semaphore(%run_scoped3A : memref<!tpu.dma_semaphore, #tpu.memory_space<semaphore_mem>>)
          %dma_wait3A = arith.constant 0 : i32
          %dma_wait3A_67 = tpu.memref_slice %arg6[%dma_wait3A] : memref<4128xi32, #tpu.memory_space<vmem>> -> memref<2048xi32, #tpu.memory_space<vmem>>
          %dma_wait3A_68 = tpu.memref_slice %arg3[%multiple_of3A_52] : memref<10373120xi32, #tpu.memory_space<hbm>> -> memref<2048xi32, #tpu.memory_space<hbm>>
          %dma_wait3A_69 = tpu.memref_slice %arg3[%multiple_of3A_52] : memref<10373120xi32, #tpu.memory_space<hbm>> -> memref<2048xi32, #tpu.memory_space<hbm>>
          %dma_wait3A_70 = arith.constant 0 : i32
          %dma_wait3A_71 = tpu.memref_slice %arg6[%dma_wait3A_70] : memref<4128xi32, #tpu.memory_space<vmem>> -> memref<2048xi32, #tpu.memory_space<vmem>>
          tpu.wait_dma2 semaphore(%run_scoped3A : memref<!tpu.dma_semaphore, #tpu.memory_space<semaphore_mem>>) src(%dma_wait3A_71 : memref<2048xi32, #tpu.memory_space<vmem>>) dst(%dma_wait3A_69 : memref<2048xi32, #tpu.memory_space<hbm>>)
          tpu.yield
        }) : () -> ()
        %scan3A_53 = arith.constant 0 : i32
        %scan3A_54 = arith.constant 0 : i32
        %scan3A_55 = arith.constant 129 : i32
        %scan3A_56 = arith.addi %scan3A_54, %scan3A_55 : i32
        %scan3A_57 = arith.constant 1 : i32
        scf.for %scan3A_62 = %scan3A_54 to %scan3A_56 step %scan3A_57  : i32 {
          %mul3A_63 = arith.constant 16 : i32
          %mul3A_64 = arith.muli %scan3A_62, %mul3A_63 : i32
          %get3A = arith.constant 2048 : i32
          %get3A_65 = tpu.memref_slice %arg6[%get3A] : memref<4128xi32, #tpu.memory_space<vmem>> -> memref<2064xi32, #tpu.memory_space<vmem>>
          %get3A_66 = arith.index_cast %mul3A_64 : i32 to index
          %get3A_67 = tpu.vector_load %get3A_65[%get3A_66] {strides = array<i32>} : memref<2064xi32, #tpu.memory_space<vmem>>, vector<16xi32>,
          %get3A_68 = vector.shape_cast %get3A_67 : vector<16xi32> to vector<16xi32>
          %swap3A_69 = arith.index_cast %mul3A_64 : i32 to index
          %swap3A_70 = tpu.vector_load %arg6[%swap3A_69] {strides = array<i32>} : memref<4128xi32, #tpu.memory_space<vmem>>, vector<16xi32>,
          %swap3A_71 = vector.shape_cast %swap3A_70 : vector<16xi32> to vector<16xi32>
          %swap3A_72 = vector.shape_cast %get3A_68 : vector<16xi32> to vector<16xi32>
          tpu.vector_store %arg6[%swap3A_69], %swap3A_72 {strides = array<i32>} : memref<4128xi32, #tpu.memory_space<vmem>>, vector<16xi32>,
        }
        %scan3A_58 = arith.constant 129 : i32
        %sub3A = arith.constant 2048 : i32
        %sub3A_59 = arith.subi %scan3A_46, %sub3A : i32
        %add3A_60 = arith.constant 2048 : i32
        %add3A_61 = arith.addi %scan3A_38, %add3A_60 : i32
        scf.yield %sub3A_59, %add3A_61 : i32, i32
      } else {
        scf.yield %scan3A_46, %scan3A_38 : i32, i32
      }
      scf.yield %cond3A_50#0, %cond3A_50#1 : i32, i32
    }
    %scan3A_14 = arith.constant 160 : i32
    %mul3A_15 = arith.constant 0 : i32
    %mul3A_16 = arith.muli %scan3A_13#0, %mul3A_15 : i32
    %add3A_17 = arith.addi %mul3A_16, %scan3A_13#1 : i32
    %add3A_18 = arith.addi %mul3A_4, %add3A_17 : i32
    %multiple_of3A = tpu.assume_multiple %add3A_18, 8 : i32
    "tpu.region"() ({
      %run_scoped3A = tpu.sem_alloc : memref<!tpu.dma_semaphore, #tpu.memory_space<semaphore_mem>>
      %dma_start3A = arith.constant 0 : i32
      %dma_start3A_36 = tpu.memref_slice %arg6[%dma_start3A] : memref<4128xi32, #tpu.memory_space<vmem>> -> memref<2048xi32, #tpu.memory_space<vmem>>
      %dma_start3A_37 = tpu.memref_slice %arg3[%multiple_of3A] : memref<10373120xi32, #tpu.memory_space<hbm>> -> memref<2048xi32, #tpu.memory_space<hbm>>
      %dma_start3A_38 = tpu.memref_slice %arg3[%multiple_of3A] : memref<10373120xi32, #tpu.memory_space<hbm>> -> memref<2048xi32, #tpu.memory_space<hbm>>
      %dma_start3A_39 = arith.constant 0 : i32
      %dma_start3A_40 = tpu.memref_slice %arg6[%dma_start3A_39] : memref<4128xi32, #tpu.memory_space<vmem>> -> memref<2048xi32, #tpu.memory_space<vmem>>
      tpu.enqueue_dma source(%dma_start3A_40 : memref<2048xi32, #tpu.memory_space<vmem>>) target(%dma_start3A_38 : memref<2048xi32, #tpu.memory_space<hbm>>) target_semaphore(%run_scoped3A : memref<!tpu.dma_semaphore, #tpu.memory_space<semaphore_mem>>)
      %dma_wait3A = arith.constant 0 : i32
      %dma_wait3A_41 = tpu.memref_slice %arg6[%dma_wait3A] : memref<4128xi32, #tpu.memory_space<vmem>> -> memref<2048xi32, #tpu.memory_space<vmem>>
      %dma_wait3A_42 = tpu.memref_slice %arg3[%multiple_of3A] : memref<10373120xi32, #tpu.memory_space<hbm>> -> memref<2048xi32, #tpu.memory_space<hbm>>
      %dma_wait3A_43 = tpu.memref_slice %arg3[%multiple_of3A] : memref<10373120xi32, #tpu.memory_space<hbm>> -> memref<2048xi32, #tpu.memory_space<hbm>>
      %dma_wait3A_44 = arith.constant 0 : i32
      %dma_wait3A_45 = tpu.memref_slice %arg6[%dma_wait3A_44] : memref<4128xi32, #tpu.memory_space<vmem>> -> memref<2048xi32, #tpu.memory_space<vmem>>
      tpu.wait_dma2 semaphore(%run_scoped3A : memref<!tpu.dma_semaphore, #tpu.memory_space<semaphore_mem>>) src(%dma_wait3A_45 : memref<2048xi32, #tpu.memory_space<vmem>>) dst(%dma_wait3A_43 : memref<2048xi32, #tpu.memory_space<hbm>>)
      tpu.yield
    }) : () -> ()
    %mul3A_19 = arith.constant 0 : i32
    %mul3A_20 = arith.muli %scan3A_13#0, %mul3A_19 : i32
    %add3A_21 = arith.addi %mul3A_20, %scan3A_13#1 : i32
    %add3A_22 = arith.constant 2048 : i32
    %add3A_23 = arith.addi %add3A_21, %add3A_22 : i32
    %add3A_24 = arith.addi %mul3A_4, %add3A_23 : i32
    %multiple_of3A_25 = tpu.assume_multiple %add3A_24, 8 : i32
    "tpu.region"() ({
      %run_scoped3A = tpu.sem_alloc : memref<!tpu.dma_semaphore, #tpu.memory_space<semaphore_mem>>
      %dma_start3A = arith.constant 2048 : i32
      %dma_start3A_36 = tpu.memref_slice %arg6[%dma_start3A] : memref<4128xi32, #tpu.memory_space<vmem>> -> memref<2048xi32, #tpu.memory_space<vmem>>
      %dma_start3A_37 = tpu.memref_slice %arg3[%multiple_of3A_25] : memref<10373120xi32, #tpu.memory_space<hbm>> -> memref<2048xi32, #tpu.memory_space<hbm>>
      %dma_start3A_38 = tpu.memref_slice %arg3[%multiple_of3A_25] : memref<10373120xi32, #tpu.memory_space<hbm>> -> memref<2048xi32, #tpu.memory_space<hbm>>
      %dma_start3A_39 = arith.constant 2048 : i32
      %dma_start3A_40 = tpu.memref_slice %arg6[%dma_start3A_39] : memref<4128xi32, #tpu.memory_space<vmem>> -> memref<2048xi32, #tpu.memory_space<vmem>>
      tpu.enqueue_dma source(%dma_start3A_40 : memref<2048xi32, #tpu.memory_space<vmem>>) target(%dma_start3A_38 : memref<2048xi32, #tpu.memory_space<hbm>>) target_semaphore(%run_scoped3A : memref<!tpu.dma_semaphore, #tpu.memory_space<semaphore_mem>>)
      %dma_wait3A = arith.constant 2048 : i32
      %dma_wait3A_41 = tpu.memref_slice %arg6[%dma_wait3A] : memref<4128xi32, #tpu.memory_space<vmem>> -> memref<2048xi32, #tpu.memory_space<vmem>>
      %dma_wait3A_42 = tpu.memref_slice %arg3[%multiple_of3A_25] : memref<10373120xi32, #tpu.memory_space<hbm>> -> memref<2048xi32, #tpu.memory_space<hbm>>
      %dma_wait3A_43 = tpu.memref_slice %arg3[%multiple_of3A_25] : memref<10373120xi32, #tpu.memory_space<hbm>> -> memref<2048xi32, #tpu.memory_space<hbm>>
      %dma_wait3A_44 = arith.constant 2048 : i32
      %dma_wait3A_45 = tpu.memref_slice %arg6[%dma_wait3A_44] : memref<4128xi32, #tpu.memory_space<vmem>> -> memref<2048xi32, #tpu.memory_space<vmem>>
      tpu.wait_dma2 semaphore(%run_scoped3A : memref<!tpu.dma_semaphore, #tpu.memory_space<semaphore_mem>>) src(%dma_wait3A_45 : memref<2048xi32, #tpu.memory_space<vmem>>) dst(%dma_wait3A_43 : memref<2048xi32, #tpu.memory_space<hbm>>)
      tpu.yield
    }) : () -> ()
    %add3A_26 = arith.addi %scan3A_13#1, %scan3A_13#0 : i32
    %broadcast_in_dim3A = arith.constant 0 : i32
    %broadcast_in_dim3A_27 = vector.broadcast %broadcast_in_dim3A : i32 to vector<16xi32>
    %add3A_28 = vector.broadcast %add3A_26 : i32 to vector<16xi32>
    %add3A_29 = arith.addi %broadcast_in_dim3A_27, %add3A_28 : vector<16xi32>
    %swap3A = arith.constant 0 : index
    %swap3A_30 = tpu.vector_load %arg7[%swap3A] {strides = array<i32>} : memref<16xi32, #tpu.memory_space<vmem>>, vector<16xi32>,
    %swap3A_31 = vector.shape_cast %swap3A_30 : vector<16xi32> to vector<16xi32>
    %swap3A_32 = vector.shape_cast %add3A_29 : vector<16xi32> to vector<16xi32>
    tpu.vector_store %arg7[%swap3A], %swap3A_32 {strides = array<i32>} : memref<16xi32, #tpu.memory_space<vmem>>, vector<16xi32>,
    %mul3A_33 = arith.constant 16 : i32
    %mul3A_34 = arith.muli %add3A, %mul3A_33 : i32
    %multiple_of3A_35 = tpu.assume_multiple %mul3A_34, 8 : i32
    "tpu.region"() ({
      %run_scoped3A = tpu.sem_alloc : memref<!tpu.dma_semaphore, #tpu.memory_space<semaphore_mem>>
      %dma_start3A = tpu.memref_slice %arg4[%multiple_of3A_35] : memref<512xi32, #tpu.memory_space<hbm>> -> memref<16xi32, #tpu.memory_space<hbm>>
      %dma_start3A_36 = tpu.memref_slice %arg4[%multiple_of3A_35] : memref<512xi32, #tpu.memory_space<hbm>> -> memref<16xi32, #tpu.memory_space<hbm>>
      tpu.enqueue_dma source(%arg7 : memref<16xi32, #tpu.memory_space<vmem>>) target(%dma_start3A_36 : memref<16xi32, #tpu.memory_space<hbm>>) target_semaphore(%run_scoped3A : memref<!tpu.dma_semaphore, #tpu.memory_space<semaphore_mem>>)
      %dma_wait3A = tpu.memref_slice %arg4[%multiple_of3A_35] : memref<512xi32, #tpu.memory_space<hbm>> -> memref<16xi32, #tpu.memory_space<hbm>>
      %dma_wait3A_37 = tpu.memref_slice %arg4[%multiple_of3A_35] : memref<512xi32, #tpu.memory_space<hbm>> -> memref<16xi32, #tpu.memory_space<hbm>>
      tpu.wait_dma2 semaphore(%run_scoped3A : memref<!tpu.dma_semaphore, #tpu.memory_space<semaphore_mem>>) src(%arg7 : memref<16xi32, #tpu.memory_space<vmem>>) dst(%dma_wait3A_37 : memref<16xi32, #tpu.memory_space<hbm>>)
      tpu.yield
    }) : () -> ()
    return
  }
}

module attributes {stable_mosaic.version = 14 : i64} {
  func.func @_k0_body(%arg0: i32, %arg1: memref<1000x128xf32, #tpu.memory_space<vmem>>, %arg2: memref<256x256xf32, #tpu.memory_space<vmem>>, %arg3: memref<1x256xf32, #tpu.memory_space<vmem>>, %arg4: memref<1000x256xf32, #tpu.memory_space<vmem>>, %arg5: memref<1000x256xf32, #tpu.memory_space<vmem>>) attributes {dimension_semantics = [#tpu.dimension_semantics<arbitrary>], iteration_bounds = array<i64: 10>, scalar_prefetch = 0 : i64, scratch_operands = 0 : i64, tpu.core_type = #tpu.core_type<tc>, window_params = [{transform_indices = @transform_0, window_bounds = array<i64: 1000, 128>}, {pipeline_mode = #tpu.pipeline_mode<synchronous>, transform_indices = @transform_1, window_bounds = array<i64: 256, 256>}, {pipeline_mode = #tpu.pipeline_mode<synchronous>, transform_indices = @transform_2, window_bounds = array<i64: 1, 256>}, {transform_indices = @transform_3, window_bounds = array<i64: 1000, 256>}, {transform_indices = @transform_4, window_bounds = array<i64: 1000, 256>}]} {
    %get3A = arith.constant 0 : index
    %get3A_0 = arith.constant 0 : index
    %get3A_1 = vector.load %arg1[%get3A, %get3A_0] : memref<1000x128xf32, #tpu.memory_space<vmem>>, vector<1000x128xf32>
    %get3A_2 = arith.constant 0 : index
    %get3A_3 = arith.constant 0 : index
    %get3A_4 = vector.load %arg2[%get3A_2, %get3A_3] : memref<256x256xf32, #tpu.memory_space<vmem>>, vector<128x256xf32>
    %get3A_5 = arith.constant 128 : index
    %get3A_6 = arith.constant 0 : index
    %get3A_7 = vector.load %arg2[%get3A_5, %get3A_6] : memref<256x256xf32, #tpu.memory_space<vmem>>, vector<128x256xf32>
    %sub3A = arith.subf %get3A_4, %get3A_7 : vector<128x256xf32>
    %dot_general3A = arith.constant dense<0.000000e+00> : vector<1000x256xf32>
    %dot_general3A_8 = tpu.matmul %get3A_1, %sub3A, %dot_general3A {dimension_numbers = #tpu.dot_dimension_numbers<[1], [0], [0], [1], [0, 0, 1, 1], [], []>, transpose_lhs_hint = false} : vector<1000x128xf32>, vector<128x256xf32>, vector<1000x256xf32> -> vector<1000x256xf32>
    %get3A_9 = arith.constant 0 : index
    %get3A_10 = arith.constant 0 : index
    %get3A_11 = vector.load %arg3[%get3A_9, %get3A_10] : memref<1x256xf32, #tpu.memory_space<vmem>>, vector<1x256xf32>
    %add3A = vector.broadcast %get3A_11 : vector<1x256xf32> to vector<1000x256xf32>
    %add3A_12 = arith.addf %dot_general3A_8, %add3A : vector<1000x256xf32>
    %swap3A = arith.constant 0 : index
    %swap3A_13 = arith.constant 0 : index
    %swap3A_14 = vector.load %arg4[%swap3A, %swap3A_13] : memref<1000x256xf32, #tpu.memory_space<vmem>>, vector<1000x256xf32>
    tpu.vector_store %arg4[%swap3A, %swap3A_13], %add3A_12 {strides = array<i32>} : memref<1000x256xf32, #tpu.memory_space<vmem>>, vector<1000x256xf32>,
    %dot_general3A_15 = arith.constant dense<0.000000e+00> : vector<1000x256xf32>
    %dot_general3A_16 = tpu.matmul %get3A_1, %get3A_7, %dot_general3A_15 {dimension_numbers = #tpu.dot_dimension_numbers<[1], [0], [0], [1], [0, 0, 1, 1], [], []>, transpose_lhs_hint = false} : vector<1000x128xf32>, vector<128x256xf32>, vector<1000x256xf32> -> vector<1000x256xf32>
    %swap3A_17 = arith.constant 0 : index
    %swap3A_18 = arith.constant 0 : index
    %swap3A_19 = vector.load %arg5[%swap3A_17, %swap3A_18] : memref<1000x256xf32, #tpu.memory_space<vmem>>, vector<1000x256xf32>
    tpu.vector_store %arg5[%swap3A_17, %swap3A_18], %dot_general3A_16 {strides = array<i32>} : memref<1000x256xf32, #tpu.memory_space<vmem>>, vector<1000x256xf32>,
    return
  }
  func.func @transform_0(%arg0: i32) -> (i32, i32) {
    %c0_i32 = arith.constant 0 : i32
    %c0_i32_0 = arith.constant 0 : i32
    return %arg0, %c0_i32 : i32, i32
  }
  func.func @transform_1(%arg0: i32) -> (i32, i32) {
    %c0_i32 = arith.constant 0 : i32
    %c0_i32_0 = arith.constant 0 : i32
    %c0_i32_1 = arith.constant 0 : i32
    return %c0_i32, %c0_i32_0 : i32, i32
  }
  func.func @transform_2(%arg0: i32) -> (i32, i32) {
    %c0_i32 = arith.constant 0 : i32
    %c0_i32_0 = arith.constant 0 : i32
    %c0_i32_1 = arith.constant 0 : i32
    return %c0_i32, %c0_i32_0 : i32, i32
  }
  func.func @transform_3(%arg0: i32) -> (i32, i32) {
    %c0_i32 = arith.constant 0 : i32
    %c0_i32_0 = arith.constant 0 : i32
    return %arg0, %c0_i32 : i32, i32
  }
  func.func @transform_4(%arg0: i32) -> (i32, i32) {
    %c0_i32 = arith.constant 0 : i32
    %c0_i32_0 = arith.constant 0 : i32
    return %arg0, %c0_i32 : i32, i32
  }
}

module attributes {stable_mosaic.version = 14 : i64} {
  func.func @_k2_body(%arg0: i32, %arg1: memref<512x256xf32, #tpu.memory_space<vmem>>, %arg2: memref<256x256xf32, #tpu.memory_space<vmem>>, %arg3: memref<1x256xf32, #tpu.memory_space<vmem>>, %arg4: memref<512x256xf32, #tpu.memory_space<vmem>>) attributes {dimension_semantics = [#tpu.dimension_semantics<arbitrary>], iteration_bounds = array<i64: 625>, scalar_prefetch = 0 : i64, scratch_operands = 0 : i64, tpu.core_type = #tpu.core_type<tc>, window_params = [{transform_indices = @transform_0, window_bounds = array<i64: 512, 256>}, {pipeline_mode = #tpu.pipeline_mode<synchronous>, transform_indices = @transform_1, window_bounds = array<i64: 256, 256>}, {pipeline_mode = #tpu.pipeline_mode<synchronous>, transform_indices = @transform_2, window_bounds = array<i64: 1, 256>}, {transform_indices = @transform_3, window_bounds = array<i64: 512, 256>}]} {
    %get3A = arith.constant 0 : index
    %get3A_0 = arith.constant 0 : index
    %get3A_1 = vector.load %arg1[%get3A, %get3A_0] : memref<512x256xf32, #tpu.memory_space<vmem>>, vector<512x256xf32>
    %max3A = arith.constant 0.000000e+00 : f32
    %max3A_2 = vector.broadcast %max3A : f32 to vector<512x256xf32>
    %max3A_3 = arith.maximumf %get3A_1, %max3A_2 : vector<512x256xf32>
    %get3A_4 = arith.constant 0 : index
    %get3A_5 = arith.constant 0 : index
    %get3A_6 = vector.load %arg2[%get3A_4, %get3A_5] : memref<256x256xf32, #tpu.memory_space<vmem>>, vector<256x256xf32>
    %dot_general3A = arith.constant dense<0.000000e+00> : vector<512x256xf32>
    %dot_general3A_7 = tpu.matmul %max3A_3, %get3A_6, %dot_general3A {dimension_numbers = #tpu.dot_dimension_numbers<[1], [0], [0], [1], [0, 0, 1, 1], [], []>, transpose_lhs_hint = false} : vector<512x256xf32>, vector<256x256xf32>, vector<512x256xf32> -> vector<512x256xf32>
    %get3A_8 = arith.constant 0 : index
    %get3A_9 = arith.constant 0 : index
    %get3A_10 = vector.load %arg3[%get3A_8, %get3A_9] : memref<1x256xf32, #tpu.memory_space<vmem>>, vector<1x256xf32>
    %add3A = vector.broadcast %get3A_10 : vector<1x256xf32> to vector<512x256xf32>
    %add3A_11 = arith.addf %dot_general3A_7, %add3A : vector<512x256xf32>
    %max3A_12 = arith.constant 0.000000e+00 : f32
    %max3A_13 = vector.broadcast %max3A_12 : f32 to vector<512x256xf32>
    %max3A_14 = arith.maximumf %add3A_11, %max3A_13 : vector<512x256xf32>
    %swap3A = arith.constant 0 : index
    %swap3A_15 = arith.constant 0 : index
    %swap3A_16 = vector.load %arg4[%swap3A, %swap3A_15] : memref<512x256xf32, #tpu.memory_space<vmem>>, vector<512x256xf32>
    tpu.vector_store %arg4[%swap3A, %swap3A_15], %max3A_14 {strides = array<i32>} : memref<512x256xf32, #tpu.memory_space<vmem>>, vector<512x256xf32>,
    return
  }
  func.func @transform_0(%arg0: i32) -> (i32, i32) {
    %c0_i32 = arith.constant 0 : i32
    %c0_i32_0 = arith.constant 0 : i32
    return %arg0, %c0_i32 : i32, i32
  }
  func.func @transform_1(%arg0: i32) -> (i32, i32) {
    %c0_i32 = arith.constant 0 : i32
    %c0_i32_0 = arith.constant 0 : i32
    %c0_i32_1 = arith.constant 0 : i32
    return %c0_i32, %c0_i32_0 : i32, i32
  }
  func.func @transform_2(%arg0: i32) -> (i32, i32) {
    %c0_i32 = arith.constant 0 : i32
    %c0_i32_0 = arith.constant 0 : i32
    %c0_i32_1 = arith.constant 0 : i32
    return %c0_i32, %c0_i32_0 : i32, i32
  }
  func.func @transform_3(%arg0: i32) -> (i32, i32) {
    %c0_i32 = arith.constant 0 : i32
    %c0_i32_0 = arith.constant 0 : i32
    return %arg0, %c0_i32 : i32, i32
  }
}

</mosaic_0001>

<sc_bundles>
// kernel: kernel.10.cloned.1.call-start
scs
__scs_entry_jumppad:
0x0: {  	(pc) =	sbr.rel $0x88, $3  }
0x1: {  	(tag) =	ssettag $0x0;
	lr =	simm.s32 $0x1  }
0x2: {  	[smem:$0x3F9B] =	sst lr;
	_ =	strace $0xD0000000  }
0x3: {  	_ = 	snop  }
0x4: {  	_ = 	snop  }
0x5: {  	_ = 	snop  }
0x6: {  	_ = 	snop  }
0x7: {  	_ = 	snop  }
__scs_overlays_trampoline_lowered:
0x8: {  	[smem:$0x3FAA] =	sst s0  }
0x9: {  	[smem:$0x3FAB] =	sst s1  }
0xa: {  	[smem:$0x3FAC] =	sst s2  }
0xb: {  	[smem:$0x3FAD] =	sst s3  }
0xc: {  	[smem:$0x3FAE] =	sst s4  }
0xd: {  	[smem:$0x3FAF] =	sst s5  }
0xe: {  	[smem:$0x3FB0] =	sst s6  }
0xf: {  	[smem:$0x3FB1] =	sst s7  }
0x10: {  	[smem:$0x3FB2] =	sst s8  }
0x11: {  	[smem:$0x3FB3] =	sst s9;
	s0 =	simm.s32 @!p0 $0x0  }
0x12: {  	s1 =	sld [smem:$0x3F99];
	s0 =	simm.s32 @p0 $0x1  }
0x13: {  	[smem:$0x3FB4] =	sst s0;
	s0 =	simm.s32 @!p1 $0x0  }
0x14: {  	s2 =	sld [smem:$0x3F98];
	s0 =	simm.s32 @p1 $0x1  }
0x15: {  	[smem:$0x3FB5] =	sst s0;
	s0 =	simm.s32 @!p2 $0x0  }
0x16: {  	s3 =	sld [smem:$0x3FDB];
	s0 =	simm.s32 @p2 $0x1  }
0x17: {  	s4 =	simm.s32 $0x1BF5;
	[smem:$0x3FB7] =	sst s0  }
0x18: {  	s0 =	sld [smem:$0x3F9A];
	_ =	swait.ge [sflag:s4], $0x0  }
0x19: {  	s7 =	sld [smem:$0x3F9B]  }
0x1a: {  	s8 =	sadd.s32 $0xFFFFE003, lr  }
0x1b: {  	s9 =	sadd.s32 $0xFFFFFEF7, lr;
	s5 =	simm.s32 $0xFFFFFFFF;
	p2 =	slt.u32 s8, $0xFFFFF086  }
0x1c: {  	p1 =	slt.u32 s9, $0xF7A;
	s5 =	simm.s32 @!p2 $0x0  }
0x1d: {  	s5 =	simm.s32 @p1 $0x1;
	p0 =	seq.s32 s7, s2  }
0x1e: {  	s7 =	smul.u32 @!p0 $0xF7A, s2;
	p2 =	seq.s32 @!p0 s5, $0x0  }
0x1f: {  	s9 =	smul.u32 $0xF7A, s1;
	s8 =	simm.s32 @!p0 $0x1BF5;
	p2 =	por !p2, p0  }
0x20: {  	[sflag:s8] =	ssyncset.s32 @!p0 $0xFFFFF086;
	s6 =	sadd.s32 @!p0 s3, s7;
	s7 =	simm.s32 @!p0 $0x108  }
0x21: {  	s3 =	sadd.s32 s3, s9;
	s6 =	sadd.s32 @!p0 $0x88, s6;
	s7 =	simm.s32 @p2 $0x1082  }
0x22: {  	[simem:s7], [sflag:s8] =	dma.local @!p0 [hbm:s6], $0xF7A  }
0x23: {  	s9 =	sor.u32 $0xD0000000, s2;
	s6 =	simm.s32 $0x108;
	_ =	swait.ge @!p0 [sflag:s8], $0x0  }
0x24: {  	s3 =	sadd.s32 $0x88, s3;
	s6 =	simm.s32 @!p1 $0x1082;
	[sflag:s4] =	ssyncset.s32 $0xFFFFF086  }
0x25: {  	[simem:s6], [sflag:s4] =	dma.local [hbm:s3], $0xF7A  }
0x26: {  	[smem:$0x3F9B] =	sst s1;
	(tag) =	ssettag s2;
	_ =	strace s9  }
0x27: {  	s1 =	sld [smem:$0x3FAB]  }
0x28: {  	s2 =	sld [smem:$0x3FAC]  }
0x29: {  	s4 =	sld [smem:$0x3FAE]  }
0x2a: {  	p0 =	seq.s32 s5, $0x0;
	s5 =	sld [smem:$0x3FAF]  }
0x2b: {  	s6 =	sld [smem:$0x3FB0]  }
0x2c: {  	s7 =	sld [smem:$0x3FB1]  }
0x2d: {  	s3 =	simm.s32 $0x108;
	s8 =	sld [smem:$0x3FB2]  }
0x2e: {  	s3 =	simm.s32 @!p0 $0x1082;
	s9 =	sld [smem:$0x3FB3]  }
0x2f: {  	lr =	sadd.s32 s0, s3;
	s0 =	sld [smem:$0x3FAA]  }
0x30: {  	s3 =	sld [smem:$0x3FAD]  }
0x31: {  	[smem:$0x3FB6] =	sst s10  }
0x32: {  	s10 =	sld [smem:$0x3FB4];
	_ =	sdelay $0x3  }
0x33: {  	p0 =	seq.s32 s10, $0x1;
	s10 =	sld [smem:$0x3FB6];
	_ =	sdelay $0x3  }
0x34: {  	[smem:$0x3FB6] =	sst s10  }
0x35: {  	s10 =	sld [smem:$0x3FB5];
	_ =	sdelay $0x3  }
0x36: {  	p1 =	seq.s32 s10, $0x1;
	s10 =	sld [smem:$0x3FB6];
	_ =	sdelay $0x3  }
0x37: {  	[smem:$0x3FB6] =	sst s10  }
0x38: {  	s10 =	sld [smem:$0x3FB7]  }
0x39: {  	_ = 	snop;
	(pc) =	sbr.ind lr, $3  }
0x3a: {  	_ = 	snop  }
0x3b: {  	_ = 	snop  }
0x3c: {  	p2 =	seq.s32 s10, $0x1;
	s10 =	sld [smem:$0x3FB6]  }
0x3d: {  	_ =	shalt  }
0x3e: {  	_ =	shalt  }
0x3f: {  	_ =	shalt  }
0x40: {  	_ =	shalt  }
0x41: {  	_ =	shalt  }
0x42: {  	_ =	shalt  }
0x43: {  	_ =	shalt  }
0x44: {  	_ =	shalt  }
0x45: {  	_ =	shalt  }
0x46: {  	_ =	shalt  }
0x47: {  	_ =	shalt  }
0x48: {  	_ =	shalt  }
0x49: {  	_ =	shalt  }
0x4a: {  	_ =	shalt  }
0x4b: {  	_ =	shalt  }
0x4c: {  	_ =	shalt  }
0x4d: {  	_ =	shalt  }
0x4e: {  	_ =	shalt  }
0x4f: {  	_ =	shalt  }
0x50: {  	_ =	shalt  }
0x51: {  	_ =	shalt  }
0x52: {  	_ =	shalt  }
0x53: {  	_ =	shalt  }
0x54: {  	_ =	shalt  }
0x55: {  	_ =	shalt  }
0x56: {  	_ =	shalt  }
0x57: {  	_ =	shalt  }
0x58: {  	_ =	shalt  }
0x59: {  	_ =	shalt  }
0x5a: {  	_ =	shalt  }
0x5b: {  	_ =	shalt  }
0x5c: {  	_ =	shalt  }
0x5d: {  	_ =	shalt  }
0x5e: {  	_ =	shalt  }
0x5f: {  	_ =	shalt  }
0x60: {  	_ =	shalt  }
0x61: {  	_ =	shalt  }
0x62: {  	_ =	shalt  }
0x63: {  	_ =	shalt  }
0x64: {  	_ =	shalt  }
0x65: {  	_ =	shalt  }
0x66: {  	_ =	shalt  }
0x67: {  	_ =	shalt  }
0x68: {  	_ =	shalt  }
0x69: {  	_ =	shalt  }
0x6a: {  	_ =	shalt  }
0x6b: {  	_ =	shalt  }
0x6c: {  	_ =	shalt  }
0x6d: {  	_ =	shalt  }
0x6e: {  	_ =	shalt  }
0x6f: {  	_ =	shalt  }
0x70: {  	_ =	shalt  }
0x71: {  	_ =	shalt  }
0x72: {  	_ =	shalt  }
0x73: {  	_ =	shalt  }
0x74: {  	_ =	shalt  }
0x75: {  	_ =	shalt  }
0x76: {  	_ =	shalt  }
0x77: {  	_ =	shalt  }
0x78: {  	_ =	shalt  }
0x79: {  	_ =	shalt  }
0x7a: {  	_ =	shalt  }
0x7b: {  	_ =	shalt  }
0x7c: {  	_ =	shalt  }
0x7d: {  	_ =	shalt  }
0x7e: {  	_ =	shalt  }
0x7f: {  	_ =	shalt  }
0x80: {  	_ =	shalt  }
0x81: {  	_ =	shalt  }
0x82: {  	_ =	shalt  }
0x83: {  	_ =	shalt  }
0x84: {  	_ =	shalt  }
0x85: {  	_ =	shalt  }
0x86: {  	_ =	shalt  }
0x87: {  	_ =	shalt  }
.Lfunc_end0:
.L_simem_size_0:
called_computation.1_lowered:
.L_overlay_start_0:
0x88: {  	s2 =	sld [smem:$0x3FD9]  }
0x89: {  	s3 =	sld [smem:$0x3FFE];
	_ =	sdelay $0x1  }
0x8a: {  	s1 =	srdreg.scid  }
0x8b: {  	s0 =	sand.u32 $0x1, s1  }
0x8c: {  	s17 =	sshll.u32 s0, $0xA;
	s2 =	sadd.s32 s3, s2  }
0x8d: {  	s2 =	sadd.s32 s2, s17  }
0x8e: {  	[smem:$0x3FC2] =	sst s2  }
0x8f: {  	_ = 	snop  }
0x90: {  	s2 =	sld [smem:$0x3FD0];
	(tm) =	ssettm $0x1  }
0x91: {  	s18 =	sld [smem:$0x3FFB];
	_ =	sdelay $0x3  }
0x92: {  	_ =	strace s18  }
0x93: {  	s3 =	sld [smem:$0x3FFC];
	_ =	sdelay $0x3  }
0x94: {  	_ =	strace s3  }
0x95: {  	s3 =	sld [smem:$0x3FFD];
	_ =	sdelay $0x3  }
0x96: {  	_ =	strace s3  }
0x97: {  	_ =	strace $0x8FFFFFFF  }
0x98: {  	s19 =	sld [smem:$0x3FDB];
	_ =	sdelay $0x1  }
0x99: {  	s4 =	simm.s32 $_scs_section_size  }
0x9a: {  	s5 =	simm.s32 $_size__tile_overlayer_lowered;
	s6 =	simm.s32 $_tile_overlayer_lowered  }
0x9b: {  	s22 =	simm.s32 $0x1BFF;
	s21 =	sshll.u32 s6, $0x1;
	s3 =	sadd.s32 s4, s19  }
0x9c: {  	s7 =	simm.s32 $0x0;
	s20 =	sshll.u32 s5, $0x1;
	s5 =	sadd.s32 s21, s3  }
0x9d: {  	[timem:s7], [sflag:s22] =	dma.local [hbm:s5], s20  }
0x9e: {  	_ =	swait.ge [sflag:s22], s20  }
0x9f: {  	s4 =	ssub.s32 $0x0, s20;
	[sflag:s22] =	ssyncset.done $0x0  }
0xa0: {  	[sflag:s22] =	ssyncadd.s32 s4;
	_ =	sdelay $0x1  }
0xa1: {  	s23 =	simm.s32 $0x1B8B  }
0xa2: {  	_ =	swait.ge [sflag:s23], $0x1  }
0xa3: {  	[sflag:s23] =	ssyncset.done $0x0  }
0xa4: {  	s25 =	simm.s32 $0x1B8E;
	s24 =	sld [smem:$0x3FFE];
	[sflag:s23] =	ssyncadd.s32 $0xFFFFFFFF  }
0xa5: {  	s26 =	simm.s32 $execute0_lowered;
	[smem:$0x3FD2] =	sst s25  }
0xa6: {  	s5 =	sshll.u32 s26, $0x1;
	_ =	strace $0x80000046;
	[dreg:$0x1] =	wrdreg $0xFFFFFFFF  }
0xa7: {  	s28 =	simm.s32 $_size_execute0_lowered;
	s3 =	sadd.s32 s3, s5;
	[dreg:$0x0] =	wrdreg $0x0  }
0xa8: {  	s5 =	sshll.u32 s28, $0x1;
	[dreg:$0x2] =	wrdreg s3  }
0xa9: {  	[dreg:$0x3] =	wrdreg s5  }
0xaa: {  	[dreg:$0x4] =	wrdreg $0xC0  }
0xab: {  	_ =	task [dreg:s7], $0x5FFFF  }
0xac: {  	[dreg:$0x1] =	wrdreg $0xFFFFFFFF  }
0xad: {  	[dreg:$0x0] =	wrdreg $0x60  }
0xae: {  	[dreg:$0x2] =	wrdreg s24  }
0xaf: {  	[dreg:$0x3] =	wrdreg s2  }
0xb0: {  	[dreg:$0x4] =	wrdreg $0xA  }
0xb1: {  	_ =	task.clear_ibuf [dreg:s7], $0x5FFFF;
	_ =	strace $0x90000046  }
0xb2: {  	s29 =	simm.s32 $0xA;
	_ =	strace $0x80000048  }
0xb3: {  	_ =	swait.ge [sflag:s29], $0x1  }
0xb4: {  	[sflag:s29] =	ssyncadd.s32 $0xFFFFFFFF  }
0xb5: {  	_ =	strace $0x90000048  }
0xb6: {  	_ =	sfence  }
0xb7: {  	s30 =	sld [smem:$0x0];
	_ =	sdelay $0x2  }
0xb8: {  	s31 =	sshll.u32 s1, $0xD;
	s1 =	sshrl.u32 s1, $0x2  }
0xb9: {  	s3 =	sand.u32 $0x4000, s31;
	s1 =	sadd.s32 s1, s30  }
0xba: {  	s0 =	sor.u32 s3, s0;
	s1 =	sshll.u32 s1, $0x11  }
0xbb: {  	s0 =	sor.u32 s1, s0  }
0xbc: {  	s0 =	sadd.s32 $0x8F2B, s0  }
0xbd: {  	[sflag:s0] =	ssyncadd.remote.s32 $0x1  }
0xbe: {  	_ =	sfence.sel $0xFFFF  }
0xbf: {  	[dreg:$0x0] =	wrdreg $0xFFFFFFFF;
	(pc) =	sbr.abs _section_cstart, $3  }
0xc0: {  	[dreg:$0x1] =	wrdreg $0xFFFFFFFF  }
0xc1: {  	_ =	task.clear_ibuf [dreg:s7], $0x2FFFF;
	_ =	strace $0x9FFFFFFF  }
0xc2: {  	(tm) =	ssettm $0x7FFFFFFF  }
0xc3: {  	_ =	shalt  }
tec
execute0_lowered:
.L_overlay_start_1:
0x0: {  	(tag) =	ssettag $0x1  }
0x1: {  	s0 =	rddreg [dreg:$0x0]  }
0x2: {  	s2 =	rddreg [dreg:$0x1]  }
0x3: {  	s3 =	simm.s32 $0x0;
	s1 =	srdreg.scid;
	s4 =	stileid.u32  }
0x4: {  	s15 =	simm.s32 $0x5;
	s17 =	simm.s32 $0x100;
	s13 =	simm.s32 $0x9100  }
0x5: {  	s14 =	simm.s32 $0x9900;
	s16 =	simm.s32 $0xA200;
	s20 =	simm.s32 $0x13A00  }
0x6: {  	s23 =	simm.s32 $0x1;
	s19 =	simm.s32 $0x2;
	s24 =	simm.s32 $0x3  }
0x7: {  	s25 =	simm.s32 $0x4;
	s21 =	simm.s32 $0x0;
	[smem:$0x7FF] =	sst s3  }
0x8: {  	s1 =	sand.u32 $0x1, s1;
	s5 =	sshll.u32 s4, $0x1;
	s4 =	sadd.s32 $0x15200, s0  }
0x9: {  	s7 =	sadd.s32 $0xB400, s0;
	_ =	strace $0x80000047;
	s8 =	sor.u32 s1, s5  }
0xa: {  	s5 =	sadd.s32 $0x1600, s0;
	s1 =	ssub.s32 $0x2, s1;
	s6 =	smul.u32 $0x2710, s8  }
0xb: {  	s9 =	sshrl.u32 s1, $0x1;
	s10 =	smul.u32 $0x271000, s8;
	s8 =	sadd.s32 $0x63400, s0  }
0xc: {  	s28 =	ssub.s32 s1, s9;
	s9 =	simm.s32 $0x8100;
	s29 =	sshrl.u32 s6, $0x3  }
0xd: {  	s31 =	sshrl.u32 s10, $0x3;
	s11 =	sadd.s32 $0x50, s6;
	s0 =	smax.u32 s28, $0x1  }
0xe: {  	s12 =	sadd.s32 $0xA0, s6;
	s1 =	sadd.s32 s5, s29;
	[dreg:$0x6] =	wrdreg s0  }
0xf: {  	v2 =	vlaneseq.u32;
	s30 =	sadd.s32 s7, s29;
	[dreg:$0x4] =	wrdreg s1;
	s1 =	sadd.s32 s8, s31  }
0x10: {  	vm0 =	vmmov $0xffff;
	v1 =	vshrl.u32 v2, $0x3;
	s10 =	simm.s32 $0x8900;
	[dreg:$0x3] =	wrdreg s30;
	s1 =	sadd.s32 $0x4D800, s1  }
0x11: {  	v0 =	vand.u32 $0x7, v2;
	v2 =	vor.u32 $0x8, v2;
	v1 =	vmul.u32 $0x8, v1;
	s0 =	simm.s32 $0x7100;
	[dreg:$0x5] =	wrdreg s1;
	s1 =	simm.s32 $0x7900  }
.LBB2_1:
0x12: {  	[dreg:$0x7] =	wrdreg s21  }
0x13: {  	s18 =	rddreg [dreg:$0x3]  }
0x14: {  	[tilespmem:s3], [sflag:$0x5] =	stream.linear.gather [hbm4b:s18+s3], $0x50, $0x38;
	[tilespmem:$0x14200] =	vst v63  }
0x15: {  	_ =	swait.ge [sflag:s15], $0x50  }
0x16: {  	[sflag:s15] =	ssyncset.done $0x0  }
0x17: {  	s31 =	simm.s32 $0x80;
	s30 =	rddreg [dreg:$0x4];
	[sflag:s15] =	ssyncadd.s32 $0xFFFFFFB0  }
0x18: {  	[tilespmem:s31], [sflag:$0x5] =	stream.linear.gather [hbm4b:s30+s3], $0x50, $0x38;
	[tilespmem:$0x14200] =	vst v63  }
0x19: {  	_ =	swait.ge [sflag:s15], $0x50  }
0x1a: {  	[sflag:s15] =	ssyncset.done $0x0  }
0x1b: {  	[sflag:s15] =	ssyncadd.s32 $0xFFFFFFB0  }
0x1c: {  	v3 =	vld [tilespmem:$0x0];
	_ =	sdelay $0x4  }
0x1d: {  	v4 =	vshll.u32 v3, $0x1  }
0x1e: {  	v3 =	vand.u32 $0x7, v3;
	v4 =	vand.u32 $0xFFFFFFF0, v4  }
0x1f: {  	v3 =	vor.u32 v3, v4  }
0x20: {  	v4 =	vperm.xlane v3, v0;
	_ =	sdelay $0x1  }
0x21: {  	v3 =	vperm.xlane v3, v2;
	v4 =	vadd.s32 v1, v4;
	_ =	sdelay $0x1  }
0x22: {  	v3 =	vadd.s32 v1, v3;
	_ =	sdelay $0x2  }
0x23: {  	[tilespmem:s17], [sflag:$0x1] =	stream.indirect_vreg.gather [hbm4b:s4+s3], $0x80, v4, vm0, $0xb8;
	[tilespmem:$0x14200] =	vst v63  }
0x24: {  	s22 =	simm.s32 $0x900  }
0x25: {  	[tilespmem:s22], [sflag:$0x1] =	stream.indirect_vreg.gather [hbm4b:s4+s3], $0x80, v3, vm0, $0xb8;
	[tilespmem:$0x14200] =	vst v63  }
0x26: {  	v3 =	vld [tilespmem:$0x10];
	_ =	sdelay $0x4  }
0x27: {  	v55 =	vshll.u32 v3, $0x1  }
0x28: {  	v3 =	vand.u32 $0x7, v3;
	v4 =	vand.u32 $0xFFFFFFF0, v55  }
0x29: {  	v3 =	vor.u32 v3, v4  }
0x2a: {  	v4 =	vperm.xlane v3, v0;
	_ =	sdelay $0x1  }
0x2b: {  	v3 =	vperm.xlane v3, v2;
	v4 =	vadd.s32 v1, v4;
	_ =	sdelay $0x1  }
0x2c: {  	v3 =	vadd.s32 v1, v3;
	_ =	sdelay $0x1  }
0x2d: {  	s26 =	simm.s32 $0x1100  }
0x2e: {  	[tilespmem:s26], [sflag:$0x1] =	stream.indirect_vreg.gather [hbm4b:s4+s3], $0x80, v4, vm0, $0xb8;
	[tilespmem:$0x14200] =	vst v63  }
0x2f: {  	s28 =	simm.s32 $0x1900  }
0x30: {  	[tilespmem:s28], [sflag:$0x1] =	stream.indirect_vreg.gather [hbm4b:s4+s3], $0x80, v3, vm0, $0xb8;
	[tilespmem:$0x14200] =	vst v63  }
0x31: {  	v3 =	vld [tilespmem:$0x20];
	_ =	sdelay $0x4  }
0x32: {  	v56 =	vshll.u32 v3, $0x1  }
0x33: {  	v3 =	vand.u32 $0x7, v3;
	v4 =	vand.u32 $0xFFFFFFF0, v56  }
0x34: {  	v3 =	vor.u32 v3, v4  }
0x35: {  	v4 =	vperm.xlane v3, v0;
	_ =	sdelay $0x1  }
0x36: {  	v3 =	vperm.xlane v3, v2;
	v4 =	vadd.s32 v1, v4;
	_ =	sdelay $0x1  }
0x37: {  	v3 =	vadd.s32 v1, v3;
	_ =	sdelay $0x1  }
0x38: {  	s29 =	simm.s32 $0x2100  }
0x39: {  	[tilespmem:s29], [sflag:$0x1] =	stream.indirect_vreg.gather [hbm4b:s4+s3], $0x80, v4, vm0, $0xb8;
	[tilespmem:$0x14200] =	vst v63  }
0x3a: {  	s30 =	simm.s32 $0x2900  }
0x3b: {  	[tilespmem:s30], [sflag:$0x1] =	stream.indirect_vreg.gather [hbm4b:s4+s3], $0x80, v3, vm0, $0xb8;
	[tilespmem:$0x14200] =	vst v63  }
0x3c: {  	v3 =	vld [tilespmem:$0x30];
	_ =	sdelay $0x4  }
0x3d: {  	v57 =	vshll.u32 v3, $0x1  }
0x3e: {  	v3 =	vand.u32 $0x7, v3;
	v4 =	vand.u32 $0xFFFFFFF0, v57  }
0x3f: {  	v3 =	vor.u32 v3, v4  }
0x40: {  	v4 =	vperm.xlane v3, v0;
	_ =	sdelay $0x1  }
0x41: {  	v3 =	vperm.xlane v3, v2;
	v4 =	vadd.s32 v1, v4;
	_ =	sdelay $0x1  }
0x42: {  	v3 =	vadd.s32 v1, v3;
	_ =	sdelay $0x1  }
0x43: {  	s31 =	simm.s32 $0x3100  }
0x44: {  	[tilespmem:s31], [sflag:$0x1] =	stream.indirect_vreg.gather [hbm4b:s4+s3], $0x80, v4, vm0, $0xb8;
	[tilespmem:$0x14200] =	vst v63  }
0x45: {  	s21 =	simm.s32 $0x3900  }
0x46: {  	[tilespmem:s21], [sflag:$0x1] =	stream.indirect_vreg.gather [hbm4b:s4+s3], $0x80, v3, vm0, $0xb8;
	[tilespmem:$0x14200] =	vst v63  }
0x47: {  	v3 =	vld [tilespmem:$0x40];
	_ =	sdelay $0x4  }
0x48: {  	v58 =	vshll.u32 v3, $0x1  }
0x49: {  	v3 =	vand.u32 $0x7, v3;
	v4 =	vand.u32 $0xFFFFFFF0, v58  }
0x4a: {  	v3 =	vor.u32 v3, v4  }
0x4b: {  	v4 =	vperm.xlane v3, v0;
	_ =	sdelay $0x1  }
0x4c: {  	v3 =	vperm.xlane v3, v2;
	v4 =	vadd.s32 v1, v4;
	_ =	sdelay $0x1  }
0x4d: {  	v3 =	vadd.s32 v1, v3;
	_ =	sdelay $0x1  }
0x4e: {  	s22 =	simm.s32 $0x4100  }
0x4f: {  	[tilespmem:s22], [sflag:$0x1] =	stream.indirect_vreg.gather [hbm4b:s4+s3], $0x80, v4, vm0, $0xb8;
	[tilespmem:$0x14200] =	vst v63  }
0x50: {  	s26 =	simm.s32 $0x4900  }
0x51: {  	[tilespmem:s26], [sflag:$0x1] =	stream.indirect_vreg.gather [hbm4b:s4+s3], $0x80, v3, vm0, $0xb8;
	[tilespmem:$0x14200] =	vst v63  }
0x52: {  	v3 =	vld [tilespmem:$0x80];
	_ =	sdelay $0x4  }
0x53: {  	v59 =	vshll.u32 v3, $0x1  }
0x54: {  	v3 =	vand.u32 $0x7, v3;
	v4 =	vand.u32 $0xFFFFFFF0, v59  }
0x55: {  	v3 =	vor.u32 v3, v4  }
0x56: {  	v4 =	vperm.xlane v3, v0;
	_ =	sdelay $0x1  }
0x57: {  	v3 =	vperm.xlane v3, v2;
	v4 =	vadd.s32 v1, v4;
	_ =	sdelay $0x1  }
0x58: {  	v3 =	vadd.s32 v1, v3;
	_ =	sdelay $0x1  }
0x59: {  	s28 =	simm.s32 $0x5100  }
0x5a: {  	[tilespmem:s28], [sflag:$0x2] =	stream.indirect_vreg.gather [hbm4b:s2+s3], $0x80, v4, vm0, $0xb8;
	[tilespmem:$0x14200] =	vst v63  }
0x5b: {  	s29 =	simm.s32 $0x5900  }
0x5c: {  	[tilespmem:s29], [sflag:$0x2] =	stream.indirect_vreg.gather [hbm4b:s2+s3], $0x80, v3, vm0, $0xb8;
	[tilespmem:$0x14200] =	vst v63  }
0x5d: {  	v3 =	vld [tilespmem:$0x90];
	_ =	sdelay $0x4  }
0x5e: {  	v60 =	vshll.u32 v3, $0x1  }
0x5f: {  	v3 =	vand.u32 $0x7, v3;
	v4 =	vand.u32 $0xFFFFFFF0, v60  }
0x60: {  	v3 =	vor.u32 v3, v4  }
0x61: {  	v4 =	vperm.xlane v3, v0;
	_ =	sdelay $0x1  }
0x62: {  	v3 =	vperm.xlane v3, v2;
	v4 =	vadd.s32 v1, v4;
	_ =	sdelay $0x1  }
0x63: {  	v3 =	vadd.s32 v1, v3;
	_ =	sdelay $0x1  }
0x64: {  	s30 =	simm.s32 $0x6100  }
0x65: {  	[tilespmem:s30], [sflag:$0x2] =	stream.indirect_vreg.gather [hbm4b:s2+s3], $0x80, v4, vm0, $0xb8;
	[tilespmem:$0x14200] =	vst v63  }
0x66: {  	s31 =	simm.s32 $0x6900  }
0x67: {  	[tilespmem:s31], [sflag:$0x2] =	stream.indirect_vreg.gather [hbm4b:s2+s3], $0x80, v3, vm0, $0xb8;
	[tilespmem:$0x14200] =	vst v63  }
0x68: {  	v3 =	vld [tilespmem:$0xA0];
	_ =	sdelay $0x4  }
0x69: {  	v61 =	vshll.u32 v3, $0x1  }
0x6a: {  	v3 =	vand.u32 $0x7, v3;
	v4 =	vand.u32 $0xFFFFFFF0, v61  }
0x6b: {  	v3 =	vor.u32 v3, v4  }
0x6c: {  	v4 =	vperm.xlane v3, v0;
	_ =	sdelay $0x1  }
0x6d: {  	v3 =	vperm.xlane v3, v2;
	v4 =	vadd.s32 v1, v4;
	_ =	sdelay $0x1  }
0x6e: {  	v3 =	vadd.s32 v1, v3;
	_ =	sdelay $0x2  }
0x6f: {  	[tilespmem:s0], [sflag:$0x2] =	stream.indirect_vreg.gather [hbm4b:s2+s3], $0x80, v4, vm0, $0xb8;
	[tilespmem:$0x14200] =	vst v63  }
0x70: {  	_ = 	snop  }
0x71: {  	[tilespmem:s1], [sflag:$0x2] =	stream.indirect_vreg.gather [hbm4b:s2+s3], $0x80, v3, vm0, $0xb8;
	[tilespmem:$0x14200] =	vst v63  }
0x72: {  	v3 =	vld [tilespmem:$0xB0];
	_ =	sdelay $0x4  }
0x73: {  	v62 =	vshll.u32 v3, $0x1  }
0x74: {  	v3 =	vand.u32 $0x7, v3;
	v4 =	vand.u32 $0xFFFFFFF0, v62  }
0x75: {  	v3 =	vor.u32 v3, v4  }
0x76: {  	v4 =	vperm.xlane v3, v0;
	_ =	sdelay $0x1  }
0x77: {  	v3 =	vperm.xlane v3, v2;
	v4 =	vadd.s32 v1, v4;
	_ =	sdelay $0x1  }
0x78: {  	v3 =	vadd.s32 v1, v3;
	_ =	sdelay $0x2  }
0x79: {  	[tilespmem:s9], [sflag:$0x2] =	stream.indirect_vreg.gather [hbm4b:s2+s3], $0x80, v4, vm0, $0xb8;
	[tilespmem:$0x14200] =	vst v63  }
0x7a: {  	_ = 	snop  }
0x7b: {  	[tilespmem:s10], [sflag:$0x2] =	stream.indirect_vreg.gather [hbm4b:s2+s3], $0x80, v3, vm0, $0xb8;
	[tilespmem:$0x14200] =	vst v63  }
0x7c: {  	v3 =	vld [tilespmem:$0xC0];
	_ =	sdelay $0x4  }
0x7d: {  	v63 =	vshll.u32 v3, $0x1  }
0x7e: {  	v3 =	vand.u32 $0x7, v3;
	v4 =	vand.u32 $0xFFFFFFF0, v63  }
0x7f: {  	v3 =	vor.u32 v3, v4  }
0x80: {  	v4 =	vperm.xlane v3, v0;
	_ =	sdelay $0x1  }
0x81: {  	v3 =	vperm.xlane v3, v2;
	v4 =	vadd.s32 v1, v4;
	_ =	sdelay $0x1  }
0x82: {  	v3 =	vadd.s32 v1, v3;
	_ =	sdelay $0x2  }
0x83: {  	[tilespmem:s13], [sflag:$0x2] =	stream.indirect_vreg.gather [hbm4b:s2+s3], $0x80, v4, vm0, $0xb8;
	[tilespmem:$0x14200] =	vst v63  }
0x84: {  	s21 =	simm.s32 $0x0  }
0x85: {  	[tilespmem:s14], [sflag:$0x2] =	stream.indirect_vreg.gather [hbm4b:s2+s3], $0x80, v3, vm0, $0xb8;
	[tilespmem:$0x14200] =	vst v63  }
.LBB2_2:
0x86: {  	s18 =	smul.u32 $0xA0, s21;
	_ =	sdelay $0x1  }
0x87: {  	s26 =	sadd.s32 s18, s11  }
0x88: {  	s22 =	sshrl.u32 s26, $0x3  }
0x89: {  	s28 =	simm.s32 $0x0;
	s30 =	simm.s32 $0xA100;
	s29 =	sadd.s32 s7, s22  }
0x8a: {  	[tilespmem:s30], [sflag:$0x5] =	stream.linear.gather [hbm4b:s29+s28], $0x50, $0x38;
	[tilespmem:$0x14200] =	vst v63  }
0x8b: {  	_ =	swait.ge [sflag:s15], $0x50  }
0x8c: {  	[sflag:s15] =	ssyncset.done $0x0  }
0x8d: {  	s22 =	sadd.s32 s5, s22;
	s29 =	simm.s32 $0xA180;
	[sflag:s15] =	ssyncadd.s32 $0xFFFFFFB0  }
0x8e: {  	[tilespmem:s29], [sflag:$0x5] =	stream.linear.gather [hbm4b:s22+s28], $0x50, $0x38;
	[tilespmem:$0x14200] =	vst v63  }
0x8f: {  	_ =	swait.ge [sflag:s15], $0x50  }
0x90: {  	[sflag:s15] =	ssyncset.done $0x0  }
0x91: {  	[sflag:s15] =	ssyncadd.s32 $0xFFFFFFB0  }
0x92: {  	v3 =	vld [tilespmem:$0xA100];
	_ =	sdelay $0x4  }
0x93: {  	v4 =	vshll.u32 v3, $0x1  }
0x94: {  	v3 =	vand.u32 $0x7, v3;
	v4 =	vand.u32 $0xFFFFFFF0, v4  }
0x95: {  	v3 =	vor.u32 v3, v4  }
0x96: {  	v4 =	vperm.xlane v3, v0;
	_ =	sdelay $0x1  }
0x97: {  	v3 =	vperm.xlane v3, v2;
	v4 =	vadd.s32 v1, v4;
	_ =	sdelay $0x1  }
0x98: {  	v3 =	vadd.s32 v1, v3;
	_ =	sdelay $0x2  }
0x99: {  	[tilespmem:s16], [sflag:$0x3] =	stream.indirect_vreg.gather [hbm4b:s4+s28], $0x80, v4, vm0, $0xb8;
	[tilespmem:$0x14200] =	vst v63  }
0x9a: {  	s31 =	simm.s32 $0xAA00  }
0x9b: {  	[tilespmem:s31], [sflag:$0x3] =	stream.indirect_vreg.gather [hbm4b:s4+s28], $0x80, v3, vm0, $0xb8;
	[tilespmem:$0x14200] =	vst v63  }
0x9c: {  	v3 =	vld [tilespmem:$0xA110];
	_ =	sdelay $0x4  }
0x9d: {  	v4 =	vshll.u32 v3, $0x1  }
0x9e: {  	v3 =	vand.u32 $0x7, v3;
	v4 =	vand.u32 $0xFFFFFFF0, v4  }
0x9f: {  	v3 =	vor.u32 v3, v4  }
0xa0: {  	v4 =	vperm.xlane v3, v0;
	_ =	sdelay $0x1  }
0xa1: {  	v3 =	vperm.xlane v3, v2;
	v4 =	vadd.s32 v1, v4;
	_ =	sdelay $0x1  }
0xa2: {  	v3 =	vadd.s32 v1, v3;
	_ =	sdelay $0x1  }
0xa3: {  	s30 =	simm.s32 $0xB200  }
0xa4: {  	[tilespmem:s30], [sflag:$0x3] =	stream.indirect_vreg.gather [hbm4b:s4+s28], $0x80, v4, vm0, $0xb8;
	[tilespmem:$0x14200] =	vst v63  }
0xa5: {  	s31 =	simm.s32 $0xBA00  }
0xa6: {  	[tilespmem:s31], [sflag:$0x3] =	stream.indirect_vreg.gather [hbm4b:s4+s28], $0x80, v3, vm0, $0xb8;
	[tilespmem:$0x14200] =	vst v63  }
0xa7: {  	v3 =	vld [tilespmem:$0xA120];
	_ =	sdelay $0x4  }
0xa8: {  	v4 =	vshll.u32 v3, $0x1  }
0xa9: {  	v3 =	vand.u32 $0x7, v3;
	v4 =	vand.u32 $0xFFFFFFF0, v4  }
0xaa: {  	v3 =	vor.u32 v3, v4  }
0xab: {  	v4 =	vperm.xlane v3, v0;
	_ =	sdelay $0x1  }
0xac: {  	v3 =	vperm.xlane v3, v2;
	v4 =	vadd.s32 v1, v4;
	_ =	sdelay $0x1  }
0xad: {  	v3 =	vadd.s32 v1, v3;
	_ =	sdelay $0x1  }
0xae: {  	s30 =	simm.s32 $0xC200  }
0xaf: {  	[tilespmem:s30], [sflag:$0x3] =	stream.indirect_vreg.gather [hbm4b:s4+s28], $0x80, v4, vm0, $0xb8;
	[tilespmem:$0x14200] =	vst v63  }
0xb0: {  	s31 =	simm.s32 $0xCA00  }
0xb1: {  	[tilespmem:s31], [sflag:$0x3] =	stream.indirect_vreg.gather [hbm4b:s4+s28], $0x80, v3, vm0, $0xb8;
	[tilespmem:$0x14200] =	vst v63  }
0xb2: {  	v3 =	vld [tilespmem:$0xA130];
	_ =	sdelay $0x4  }
0xb3: {  	v4 =	vshll.u32 v3, $0x1  }
0xb4: {  	v3 =	vand.u32 $0x7, v3;
	v4 =	vand.u32 $0xFFFFFFF0, v4  }
0xb5: {  	v3 =	vor.u32 v3, v4  }
0xb6: {  	v4 =	vperm.xlane v3, v0;
	_ =	sdelay $0x1  }
0xb7: {  	v3 =	vperm.xlane v3, v2;
	v4 =	vadd.s32 v1, v4;
	_ =	sdelay $0x1  }
0xb8: {  	v3 =	vadd.s32 v1, v3;
	_ =	sdelay $0x1  }
0xb9: {  	s30 =	simm.s32 $0xD200  }
0xba: {  	[tilespmem:s30], [sflag:$0x3] =	stream.indirect_vreg.gather [hbm4b:s4+s28], $0x80, v4, vm0, $0xb8;
	[tilespmem:$0x14200] =	vst v63  }
0xbb: {  	s31 =	simm.s32 $0xDA00  }
0xbc: {  	[tilespmem:s31], [sflag:$0x3] =	stream.indirect_vreg.gather [hbm4b:s4+s28], $0x80, v3, vm0, $0xb8;
	[tilespmem:$0x14200] =	vst v63  }
0xbd: {  	v3 =	vld [tilespmem:$0xA140];
	_ =	sdelay $0x4  }
0xbe: {  	v4 =	vshll.u32 v3, $0x1  }
0xbf: {  	v3 =	vand.u32 $0x7, v3;
	v4 =	vand.u32 $0xFFFFFFF0, v4  }
0xc0: {  	v3 =	vor.u32 v3, v4  }
0xc1: {  	v4 =	vperm.xlane v3, v0;
	_ =	sdelay $0x1  }
0xc2: {  	v3 =	vperm.xlane v3, v2;
	v4 =	vadd.s32 v1, v4;
	_ =	sdelay $0x1  }
0xc3: {  	v3 =	vadd.s32 v1, v3;
	_ =	sdelay $0x1  }
0xc4: {  	s30 =	simm.s32 $0xE200  }
0xc5: {  	[tilespmem:s30], [sflag:$0x3] =	stream.indirect_vreg.gather [hbm4b:s4+s28], $0x80, v4, vm0, $0xb8;
	[tilespmem:$0x14200] =	vst v63  }
0xc6: {  	s31 =	simm.s32 $0xEA00  }
0xc7: {  	[tilespmem:s31], [sflag:$0x3] =	stream.indirect_vreg.gather [hbm4b:s4+s28], $0x80, v3, vm0, $0xb8;
	[tilespmem:$0x14200] =	vst v63  }
0xc8: {  	v3 =	vld [tilespmem:$0xA180];
	_ =	sdelay $0x4  }
0xc9: {  	v4 =	vshll.u32 v3, $0x1  }
0xca: {  	v3 =	vand.u32 $0x7, v3;
	v4 =	vand.u32 $0xFFFFFFF0, v4  }
0xcb: {  	v3 =	vor.u32 v3, v4  }
0xcc: {  	v4 =	vperm.xlane v3, v0;
	_ =	sdelay $0x1  }
0xcd: {  	v3 =	vperm.xlane v3, v2;
	v4 =	vadd.s32 v1, v4;
	_ =	sdelay $0x1  }
0xce: {  	v3 =	vadd.s32 v1, v3;
	_ =	sdelay $0x1  }
0xcf: {  	s30 =	simm.s32 $0xF200  }
0xd0: {  	[tilespmem:s30], [sflag:$0x4] =	stream.indirect_vreg.gather [hbm4b:s2+s28], $0x80, v4, vm0, $0xb8;
	[tilespmem:$0x14200] =	vst v63  }
0xd1: {  	s31 =	simm.s32 $0xFA00  }
0xd2: {  	[tilespmem:s31], [sflag:$0x4] =	stream.indirect_vreg.gather [hbm4b:s2+s28], $0x80, v3, vm0, $0xb8;
	[tilespmem:$0x14200] =	vst v63  }
0xd3: {  	v3 =	vld [tilespmem:$0xA190];
	_ =	sdelay $0x4  }
0xd4: {  	v4 =	vshll.u32 v3, $0x1  }
0xd5: {  	v3 =	vand.u32 $0x7, v3;
	v4 =	vand.u32 $0xFFFFFFF0, v4  }
0xd6: {  	v3 =	vor.u32 v3, v4  }
0xd7: {  	v4 =	vperm.xlane v3, v0;
	_ =	sdelay $0x1  }
0xd8: {  	v3 =	vperm.xlane v3, v2;
	v4 =	vadd.s32 v1, v4;
	_ =	sdelay $0x1  }
0xd9: {  	v3 =	vadd.s32 v1, v3;
	_ =	sdelay $0x1  }
0xda: {  	s30 =	simm.s32 $0x10200  }
0xdb: {  	[tilespmem:s30], [sflag:$0x4] =	stream.indirect_vreg.gather [hbm4b:s2+s28], $0x80, v4, vm0, $0xb8;
	[tilespmem:$0x14200] =	vst v63  }
0xdc: {  	s31 =	simm.s32 $0x10A00  }
0xdd: {  	[tilespmem:s31], [sflag:$0x4] =	stream.indirect_vreg.gather [hbm4b:s2+s28], $0x80, v3, vm0, $0xb8;
	[tilespmem:$0x14200] =	vst v63  }
0xde: {  	v3 =	vld [tilespmem:$0xA1A0];
	_ =	sdelay $0x4  }
0xdf: {  	v4 =	vshll.u32 v3, $0x1  }
0xe0: {  	v3 =	vand.u32 $0x7, v3;
	v4 =	vand.u32 $0xFFFFFFF0, v4  }
0xe1: {  	v3 =	vor.u32 v3, v4  }
0xe2: {  	v4 =	vperm.xlane v3, v0;
	_ =	sdelay $0x1  }
0xe3: {  	v3 =	vperm.xlane v3, v2;
	v4 =	vadd.s32 v1, v4;
	_ =	sdelay $0x1  }
0xe4: {  	v3 =	vadd.s32 v1, v3;
	_ =	sdelay $0x1  }
0xe5: {  	s30 =	simm.s32 $0x11200  }
0xe6: {  	[tilespmem:s30], [sflag:$0x4] =	stream.indirect_vreg.gather [hbm4b:s2+s28], $0x80, v4, vm0, $0xb8;
	[tilespmem:$0x14200] =	vst v63  }
0xe7: {  	s31 =	simm.s32 $0x11A00  }
0xe8: {  	[tilespmem:s31], [sflag:$0x4] =	stream.indirect_vreg.gather [hbm4b:s2+s28], $0x80, v3, vm0, $0xb8;
	[tilespmem:$0x14200] =	vst v63  }
0xe9: {  	v3 =	vld [tilespmem:$0xA1B0];
	_ =	sdelay $0x4  }
0xea: {  	v4 =	vshll.u32 v3, $0x1  }
0xeb: {  	v3 =	vand.u32 $0x7, v3;
	v4 =	vand.u32 $0xFFFFFFF0, v4  }
0xec: {  	v3 =	vor.u32 v3, v4  }
0xed: {  	v4 =	vperm.xlane v3, v0;
	_ =	sdelay $0x1  }
0xee: {  	v3 =	vperm.xlane v3, v2;
	v4 =	vadd.s32 v1, v4;
	_ =	sdelay $0x1  }
0xef: {  	v3 =	vadd.s32 v1, v3;
	_ =	sdelay $0x1  }
0xf0: {  	s30 =	simm.s32 $0x12200  }
0xf1: {  	[tilespmem:s30], [sflag:$0x4] =	stream.indirect_vreg.gather [hbm4b:s2+s28], $0x80, v4, vm0, $0xb8;
	[tilespmem:$0x14200] =	vst v63  }
0xf2: {  	s31 =	simm.s32 $0x12A00  }
0xf3: {  	[tilespmem:s31], [sflag:$0x4] =	stream.indirect_vreg.gather [hbm4b:s2+s28], $0x80, v3, vm0, $0xb8;
	[tilespmem:$0x14200] =	vst v63  }
0xf4: {  	v3 =	vld [tilespmem:$0xA1C0];
	_ =	sdelay $0x4  }
0xf5: {  	v4 =	vshll.u32 v3, $0x1  }
0xf6: {  	v3 =	vand.u32 $0x7, v3;
	v4 =	vand.u32 $0xFFFFFFF0, v4  }
0xf7: {  	v3 =	vor.u32 v3, v4  }
0xf8: {  	v4 =	vperm.xlane v3, v0;
	_ =	sdelay $0x1  }
0xf9: {  	v3 =	vperm.xlane v3, v2;
	v4 =	vadd.s32 v1, v4;
	_ =	sdelay $0x1  }
0xfa: {  	v3 =	vadd.s32 v1, v3;
	_ =	sdelay $0x1  }
0xfb: {  	s30 =	simm.s32 $0x13200  }
0xfc: {  	[tilespmem:s30], [sflag:$0x4] =	stream.indirect_vreg.gather [hbm4b:s2+s28], $0x80, v4, vm0, $0xb8;
	[tilespmem:$0x14200] =	vst v63  }
0xfd: {  	_ = 	snop  }
0xfe: {  	[tilespmem:s20], [sflag:$0x4] =	stream.indirect_vreg.gather [hbm4b:s2+s28], $0x80, v3, vm0, $0xb8;
	[tilespmem:$0x14200] =	vst v63  }
0xff: {  	_ =	swait.ge [sflag:s23], $0x5000  }
0x100: {  	[sflag:s23] =	ssyncset.done $0x0  }
0x101: {  	[sflag:s23] =	ssyncadd.s32 $0xFFFFB000  }
0x102: {  	_ =	swait.ge [sflag:s19], $0x5000  }
0x103: {  	s31 =	sand.u32 $0x7800, s28;
	s28 =	sand.u32 $0x380, s28;
	[sflag:s19] =	ssyncset.done $0x0  }
0x104: {  	s28 =	sor.u32 s28, s31;
	[sflag:s19] =	ssyncadd.s32 $0xFFFFB000  }
0x105: {  	v10 =	vld [tilespmem:s28+$0x5100]  }
0x106: {  	v11 =	vld [tilespmem:s28+$0x5110]  }
0x107: {  	v12 =	vld [tilespmem:s28+$0x5120]  }
0x108: {  	v13 =	vld [tilespmem:s28+$0x5130]  }
0x109: {  	v14 =	vld [tilespmem:s28+$0x5140]  }
0x10a: {  	v15 =	vld [tilespmem:s28+$0x5150]  }
0x10b: {  	v16 =	vld [tilespmem:s28+$0x5160]  }
0x10c: {  	v17 =	vld [tilespmem:s28+$0x5170]  }
0x10d: {  	v18 =	vld [tilespmem:s28+$0x5500]  }
0x10e: {  	v9 =	vld [tilespmem:s28+$0x5510]  }
0x10f: {  	v8 =	vld [tilespmem:s28+$0x5520]  }
0x110: {  	v7 =	vld [tilespmem:s28+$0x5530]  }
0x111: {  	v6 =	vld [tilespmem:s28+$0x5540]  }
0x112: {  	v5 =	vld [tilespmem:s28+$0x5550]  }
0x113: {  	v4 =	vld [tilespmem:s28+$0x5560]  }
0x114: {  	v3 =	vld [tilespmem:s28+$0x5570]  }
0x115: {  	v19 =	vld [tilespmem:s28+$0x100]  }
0x116: {  	v20 =	vld [tilespmem:s28+$0x110]  }
0x117: {  	v21 =	vld [tilespmem:s28+$0x120]  }
0x118: {  	v22 =	vld [tilespmem:s28+$0x130]  }
0x119: {  	v23 =	vld [tilespmem:s28+$0x140]  }
0x11a: {  	v10 =	vadd.f32 v10, v19;
	v19 =	vld [tilespmem:s28+$0x150]  }
0x11b: {  	v61 =	vld [tilespmem:s28+$0x160];
	v11 =	vadd.f32 v11, v20  }
0x11c: {  	v62 =	vld [tilespmem:s28+$0x170];
	[tilespmem:s28+$0x100] =	vst v10;
	v10 =	vadd.f32 v12, v21  }
0x11d: {  	v63 =	vld [tilespmem:s28+$0x500];
	[tilespmem:s28+$0x110] =	vst v11;
	v11 =	vadd.f32 v13, v22  }
0x11e: {  	v13 =	vld [tilespmem:s28+$0x510];
	[tilespmem:s28+$0x120] =	vst v10;
	v10 =	vadd.f32 v14, v23  }
0x11f: {  	v12 =	vld [tilespmem:s28+$0x520];
	[tilespmem:s28+$0x130] =	vst v11;
	v11 =	vadd.f32 v15, v19  }
0x120: {  	v14 =	vadd.f32 v16, v61;
	[tilespmem:s28+$0x140] =	vst v10;
	v10 =	vld [tilespmem:s28+$0x530]  }
0x121: {  	v16 =	vadd.f32 v17, v62;
	[tilespmem:s28+$0x150] =	vst v11;
	v11 =	vld [tilespmem:s28+$0x540]  }
0x122: {  	s22 =	simm.s32 $0x80;
	s29 =	simm.s32 $0x100;
	v15 =	vadd.f32 v18, v63;
	[tilespmem:s28+$0x160] =	vst v14;
	v14 =	vld [tilespmem:s28+$0x550]  }
.LBB2_3:
0x123: {  	s30 =	sand.u32 $0x7800, s29;
	s31 =	sand.u32 $0x380, s22;
	p0 =	sne.s32 s29, $0x4F00;
	[tilespmem:s28+$0x170] =	vst v16;
	v9 =	vadd.f32 v9, v13;
	v13 =	vld [tilespmem:s28+$0x560]  }
0x124: {  	s30 =	sor.u32 s31, s30;
	[tilespmem:s28+$0x500] =	vst v15;
	v8 =	vadd.f32 v8, v12;
	v12 =	vld [tilespmem:s28+$0x570]  }
0x125: {  	v15 =	vld [tilespmem:s30+$0x5100];
	[tilespmem:s28+$0x510] =	vst v9;
	v7 =	vadd.f32 v7, v10  }
0x126: {  	v10 =	vld [tilespmem:s30+$0x5110];
	[tilespmem:s28+$0x520] =	vst v8;
	v6 =	vadd.f32 v6, v11  }
0x127: {  	v11 =	vld [tilespmem:s30+$0x5120];
	[tilespmem:s28+$0x530] =	vst v7;
	v5 =	vadd.f32 v5, v14  }
0x128: {  	v14 =	vld [tilespmem:s30+$0x5130];
	[tilespmem:s28+$0x540] =	vst v6;
	v4 =	vadd.f32 v4, v13  }
0x129: {  	v13 =	vld [tilespmem:s30+$0x5140];
	[tilespmem:s28+$0x550] =	vst v5;
	v3 =	vadd.f32 v3, v12  }
0x12a: {  	v12 =	vld [tilespmem:s30+$0x5150];
	[tilespmem:s28+$0x560] =	vst v4  }
0x12b: {  	v16 =	vld [tilespmem:s30+$0x5160];
	[tilespmem:s28+$0x570] =	vst v3;
	s28 =	smov.u32 s30  }
0x12c: {  	v17 =	vld [tilespmem:s28+$0x5170]  }
0x12d: {  	v18 =	vld [tilespmem:s28+$0x5500]  }
0x12e: {  	v9 =	vld [tilespmem:s28+$0x5510]  }
0x12f: {  	v8 =	vld [tilespmem:s28+$0x5520]  }
0x130: {  	v7 =	vld [tilespmem:s28+$0x5530]  }
0x131: {  	v6 =	vld [tilespmem:s28+$0x5540]  }
0x132: {  	v5 =	vld [tilespmem:s28+$0x5550]  }
0x133: {  	v4 =	vld [tilespmem:s28+$0x5560]  }
0x134: {  	v3 =	vld [tilespmem:s28+$0x5570]  }
0x135: {  	v19 =	vld [tilespmem:s28+$0x100]  }
0x136: {  	v20 =	vld [tilespmem:s28+$0x110]  }
0x137: {  	v21 =	vld [tilespmem:s28+$0x120]  }
0x138: {  	v22 =	vld [tilespmem:s28+$0x130]  }
0x139: {  	v23 =	vld [tilespmem:s28+$0x140]  }
0x13a: {  	v15 =	vadd.f32 v15, v19;
	v19 =	vld [tilespmem:s28+$0x150]  }
0x13b: {  	v10 =	vadd.f32 v10, v20;
	v20 =	vld [tilespmem:s28+$0x160]  }
0x13c: {  	[tilespmem:s28+$0x100] =	vst v15;
	v11 =	vadd.f32 v11, v21;
	v15 =	vld [tilespmem:s28+$0x170]  }
0x13d: {  	[tilespmem:s28+$0x110] =	vst v10;
	v10 =	vadd.f32 v14, v22;
	v14 =	vld [tilespmem:s28+$0x500]  }
.Ltmp0:
0x13e: {  	[tilespmem:s28+$0x120] =	vst v11;
	v11 =	vadd.f32 v13, v23;
	v13 =	vld [tilespmem:s28+$0x510];
	(pc) =	sbr.rel @p0 .LBB2_3-.Ltmp0, $4  }
0x13f: {  	[tilespmem:s28+$0x130] =	vst v10;
	v19 =	vadd.f32 v12, v19;
	v12 =	vld [tilespmem:s28+$0x520]  }
0x140: {  	[tilespmem:s28+$0x140] =	vst v11;
	v20 =	vadd.f32 v16, v20;
	v10 =	vld [tilespmem:s28+$0x530]  }
0x141: {  	[tilespmem:s28+$0x150] =	vst v19;
	v16 =	vadd.f32 v17, v15;
	v11 =	vld [tilespmem:s28+$0x540]  }
0x142: {  	s22 =	sadd.s32 $0x80, s22;
	s29 =	sadd.s32 $0x100, s29;
	[tilespmem:s28+$0x160] =	vst v20;
	v15 =	vadd.f32 v18, v14;
	v14 =	vld [tilespmem:s28+$0x550]  }
0x143: {  	[tilespmem:s28+$0x170] =	vst v16;
	v9 =	vadd.f32 v9, v13;
	v13 =	vld [tilespmem:s28+$0x560]  }
0x144: {  	[tilespmem:s28+$0x500] =	vst v15;
	v8 =	vadd.f32 v8, v12;
	v12 =	vld [tilespmem:s28+$0x570]  }
0x145: {  	[tilespmem:s28+$0x510] =	vst v9;
	v7 =	vadd.f32 v7, v10  }
0x146: {  	[tilespmem:s28+$0x520] =	vst v8;
	v6 =	vadd.f32 v6, v11  }
0x147: {  	[tilespmem:s28+$0x530] =	vst v7;
	v5 =	vadd.f32 v5, v14  }
0x148: {  	[tilespmem:s28+$0x540] =	vst v6;
	v4 =	vadd.f32 v4, v13  }
0x149: {  	s22 =	sadd.s32 s6, s18;
	[tilespmem:s28+$0x550] =	vst v5;
	v3 =	vadd.f32 v3, v12  }
0x14a: {  	s22 =	sshll.u32 s22, $0x5;
	[tilespmem:s28+$0x560] =	vst v4  }
0x14b: {  	s22 =	sadd.s32 s8, s22;
	[tilespmem:s28+$0x570] =	vst v3;
	s28 =	simm.s32 $0x0  }
0x14c: {  	[hbm4b:s22+s28] =	stream.linear.scatter [tilespmem:s17], [sflag:$0x5], $0x5000, $0x38;
	[tilespmem:$0x14200] =	vst v63  }
0x14d: {  	s29 =	sadd.s32 s18, s12;
	_ =	swait.ge [sflag:s15], $0x5000  }
0x14e: {  	s18 =	sshrl.u32 s29, $0x3;
	[sflag:s15] =	ssyncset.done $0x0  }
0x14f: {  	s30 =	sadd.s32 s7, s18;
	[sflag:s15] =	ssyncadd.s32 $0xFFFFB000  }
0x150: {  	[tilespmem:s28], [sflag:$0x5] =	stream.linear.gather [hbm4b:s30+s28], $0x50, $0x38;
	[tilespmem:$0x14200] =	vst v63  }
0x151: {  	_ =	swait.ge [sflag:s15], $0x50  }
0x152: {  	[sflag:s15] =	ssyncset.done $0x0  }
0x153: {  	s31 =	simm.s32 $0x80;
	s18 =	sadd.s32 s5, s18;
	[sflag:s15] =	ssyncadd.s32 $0xFFFFFFB0  }
0x154: {  	[tilespmem:s31], [sflag:$0x5] =	stream.linear.gather [hbm4b:s18+s28], $0x50, $0x38;
	[tilespmem:$0x14200] =	vst v63  }
0x155: {  	_ =	swait.ge [sflag:s15], $0x50  }
0x156: {  	[sflag:s15] =	ssyncset.done $0x0  }
0x157: {  	[sflag:s15] =	ssyncadd.s32 $0xFFFFFFB0  }
0x158: {  	v3 =	vld [tilespmem:$0x0];
	_ =	sdelay $0x4  }
0x159: {  	v4 =	vshll.u32 v3, $0x1  }
0x15a: {  	v3 =	vand.u32 $0x7, v3;
	v4 =	vand.u32 $0xFFFFFFF0, v4  }
0x15b: {  	v3 =	vor.u32 v3, v4  }
0x15c: {  	v4 =	vperm.xlane v3, v0;
	_ =	sdelay $0x1  }
0x15d: {  	v3 =	vperm.xlane v3, v2;
	v4 =	vadd.s32 v1, v4;
	_ =	sdelay $0x1  }
0x15e: {  	v3 =	vadd.s32 v1, v3;
	_ =	sdelay $0x2  }
0x15f: {  	[tilespmem:s17], [sflag:$0x1] =	stream.indirect_vreg.gather [hbm4b:s4+s28], $0x80, v4, vm0, $0xb8;
	[tilespmem:$0x14200] =	vst v63  }
0x160: {  	s29 =	simm.s32 $0x900  }
0x161: {  	[tilespmem:s29], [sflag:$0x1] =	stream.indirect_vreg.gather [hbm4b:s4+s28], $0x80, v3, vm0, $0xb8;
	[tilespmem:$0x14200] =	vst v63  }
0x162: {  	v3 =	vld [tilespmem:$0x10];
	_ =	sdelay $0x4  }
0x163: {  	v4 =	vshll.u32 v3, $0x1  }
0x164: {  	v3 =	vand.u32 $0x7, v3;
	v4 =	vand.u32 $0xFFFFFFF0, v4  }
0x165: {  	v3 =	vor.u32 v3, v4  }
0x166: {  	v4 =	vperm.xlane v3, v0;
	_ =	sdelay $0x1  }
0x167: {  	v3 =	vperm.xlane v3, v2;
	v4 =	vadd.s32 v1, v4;
	_ =	sdelay $0x1  }
0x168: {  	v3 =	vadd.s32 v1, v3;
	_ =	sdelay $0x1  }
0x169: {  	s30 =	simm.s32 $0x1100  }
0x16a: {  	[tilespmem:s30], [sflag:$0x1] =	stream.indirect_vreg.gather [hbm4b:s4+s28], $0x80, v4, vm0, $0xb8;
	[tilespmem:$0x14200] =	vst v63  }
0x16b: {  	s31 =	simm.s32 $0x1900  }
0x16c: {  	[tilespmem:s31], [sflag:$0x1] =	stream.indirect_vreg.gather [hbm4b:s4+s28], $0x80, v3, vm0, $0xb8;
	[tilespmem:$0x14200] =	vst v63  }
0x16d: {  	v3 =	vld [tilespmem:$0x20];
	_ =	sdelay $0x4  }
0x16e: {  	v4 =	vshll.u32 v3, $0x1  }
0x16f: {  	v3 =	vand.u32 $0x7, v3;
	v4 =	vand.u32 $0xFFFFFFF0, v4  }
0x170: {  	v3 =	vor.u32 v3, v4  }
0x171: {  	v4 =	vperm.xlane v3, v0;
	_ =	sdelay $0x1  }
0x172: {  	v3 =	vperm.xlane v3, v2;
	v4 =	vadd.s32 v1, v4;
	_ =	sdelay $0x1  }
0x173: {  	v3 =	vadd.s32 v1, v3;
	_ =	sdelay $0x1  }
0x174: {  	s22 =	simm.s32 $0x2100  }
0x175: {  	[tilespmem:s22], [sflag:$0x1] =	stream.indirect_vreg.gather [hbm4b:s4+s28], $0x80, v4, vm0, $0xb8;
	[tilespmem:$0x14200] =	vst v63  }
0x176: {  	s29 =	simm.s32 $0x2900  }
0x177: {  	[tilespmem:s29], [sflag:$0x1] =	stream.indirect_vreg.gather [hbm4b:s4+s28], $0x80, v3, vm0, $0xb8;
	[tilespmem:$0x14200] =	vst v63  }
0x178: {  	v3 =	vld [tilespmem:$0x30];
	_ =	sdelay $0x4  }
0x179: {  	v4 =	vshll.u32 v3, $0x1  }
0x17a: {  	v3 =	vand.u32 $0x7, v3;
	v4 =	vand.u32 $0xFFFFFFF0, v4  }
0x17b: {  	v3 =	vor.u32 v3, v4  }
0x17c: {  	v4 =	vperm.xlane v3, v0;
	_ =	sdelay $0x1  }
0x17d: {  	v3 =	vperm.xlane v3, v2;
	v4 =	vadd.s32 v1, v4;
	_ =	sdelay $0x1  }
0x17e: {  	v3 =	vadd.s32 v1, v3;
	_ =	sdelay $0x1  }
0x17f: {  	s30 =	simm.s32 $0x3100  }
0x180: {  	[tilespmem:s30], [sflag:$0x1] =	stream.indirect_vreg.gather [hbm4b:s4+s28], $0x80, v4, vm0, $0xb8;
	[tilespmem:$0x14200] =	vst v63  }
0x181: {  	s31 =	simm.s32 $0x3900  }
0x182: {  	[tilespmem:s31], [sflag:$0x1] =	stream.indirect_vreg.gather [hbm4b:s4+s28], $0x80, v3, vm0, $0xb8;
	[tilespmem:$0x14200] =	vst v63  }
0x183: {  	v3 =	vld [tilespmem:$0x40];
	_ =	sdelay $0x4  }
0x184: {  	v4 =	vshll.u32 v3, $0x1  }
0x185: {  	v3 =	vand.u32 $0x7, v3;
	v4 =	vand.u32 $0xFFFFFFF0, v4  }
0x186: {  	v3 =	vor.u32 v3, v4  }
0x187: {  	v4 =	vperm.xlane v3, v0;
	_ =	sdelay $0x1  }
0x188: {  	v3 =	vperm.xlane v3, v2;
	v4 =	vadd.s32 v1, v4;
	_ =	sdelay $0x1  }
0x189: {  	v3 =	vadd.s32 v1, v3;
	_ =	sdelay $0x1  }
0x18a: {  	s22 =	simm.s32 $0x4100  }
0x18b: {  	[tilespmem:s22], [sflag:$0x1] =	stream.indirect_vreg.gather [hbm4b:s4+s28], $0x80, v4, vm0, $0xb8;
	[tilespmem:$0x14200] =	vst v63  }
0x18c: {  	s29 =	simm.s32 $0x4900  }
0x18d: {  	[tilespmem:s29], [sflag:$0x1] =	stream.indirect_vreg.gather [hbm4b:s4+s28], $0x80, v3, vm0, $0xb8;
	[tilespmem:$0x14200] =	vst v63  }
0x18e: {  	v3 =	vld [tilespmem:$0x80];
	_ =	sdelay $0x4  }
0x18f: {  	v4 =	vshll.u32 v3, $0x1  }
0x190: {  	v3 =	vand.u32 $0x7, v3;
	v4 =	vand.u32 $0xFFFFFFF0, v4  }
0x191: {  	v3 =	vor.u32 v3, v4  }
0x192: {  	v4 =	vperm.xlane v3, v0;
	_ =	sdelay $0x1  }
0x193: {  	v3 =	vperm.xlane v3, v2;
	v4 =	vadd.s32 v1, v4;
	_ =	sdelay $0x1  }
0x194: {  	v3 =	vadd.s32 v1, v3;
	_ =	sdelay $0x1  }
0x195: {  	s30 =	simm.s32 $0x5100  }
0x196: {  	[tilespmem:s30], [sflag:$0x2] =	stream.indirect_vreg.gather [hbm4b:s2+s28], $0x80, v4, vm0, $0xb8;
	[tilespmem:$0x14200] =	vst v63  }
0x197: {  	s31 =	simm.s32 $0x5900  }
0x198: {  	[tilespmem:s31], [sflag:$0x2] =	stream.indirect_vreg.gather [hbm4b:s2+s28], $0x80, v3, vm0, $0xb8;
	[tilespmem:$0x14200] =	vst v63  }
0x199: {  	v3 =	vld [tilespmem:$0x90];
	_ =	sdelay $0x4  }
0x19a: {  	v4 =	vshll.u32 v3, $0x1  }
0x19b: {  	v3 =	vand.u32 $0x7, v3;
	v4 =	vand.u32 $0xFFFFFFF0, v4  }
0x19c: {  	v3 =	vor.u32 v3, v4  }
0x19d: {  	v4 =	vperm.xlane v3, v0;
	_ =	sdelay $0x1  }
0x19e: {  	v3 =	vperm.xlane v3, v2;
	v4 =	vadd.s32 v1, v4;
	_ =	sdelay $0x1  }
0x19f: {  	v3 =	vadd.s32 v1, v3;
	_ =	sdelay $0x1  }
0x1a0: {  	s22 =	simm.s32 $0x6100  }
0x1a1: {  	[tilespmem:s22], [sflag:$0x2] =	stream.indirect_vreg.gather [hbm4b:s2+s28], $0x80, v4, vm0, $0xb8;
	[tilespmem:$0x14200] =	vst v63  }
0x1a2: {  	s29 =	simm.s32 $0x6900  }
0x1a3: {  	[tilespmem:s29], [sflag:$0x2] =	stream.indirect_vreg.gather [hbm4b:s2+s28], $0x80, v3, vm0, $0xb8;
	[tilespmem:$0x14200] =	vst v63  }
0x1a4: {  	v3 =	vld [tilespmem:$0xA0];
	_ =	sdelay $0x4  }
0x1a5: {  	v4 =	vshll.u32 v3, $0x1  }
0x1a6: {  	v3 =	vand.u32 $0x7, v3;
	v4 =	vand.u32 $0xFFFFFFF0, v4  }
0x1a7: {  	v3 =	vor.u32 v3, v4  }
0x1a8: {  	v4 =	vperm.xlane v3, v0;
	_ =	sdelay $0x1  }
0x1a9: {  	v3 =	vperm.xlane v3, v2;
	v4 =	vadd.s32 v1, v4;
	_ =	sdelay $0x1  }
0x1aa: {  	v3 =	vadd.s32 v1, v3;
	_ =	sdelay $0x2  }
0x1ab: {  	[tilespmem:s0], [sflag:$0x2] =	stream.indirect_vreg.gather [hbm4b:s2+s28], $0x80, v4, vm0, $0xb8;
	[tilespmem:$0x14200] =	vst v63  }
0x1ac: {  	_ = 	snop  }
0x1ad: {  	[tilespmem:s1], [sflag:$0x2] =	stream.indirect_vreg.gather [hbm4b:s2+s28], $0x80, v3, vm0, $0xb8;
	[tilespmem:$0x14200] =	vst v63  }
0x1ae: {  	v3 =	vld [tilespmem:$0xB0];
	_ =	sdelay $0x4  }
0x1af: {  	v4 =	vshll.u32 v3, $0x1  }
0x1b0: {  	v3 =	vand.u32 $0x7, v3;
	v4 =	vand.u32 $0xFFFFFFF0, v4  }
0x1b1: {  	v3 =	vor.u32 v3, v4  }
0x1b2: {  	v4 =	vperm.xlane v3, v0;
	_ =	sdelay $0x1  }
0x1b3: {  	v3 =	vperm.xlane v3, v2;
	v4 =	vadd.s32 v1, v4;
	_ =	sdelay $0x1  }
0x1b4: {  	v3 =	vadd.s32 v1, v3;
	_ =	sdelay $0x2  }
0x1b5: {  	[tilespmem:s9], [sflag:$0x2] =	stream.indirect_vreg.gather [hbm4b:s2+s28], $0x80, v4, vm0, $0xb8;
	[tilespmem:$0x14200] =	vst v63  }
0x1b6: {  	_ = 	snop  }
0x1b7: {  	[tilespmem:s10], [sflag:$0x2] =	stream.indirect_vreg.gather [hbm4b:s2+s28], $0x80, v3, vm0, $0xb8;
	[tilespmem:$0x14200] =	vst v63  }
0x1b8: {  	v3 =	vld [tilespmem:$0xC0];
	_ =	sdelay $0x4  }
0x1b9: {  	v4 =	vshll.u32 v3, $0x1  }
0x1ba: {  	v3 =	vand.u32 $0x7, v3;
	v4 =	vand.u32 $0xFFFFFFF0, v4  }
0x1bb: {  	v3 =	vor.u32 v3, v4  }
0x1bc: {  	v4 =	vperm.xlane v3, v0;
	_ =	sdelay $0x1  }
0x1bd: {  	v3 =	vperm.xlane v3, v2;
	v4 =	vadd.s32 v1, v4;
	_ =	sdelay $0x1  }
0x1be: {  	v3 =	vadd.s32 v1, v3;
	_ =	sdelay $0x2  }
0x1bf: {  	[tilespmem:s13], [sflag:$0x2] =	stream.indirect_vreg.gather [hbm4b:s2+s28], $0x80, v4, vm0, $0xb8;
	[tilespmem:$0x14200] =	vst v63  }
0x1c0: {  	_ = 	snop  }
0x1c1: {  	[tilespmem:s14], [sflag:$0x2] =	stream.indirect_vreg.gather [hbm4b:s2+s28], $0x80, v3, vm0, $0xb8;
	[tilespmem:$0x14200] =	vst v63  }
0x1c2: {  	_ =	swait.ge [sflag:s24], $0x5000  }
0x1c3: {  	[sflag:s24] =	ssyncset.done $0x0  }
0x1c4: {  	[sflag:s24] =	ssyncadd.s32 $0xFFFFB000  }
0x1c5: {  	_ =	swait.ge [sflag:s25], $0x5000  }
0x1c6: {  	s30 =	sand.u32 $0x7800, s28;
	s31 =	sand.u32 $0x380, s28;
	[sflag:s25] =	ssyncset.done $0x0  }
0x1c7: {  	s18 =	sor.u32 s31, s30;
	[sflag:s25] =	ssyncadd.s32 $0xFFFFB000  }
0x1c8: {  	v10 =	vld [tilespmem:s18+$0xF200]  }
0x1c9: {  	v11 =	vld [tilespmem:s18+$0xF210]  }
0x1ca: {  	v12 =	vld [tilespmem:s18+$0xF220]  }
0x1cb: {  	v13 =	vld [tilespmem:s18+$0xF230]  }
0x1cc: {  	v14 =	vld [tilespmem:s18+$0xF240]  }
0x1cd: {  	v15 =	vld [tilespmem:s18+$0xF250]  }
0x1ce: {  	v16 =	vld [tilespmem:s18+$0xF260]  }
0x1cf: {  	v17 =	vld [tilespmem:s18+$0xF270]  }
0x1d0: {  	v18 =	vld [tilespmem:s18+$0xF600]  }
0x1d1: {  	v9 =	vld [tilespmem:s18+$0xF610]  }
0x1d2: {  	v8 =	vld [tilespmem:s18+$0xF620]  }
0x1d3: {  	v7 =	vld [tilespmem:s18+$0xF630]  }
0x1d4: {  	v6 =	vld [tilespmem:s18+$0xF640]  }
0x1d5: {  	v5 =	vld [tilespmem:s18+$0xF650]  }
0x1d6: {  	v4 =	vld [tilespmem:s18+$0xF660]  }
0x1d7: {  	v3 =	vld [tilespmem:s18+$0xF670]  }
0x1d8: {  	v19 =	vld [tilespmem:s18+$0xA200]  }
0x1d9: {  	v20 =	vld [tilespmem:s18+$0xA210]  }
0x1da: {  	v21 =	vld [tilespmem:s18+$0xA220]  }
0x1db: {  	v22 =	vld [tilespmem:s18+$0xA230]  }
0x1dc: {  	v23 =	vld [tilespmem:s18+$0xA240]  }
0x1dd: {  	v10 =	vadd.f32 v10, v19;
	v19 =	vld [tilespmem:s18+$0xA250]  }
0x1de: {  	v61 =	vld [tilespmem:s18+$0xA260];
	v11 =	vadd.f32 v11, v20  }
0x1df: {  	v62 =	vld [tilespmem:s18+$0xA270];
	[tilespmem:s18+$0xA200] =	vst v10;
	v10 =	vadd.f32 v12, v21  }
0x1e0: {  	v63 =	vld [tilespmem:s18+$0xA600];
	[tilespmem:s18+$0xA210] =	vst v11;
	v11 =	vadd.f32 v13, v22  }
0x1e1: {  	v13 =	vld [tilespmem:s18+$0xA610];
	[tilespmem:s18+$0xA220] =	vst v10;
	v10 =	vadd.f32 v14, v23  }
0x1e2: {  	v12 =	vld [tilespmem:s18+$0xA620];
	[tilespmem:s18+$0xA230] =	vst v11;
	v11 =	vadd.f32 v15, v19  }
0x1e3: {  	v14 =	vadd.f32 v16, v61;
	[tilespmem:s18+$0xA240] =	vst v10;
	v10 =	vld [tilespmem:s18+$0xA630]  }
0x1e4: {  	v16 =	vadd.f32 v17, v62;
	[tilespmem:s18+$0xA250] =	vst v11;
	v11 =	vld [tilespmem:s18+$0xA640]  }
0x1e5: {  	s22 =	simm.s32 $0x80;
	s28 =	simm.s32 $0x100;
	v15 =	vadd.f32 v18, v63;
	[tilespmem:s18+$0xA260] =	vst v14;
	v14 =	vld [tilespmem:s18+$0xA650]  }
.LBB2_5:
0x1e6: {  	s29 =	sand.u32 $0x7800, s28;
	s30 =	sand.u32 $0x380, s22;
	p0 =	sne.s32 s28, $0x4F00;
	[tilespmem:s18+$0xA270] =	vst v16;
	v9 =	vadd.f32 v9, v13;
	v13 =	vld [tilespmem:s18+$0xA660]  }
0x1e7: {  	s29 =	sor.u32 s30, s29;
	[tilespmem:s18+$0xA600] =	vst v15;
	v8 =	vadd.f32 v8, v12;
	v12 =	vld [tilespmem:s18+$0xA670]  }
0x1e8: {  	v15 =	vld [tilespmem:s29+$0xF200];
	[tilespmem:s18+$0xA610] =	vst v9;
	v7 =	vadd.f32 v7, v10  }
0x1e9: {  	v10 =	vld [tilespmem:s29+$0xF210];
	[tilespmem:s18+$0xA620] =	vst v8;
	v6 =	vadd.f32 v6, v11  }
0x1ea: {  	v11 =	vld [tilespmem:s29+$0xF220];
	[tilespmem:s18+$0xA630] =	vst v7;
	v5 =	vadd.f32 v5, v14  }
0x1eb: {  	v14 =	vld [tilespmem:s29+$0xF230];
	[tilespmem:s18+$0xA640] =	vst v6;
	v4 =	vadd.f32 v4, v13  }
0x1ec: {  	v13 =	vld [tilespmem:s29+$0xF240];
	[tilespmem:s18+$0xA650] =	vst v5;
	v3 =	vadd.f32 v3, v12  }
0x1ed: {  	v12 =	vld [tilespmem:s29+$0xF250];
	[tilespmem:s18+$0xA660] =	vst v4  }
0x1ee: {  	v16 =	vld [tilespmem:s29+$0xF260];
	[tilespmem:s18+$0xA670] =	vst v3;
	s18 =	smov.u32 s29  }
0x1ef: {  	v17 =	vld [tilespmem:s18+$0xF270]  }
0x1f0: {  	v18 =	vld [tilespmem:s18+$0xF600]  }
0x1f1: {  	v9 =	vld [tilespmem:s18+$0xF610]  }
0x1f2: {  	v8 =	vld [tilespmem:s18+$0xF620]  }
0x1f3: {  	v7 =	vld [tilespmem:s18+$0xF630]  }
0x1f4: {  	v6 =	vld [tilespmem:s18+$0xF640]  }
0x1f5: {  	v5 =	vld [tilespmem:s18+$0xF650]  }
0x1f6: {  	v4 =	vld [tilespmem:s18+$0xF660]  }
0x1f7: {  	v3 =	vld [tilespmem:s18+$0xF670]  }
0x1f8: {  	v19 =	vld [tilespmem:s18+$0xA200]  }
0x1f9: {  	v20 =	vld [tilespmem:s18+$0xA210]  }
0x1fa: {  	v21 =	vld [tilespmem:s18+$0xA220]  }
0x1fb: {  	v22 =	vld [tilespmem:s18+$0xA230]  }
0x1fc: {  	v23 =	vld [tilespmem:s18+$0xA240]  }
0x1fd: {  	v15 =	vadd.f32 v15, v19;
	v19 =	vld [tilespmem:s18+$0xA250]  }
0x1fe: {  	v10 =	vadd.f32 v10, v20;
	v20 =	vld [tilespmem:s18+$0xA260]  }
0x1ff: {  	[tilespmem:s18+$0xA200] =	vst v15;
	v11 =	vadd.f32 v11, v21;
	v15 =	vld [tilespmem:s18+$0xA270]  }
0x200: {  	[tilespmem:s18+$0xA210] =	vst v10;
	v10 =	vadd.f32 v14, v22;
	v14 =	vld [tilespmem:s18+$0xA600]  }
.Ltmp1:
0x201: {  	[tilespmem:s18+$0xA220] =	vst v11;
	v11 =	vadd.f32 v13, v23;
	v13 =	vld [tilespmem:s18+$0xA610];
	(pc) =	sbr.rel @p0 .LBB2_5-.Ltmp1, $4  }
0x202: {  	[tilespmem:s18+$0xA230] =	vst v10;
	v19 =	vadd.f32 v12, v19;
	v12 =	vld [tilespmem:s18+$0xA620]  }
0x203: {  	[tilespmem:s18+$0xA240] =	vst v11;
	v20 =	vadd.f32 v16, v20;
	v10 =	vld [tilespmem:s18+$0xA630]  }
0x204: {  	[tilespmem:s18+$0xA250] =	vst v19;
	v16 =	vadd.f32 v17, v15;
	v11 =	vld [tilespmem:s18+$0xA640]  }
0x205: {  	s22 =	sadd.s32 $0x80, s22;
	s28 =	sadd.s32 $0x100, s28;
	[tilespmem:s18+$0xA260] =	vst v20;
	v15 =	vadd.f32 v18, v14;
	v14 =	vld [tilespmem:s18+$0xA650]  }
0x206: {  	[tilespmem:s18+$0xA270] =	vst v16;
	v9 =	vadd.f32 v9, v13;
	v62 =	vld [tilespmem:s18+$0xA660]  }
0x207: {  	v63 =	vld [tilespmem:s18+$0xA670];
	[tilespmem:s18+$0xA600] =	vst v15;
	v8 =	vadd.f32 v8, v12  }
0x208: {  	[tilespmem:s18+$0xA610] =	vst v9;
	v7 =	vadd.f32 v7, v10  }
0x209: {  	[tilespmem:s18+$0xA620] =	vst v8;
	v6 =	vadd.f32 v6, v11  }
0x20a: {  	[tilespmem:s18+$0xA630] =	vst v7;
	v5 =	vadd.f32 v5, v14  }
0x20b: {  	[tilespmem:s18+$0xA640] =	vst v6;
	v4 =	vadd.f32 v4, v62  }
0x20c: {  	s21 =	sadd.s32 $0x1, s21;
	v3 =	vadd.f32 v3, v63;
	[tilespmem:s18+$0xA650] =	vst v5  }
0x20d: {  	s22 =	sshll.u32 s26, $0x5;
	p0 =	sne.s32 s21, $0x3E;
	[tilespmem:s18+$0xA660] =	vst v4  }
.Ltmp2:
0x20e: {  	s31 =	sadd.s32 s8, s22;
	[tilespmem:s18+$0xA670] =	vst v3;
	(pc) =	sbr.rel @p0 .LBB2_2-.Ltmp2, $4  }
0x20f: {  	[hbm4b:s31+s3] =	stream.linear.scatter [tilespmem:s16], [sflag:$0x5], $0x5000, $0x38;
	[tilespmem:$0x14200] =	vst v63  }
0x210: {  	_ =	swait.ge [sflag:s15], $0x5000  }
0x211: {  	[sflag:s15] =	ssyncset.done $0x0  }
0x212: {  	[sflag:s15] =	ssyncadd.s32 $0xFFFFB000  }
0x213: {  	_ =	swait.ge [sflag:s23], $0x5000  }
0x214: {  	[sflag:s23] =	ssyncset.done $0x0  }
0x215: {  	[sflag:s23] =	ssyncadd.s32 $0xFFFFB000  }
0x216: {  	s18 =	simm.s32 $0x0;
	_ =	swait.ge [sflag:s19], $0x5000  }
0x217: {  	s21 =	sand.u32 $0x7800, s18;
	s18 =	sand.u32 $0x380, s18;
	[sflag:s19] =	ssyncset.done $0x0  }
0x218: {  	s18 =	sor.u32 s18, s21;
	[sflag:s19] =	ssyncadd.s32 $0xFFFFB000  }
0x219: {  	v10 =	vld [tilespmem:s18+$0x5100]  }
0x21a: {  	v11 =	vld [tilespmem:s18+$0x5110]  }
0x21b: {  	v12 =	vld [tilespmem:s18+$0x5120]  }
0x21c: {  	v13 =	vld [tilespmem:s18+$0x5130]  }
0x21d: {  	v14 =	vld [tilespmem:s18+$0x5140]  }
0x21e: {  	v15 =	vld [tilespmem:s18+$0x5150]  }
0x21f: {  	v16 =	vld [tilespmem:s18+$0x5160]  }
0x220: {  	v17 =	vld [tilespmem:s18+$0x5170]  }
0x221: {  	v18 =	vld [tilespmem:s18+$0x5500]  }
0x222: {  	v9 =	vld [tilespmem:s18+$0x5510]  }
0x223: {  	v8 =	vld [tilespmem:s18+$0x5520]  }
0x224: {  	v7 =	vld [tilespmem:s18+$0x5530]  }
0x225: {  	v6 =	vld [tilespmem:s18+$0x5540]  }
0x226: {  	v5 =	vld [tilespmem:s18+$0x5550]  }
0x227: {  	v4 =	vld [tilespmem:s18+$0x5560]  }
0x228: {  	v3 =	vld [tilespmem:s18+$0x5570]  }
0x229: {  	v19 =	vld [tilespmem:s18+$0x100]  }
0x22a: {  	v20 =	vld [tilespmem:s18+$0x110]  }
0x22b: {  	v21 =	vld [tilespmem:s18+$0x120]  }
0x22c: {  	v22 =	vld [tilespmem:s18+$0x130]  }
0x22d: {  	v23 =	vld [tilespmem:s18+$0x140]  }
0x22e: {  	v10 =	vadd.f32 v10, v19;
	v19 =	vld [tilespmem:s18+$0x150]  }
0x22f: {  	v61 =	vld [tilespmem:s18+$0x160];
	v11 =	vadd.f32 v11, v20  }
0x230: {  	v62 =	vld [tilespmem:s18+$0x170];
	[tilespmem:s18+$0x100] =	vst v10;
	v10 =	vadd.f32 v12, v21  }
0x231: {  	v63 =	vld [tilespmem:s18+$0x500];
	[tilespmem:s18+$0x110] =	vst v11;
	v11 =	vadd.f32 v13, v22  }
0x232: {  	v13 =	vld [tilespmem:s18+$0x510];
	[tilespmem:s18+$0x120] =	vst v10;
	v10 =	vadd.f32 v14, v23  }
0x233: {  	v12 =	vld [tilespmem:s18+$0x520];
	[tilespmem:s18+$0x130] =	vst v11;
	v11 =	vadd.f32 v15, v19  }
0x234: {  	v14 =	vadd.f32 v16, v61;
	[tilespmem:s18+$0x140] =	vst v10;
	v10 =	vld [tilespmem:s18+$0x530]  }
0x235: {  	v16 =	vadd.f32 v17, v62;
	[tilespmem:s18+$0x150] =	vst v11;
	v11 =	vld [tilespmem:s18+$0x540]  }
0x236: {  	s22 =	simm.s32 $0x100;
	s21 =	simm.s32 $0x80;
	v15 =	vadd.f32 v18, v63;
	[tilespmem:s18+$0x160] =	vst v14;
	v14 =	vld [tilespmem:s18+$0x550]  }
.LBB2_8:
0x237: {  	s26 =	sand.u32 $0x7800, s22;
	s28 =	sand.u32 $0x380, s21;
	p0 =	sne.s32 s22, $0x4F00;
	[tilespmem:s18+$0x170] =	vst v16;
	v9 =	vadd.f32 v9, v13;
	v13 =	vld [tilespmem:s18+$0x560]  }
0x238: {  	s26 =	sor.u32 s28, s26;
	[tilespmem:s18+$0x500] =	vst v15;
	v8 =	vadd.f32 v8, v12;
	v12 =	vld [tilespmem:s18+$0x570]  }
0x239: {  	v15 =	vld [tilespmem:s26+$0x5100];
	[tilespmem:s18+$0x510] =	vst v9;
	v7 =	vadd.f32 v7, v10  }
0x23a: {  	v10 =	vld [tilespmem:s26+$0x5110];
	[tilespmem:s18+$0x520] =	vst v8;
	v6 =	vadd.f32 v6, v11  }
0x23b: {  	v11 =	vld [tilespmem:s26+$0x5120];
	[tilespmem:s18+$0x530] =	vst v7;
	v5 =	vadd.f32 v5, v14  }
0x23c: {  	v14 =	vld [tilespmem:s26+$0x5130];
	[tilespmem:s18+$0x540] =	vst v6;
	v4 =	vadd.f32 v4, v13  }
0x23d: {  	v13 =	vld [tilespmem:s26+$0x5140];
	[tilespmem:s18+$0x550] =	vst v5;
	v3 =	vadd.f32 v3, v12  }
0x23e: {  	v12 =	vld [tilespmem:s26+$0x5150];
	[tilespmem:s18+$0x560] =	vst v4  }
0x23f: {  	v16 =	vld [tilespmem:s26+$0x5160];
	[tilespmem:s18+$0x570] =	vst v3;
	s18 =	smov.u32 s26  }
0x240: {  	v17 =	vld [tilespmem:s18+$0x5170]  }
0x241: {  	v18 =	vld [tilespmem:s18+$0x5500]  }
0x242: {  	v9 =	vld [tilespmem:s18+$0x5510]  }
0x243: {  	v8 =	vld [tilespmem:s18+$0x5520]  }
0x244: {  	v7 =	vld [tilespmem:s18+$0x5530]  }
0x245: {  	v6 =	vld [tilespmem:s18+$0x5540]  }
0x246: {  	v5 =	vld [tilespmem:s18+$0x5550]  }
0x247: {  	v4 =	vld [tilespmem:s18+$0x5560]  }
0x248: {  	v3 =	vld [tilespmem:s18+$0x5570]  }
0x249: {  	v19 =	vld [tilespmem:s18+$0x100]  }
0x24a: {  	v20 =	vld [tilespmem:s18+$0x110]  }
0x24b: {  	v21 =	vld [tilespmem:s18+$0x120]  }
0x24c: {  	v22 =	vld [tilespmem:s18+$0x130]  }
0x24d: {  	v23 =	vld [tilespmem:s18+$0x140]  }
0x24e: {  	v15 =	vadd.f32 v15, v19;
	v19 =	vld [tilespmem:s18+$0x150]  }
0x24f: {  	v10 =	vadd.f32 v10, v20;
	v20 =	vld [tilespmem:s18+$0x160]  }
0x250: {  	[tilespmem:s18+$0x100] =	vst v15;
	v11 =	vadd.f32 v11, v21;
	v15 =	vld [tilespmem:s18+$0x170]  }
0x251: {  	[tilespmem:s18+$0x110] =	vst v10;
	v10 =	vadd.f32 v14, v22;
	v14 =	vld [tilespmem:s18+$0x500]  }
.Ltmp3:
0x252: {  	[tilespmem:s18+$0x120] =	vst v11;
	v11 =	vadd.f32 v13, v23;
	v13 =	vld [tilespmem:s18+$0x510];
	(pc) =	sbr.rel @p0 .LBB2_8-.Ltmp3, $4  }
0x253: {  	[tilespmem:s18+$0x130] =	vst v10;
	v19 =	vadd.f32 v12, v19;
	v12 =	vld [tilespmem:s18+$0x520]  }
0x254: {  	[tilespmem:s18+$0x140] =	vst v11;
	v20 =	vadd.f32 v16, v20;
	v10 =	vld [tilespmem:s18+$0x530]  }
0x255: {  	[tilespmem:s18+$0x150] =	vst v19;
	v16 =	vadd.f32 v17, v15;
	v11 =	vld [tilespmem:s18+$0x540]  }
0x256: {  	s21 =	sadd.s32 $0x80, s21;
	s22 =	sadd.s32 $0x100, s22;
	[tilespmem:s18+$0x160] =	vst v20;
	v15 =	vadd.f32 v18, v14;
	v14 =	vld [tilespmem:s18+$0x550]  }
0x257: {  	[tilespmem:s18+$0x170] =	vst v16;
	v9 =	vadd.f32 v9, v13;
	v62 =	vld [tilespmem:s18+$0x560]  }
0x258: {  	v63 =	vld [tilespmem:s18+$0x570];
	[tilespmem:s18+$0x500] =	vst v15;
	v8 =	vadd.f32 v8, v12  }
0x259: {  	[tilespmem:s18+$0x510] =	vst v9;
	v7 =	vadd.f32 v7, v10  }
0x25a: {  	[tilespmem:s18+$0x520] =	vst v8;
	v6 =	vadd.f32 v6, v11  }
0x25b: {  	[tilespmem:s18+$0x530] =	vst v7;
	v5 =	vadd.f32 v5, v14  }
0x25c: {  	[tilespmem:s18+$0x540] =	vst v6;
	v4 =	vadd.f32 v4, v62  }
0x25d: {  	v3 =	vadd.f32 v3, v63;
	[tilespmem:s18+$0x550] =	vst v5  }
0x25e: {  	[tilespmem:s18+$0x560] =	vst v4  }
0x25f: {  	s30 =	rddreg [dreg:$0x5];
	[tilespmem:s18+$0x570] =	vst v3  }
0x260: {  	[hbm4b:s30+s3] =	stream.linear.scatter [tilespmem:s17], [sflag:$0x5], $0x5000, $0x38;
	[tilespmem:$0x14200] =	vst v63  }
0x261: {  	_ =	swait.ge [sflag:s15], $0x5000  }
0x262: {  	s21 =	rddreg [dreg:$0x7]  }
0x263: {  	s31 =	rddreg [dreg:$0x6];
	s21 =	sadd.s32 $0x1, s21  }
0x264: {  	p0 =	sne.s32 s21, s31  }
.Ltmp4:
0x265: {  	_ = 	snop;
	(pc) =	sbr.rel @p0 .LBB2_1-.Ltmp4, $3  }
0x266: {  	_ =	sdelay $0x1  }
0x267: {  	[sflag:s15] =	ssyncset.done $0x0  }
0x268: {  	[sflag:s15] =	ssyncadd.s32 $0xFFFFB000  }
0x269: {  	_ =	sfence.sel $0x180000  }
0x26a: {  	[bflag:$0x0] =	sbarrier.arrive $0xFFFF  }
0x26b: {  	_ =	strace $0x90000047  }
0x26c: {  	s0 =	stileid.u32;
	[bflag:$0x2] =	sbarrier.arrive $0xFFFF  }
0x26d: {  	p0 =	sne.s32 s0, $0x0;
	s0 =	rddreg [dreg:$0x2]  }
0x26e: {  	s0 =	sadd.s32 @!p0 $0x100000, s0  }
0x26f: {  	[sflag:s0] =	ssyncadd.tile.s32 @!p0 $0x1;
	_ =	shalt  }
.Lfunc_end2:
_tile_overlayer_lowered:
.L_overlay_start_2:
0x270: {  	(tag) =	ssettag $0x2  }
0x271: {  	s0 =	rddreg [dreg:$0x0];
	s2 =	stileid.u32  }
0x272: {  	s1 =	rddreg [dreg:$0x1];
	p0 =	sne.s32 s2, $0x0  }
0x273: {  	s3 =	rddreg [dreg:$0x2];
	[bflag:$0x3] =	sbarrier.arrive $0xFFFF;
	s2 =	simm.s32 @!p0 $0x1C05  }
0x274: {  	[timem:s3], [sflag:s2] =	dma.local @!p0 [hbm:s0], s1  }
0x275: {  	s0 =	simm.s32 @!p0 $0x5  }
0x276: {  	_ =	swait.ge @!p0 [sflag:s0], s1  }
0x277: {  	s1 =	ssub.s32 @!p0 $0x0, s1;
	[sflag:s0] =	ssyncset.done @!p0 $0x0  }
0x278: {  	[sflag:s0] =	ssyncadd.s32 @!p0 s1  }
0x279: {  	[bflag:$0x3] =	sbarrier.arrive $0xFFFF  }
0x27a: {  	_ =	shalt  }

// kernel: kernel.13.cloned.1.call-start
scs
__scs_entry_jumppad:
0x0: {  	(pc) =	sbr.rel $0x88, $3  }
0x1: {  	(tag) =	ssettag $0x0;
	lr =	simm.s32 $0x1  }
0x2: {  	[smem:$0x3F9B] =	sst lr;
	_ =	strace $0xD0000000  }
0x3: {  	_ = 	snop  }
0x4: {  	_ = 	snop  }
0x5: {  	_ = 	snop  }
0x6: {  	_ = 	snop  }
0x7: {  	_ = 	snop  }
__scs_overlays_trampoline_lowered:
0x8: {  	[smem:$0x3FAA] =	sst s0  }
0x9: {  	[smem:$0x3FAB] =	sst s1  }
0xa: {  	[smem:$0x3FAC] =	sst s2  }
0xb: {  	[smem:$0x3FAD] =	sst s3  }
0xc: {  	[smem:$0x3FAE] =	sst s4  }
0xd: {  	[smem:$0x3FAF] =	sst s5  }
0xe: {  	[smem:$0x3FB0] =	sst s6  }
0xf: {  	[smem:$0x3FB1] =	sst s7  }
0x10: {  	[smem:$0x3FB2] =	sst s8  }
0x11: {  	[smem:$0x3FB3] =	sst s9;
	s0 =	simm.s32 @!p0 $0x0  }
0x12: {  	s1 =	sld [smem:$0x3F99];
	s0 =	simm.s32 @p0 $0x1  }
0x13: {  	[smem:$0x3FB4] =	sst s0;
	s0 =	simm.s32 @!p1 $0x0  }
0x14: {  	s2 =	sld [smem:$0x3F98];
	s0 =	simm.s32 @p1 $0x1  }
0x15: {  	[smem:$0x3FB5] =	sst s0;
	s0 =	simm.s32 @!p2 $0x0  }
0x16: {  	s3 =	sld [smem:$0x3FDB];
	s0 =	simm.s32 @p2 $0x1  }
0x17: {  	s4 =	simm.s32 $0x1BF5;
	[smem:$0x3FB7] =	sst s0  }
0x18: {  	s0 =	sld [smem:$0x3F9A];
	_ =	swait.ge [sflag:s4], $0x0  }
0x19: {  	s7 =	sld [smem:$0x3F9B]  }
0x1a: {  	s8 =	sadd.s32 $0xFFFFE003, lr  }
0x1b: {  	s9 =	sadd.s32 $0xFFFFFEF7, lr;
	s5 =	simm.s32 $0xFFFFFFFF;
	p2 =	slt.u32 s8, $0xFFFFF086  }
0x1c: {  	p1 =	slt.u32 s9, $0xF7A;
	s5 =	simm.s32 @!p2 $0x0  }
0x1d: {  	s5 =	simm.s32 @p1 $0x1;
	p0 =	seq.s32 s7, s2  }
0x1e: {  	s7 =	smul.u32 @!p0 $0xF7A, s2;
	p2 =	seq.s32 @!p0 s5, $0x0  }
0x1f: {  	s9 =	smul.u32 $0xF7A, s1;
	s8 =	simm.s32 @!p0 $0x1BF5;
	p2 =	por !p2, p0  }
0x20: {  	[sflag:s8] =	ssyncset.s32 @!p0 $0xFFFFF086;
	s6 =	sadd.s32 @!p0 s3, s7;
	s7 =	simm.s32 @!p0 $0x108  }
0x21: {  	s3 =	sadd.s32 s3, s9;
	s6 =	sadd.s32 @!p0 $0x88, s6;
	s7 =	simm.s32 @p2 $0x1082  }
0x22: {  	[simem:s7], [sflag:s8] =	dma.local @!p0 [hbm:s6], $0xF7A  }
0x23: {  	s9 =	sor.u32 $0xD0000000, s2;
	s6 =	simm.s32 $0x108;
	_ =	swait.ge @!p0 [sflag:s8], $0x0  }
0x24: {  	s3 =	sadd.s32 $0x88, s3;
	s6 =	simm.s32 @!p1 $0x1082;
	[sflag:s4] =	ssyncset.s32 $0xFFFFF086  }
0x25: {  	[simem:s6], [sflag:s4] =	dma.local [hbm:s3], $0xF7A  }
0x26: {  	[smem:$0x3F9B] =	sst s1;
	(tag) =	ssettag s2;
	_ =	strace s9  }
0x27: {  	s1 =	sld [smem:$0x3FAB]  }
0x28: {  	s2 =	sld [smem:$0x3FAC]  }
0x29: {  	s4 =	sld [smem:$0x3FAE]  }
0x2a: {  	p0 =	seq.s32 s5, $0x0;
	s5 =	sld [smem:$0x3FAF]  }
0x2b: {  	s6 =	sld [smem:$0x3FB0]  }
0x2c: {  	s7 =	sld [smem:$0x3FB1]  }
0x2d: {  	s3 =	simm.s32 $0x108;
	s8 =	sld [smem:$0x3FB2]  }
0x2e: {  	s3 =	simm.s32 @!p0 $0x1082;
	s9 =	sld [smem:$0x3FB3]  }
0x2f: {  	lr =	sadd.s32 s0, s3;
	s0 =	sld [smem:$0x3FAA]  }
0x30: {  	s3 =	sld [smem:$0x3FAD]  }
0x31: {  	[smem:$0x3FB6] =	sst s10  }
0x32: {  	s10 =	sld [smem:$0x3FB4];
	_ =	sdelay $0x3  }
0x33: {  	p0 =	seq.s32 s10, $0x1;
	s10 =	sld [smem:$0x3FB6];
	_ =	sdelay $0x3  }
0x34: {  	[smem:$0x3FB6] =	sst s10  }
0x35: {  	s10 =	sld [smem:$0x3FB5];
	_ =	sdelay $0x3  }
0x36: {  	p1 =	seq.s32 s10, $0x1;
	s10 =	sld [smem:$0x3FB6];
	_ =	sdelay $0x3  }
0x37: {  	[smem:$0x3FB6] =	sst s10  }
0x38: {  	s10 =	sld [smem:$0x3FB7]  }
0x39: {  	_ = 	snop;
	(pc) =	sbr.ind lr, $3  }
0x3a: {  	_ = 	snop  }
0x3b: {  	_ = 	snop  }
0x3c: {  	p2 =	seq.s32 s10, $0x1;
	s10 =	sld [smem:$0x3FB6]  }
0x3d: {  	_ =	shalt  }
0x3e: {  	_ =	shalt  }
0x3f: {  	_ =	shalt  }
0x40: {  	_ =	shalt  }
0x41: {  	_ =	shalt  }
0x42: {  	_ =	shalt  }
0x43: {  	_ =	shalt  }
0x44: {  	_ =	shalt  }
0x45: {  	_ =	shalt  }
0x46: {  	_ =	shalt  }
0x47: {  	_ =	shalt  }
0x48: {  	_ =	shalt  }
0x49: {  	_ =	shalt  }
0x4a: {  	_ =	shalt  }
0x4b: {  	_ =	shalt  }
0x4c: {  	_ =	shalt  }
0x4d: {  	_ =	shalt  }
0x4e: {  	_ =	shalt  }
0x4f: {  	_ =	shalt  }
0x50: {  	_ =	shalt  }
0x51: {  	_ =	shalt  }
0x52: {  	_ =	shalt  }
0x53: {  	_ =	shalt  }
0x54: {  	_ =	shalt  }
0x55: {  	_ =	shalt  }
0x56: {  	_ =	shalt  }
0x57: {  	_ =	shalt  }
0x58: {  	_ =	shalt  }
0x59: {  	_ =	shalt  }
0x5a: {  	_ =	shalt  }
0x5b: {  	_ =	shalt  }
0x5c: {  	_ =	shalt  }
0x5d: {  	_ =	shalt  }
0x5e: {  	_ =	shalt  }
0x5f: {  	_ =	shalt  }
0x60: {  	_ =	shalt  }
0x61: {  	_ =	shalt  }
0x62: {  	_ =	shalt  }
0x63: {  	_ =	shalt  }
0x64: {  	_ =	shalt  }
0x65: {  	_ =	shalt  }
0x66: {  	_ =	shalt  }
0x67: {  	_ =	shalt  }
0x68: {  	_ =	shalt  }
0x69: {  	_ =	shalt  }
0x6a: {  	_ =	shalt  }
0x6b: {  	_ =	shalt  }
0x6c: {  	_ =	shalt  }
0x6d: {  	_ =	shalt  }
0x6e: {  	_ =	shalt  }
0x6f: {  	_ =	shalt  }
0x70: {  	_ =	shalt  }
0x71: {  	_ =	shalt  }
0x72: {  	_ =	shalt  }
0x73: {  	_ =	shalt  }
0x74: {  	_ =	shalt  }
0x75: {  	_ =	shalt  }
0x76: {  	_ =	shalt  }
0x77: {  	_ =	shalt  }
0x78: {  	_ =	shalt  }
0x79: {  	_ =	shalt  }
0x7a: {  	_ =	shalt  }
0x7b: {  	_ =	shalt  }
0x7c: {  	_ =	shalt  }
0x7d: {  	_ =	shalt  }
0x7e: {  	_ =	shalt  }
0x7f: {  	_ =	shalt  }
0x80: {  	_ =	shalt  }
0x81: {  	_ =	shalt  }
0x82: {  	_ =	shalt  }
0x83: {  	_ =	shalt  }
0x84: {  	_ =	shalt  }
0x85: {  	_ =	shalt  }
0x86: {  	_ =	shalt  }
0x87: {  	_ =	shalt  }
.Lfunc_end0:
.L_simem_size_0:
called_computation.2_lowered:
.L_overlay_start_0:
0x88: {  	s2 =	sld [smem:$0x3FD9]  }
0x89: {  	s3 =	sld [smem:$0x3FFE];
	_ =	sdelay $0x1  }
0x8a: {  	s1 =	srdreg.scid  }
0x8b: {  	s0 =	sand.u32 $0x1, s1  }
0x8c: {  	s16 =	sshll.u32 s0, $0xA;
	s2 =	sadd.s32 s3, s2  }
0x8d: {  	s2 =	sadd.s32 s2, s16  }
0x8e: {  	[smem:$0x3FC2] =	sst s2  }
0x8f: {  	_ = 	snop  }
0x90: {  	(tm) =	ssettm $0x1  }
0x91: {  	s17 =	sld [smem:$0x3FFB];
	_ =	sdelay $0x3  }
0x92: {  	_ =	strace s17  }
0x93: {  	s2 =	sld [smem:$0x3FFC];
	_ =	sdelay $0x3  }
0x94: {  	_ =	strace s2  }
0x95: {  	s2 =	sld [smem:$0x3FFD];
	_ =	sdelay $0x3  }
0x96: {  	_ =	strace s2  }
0x97: {  	_ =	strace $0x8FFFFFFF  }
0x98: {  	s18 =	sld [smem:$0x3FDB];
	_ =	sdelay $0x1  }
0x99: {  	s19 =	simm.s32 $_scs_section_size  }
0x9a: {  	s4 =	simm.s32 $_size__tile_overlayer_lowered;
	s5 =	simm.s32 $_tile_overlayer_lowered  }
0x9b: {  	s22 =	simm.s32 $0x1BFF;
	s21 =	sshll.u32 s5, $0x1;
	s2 =	sadd.s32 s19, s18  }
0x9c: {  	s6 =	simm.s32 $0x0;
	s20 =	sshll.u32 s4, $0x1;
	s4 =	sadd.s32 s21, s2  }
0x9d: {  	[timem:s6], [sflag:s22] =	dma.local [hbm:s4], s20  }
0x9e: {  	_ =	swait.ge [sflag:s22], s20  }
0x9f: {  	s3 =	ssub.s32 $0x0, s20;
	[sflag:s22] =	ssyncset.done $0x0  }
0xa0: {  	[sflag:s22] =	ssyncadd.s32 s3;
	_ =	sdelay $0x1  }
0xa1: {  	s23 =	simm.s32 $0x1B8B  }
0xa2: {  	_ =	swait.ge [sflag:s23], $0x1  }
0xa3: {  	[sflag:s23] =	ssyncset.done $0x0  }
0xa4: {  	s25 =	simm.s32 $0x1B8E;
	s24 =	sld [smem:$0x3FFE];
	[sflag:s23] =	ssyncadd.s32 $0xFFFFFFFF  }
0xa5: {  	s26 =	simm.s32 $execute0_lowered;
	[smem:$0x3FD2] =	sst s25  }
0xa6: {  	s4 =	sshll.u32 s26, $0x1;
	_ =	strace $0x8000004C;
	[dreg:$0x1] =	wrdreg $0xFFFFFFFF  }
0xa7: {  	s28 =	simm.s32 $_size_execute0_lowered;
	s2 =	sadd.s32 s2, s4;
	[dreg:$0x0] =	wrdreg $0x0  }
0xa8: {  	s4 =	sshll.u32 s28, $0x1;
	[dreg:$0x2] =	wrdreg s2  }
0xa9: {  	[dreg:$0x3] =	wrdreg s4  }
0xaa: {  	[dreg:$0x4] =	wrdreg $0xC0  }
0xab: {  	_ =	task [dreg:s6], $0x5FFFF  }
0xac: {  	[dreg:$0x1] =	wrdreg $0xFFFFFFFF  }
0xad: {  	[dreg:$0x0] =	wrdreg $0x60  }
0xae: {  	[dreg:$0x2] =	wrdreg s24  }
0xaf: {  	[dreg:$0x3] =	wrdreg $0x9  }
0xb0: {  	_ =	task.clear_ibuf [dreg:s6], $0x4FFFF;
	_ =	strace $0x9000004C  }
0xb1: {  	s29 =	simm.s32 $0x9;
	_ =	strace $0x8000004E  }
0xb2: {  	_ =	swait.ge [sflag:s29], $0x1  }
0xb3: {  	[sflag:s29] =	ssyncadd.s32 $0xFFFFFFFF  }
0xb4: {  	_ =	strace $0x9000004E  }
0xb5: {  	_ =	sfence  }
0xb6: {  	s30 =	sld [smem:$0x0];
	_ =	sdelay $0x2  }
0xb7: {  	s31 =	sshll.u32 s1, $0xD;
	s1 =	sshrl.u32 s1, $0x2  }
0xb8: {  	s3 =	sand.u32 $0x4000, s31;
	s1 =	sadd.s32 s1, s30  }
0xb9: {  	s0 =	sor.u32 s3, s0;
	s1 =	sshll.u32 s1, $0x11  }
0xba: {  	s0 =	sor.u32 s1, s0  }
0xbb: {  	s0 =	sadd.s32 $0x8F2B, s0  }
0xbc: {  	[sflag:s0] =	ssyncadd.remote.s32 $0x1  }
0xbd: {  	_ =	sfence.sel $0xFFFF  }
0xbe: {  	[dreg:$0x0] =	wrdreg $0xFFFFFFFF;
	(pc) =	sbr.abs _section_cstart, $3  }
0xbf: {  	[dreg:$0x1] =	wrdreg $0xFFFFFFFF  }
0xc0: {  	_ =	task.clear_ibuf [dreg:s6], $0x2FFFF;
	_ =	strace $0x9FFFFFFF  }
0xc1: {  	(tm) =	ssettm $0x7FFFFFFF  }
tec
execute0_lowered:
.L_overlay_start_1:
0x0: {  	(tag) =	ssettag $0x1  }
0x1: {  	s0 =	rddreg [dreg:$0x0];
	s1 =	srdreg.scid  }
0x2: {  	s3 =	stileid.u32;
	s2 =	simm.s32 $0x0;
	s11 =	simm.s32 $0x3  }
0x3: {  	s12 =	simm.s32 $0x1;
	s22 =	simm.s32 $0x4200;
	s23 =	simm.s32 $0x4A00  }
0x4: {  	s24 =	simm.s32 $0x5200;
	s28 =	simm.s32 $0x6A00;
	s29 =	simm.s32 $0x7200  }
0x5: {  	s30 =	simm.s32 $0x7A00;
	s31 =	simm.s32 $0x2;
	s1 =	sand.u32 $0x1, s1  }
0x6: {  	s3 =	sshll.u32 s3, $0x1;
	[smem:$0x7FF] =	sst s2;
	s5 =	sadd.s32 $0xA27400, s0  }
0x7: {  	s4 =	sor.u32 s1, s3;
	_ =	strace $0x8000004D;
	s3 =	sadd.s32 $0xB64000, s0  }
0x8: {  	s1 =	ssub.s32 $0x2, s1;
	s6 =	smul.u32 $0x2800, s4;
	s7 =	sshll.u32 s4, $0x1  }
0x9: {  	s4 =	smul.u32 $0x4F240, s4;
	s8 =	sshrl.u32 s1, $0x1;
	s7 =	sadd.s32 s7, s0  }
.Ltmp0:
0xa: {  	s1 =	ssub.s32 s1, s8;
	s7 =	sadd.s32 $0xB63E00, s7;
	(pc) =	sbr.rel .LBB2_1-.Ltmp0, $4  }
0xb: {  	s25 =	sshrl.u32 s4, $0x3;
	s26 =	smax.u32 s1, $0x1;
	[dreg:$0x2] =	wrdreg s7  }
0xc: {  	v3 =	vlaneseq.u32;
	s0 =	sadd.s32 s6, s0;
	s6 =	sadd.s32 s5, s25;
	[dreg:$0x5] =	wrdreg s26  }
0xd: {  	v0 =	vimm.f32 $0.0e+00;
	vm0 =	vmmov $0xffff;
	v2 =	vshrl.u32 v3, $0x3;
	s1 =	simm.s32 $0x0;
	s0 =	sadd.s32 $0x1600, s0;
	[dreg:$0x3] =	wrdreg s6  }
0xe: {  	v1 =	vand.u32 $0x7, v3;
	v3 =	vor.u32 $0x8, v3;
	v2 =	vmul.u32 $0x8, v2;
	s25 =	simm.s32 $0x5A00;
	s26 =	simm.s32 $0x6200;
	[dreg:$0x4] =	wrdreg s0  }
.LBB2_21:
0xf: {  	s0 =	rddreg [dreg:$0x4];
	s6 =	simm.s32 $0x8200  }
0x10: {  	[hbm4b:s0+s2] =	stream.linear.scatter [tilespmem:s6], [sflag:$0x3], $0x14000, $0x38;
	[tilespmem:$0x1C280] =	vst v63  }
0x11: {  	_ =	swait.ge [sflag:s11], $0x14000  }
0x12: {  	s1 =	sadd.s32 $0x1, s1;
	s21 =	rddreg [dreg:$0x5]  }
0x13: {  	p0 =	sne.s32 s1, s21  }
.Ltmp1:
0x14: {  	_ = 	snop;
	(pc) =	sbr.rel @!p0 .LBB2_22-.Ltmp1, $3  }
0x15: {  	_ =	sdelay $0x1  }
0x16: {  	[sflag:s11] =	ssyncset.done $0x0  }
0x17: {  	[sflag:s11] =	ssyncadd.s32 $0xFFFEC000  }
.LBB2_1:
0x18: {  	s0 =	rddreg [dreg:$0x2];
	s6 =	simm.s32 $0x1C200  }
0x19: {  	[tilespmem:s6], [sflag:$0x3] =	stream.linear.gather [hbm4b:s0+s2], $0x10, $0x38;
	[tilespmem:$0x1C280] =	vst v63  }
0x1a: {  	_ =	swait.ge [sflag:s11], $0x10  }
0x1b: {  	s20 =	sand.u32 $0x1F800, s2;
	s21 =	sand.u32 $0x380, s2;
	[sflag:s11] =	ssyncset.done $0x0  }
0x1c: {  	s0 =	sor.u32 s21, s20;
	[sflag:s11] =	ssyncadd.s32 $0xFFFFFFF0  }
0x1d: {  	v4 =	vld [tilespmem:$0x1C200];
	[tilespmem:s0+$0x8670] =	vst v0  }
0x1e: {  	[tilespmem:s0+$0x8200] =	vst v0  }
0x1f: {  	[tilespmem:s0+$0x8210] =	vst v0  }
0x20: {  	[tilespmem:s0+$0x8220] =	vst v0  }
0x21: {  	[tilespmem:s0+$0x8230] =	vst v0  }
0x22: {  	[tilespmem:s0+$0x8240] =	vst v0  }
0x23: {  	[tilespmem:s0+$0x8250] =	vst v0  }
0x24: {  	[tilespmem:s0+$0x8260] =	vst v0  }
0x25: {  	[tilespmem:s0+$0x8270] =	vst v0  }
0x26: {  	[tilespmem:s0+$0x8600] =	vst v0  }
0x27: {  	[tilespmem:s0+$0x8610] =	vst v0  }
0x28: {  	[tilespmem:s0+$0x8620] =	vst v0  }
0x29: {  	[tilespmem:s0+$0x8630] =	vst v0  }
0x2a: {  	s7 =	simm.s32 $0x100;
	s6 =	simm.s32 $0x80;
	[tilespmem:s0+$0x8640] =	vst v0  }
0x2b: {  	s8 =	sand.u32 $0x1F800, s7;
	s7 =	simm.s32 $0x200;
	s9 =	sand.u32 $0x380, s6;
	[tilespmem:s0+$0x8650] =	vst v0  }
.LBB2_2:
0x2c: {  	p0 =	sne.s32 s7, $0x13F00;
	[tilespmem:s0+$0x8660] =	vst v0;
	s0 =	sor.u32 s9, s8  }
0x2d: {  	[tilespmem:s0+$0x8670] =	vst v0  }
0x2e: {  	[tilespmem:s0+$0x8200] =	vst v0  }
0x2f: {  	[tilespmem:s0+$0x8210] =	vst v0  }
0x30: {  	[tilespmem:s0+$0x8220] =	vst v0  }
0x31: {  	[tilespmem:s0+$0x8230] =	vst v0  }
0x32: {  	[tilespmem:s0+$0x8240] =	vst v0  }
0x33: {  	[tilespmem:s0+$0x8250] =	vst v0  }
0x34: {  	[tilespmem:s0+$0x8260] =	vst v0  }
0x35: {  	[tilespmem:s0+$0x8270] =	vst v0  }
0x36: {  	[tilespmem:s0+$0x8600] =	vst v0  }
.Ltmp2:
0x37: {  	[tilespmem:s0+$0x8610] =	vst v0;
	(pc) =	sbr.rel @p0 .LBB2_2-.Ltmp2, $4  }
0x38: {  	[tilespmem:s0+$0x8620] =	vst v0  }
0x39: {  	[tilespmem:s0+$0x8630] =	vst v0  }
0x3a: {  	s6 =	sadd.s32 $0x80, s6;
	[tilespmem:s0+$0x8640] =	vst v0  }
0x3b: {  	s8 =	sand.u32 $0x1F800, s7;
	s7 =	sadd.s32 $0x100, s7;
	s9 =	sand.u32 $0x380, s6;
	[tilespmem:s0+$0x8650] =	vst v0  }
0x3c: {  	(v2sf) =	vpush v4, $0x0;
	_ =	sdelay $0xb  }
0x3d: {  	s6 =	sor.u32 s9, s8;
	[tilespmem:s0+$0x8660] =	vst v0  }
0x3e: {  	[tilespmem:s6+$0x8670] =	vst v0  }
0x3f: {  	[tilespmem:s6+$0x8200] =	vst v0  }
0x40: {  	[tilespmem:s6+$0x8210] =	vst v0;
	s9 =	spop (v2sf)  }
0x41: {  	[tilespmem:s6+$0x8220] =	vst v0;
	s20 =	sadd.s32 $0x3F, s9  }
0x42: {  	[tilespmem:s6+$0x8230] =	vst v0;
	s7 =	sand.u32 $0x3F, s20  }
0x43: {  	[tilespmem:s6+$0x8240] =	vst v0;
	s21 =	sshra.s32 s20, $0x1F;
	p1 =	slt.s32 s20, $0x1;
	p0 =	sne.s32 s7, $0x0  }
0x44: {  	[tilespmem:s6+$0x8250] =	vst v0;
	s7 =	sshrl.u32 s21, $0x1A;
	p0 =	por !p1, !p0  }
0x45: {  	[tilespmem:s6+$0x8260] =	vst v0;
	s0 =	sadd.s32 s7, s20;
	s7 =	simm.s32 $0x1;
	p0 =	por !p0, !p0  }
0x46: {  	[tilespmem:s6+$0x8270] =	vst v0;
	s0 =	sshra.s32 s0, $0x6;
	s7 =	simm.s32 @!p0 $0x0  }
0x47: {  	[tilespmem:s6+$0x8600] =	vst v0;
	s0 =	ssub.s32 s0, s7  }
0x48: {  	[tilespmem:s6+$0x8610] =	vst v0;
	p0 =	slt.s32 s0, $0x1  }
.Ltmp3:
0x49: {  	[tilespmem:s6+$0x8620] =	vst v0;
	(pc) =	sbr.rel @p0 .LBB2_5-.Ltmp3, $4  }
0x4a: {  	[tilespmem:s6+$0x8630] =	vst v0  }
0x4b: {  	[tilespmem:s6+$0x8640] =	vst v0  }
0x4c: {  	[tilespmem:s6+$0x8650] =	vst v0  }
0x4d: {  	[tilespmem:s6+$0x8660] =	vst v0  }
0x4e: {  	s6 =	rddreg [dreg:$0x3]  }
0x4f: {  	[tilespmem:s2], [sflag:$0x3] =	stream.linear.gather [hbm4b:s6+s2], $0x40, $0x38;
	[tilespmem:$0x1C280] =	vst v63  }
0x50: {  	_ =	swait.ge [sflag:s11], $0x40  }
0x51: {  	[sflag:s11] =	ssyncset.done $0x0  }
0x52: {  	[sflag:s11] =	ssyncadd.s32 $0xFFFFFFC0  }
0x53: {  	v4 =	vld [tilespmem:$0x0];
	_ =	sdelay $0x4  }
0x54: {  	v4 =	vshra.s32 v4, $0x9  }
0x55: {  	v5 =	vld [tilespmem:$0x10];
	vm1 =	vgt.s32 v4, $0x0  }
0x56: {  	v6 =	vld [tilespmem:$0x20];
	v4 =	vnsel vm1, $0x0, v4  }
0x57: {  	v7 =	vld [tilespmem:$0x30];
	v4 =	vmin.u32 v4, $0x4E1FF  }
0x58: {  	v8 =	vshll.u32 v4, $0x1  }
0x59: {  	v9 =	vand.u32 $0x7, v4;
	v8 =	vand.u32 $0xFFFF0, v8  }
0x5a: {  	v5 =	vshra.s32 v5, $0x9;
	v8 =	vor.u32 v9, v8  }
0x5b: {  	vm1 =	vgt.s32 v5, $0x0;
	v9 =	vperm.xlane v8, v1  }
0x5c: {  	v6 =	vshra.s32 v6, $0x9;
	v7 =	vshra.s32 v7, $0x9;
	v5 =	vnsel vm1, $0x0, v5  }
0x5d: {  	vm1 =	vgt.s32 v6, $0x0;
	v8 =	vperm.xlane v8, v3;
	v9 =	vadd.s32 v2, v9  }
0x5e: {  	[tilespmem:$0x100] =	vst v4;
	v4 =	vmin.u32 v5, $0x4E1FF;
	v5 =	vnsel vm1, $0x0, v6;
	vm1 =	vgt.s32 v7, $0x0  }
0x5f: {  	[tilespmem:$0x110] =	vst v4;
	v4 =	vnsel vm1, $0x0, v7;
	v5 =	vmin.u32 v5, $0x4E1FF;
	v63 =	vadd.s32 v2, v8  }
0x60: {  	[tilespmem:$0x120] =	vst v5;
	v4 =	vmin.u32 v4, $0x4E1FF  }
0x61: {  	s14 =	simm.s32 $0x200;
	[tilespmem:$0x130] =	vst v4  }
0x62: {  	[tilespmem:s14], [sflag:$0x1] =	stream.indirect_vreg.gather [hbm4b:s3+s2], $0x80, v9, vm0, $0xb8;
	[tilespmem:$0x1C280] =	vst v63  }
0x63: {  	s15 =	simm.s32 $0xA00  }
0x64: {  	[tilespmem:s15], [sflag:$0x1] =	stream.indirect_vreg.gather [hbm4b:s3+s2], $0x80, v63, vm0, $0xb8;
	[tilespmem:$0x1C280] =	vst v63  }
0x65: {  	v4 =	vld [tilespmem:$0x110];
	_ =	sdelay $0x4  }
0x66: {  	v5 =	vshll.u32 v4, $0x1  }
0x67: {  	v4 =	vand.u32 $0x7, v4;
	v5 =	vand.u32 $0xFFFFFFF0, v5  }
0x68: {  	v4 =	vor.u32 v4, v5  }
0x69: {  	v5 =	vperm.xlane v4, v1;
	_ =	sdelay $0x1  }
0x6a: {  	v4 =	vperm.xlane v4, v3;
	v5 =	vadd.s32 v2, v5;
	_ =	sdelay $0x1  }
0x6b: {  	v4 =	vadd.s32 v2, v4;
	_ =	sdelay $0x1  }
0x6c: {  	s16 =	simm.s32 $0x1200  }
0x6d: {  	[tilespmem:s16], [sflag:$0x1] =	stream.indirect_vreg.gather [hbm4b:s3+s2], $0x80, v5, vm0, $0xb8;
	[tilespmem:$0x1C280] =	vst v63  }
0x6e: {  	s17 =	simm.s32 $0x1A00  }
0x6f: {  	[tilespmem:s17], [sflag:$0x1] =	stream.indirect_vreg.gather [hbm4b:s3+s2], $0x80, v4, vm0, $0xb8;
	[tilespmem:$0x1C280] =	vst v63  }
0x70: {  	v4 =	vld [tilespmem:$0x120];
	_ =	sdelay $0x4  }
0x71: {  	v5 =	vshll.u32 v4, $0x1  }
0x72: {  	v4 =	vand.u32 $0x7, v4;
	v5 =	vand.u32 $0xFFFFFFF0, v5  }
0x73: {  	v4 =	vor.u32 v4, v5  }
0x74: {  	v5 =	vperm.xlane v4, v1;
	_ =	sdelay $0x1  }
0x75: {  	v4 =	vperm.xlane v4, v3;
	v5 =	vadd.s32 v2, v5;
	_ =	sdelay $0x1  }
0x76: {  	v4 =	vadd.s32 v2, v4;
	_ =	sdelay $0x1  }
0x77: {  	s18 =	simm.s32 $0x2200  }
0x78: {  	[tilespmem:s18], [sflag:$0x1] =	stream.indirect_vreg.gather [hbm4b:s3+s2], $0x80, v5, vm0, $0xb8;
	[tilespmem:$0x1C280] =	vst v63  }
0x79: {  	s19 =	simm.s32 $0x2A00  }
0x7a: {  	[tilespmem:s19], [sflag:$0x1] =	stream.indirect_vreg.gather [hbm4b:s3+s2], $0x80, v4, vm0, $0xb8;
	[tilespmem:$0x1C280] =	vst v63  }
0x7b: {  	v4 =	vld [tilespmem:$0x130];
	_ =	sdelay $0x4  }
0x7c: {  	v5 =	vshll.u32 v4, $0x1  }
0x7d: {  	v4 =	vand.u32 $0x7, v4;
	v5 =	vand.u32 $0xFFFFFFF0, v5  }
0x7e: {  	v4 =	vor.u32 v4, v5  }
0x7f: {  	v5 =	vperm.xlane v4, v1;
	_ =	sdelay $0x1  }
0x80: {  	v4 =	vperm.xlane v4, v3;
	v5 =	vadd.s32 v2, v5;
	_ =	sdelay $0x1  }
0x81: {  	v4 =	vadd.s32 v2, v4;
	_ =	sdelay $0x1  }
0x82: {  	s20 =	simm.s32 $0x3200  }
0x83: {  	[tilespmem:s20], [sflag:$0x1] =	stream.indirect_vreg.gather [hbm4b:s3+s2], $0x80, v5, vm0, $0xb8;
	[tilespmem:$0x1C280] =	vst v63  }
0x84: {  	s21 =	simm.s32 $0x3A00  }
0x85: {  	[tilespmem:s21], [sflag:$0x1] =	stream.indirect_vreg.gather [hbm4b:s3+s2], $0x80, v4, vm0, $0xb8;
	[tilespmem:$0x1C280] =	vst v63  }
.LBB2_5:
0x86: {  	s6 =	sadd.s32 $0x1, s0  }
0x87: {  	s7 =	sand.u32 $0x1, s6  }
0x88: {  	p0 =	slt.s32 s0, $0x0;
	p1 =	seq.s32 s7, $0x1  }
0x89: {  	s21 =	sshrl.u32 s6, $0x1F;
	p0 =	por !p0, !p1  }
0x8a: {  	s6 =	sadd.s32 s21, s6;
	s7 =	simm.s32 $0x1;
	p0 =	por !p0, !p0  }
0x8b: {  	s6 =	sshra.s32 s6, $0x1;
	s7 =	simm.s32 @!p0 $0x0  }
0x8c: {  	s7 =	ssub.s32 s6, s7  }
0x8d: {  	p0 =	slt.s32 s7, $0x1  }
.Ltmp4:
0x8e: {  	_ = 	snop;
	(pc) =	sbr.rel @p0 .LBB2_21-.Ltmp4, $1  }
0x8f: {  	_ =	sdelay $0x3  }
.Ltmp5:
0x90: {  	(pc) =	sbr.rel .LBB2_7-.Ltmp5, $2  }
0x91: {  	_ =	sdelay $0x2  }
0x92: {  	s6 =	sadd.s32 $0xFFFFFFC0, s9;
	s8 =	simm.s32 $0x0;
	s10 =	smov.u32 s9  }
.LBB2_19:
0x93: {  	v4 =	vmax.f32 v4, v5  }
0x94: {  	[tilespmem:s15+$0x8670] =	vst v4  }
.LBB2_20:
0x95: {  	s8 =	sadd.s32 $0x1, s8  }
0x96: {  	p0 =	sne.s32 s8, s7  }
.Ltmp6:
0x97: {  	_ = 	snop;
	(pc) =	sbr.rel @!p0 .LBB2_21-.Ltmp6, $2  }
0x98: {  	_ =	sdelay $0x2  }
0x99: {  	s10 =	sadd.s32 $0xFFFFFF80, s10;
	s6 =	sadd.s32 $0xFFFFFF80, s6  }
.LBB2_7:
0x9a: {  	s13 =	sshllo.u32 s8, $0x1  }
0x9b: {  	p0 =	sge.s32 s13, s0  }
.Ltmp7:
0x9c: {  	_ = 	snop;
	(pc) =	sbr.rel @p0 .LBB2_9-.Ltmp7, $2  }
0x9d: {  	_ =	sdelay $0x2  }
0x9e: {  	s13 =	sshll.u32 s13, $0x6  }
0x9f: {  	s14 =	sadd.s32 s4, s13  }
0xa0: {  	s14 =	sshrl.u32 s14, $0x3  }
0xa1: {  	s15 =	simm.s32 $0x80;
	s14 =	sadd.s32 s5, s14  }
0xa2: {  	[tilespmem:s15], [sflag:$0x3] =	stream.linear.gather [hbm4b:s14+s2], $0x40, $0x38;
	[tilespmem:$0x1C280] =	vst v63  }
0xa3: {  	_ =	swait.ge [sflag:s11], $0x40  }
0xa4: {  	[sflag:s11] =	ssyncset.done $0x0  }
0xa5: {  	[sflag:s11] =	ssyncadd.s32 $0xFFFFFFC0  }
0xa6: {  	v4 =	vld [tilespmem:$0x80];
	_ =	sdelay $0x4  }
0xa7: {  	v4 =	vshra.s32 v4, $0x9  }
0xa8: {  	v5 =	vld [tilespmem:$0x90];
	vm1 =	vgt.s32 v4, $0x0  }
0xa9: {  	v6 =	vld [tilespmem:$0xA0];
	v4 =	vnsel vm1, $0x0, v4  }
0xaa: {  	v7 =	vld [tilespmem:$0xB0];
	v4 =	vmin.u32 v4, $0x4E1FF  }
0xab: {  	v8 =	vshll.u32 v4, $0x1  }
0xac: {  	v9 =	vand.u32 $0x7, v4;
	v8 =	vand.u32 $0xFFFF0, v8  }
0xad: {  	v5 =	vshra.s32 v5, $0x9;
	v8 =	vor.u32 v9, v8  }
0xae: {  	vm1 =	vgt.s32 v5, $0x0;
	v9 =	vperm.xlane v8, v1  }
0xaf: {  	v6 =	vshra.s32 v6, $0x9;
	v7 =	vshra.s32 v7, $0x9;
	v5 =	vnsel vm1, $0x0, v5  }
0xb0: {  	vm1 =	vgt.s32 v6, $0x0;
	v8 =	vperm.xlane v8, v3;
	v9 =	vadd.s32 v2, v9  }
0xb1: {  	[tilespmem:$0x180] =	vst v4;
	v4 =	vmin.u32 v5, $0x4E1FF;
	v5 =	vnsel vm1, $0x0, v6;
	vm1 =	vgt.s32 v7, $0x0  }
0xb2: {  	[tilespmem:$0x190] =	vst v4;
	v4 =	vnsel vm1, $0x0, v7;
	v5 =	vmin.u32 v5, $0x4E1FF;
	v63 =	vadd.s32 v2, v8  }
0xb3: {  	[tilespmem:$0x1A0] =	vst v5;
	v4 =	vmin.u32 v4, $0x4E1FF  }
0xb4: {  	[tilespmem:$0x1B0] =	vst v4  }
0xb5: {  	[tilespmem:s22], [sflag:$0x2] =	stream.indirect_vreg.gather [hbm4b:s3+s2], $0x80, v9, vm0, $0xb8;
	[tilespmem:$0x1C280] =	vst v63  }
0xb6: {  	_ = 	snop  }
0xb7: {  	[tilespmem:s23], [sflag:$0x2] =	stream.indirect_vreg.gather [hbm4b:s3+s2], $0x80, v63, vm0, $0xb8;
	[tilespmem:$0x1C280] =	vst v63  }
0xb8: {  	v4 =	vld [tilespmem:$0x190];
	_ =	sdelay $0x4  }
0xb9: {  	v5 =	vshll.u32 v4, $0x1  }
0xba: {  	v4 =	vand.u32 $0x7, v4;
	v5 =	vand.u32 $0xFFFFFFF0, v5  }
0xbb: {  	v4 =	vor.u32 v4, v5  }
0xbc: {  	v5 =	vperm.xlane v4, v1;
	_ =	sdelay $0x1  }
0xbd: {  	v4 =	vperm.xlane v4, v3;
	v5 =	vadd.s32 v2, v5;
	_ =	sdelay $0x1  }
0xbe: {  	v4 =	vadd.s32 v2, v4;
	_ =	sdelay $0x2  }
0xbf: {  	[tilespmem:s24], [sflag:$0x2] =	stream.indirect_vreg.gather [hbm4b:s3+s2], $0x80, v5, vm0, $0xb8;
	[tilespmem:$0x1C280] =	vst v63  }
0xc0: {  	_ = 	snop  }
0xc1: {  	[tilespmem:s25], [sflag:$0x2] =	stream.indirect_vreg.gather [hbm4b:s3+s2], $0x80, v4, vm0, $0xb8;
	[tilespmem:$0x1C280] =	vst v63  }
0xc2: {  	v4 =	vld [tilespmem:$0x1A0];
	_ =	sdelay $0x4  }
0xc3: {  	v5 =	vshll.u32 v4, $0x1  }
0xc4: {  	v4 =	vand.u32 $0x7, v4;
	v5 =	vand.u32 $0xFFFFFFF0, v5  }
0xc5: {  	v4 =	vor.u32 v4, v5  }
0xc6: {  	v5 =	vperm.xlane v4, v1;
	_ =	sdelay $0x1  }
0xc7: {  	v4 =	vperm.xlane v4, v3;
	v5 =	vadd.s32 v2, v5;
	_ =	sdelay $0x1  }
0xc8: {  	v4 =	vadd.s32 v2, v4;
	_ =	sdelay $0x2  }
0xc9: {  	[tilespmem:s26], [sflag:$0x2] =	stream.indirect_vreg.gather [hbm4b:s3+s2], $0x80, v5, vm0, $0xb8;
	[tilespmem:$0x1C280] =	vst v63  }
0xca: {  	_ = 	snop  }
0xcb: {  	[tilespmem:s28], [sflag:$0x2] =	stream.indirect_vreg.gather [hbm4b:s3+s2], $0x80, v4, vm0, $0xb8;
	[tilespmem:$0x1C280] =	vst v63  }
0xcc: {  	v4 =	vld [tilespmem:$0x1B0];
	_ =	sdelay $0x4  }
0xcd: {  	v5 =	vshll.u32 v4, $0x1  }
0xce: {  	v4 =	vand.u32 $0x7, v4;
	v5 =	vand.u32 $0xFFFFFFF0, v5  }
0xcf: {  	v4 =	vor.u32 v4, v5  }
0xd0: {  	v5 =	vperm.xlane v4, v1;
	_ =	sdelay $0x1  }
0xd1: {  	v4 =	vperm.xlane v4, v3;
	v5 =	vadd.s32 v2, v5;
	_ =	sdelay $0x1  }
0xd2: {  	v4 =	vadd.s32 v2, v4;
	_ =	sdelay $0x2  }
0xd3: {  	[tilespmem:s29], [sflag:$0x2] =	stream.indirect_vreg.gather [hbm4b:s3+s2], $0x80, v5, vm0, $0xb8;
	[tilespmem:$0x1C280] =	vst v63  }
0xd4: {  	_ = 	snop  }
0xd5: {  	[tilespmem:s30], [sflag:$0x2] =	stream.indirect_vreg.gather [hbm4b:s3+s2], $0x80, v4, vm0, $0xb8;
	[tilespmem:$0x1C280] =	vst v63  }
.LBB2_9:
0xd6: {  	s14 =	sshll.u32 s8, $0x7  }
0xd7: {  	s14 =	ssub.s32 s9, s14  }
0xd8: {  	p1 =	slt.s32 s14, $0x1  }
.Ltmp8:
0xd9: {  	_ = 	snop;
	(pc) =	sbr.rel @p1 .LBB2_13-.Ltmp8, $4  }
0xda: {  	_ = 	snop  }
0xdb: {  	_ =	swait.ge [sflag:s12], $0x4000  }
0xdc: {  	[sflag:s12] =	ssyncset.done $0x0  }
0xdd: {  	[sflag:s12] =	ssyncadd.s32 $0xFFFFC000  }
0xde: {  	s14 =	simm.s32 $0x0  }
0xdf: {  	v4 =	vld [tilespmem:s14+$0x0];
	_ =	sdelay $0x4  }
0xe0: {  	(v2sf) =	vpush v4, $0x0;
	_ =	sdelay $0xe  }
0xe1: {  	s15 =	sand.u32 $0x380, s14;
	s16 =	spop (v2sf)  }
0xe2: {  	s18 =	sand.u32 $0xFFFFF800, s14;
	s17 =	sshll.u32 s16, $0x8;
	s16 =	sshll.u32 s16, $0x7  }
0xe3: {  	s18 =	sor.u32 s15, s18;
	s17 =	sand.u32 $0x1F800, s17;
	s16 =	sand.u32 $0x380, s16  }
0xe4: {  	v4 =	vld [tilespmem:s18+$0x200];
	s15 =	sor.u32 s16, s17  }
0xe5: {  	v5 =	vld [tilespmem:s15+$0x8200];
	_ =	sdelay $0x4  }
0xe6: {  	v4 =	vmax.f32 v5, v4  }
0xe7: {  	[tilespmem:s15+$0x8200] =	vst v4;
	v4 =	vld [tilespmem:s15+$0x8210]  }
0xe8: {  	v5 =	vld [tilespmem:s18+$0x210];
	_ =	sdelay $0x4  }
0xe9: {  	v4 =	vmax.f32 v4, v5  }
0xea: {  	[tilespmem:s15+$0x8210] =	vst v4;
	v4 =	vld [tilespmem:s15+$0x8220]  }
0xeb: {  	v5 =	vld [tilespmem:s18+$0x220];
	_ =	sdelay $0x4  }
0xec: {  	v4 =	vmax.f32 v4, v5  }
0xed: {  	[tilespmem:s15+$0x8220] =	vst v4;
	v4 =	vld [tilespmem:s15+$0x8230]  }
0xee: {  	v5 =	vld [tilespmem:s18+$0x230];
	_ =	sdelay $0x4  }
0xef: {  	v4 =	vmax.f32 v4, v5  }
0xf0: {  	[tilespmem:s15+$0x8230] =	vst v4;
	v4 =	vld [tilespmem:s15+$0x8240]  }
0xf1: {  	v5 =	vld [tilespmem:s18+$0x240];
	_ =	sdelay $0x4  }
0xf2: {  	v4 =	vmax.f32 v4, v5  }
0xf3: {  	[tilespmem:s15+$0x8240] =	vst v4;
	v4 =	vld [tilespmem:s15+$0x8250]  }
0xf4: {  	v5 =	vld [tilespmem:s18+$0x250];
	_ =	sdelay $0x4  }
0xf5: {  	v4 =	vmax.f32 v4, v5  }
0xf6: {  	[tilespmem:s15+$0x8250] =	vst v4;
	v4 =	vld [tilespmem:s15+$0x8260]  }
0xf7: {  	v5 =	vld [tilespmem:s18+$0x260];
	_ =	sdelay $0x4  }
0xf8: {  	v4 =	vmax.f32 v4, v5  }
0xf9: {  	[tilespmem:s15+$0x8260] =	vst v4;
	v4 =	vld [tilespmem:s15+$0x8270]  }
0xfa: {  	v5 =	vld [tilespmem:s18+$0x270];
	_ =	sdelay $0x4  }
0xfb: {  	v4 =	vmax.f32 v4, v5  }
0xfc: {  	[tilespmem:s15+$0x8270] =	vst v4;
	v4 =	vld [tilespmem:s15+$0x8600]  }
0xfd: {  	v5 =	vld [tilespmem:s18+$0x600];
	_ =	sdelay $0x4  }
0xfe: {  	v4 =	vmax.f32 v4, v5  }
0xff: {  	[tilespmem:s15+$0x8600] =	vst v4;
	v4 =	vld [tilespmem:s15+$0x8610]  }
0x100: {  	v5 =	vld [tilespmem:s18+$0x610];
	_ =	sdelay $0x4  }
0x101: {  	v4 =	vmax.f32 v4, v5  }
0x102: {  	[tilespmem:s15+$0x8610] =	vst v4;
	v4 =	vld [tilespmem:s15+$0x8620]  }
0x103: {  	v5 =	vld [tilespmem:s18+$0x620];
	_ =	sdelay $0x4  }
0x104: {  	v4 =	vmax.f32 v4, v5  }
0x105: {  	[tilespmem:s15+$0x8620] =	vst v4;
	v4 =	vld [tilespmem:s15+$0x8630]  }
0x106: {  	v5 =	vld [tilespmem:s18+$0x630];
	_ =	sdelay $0x4  }
0x107: {  	v4 =	vmax.f32 v4, v5  }
0x108: {  	[tilespmem:s15+$0x8630] =	vst v4;
	v4 =	vld [tilespmem:s15+$0x8640]  }
0x109: {  	v5 =	vld [tilespmem:s18+$0x640];
	_ =	sdelay $0x4  }
0x10a: {  	v4 =	vmax.f32 v4, v5  }
0x10b: {  	[tilespmem:s15+$0x8640] =	vst v4;
	v4 =	vld [tilespmem:s15+$0x8650]  }
0x10c: {  	v5 =	vld [tilespmem:s18+$0x650];
	_ =	sdelay $0x4  }
0x10d: {  	p1 =	sgt.s32 s10, $0x1;
	s16 =	smov.u32 s10;
	v4 =	vmax.f32 v4, v5  }
0x10e: {  	s16 =	simm.s32 @!p1 $0x1;
	[tilespmem:s15+$0x8650] =	vst v4;
	v4 =	vld [tilespmem:s15+$0x8660]  }
0x10f: {  	s16 =	smin.u32 s16, $0x40;
	v5 =	vld [tilespmem:s18+$0x660]  }
0x110: {  	s16 =	sshll.u32 s16, $0x8  }
0x111: {  	p1 =	sne.s32 s16, $0x100  }
.Ltmp9:
0x112: {  	_ = 	snop;
	(pc) =	sbr.rel @!p1 .LBB2_12-.Ltmp9, $4  }
0x113: {  	_ = 	snop  }
0x114: {  	v4 =	vmax.f32 v4, v5  }
0x115: {  	[tilespmem:s15+$0x8660] =	vst v4;
	v4 =	vld [tilespmem:s15+$0x8670]  }
0x116: {  	s17 =	simm.s32 $0x100;
	v5 =	vld [tilespmem:s18+$0x670];
	s18 =	simm.s32 $0x0  }
.LBB2_11:
0x117: {  	_ =	sdelay $0x2  }
0x118: {  	s14 =	sadd.s32 $0x80, s14  }
0x119: {  	s18 =	sadd.s32 $0x1, s18;
	s19 =	smov.u32 s17;
	s17 =	sadd.s32 $0x100, s17;
	v4 =	vmax.f32 v4, v5  }
0x11a: {  	p1 =	sne.s32 s16, s17;
	[tilespmem:s15+$0x8670] =	vst v4  }
0x11b: {  	v4 =	vld [tilespmem:s18+$0x0];
	_ =	sdelay $0x4  }
0x11c: {  	(v2sf) =	vpush v4, $0x0;
	_ =	sdelay $0xe  }
0x11d: {  	s15 =	sand.u32 $0x380, s14;
	s20 =	spop (v2sf)  }
0x11e: {  	s19 =	sand.u32 $0xFFFFF800, s19;
	s21 =	sshll.u32 s20, $0x8;
	s20 =	sshll.u32 s20, $0x7  }
0x11f: {  	s19 =	sor.u32 s15, s19;
	s21 =	sand.u32 $0x1F800, s21;
	s20 =	sand.u32 $0x380, s20  }
0x120: {  	s15 =	sor.u32 s20, s21;
	v4 =	vld [tilespmem:s19+$0x200]  }
0x121: {  	v5 =	vld [tilespmem:s15+$0x8200];
	_ =	sdelay $0x4  }
0x122: {  	v4 =	vmax.f32 v5, v4  }
0x123: {  	[tilespmem:s15+$0x8200] =	vst v4;
	v4 =	vld [tilespmem:s15+$0x8210]  }
0x124: {  	v5 =	vld [tilespmem:s19+$0x210];
	_ =	sdelay $0x4  }
0x125: {  	v4 =	vmax.f32 v4, v5  }
0x126: {  	[tilespmem:s15+$0x8210] =	vst v4;
	v4 =	vld [tilespmem:s15+$0x8220]  }
0x127: {  	v5 =	vld [tilespmem:s19+$0x220];
	_ =	sdelay $0x4  }
0x128: {  	v4 =	vmax.f32 v4, v5  }
0x129: {  	[tilespmem:s15+$0x8220] =	vst v4;
	v4 =	vld [tilespmem:s15+$0x8230]  }
0x12a: {  	v5 =	vld [tilespmem:s19+$0x230];
	_ =	sdelay $0x4  }
0x12b: {  	v4 =	vmax.f32 v4, v5  }
0x12c: {  	[tilespmem:s15+$0x8230] =	vst v4;
	v4 =	vld [tilespmem:s15+$0x8240]  }
0x12d: {  	v5 =	vld [tilespmem:s19+$0x240];
	_ =	sdelay $0x4  }
0x12e: {  	v4 =	vmax.f32 v4, v5  }
0x12f: {  	[tilespmem:s15+$0x8240] =	vst v4;
	v4 =	vld [tilespmem:s15+$0x8250]  }
0x130: {  	v5 =	vld [tilespmem:s19+$0x250];
	_ =	sdelay $0x4  }
0x131: {  	v4 =	vmax.f32 v4, v5  }
0x132: {  	[tilespmem:s15+$0x8250] =	vst v4;
	v4 =	vld [tilespmem:s15+$0x8260]  }
0x133: {  	v5 =	vld [tilespmem:s19+$0x260];
	_ =	sdelay $0x4  }
0x134: {  	v4 =	vmax.f32 v4, v5  }
0x135: {  	[tilespmem:s15+$0x8260] =	vst v4;
	v4 =	vld [tilespmem:s15+$0x8270]  }
0x136: {  	v5 =	vld [tilespmem:s19+$0x270];
	_ =	sdelay $0x4  }
0x137: {  	v4 =	vmax.f32 v4, v5  }
0x138: {  	[tilespmem:s15+$0x8270] =	vst v4;
	v4 =	vld [tilespmem:s15+$0x8600]  }
0x139: {  	v5 =	vld [tilespmem:s19+$0x600];
	_ =	sdelay $0x4  }
0x13a: {  	v4 =	vmax.f32 v4, v5  }
0x13b: {  	[tilespmem:s15+$0x8600] =	vst v4;
	v4 =	vld [tilespmem:s15+$0x8610]  }
0x13c: {  	v5 =	vld [tilespmem:s19+$0x610];
	_ =	sdelay $0x4  }
0x13d: {  	v4 =	vmax.f32 v4, v5  }
0x13e: {  	[tilespmem:s15+$0x8610] =	vst v4;
	v4 =	vld [tilespmem:s15+$0x8620]  }
0x13f: {  	v5 =	vld [tilespmem:s19+$0x620];
	_ =	sdelay $0x4  }
0x140: {  	v4 =	vmax.f32 v4, v5  }
0x141: {  	[tilespmem:s15+$0x8620] =	vst v4;
	v4 =	vld [tilespmem:s15+$0x8630]  }
0x142: {  	v5 =	vld [tilespmem:s19+$0x630];
	_ =	sdelay $0x4  }
0x143: {  	v4 =	vmax.f32 v4, v5  }
0x144: {  	[tilespmem:s15+$0x8630] =	vst v4;
	v4 =	vld [tilespmem:s15+$0x8640]  }
0x145: {  	v5 =	vld [tilespmem:s19+$0x640];
	_ =	sdelay $0x4  }
0x146: {  	v4 =	vmax.f32 v4, v5  }
0x147: {  	[tilespmem:s15+$0x8640] =	vst v4;
	v4 =	vld [tilespmem:s15+$0x8650]  }
0x148: {  	v5 =	vld [tilespmem:s19+$0x650];
	_ =	sdelay $0x4  }
0x149: {  	v4 =	vmax.f32 v4, v5  }
0x14a: {  	[tilespmem:s15+$0x8650] =	vst v4;
	v4 =	vld [tilespmem:s15+$0x8660]  }
0x14b: {  	v5 =	vld [tilespmem:s19+$0x660];
	_ =	sdelay $0x2  }
.Ltmp10:
0x14c: {  	(pc) =	sbr.rel @p1 .LBB2_11-.Ltmp10, $4  }
0x14d: {  	_ = 	snop  }
0x14e: {  	v4 =	vmax.f32 v4, v5  }
0x14f: {  	[tilespmem:s15+$0x8660] =	vst v4;
	v4 =	vld [tilespmem:s15+$0x8670]  }
0x150: {  	v5 =	vld [tilespmem:s19+$0x670]  }
.LBB2_12:
0x151: {  	_ =	sdelay $0x3  }
0x152: {  	v4 =	vmax.f32 v4, v5  }
0x153: {  	[tilespmem:s15+$0x8670] =	vst v4  }
.LBB2_13:
.Ltmp11:
0x154: {  	(pc) =	sbr.rel @p0 .LBB2_20-.Ltmp11, $1  }
0x155: {  	_ =	sdelay $0x3  }
0x156: {  	s14 =	sshll.u32 s8, $0x1  }
0x157: {  	s14 =	sadd.s32 $0x2, s14  }
0x158: {  	p0 =	sge.s32 s14, s0  }
.Ltmp12:
0x159: {  	_ = 	snop;
	(pc) =	sbr.rel @p0 .LBB2_16-.Ltmp12, $1  }
0x15a: {  	_ =	sdelay $0x3  }
0x15b: {  	s14 =	sshll.u32 s14, $0x6  }
0x15c: {  	s14 =	sadd.s32 s4, s14  }
0x15d: {  	s14 =	sshrl.u32 s14, $0x3  }
0x15e: {  	s14 =	sadd.s32 s5, s14  }
0x15f: {  	[tilespmem:s2], [sflag:$0x3] =	stream.linear.gather [hbm4b:s14+s2], $0x40, $0x38;
	[tilespmem:$0x1C280] =	vst v63  }
0x160: {  	_ =	swait.ge [sflag:s11], $0x40  }
0x161: {  	[sflag:s11] =	ssyncset.done $0x0  }
0x162: {  	[sflag:s11] =	ssyncadd.s32 $0xFFFFFFC0  }
0x163: {  	v4 =	vld [tilespmem:$0x0];
	_ =	sdelay $0x4  }
0x164: {  	v4 =	vshra.s32 v4, $0x9  }
0x165: {  	v5 =	vld [tilespmem:$0x10];
	vm1 =	vgt.s32 v4, $0x0  }
0x166: {  	v6 =	vld [tilespmem:$0x20];
	v4 =	vnsel vm1, $0x0, v4  }
0x167: {  	v7 =	vld [tilespmem:$0x30];
	v4 =	vmin.u32 v4, $0x4E1FF  }
0x168: {  	v8 =	vshll.u32 v4, $0x1  }
0x169: {  	v9 =	vand.u32 $0x7, v4;
	v8 =	vand.u32 $0xFFFF0, v8  }
0x16a: {  	v5 =	vshra.s32 v5, $0x9;
	v8 =	vor.u32 v9, v8  }
0x16b: {  	vm1 =	vgt.s32 v5, $0x0;
	v9 =	vperm.xlane v8, v1  }
0x16c: {  	v6 =	vshra.s32 v6, $0x9;
	v7 =	vshra.s32 v7, $0x9;
	v5 =	vnsel vm1, $0x0, v5  }
0x16d: {  	vm1 =	vgt.s32 v6, $0x0;
	v8 =	vperm.xlane v8, v3;
	v9 =	vadd.s32 v2, v9  }
0x16e: {  	[tilespmem:$0x100] =	vst v4;
	v4 =	vmin.u32 v5, $0x4E1FF;
	v5 =	vnsel vm1, $0x0, v6;
	vm1 =	vgt.s32 v7, $0x0  }
0x16f: {  	[tilespmem:$0x110] =	vst v4;
	v4 =	vnsel vm1, $0x0, v7;
	v5 =	vmin.u32 v5, $0x4E1FF;
	v63 =	vadd.s32 v2, v8  }
0x170: {  	[tilespmem:$0x120] =	vst v5;
	v4 =	vmin.u32 v4, $0x4E1FF  }
0x171: {  	s21 =	simm.s32 $0x200;
	[tilespmem:$0x130] =	vst v4  }
0x172: {  	[tilespmem:s21], [sflag:$0x1] =	stream.indirect_vreg.gather [hbm4b:s3+s2], $0x80, v9, vm0, $0xb8;
	[tilespmem:$0x1C280] =	vst v63  }
0x173: {  	s15 =	simm.s32 $0xA00  }
0x174: {  	[tilespmem:s15], [sflag:$0x1] =	stream.indirect_vreg.gather [hbm4b:s3+s2], $0x80, v63, vm0, $0xb8;
	[tilespmem:$0x1C280] =	vst v63  }
0x175: {  	v4 =	vld [tilespmem:$0x110];
	_ =	sdelay $0x4  }
0x176: {  	v5 =	vshll.u32 v4, $0x1  }
0x177: {  	v4 =	vand.u32 $0x7, v4;
	v5 =	vand.u32 $0xFFFFFFF0, v5  }
0x178: {  	v4 =	vor.u32 v4, v5  }
0x179: {  	v5 =	vperm.xlane v4, v1;
	_ =	sdelay $0x1  }
0x17a: {  	v4 =	vperm.xlane v4, v3;
	v5 =	vadd.s32 v2, v5;
	_ =	sdelay $0x1  }
0x17b: {  	v4 =	vadd.s32 v2, v4;
	_ =	sdelay $0x1  }
0x17c: {  	s16 =	simm.s32 $0x1200  }
0x17d: {  	[tilespmem:s16], [sflag:$0x1] =	stream.indirect_vreg.gather [hbm4b:s3+s2], $0x80, v5, vm0, $0xb8;
	[tilespmem:$0x1C280] =	vst v63  }
0x17e: {  	s17 =	simm.s32 $0x1A00  }
0x17f: {  	[tilespmem:s17], [sflag:$0x1] =	stream.indirect_vreg.gather [hbm4b:s3+s2], $0x80, v4, vm0, $0xb8;
	[tilespmem:$0x1C280] =	vst v63  }
0x180: {  	v4 =	vld [tilespmem:$0x120];
	_ =	sdelay $0x4  }
0x181: {  	v5 =	vshll.u32 v4, $0x1  }
0x182: {  	v4 =	vand.u32 $0x7, v4;
	v5 =	vand.u32 $0xFFFFFFF0, v5  }
0x183: {  	v4 =	vor.u32 v4, v5  }
0x184: {  	v5 =	vperm.xlane v4, v1;
	_ =	sdelay $0x1  }
0x185: {  	v4 =	vperm.xlane v4, v3;
	v5 =	vadd.s32 v2, v5;
	_ =	sdelay $0x1  }
0x186: {  	v4 =	vadd.s32 v2, v4;
	_ =	sdelay $0x1  }
0x187: {  	s18 =	simm.s32 $0x2200  }
0x188: {  	[tilespmem:s18], [sflag:$0x1] =	stream.indirect_vreg.gather [hbm4b:s3+s2], $0x80, v5, vm0, $0xb8;
	[tilespmem:$0x1C280] =	vst v63  }
0x189: {  	s19 =	simm.s32 $0x2A00  }
0x18a: {  	[tilespmem:s19], [sflag:$0x1] =	stream.indirect_vreg.gather [hbm4b:s3+s2], $0x80, v4, vm0, $0xb8;
	[tilespmem:$0x1C280] =	vst v63  }
0x18b: {  	v4 =	vld [tilespmem:$0x130];
	_ =	sdelay $0x4  }
0x18c: {  	v5 =	vshll.u32 v4, $0x1  }
0x18d: {  	v4 =	vand.u32 $0x7, v4;
	v5 =	vand.u32 $0xFFFFFFF0, v5  }
0x18e: {  	v4 =	vor.u32 v4, v5  }
0x18f: {  	v5 =	vperm.xlane v4, v1;
	_ =	sdelay $0x1  }
0x190: {  	v4 =	vperm.xlane v4, v3;
	v5 =	vadd.s32 v2, v5;
	_ =	sdelay $0x1  }
0x191: {  	v4 =	vadd.s32 v2, v4;
	_ =	sdelay $0x1  }
0x192: {  	s20 =	simm.s32 $0x3200  }
0x193: {  	[tilespmem:s20], [sflag:$0x1] =	stream.indirect_vreg.gather [hbm4b:s3+s2], $0x80, v5, vm0, $0xb8;
	[tilespmem:$0x1C280] =	vst v63  }
0x194: {  	s21 =	simm.s32 $0x3A00  }
0x195: {  	[tilespmem:s21], [sflag:$0x1] =	stream.indirect_vreg.gather [hbm4b:s3+s2], $0x80, v4, vm0, $0xb8;
	[tilespmem:$0x1C280] =	vst v63  }
.LBB2_16:
0x196: {  	s13 =	ssub.s32 s9, s13  }
0x197: {  	p0 =	slt.s32 s13, $0x1  }
.Ltmp13:
0x198: {  	_ = 	snop;
	(pc) =	sbr.rel @p0 .LBB2_20-.Ltmp13, $4  }
0x199: {  	_ = 	snop  }
0x19a: {  	_ =	swait.ge [sflag:s31], $0x4000  }
0x19b: {  	[sflag:s31] =	ssyncset.done $0x0  }
0x19c: {  	[sflag:s31] =	ssyncadd.s32 $0xFFFFC000  }
0x19d: {  	s13 =	simm.s32 $0x80  }
0x19e: {  	v4 =	vld [tilespmem:s13+$0x0];
	_ =	sdelay $0x4  }
0x19f: {  	(v2sf) =	vpush v4, $0x0;
	_ =	sdelay $0xd  }
0x1a0: {  	s14 =	simm.s32 $0x0  }
0x1a1: {  	s15 =	sand.u32 $0x380, s14;
	s16 =	spop (v2sf)  }
0x1a2: {  	s18 =	sand.u32 $0xFFFFF800, s14;
	s17 =	sshll.u32 s16, $0x8;
	s16 =	sshll.u32 s16, $0x7  }
0x1a3: {  	s18 =	sor.u32 s15, s18;
	s17 =	sand.u32 $0x1F800, s17;
	s16 =	sand.u32 $0x380, s16  }
0x1a4: {  	v4 =	vld [tilespmem:s18+$0x4200];
	s15 =	sor.u32 s16, s17  }
0x1a5: {  	v5 =	vld [tilespmem:s15+$0x8200];
	_ =	sdelay $0x4  }
0x1a6: {  	v4 =	vmax.f32 v5, v4  }
0x1a7: {  	[tilespmem:s15+$0x8200] =	vst v4;
	v4 =	vld [tilespmem:s15+$0x8210]  }
0x1a8: {  	v5 =	vld [tilespmem:s18+$0x4210];
	_ =	sdelay $0x4  }
0x1a9: {  	v4 =	vmax.f32 v4, v5  }
0x1aa: {  	[tilespmem:s15+$0x8210] =	vst v4;
	v4 =	vld [tilespmem:s15+$0x8220]  }
0x1ab: {  	v5 =	vld [tilespmem:s18+$0x4220];
	_ =	sdelay $0x4  }
0x1ac: {  	v4 =	vmax.f32 v4, v5  }
0x1ad: {  	[tilespmem:s15+$0x8220] =	vst v4;
	v4 =	vld [tilespmem:s15+$0x8230]  }
0x1ae: {  	v5 =	vld [tilespmem:s18+$0x4230];
	_ =	sdelay $0x4  }
0x1af: {  	v4 =	vmax.f32 v4, v5  }
0x1b0: {  	[tilespmem:s15+$0x8230] =	vst v4;
	v4 =	vld [tilespmem:s15+$0x8240]  }
0x1b1: {  	v5 =	vld [tilespmem:s18+$0x4240];
	_ =	sdelay $0x4  }
0x1b2: {  	v4 =	vmax.f32 v4, v5  }
0x1b3: {  	[tilespmem:s15+$0x8240] =	vst v4;
	v4 =	vld [tilespmem:s15+$0x8250]  }
0x1b4: {  	v5 =	vld [tilespmem:s18+$0x4250];
	_ =	sdelay $0x4  }
0x1b5: {  	v4 =	vmax.f32 v4, v5  }
0x1b6: {  	[tilespmem:s15+$0x8250] =	vst v4;
	v4 =	vld [tilespmem:s15+$0x8260]  }
0x1b7: {  	v5 =	vld [tilespmem:s18+$0x4260];
	_ =	sdelay $0x4  }
0x1b8: {  	v4 =	vmax.f32 v4, v5  }
0x1b9: {  	[tilespmem:s15+$0x8260] =	vst v4;
	v4 =	vld [tilespmem:s15+$0x8270]  }
0x1ba: {  	v5 =	vld [tilespmem:s18+$0x4270];
	_ =	sdelay $0x4  }
0x1bb: {  	v4 =	vmax.f32 v4, v5  }
0x1bc: {  	[tilespmem:s15+$0x8270] =	vst v4;
	v4 =	vld [tilespmem:s15+$0x8600]  }
0x1bd: {  	v5 =	vld [tilespmem:s18+$0x4600];
	_ =	sdelay $0x4  }
0x1be: {  	v4 =	vmax.f32 v4, v5  }
0x1bf: {  	[tilespmem:s15+$0x8600] =	vst v4;
	v4 =	vld [tilespmem:s15+$0x8610]  }
0x1c0: {  	v5 =	vld [tilespmem:s18+$0x4610];
	_ =	sdelay $0x4  }
0x1c1: {  	v4 =	vmax.f32 v4, v5  }
0x1c2: {  	[tilespmem:s15+$0x8610] =	vst v4;
	v4 =	vld [tilespmem:s15+$0x8620]  }
0x1c3: {  	v5 =	vld [tilespmem:s18+$0x4620];
	_ =	sdelay $0x4  }
0x1c4: {  	v4 =	vmax.f32 v4, v5  }
0x1c5: {  	[tilespmem:s15+$0x8620] =	vst v4;
	v4 =	vld [tilespmem:s15+$0x8630]  }
0x1c6: {  	v5 =	vld [tilespmem:s18+$0x4630];
	_ =	sdelay $0x4  }
0x1c7: {  	v4 =	vmax.f32 v4, v5  }
0x1c8: {  	[tilespmem:s15+$0x8630] =	vst v4;
	v4 =	vld [tilespmem:s15+$0x8640]  }
0x1c9: {  	v5 =	vld [tilespmem:s18+$0x4640];
	_ =	sdelay $0x4  }
0x1ca: {  	v4 =	vmax.f32 v4, v5  }
0x1cb: {  	[tilespmem:s15+$0x8640] =	vst v4;
	v4 =	vld [tilespmem:s15+$0x8650]  }
0x1cc: {  	v5 =	vld [tilespmem:s18+$0x4650];
	_ =	sdelay $0x4  }
0x1cd: {  	v4 =	vmax.f32 v4, v5  }
0x1ce: {  	[tilespmem:s15+$0x8650] =	vst v4;
	v4 =	vld [tilespmem:s15+$0x8660]  }
0x1cf: {  	v5 =	vld [tilespmem:s18+$0x4660];
	_ =	sdelay $0x1  }
0x1d0: {  	p0 =	sgt.s32 s6, $0x1;
	s16 =	smov.u32 s6  }
0x1d1: {  	s16 =	simm.s32 @!p0 $0x1  }
0x1d2: {  	s16 =	smin.u32 s16, $0x40  }
0x1d3: {  	s16 =	sshll.u32 s16, $0x8;
	v4 =	vmax.f32 v4, v5  }
0x1d4: {  	p0 =	sne.s32 s16, $0x100;
	[tilespmem:s15+$0x8660] =	vst v4;
	v4 =	vld [tilespmem:s15+$0x8670]  }
.Ltmp14:
0x1d5: {  	v5 =	vld [tilespmem:s18+$0x4670];
	(pc) =	sbr.rel @!p0 .LBB2_19-.Ltmp14, $2  }
0x1d6: {  	_ =	sdelay $0x2  }
0x1d7: {  	s17 =	simm.s32 $0x100  }
.LBB2_18:
0x1d8: {  	s14 =	sadd.s32 $0x80, s14  }
0x1d9: {  	v4 =	vmax.f32 v4, v5;
	s13 =	sadd.s32 $0x1, s13;
	s18 =	smov.u32 s17;
	s17 =	sadd.s32 $0x100, s17  }
0x1da: {  	p0 =	sne.s32 s16, s17;
	[tilespmem:s15+$0x8670] =	vst v4  }
0x1db: {  	v4 =	vld [tilespmem:s13+$0x0];
	_ =	sdelay $0x4  }
0x1dc: {  	(v2sf) =	vpush v4, $0x0;
	_ =	sdelay $0xe  }
0x1dd: {  	s15 =	sand.u32 $0x380, s14;
	s19 =	spop (v2sf)  }
0x1de: {  	s18 =	sand.u32 $0xFFFFF800, s18;
	s20 =	sshll.u32 s19, $0x8;
	s19 =	sshll.u32 s19, $0x7  }
0x1df: {  	s18 =	sor.u32 s15, s18;
	s20 =	sand.u32 $0x1F800, s20;
	s19 =	sand.u32 $0x380, s19  }
0x1e0: {  	s15 =	sor.u32 s19, s20;
	v4 =	vld [tilespmem:s18+$0x4200]  }
0x1e1: {  	v5 =	vld [tilespmem:s15+$0x8200];
	_ =	sdelay $0x4  }
0x1e2: {  	v4 =	vmax.f32 v5, v4  }
0x1e3: {  	[tilespmem:s15+$0x8200] =	vst v4;
	v4 =	vld [tilespmem:s15+$0x8210]  }
0x1e4: {  	v5 =	vld [tilespmem:s18+$0x4210];
	_ =	sdelay $0x4  }
0x1e5: {  	v4 =	vmax.f32 v4, v5  }
0x1e6: {  	[tilespmem:s15+$0x8210] =	vst v4;
	v4 =	vld [tilespmem:s15+$0x8220]  }
0x1e7: {  	v5 =	vld [tilespmem:s18+$0x4220];
	_ =	sdelay $0x4  }
0x1e8: {  	v4 =	vmax.f32 v4, v5  }
0x1e9: {  	[tilespmem:s15+$0x8220] =	vst v4;
	v4 =	vld [tilespmem:s15+$0x8230]  }
0x1ea: {  	v5 =	vld [tilespmem:s18+$0x4230];
	_ =	sdelay $0x4  }
0x1eb: {  	v4 =	vmax.f32 v4, v5  }
0x1ec: {  	[tilespmem:s15+$0x8230] =	vst v4;
	v4 =	vld [tilespmem:s15+$0x8240]  }
0x1ed: {  	v5 =	vld [tilespmem:s18+$0x4240];
	_ =	sdelay $0x4  }
0x1ee: {  	v4 =	vmax.f32 v4, v5  }
0x1ef: {  	[tilespmem:s15+$0x8240] =	vst v4;
	v4 =	vld [tilespmem:s15+$0x8250]  }
0x1f0: {  	v5 =	vld [tilespmem:s18+$0x4250];
	_ =	sdelay $0x4  }
0x1f1: {  	v4 =	vmax.f32 v4, v5  }
0x1f2: {  	[tilespmem:s15+$0x8250] =	vst v4;
	v4 =	vld [tilespmem:s15+$0x8260]  }
0x1f3: {  	v5 =	vld [tilespmem:s18+$0x4260];
	_ =	sdelay $0x4  }
0x1f4: {  	v4 =	vmax.f32 v4, v5  }
0x1f5: {  	[tilespmem:s15+$0x8260] =	vst v4;
	v4 =	vld [tilespmem:s15+$0x8270]  }
0x1f6: {  	v5 =	vld [tilespmem:s18+$0x4270];
	_ =	sdelay $0x4  }
0x1f7: {  	v4 =	vmax.f32 v4, v5  }
0x1f8: {  	[tilespmem:s15+$0x8270] =	vst v4;
	v4 =	vld [tilespmem:s15+$0x8600]  }
0x1f9: {  	v5 =	vld [tilespmem:s18+$0x4600];
	_ =	sdelay $0x4  }
0x1fa: {  	v4 =	vmax.f32 v4, v5  }
0x1fb: {  	[tilespmem:s15+$0x8600] =	vst v4;
	v4 =	vld [tilespmem:s15+$0x8610]  }
0x1fc: {  	v5 =	vld [tilespmem:s18+$0x4610];
	_ =	sdelay $0x4  }
0x1fd: {  	v4 =	vmax.f32 v4, v5  }
0x1fe: {  	[tilespmem:s15+$0x8610] =	vst v4;
	v4 =	vld [tilespmem:s15+$0x8620]  }
0x1ff: {  	v5 =	vld [tilespmem:s18+$0x4620];
	_ =	sdelay $0x4  }
0x200: {  	v4 =	vmax.f32 v4, v5  }
0x201: {  	[tilespmem:s15+$0x8620] =	vst v4;
	v4 =	vld [tilespmem:s15+$0x8630]  }
0x202: {  	v5 =	vld [tilespmem:s18+$0x4630];
	_ =	sdelay $0x4  }
0x203: {  	v4 =	vmax.f32 v4, v5  }
0x204: {  	[tilespmem:s15+$0x8630] =	vst v4;
	v4 =	vld [tilespmem:s15+$0x8640]  }
0x205: {  	v5 =	vld [tilespmem:s18+$0x4640];
	_ =	sdelay $0x4  }
0x206: {  	v4 =	vmax.f32 v4, v5  }
0x207: {  	[tilespmem:s15+$0x8640] =	vst v4;
	v4 =	vld [tilespmem:s15+$0x8650]  }
0x208: {  	v5 =	vld [tilespmem:s18+$0x4650];
	_ =	sdelay $0x4  }
0x209: {  	v4 =	vmax.f32 v4, v5  }
0x20a: {  	[tilespmem:s15+$0x8650] =	vst v4;
	v4 =	vld [tilespmem:s15+$0x8660]  }
0x20b: {  	v5 =	vld [tilespmem:s18+$0x4660];
	_ =	sdelay $0x2  }
.Ltmp15:
0x20c: {  	(pc) =	sbr.rel @p0 .LBB2_18-.Ltmp15, $4  }
0x20d: {  	_ = 	snop  }
0x20e: {  	v4 =	vmax.f32 v4, v5  }
0x20f: {  	[tilespmem:s15+$0x8660] =	vst v4;
	v4 =	vld [tilespmem:s15+$0x8670]  }
0x210: {  	v5 =	vld [tilespmem:s18+$0x4670]  }
.Ltmp16:
0x211: {  	_ = 	snop;
	(pc) =	sbr.rel .LBB2_19-.Ltmp16, $1  }
0x212: {  	_ =	sdelay $0x3  }
.LBB2_22:
0x213: {  	_ =	sfence.sel $0x180000  }
0x214: {  	[bflag:$0x0] =	sbarrier.arrive $0xFFFF  }
0x215: {  	_ =	strace $0x9000004D  }
0x216: {  	s0 =	stileid.u32;
	[bflag:$0x2] =	sbarrier.arrive $0xFFFF  }
0x217: {  	p0 =	sne.s32 s0, $0x0;
	s0 =	rddreg [dreg:$0x1]  }
0x218: {  	s0 =	sadd.s32 @!p0 $0x100000, s0  }
0x219: {  	[sflag:s0] =	ssyncadd.tile.s32 @!p0 $0x1;
	_ =	shalt  }
.Lfunc_end2:
_tile_overlayer_lowered:
.L_overlay_start_2:
0x21a: {  	(tag) =	ssettag $0x2  }
0x21b: {  	s0 =	rddreg [dreg:$0x0];
	s2 =	stileid.u32  }
0x21c: {  	s1 =	rddreg [dreg:$0x1];
	p0 =	sne.s32 s2, $0x0  }
0x21d: {  	s3 =	rddreg [dreg:$0x2];
	[bflag:$0x3] =	sbarrier.arrive $0xFFFF;
	s2 =	simm.s32 @!p0 $0x1C03  }
0x21e: {  	[timem:s3], [sflag:s2] =	dma.local @!p0 [hbm:s0], s1  }
0x21f: {  	s0 =	simm.s32 @!p0 $0x3  }
0x220: {  	_ =	swait.ge @!p0 [sflag:s0], s1  }
0x221: {  	s1 =	ssub.s32 @!p0 $0x0, s1;
	[sflag:s0] =	ssyncset.done @!p0 $0x0  }
0x222: {  	[sflag:s0] =	ssyncadd.s32 @!p0 s1  }
0x223: {  	[bflag:$0x3] =	sbarrier.arrive $0xFFFF  }
0x224: {  	_ =	shalt  }

// kernel: kernel.7.cloned.1.call-start
scs
__scs_entry_jumppad:
0x0: {  	(pc) =	sbr.rel $0x88, $3  }
0x1: {  	(tag) =	ssettag $0x0;
	lr =	simm.s32 $0x1  }
0x2: {  	[smem:$0x3F9B] =	sst lr;
	_ =	strace $0xD0000000  }
0x3: {  	_ = 	snop  }
0x4: {  	_ = 	snop  }
0x5: {  	_ = 	snop  }
0x6: {  	_ = 	snop  }
0x7: {  	_ = 	snop  }
__scs_overlays_trampoline_lowered:
0x8: {  	[smem:$0x3FAA] =	sst s0  }
0x9: {  	[smem:$0x3FAB] =	sst s1  }
0xa: {  	[smem:$0x3FAC] =	sst s2  }
0xb: {  	[smem:$0x3FAD] =	sst s3  }
0xc: {  	[smem:$0x3FAE] =	sst s4  }
0xd: {  	[smem:$0x3FAF] =	sst s5  }
0xe: {  	[smem:$0x3FB0] =	sst s6  }
0xf: {  	[smem:$0x3FB1] =	sst s7  }
0x10: {  	[smem:$0x3FB2] =	sst s8  }
0x11: {  	[smem:$0x3FB3] =	sst s9;
	s0 =	simm.s32 @!p0 $0x0  }
0x12: {  	s1 =	sld [smem:$0x3F99];
	s0 =	simm.s32 @p0 $0x1  }
0x13: {  	[smem:$0x3FB4] =	sst s0;
	s0 =	simm.s32 @!p1 $0x0  }
0x14: {  	s2 =	sld [smem:$0x3F98];
	s0 =	simm.s32 @p1 $0x1  }
0x15: {  	[smem:$0x3FB5] =	sst s0;
	s0 =	simm.s32 @!p2 $0x0  }
0x16: {  	s3 =	sld [smem:$0x3FDB];
	s0 =	simm.s32 @p2 $0x1  }
0x17: {  	s4 =	simm.s32 $0x1BF5;
	[smem:$0x3FB7] =	sst s0  }
0x18: {  	s0 =	sld [smem:$0x3F9A];
	_ =	swait.ge [sflag:s4], $0x0  }
0x19: {  	s7 =	sld [smem:$0x3F9B]  }
0x1a: {  	s8 =	sadd.s32 $0xFFFFE003, lr  }
0x1b: {  	s9 =	sadd.s32 $0xFFFFFEF7, lr;
	s5 =	simm.s32 $0xFFFFFFFF;
	p2 =	slt.u32 s8, $0xFFFFF086  }
0x1c: {  	p1 =	slt.u32 s9, $0xF7A;
	s5 =	simm.s32 @!p2 $0x0  }
0x1d: {  	s5 =	simm.s32 @p1 $0x1;
	p0 =	seq.s32 s7, s2  }
0x1e: {  	s7 =	smul.u32 @!p0 $0xF7A, s2;
	p2 =	seq.s32 @!p0 s5, $0x0  }
0x1f: {  	s9 =	smul.u32 $0xF7A, s1;
	s8 =	simm.s32 @!p0 $0x1BF5;
	p2 =	por !p2, p0  }
0x20: {  	[sflag:s8] =	ssyncset.s32 @!p0 $0xFFFFF086;
	s6 =	sadd.s32 @!p0 s3, s7;
	s7 =	simm.s32 @!p0 $0x108  }
0x21: {  	s3 =	sadd.s32 s3, s9;
	s6 =	sadd.s32 @!p0 $0x88, s6;
	s7 =	simm.s32 @p2 $0x1082  }
0x22: {  	[simem:s7], [sflag:s8] =	dma.local @!p0 [hbm:s6], $0xF7A  }
0x23: {  	s9 =	sor.u32 $0xD0000000, s2;
	s6 =	simm.s32 $0x108;
	_ =	swait.ge @!p0 [sflag:s8], $0x0  }
0x24: {  	s3 =	sadd.s32 $0x88, s3;
	s6 =	simm.s32 @!p1 $0x1082;
	[sflag:s4] =	ssyncset.s32 $0xFFFFF086  }
0x25: {  	[simem:s6], [sflag:s4] =	dma.local [hbm:s3], $0xF7A  }
0x26: {  	[smem:$0x3F9B] =	sst s1;
	(tag) =	ssettag s2;
	_ =	strace s9  }
0x27: {  	s1 =	sld [smem:$0x3FAB]  }
0x28: {  	s2 =	sld [smem:$0x3FAC]  }
0x29: {  	s4 =	sld [smem:$0x3FAE]  }
0x2a: {  	p0 =	seq.s32 s5, $0x0;
	s5 =	sld [smem:$0x3FAF]  }
0x2b: {  	s6 =	sld [smem:$0x3FB0]  }
0x2c: {  	s7 =	sld [smem:$0x3FB1]  }
0x2d: {  	s3 =	simm.s32 $0x108;
	s8 =	sld [smem:$0x3FB2]  }
0x2e: {  	s3 =	simm.s32 @!p0 $0x1082;
	s9 =	sld [smem:$0x3FB3]  }
0x2f: {  	lr =	sadd.s32 s0, s3;
	s0 =	sld [smem:$0x3FAA]  }
0x30: {  	s3 =	sld [smem:$0x3FAD]  }
0x31: {  	[smem:$0x3FB6] =	sst s10  }
0x32: {  	s10 =	sld [smem:$0x3FB4];
	_ =	sdelay $0x3  }
0x33: {  	p0 =	seq.s32 s10, $0x1;
	s10 =	sld [smem:$0x3FB6];
	_ =	sdelay $0x3  }
0x34: {  	[smem:$0x3FB6] =	sst s10  }
0x35: {  	s10 =	sld [smem:$0x3FB5];
	_ =	sdelay $0x3  }
0x36: {  	p1 =	seq.s32 s10, $0x1;
	s10 =	sld [smem:$0x3FB6];
	_ =	sdelay $0x3  }
0x37: {  	[smem:$0x3FB6] =	sst s10  }
0x38: {  	s10 =	sld [smem:$0x3FB7]  }
0x39: {  	_ = 	snop;
	(pc) =	sbr.ind lr, $3  }
0x3a: {  	_ = 	snop  }
0x3b: {  	_ = 	snop  }
0x3c: {  	p2 =	seq.s32 s10, $0x1;
	s10 =	sld [smem:$0x3FB6]  }
0x3d: {  	_ =	shalt  }
0x3e: {  	_ =	shalt  }
0x3f: {  	_ =	shalt  }
0x40: {  	_ =	shalt  }
0x41: {  	_ =	shalt  }
0x42: {  	_ =	shalt  }
0x43: {  	_ =	shalt  }
0x44: {  	_ =	shalt  }
0x45: {  	_ =	shalt  }
0x46: {  	_ =	shalt  }
0x47: {  	_ =	shalt  }
0x48: {  	_ =	shalt  }
0x49: {  	_ =	shalt  }
0x4a: {  	_ =	shalt  }
0x4b: {  	_ =	shalt  }
0x4c: {  	_ =	shalt  }
0x4d: {  	_ =	shalt  }
0x4e: {  	_ =	shalt  }
0x4f: {  	_ =	shalt  }
0x50: {  	_ =	shalt  }
0x51: {  	_ =	shalt  }
0x52: {  	_ =	shalt  }
0x53: {  	_ =	shalt  }
0x54: {  	_ =	shalt  }
0x55: {  	_ =	shalt  }
0x56: {  	_ =	shalt  }
0x57: {  	_ =	shalt  }
0x58: {  	_ =	shalt  }
0x59: {  	_ =	shalt  }
0x5a: {  	_ =	shalt  }
0x5b: {  	_ =	shalt  }
0x5c: {  	_ =	shalt  }
0x5d: {  	_ =	shalt  }
0x5e: {  	_ =	shalt  }
0x5f: {  	_ =	shalt  }
0x60: {  	_ =	shalt  }
0x61: {  	_ =	shalt  }
0x62: {  	_ =	shalt  }
0x63: {  	_ =	shalt  }
0x64: {  	_ =	shalt  }
0x65: {  	_ =	shalt  }
0x66: {  	_ =	shalt  }
0x67: {  	_ =	shalt  }
0x68: {  	_ =	shalt  }
0x69: {  	_ =	shalt  }
0x6a: {  	_ =	shalt  }
0x6b: {  	_ =	shalt  }
0x6c: {  	_ =	shalt  }
0x6d: {  	_ =	shalt  }
0x6e: {  	_ =	shalt  }
0x6f: {  	_ =	shalt  }
0x70: {  	_ =	shalt  }
0x71: {  	_ =	shalt  }
0x72: {  	_ =	shalt  }
0x73: {  	_ =	shalt  }
0x74: {  	_ =	shalt  }
0x75: {  	_ =	shalt  }
0x76: {  	_ =	shalt  }
0x77: {  	_ =	shalt  }
0x78: {  	_ =	shalt  }
0x79: {  	_ =	shalt  }
0x7a: {  	_ =	shalt  }
0x7b: {  	_ =	shalt  }
0x7c: {  	_ =	shalt  }
0x7d: {  	_ =	shalt  }
0x7e: {  	_ =	shalt  }
0x7f: {  	_ =	shalt  }
0x80: {  	_ =	shalt  }
0x81: {  	_ =	shalt  }
0x82: {  	_ =	shalt  }
0x83: {  	_ =	shalt  }
0x84: {  	_ =	shalt  }
0x85: {  	_ =	shalt  }
0x86: {  	_ =	shalt  }
0x87: {  	_ =	shalt  }
.Lfunc_end0:
.L_simem_size_0:
called_computation_lowered:
.L_overlay_start_0:
0x88: {  	s2 =	sld [smem:$0x3FD9]  }
0x89: {  	s3 =	sld [smem:$0x3FFE];
	_ =	sdelay $0x1  }
0x8a: {  	s1 =	srdreg.scid  }
0x8b: {  	s0 =	sand.u32 $0x1, s1  }
0x8c: {  	s17 =	sshll.u32 s0, $0xA;
	s2 =	sadd.s32 s3, s2  }
0x8d: {  	s2 =	sadd.s32 s2, s17  }
0x8e: {  	[smem:$0x3FC2] =	sst s2  }
0x8f: {  	_ = 	snop  }
0x90: {  	(tm) =	ssettm $0x1  }
0x91: {  	s18 =	sld [smem:$0x3FFB];
	_ =	sdelay $0x3  }
0x92: {  	_ =	strace s18  }
0x93: {  	s2 =	sld [smem:$0x3FFC];
	_ =	sdelay $0x3  }
0x94: {  	_ =	strace s2  }
0x95: {  	s2 =	sld [smem:$0x3FFD];
	_ =	sdelay $0x3  }
0x96: {  	_ =	strace s2  }
0x97: {  	_ =	strace $0x8FFFFFFF  }
0x98: {  	s19 =	sld [smem:$0x3FDB];
	_ =	sdelay $0x1  }
0x99: {  	s20 =	simm.s32 $_scs_section_size  }
0x9a: {  	s4 =	simm.s32 $_size__tile_overlayer_lowered;
	s5 =	simm.s32 $_tile_overlayer_lowered  }
0x9b: {  	s6 =	simm.s32 $0x1BFF;
	s21 =	sshll.u32 s5, $0x1;
	s3 =	sadd.s32 s20, s19  }
0x9c: {  	s22 =	simm.s32 $0x0;
	s4 =	sshll.u32 s4, $0x1;
	s5 =	sadd.s32 s21, s3  }
0x9d: {  	[timem:s22], [sflag:s6] =	dma.local [hbm:s5], s4  }
0x9e: {  	_ =	swait.ge [sflag:s6], s4  }
0x9f: {  	s4 =	ssub.s32 $0x0, s4;
	[sflag:s6] =	ssyncset.done $0x0  }
0xa0: {  	[sflag:s6] =	ssyncadd.s32 s4;
	_ =	sdelay $0x1  }
0xa1: {  	s23 =	simm.s32 $0x1B8B  }
0xa2: {  	_ =	swait.ge [sflag:s23], $0x1  }
0xa3: {  	[sflag:s23] =	ssyncset.done $0x0  }
0xa4: {  	[sflag:s23] =	ssyncadd.s32 $0xFFFFFFFF  }
0xa5: {  	s4 =	sld [smem:$0x0]  }
0xa6: {  	s5 =	sand.u32 $0xFFFFFFFE, s1  }
0xa7: {  	p0 =	sne.s32 s1, s5  }
0xa8: {  	s5 =	sshll.u32 @p0 s5, $0xE  }
0xa9: {  	s5 =	sadd.s32 @p0 $0x11B8D, s5;
	s6 =	sshll.u32 @p0 s4, $0x11  }
0xaa: {  	s5 =	sor.u32 @p0 s6, s5  }
0xab: {  	[sflag:s5] =	ssyncadd.remote.s32 @p0 $0x1;
	_ =	sdelay $0x1  }
0xac: {  	s5 =	simm.s32 @p0 $0x1B8D  }
0xad: {  	_ =	swait.eq @p0 [sflag:s5], $0x1  }
0xae: {  	[sflag:s5] =	ssyncadd.s32 @p0 $0xFFFFFFFF  }
0xaf: {  	s6 =	sshll.u32 @!p0 s1, $0xE  }
0xb0: {  	s6 =	sor.u32 @!p0 $0x4000, s6;
	s5 =	simm.s32 @!p0 $0x1B8D  }
0xb1: {  	s4 =	sshll.u32 @!p0 s4, $0x11;
	s6 =	sadd.s32 @!p0 $0x11B8D, s6;
	_ =	swait.eq @!p0 [sflag:s5], $0x1  }
0xb2: {  	s4 =	sor.u32 @!p0 s4, s6;
	[sflag:s5] =	ssyncadd.s32 @!p0 $0xFFFFFFFF  }
0xb3: {  	s25 =	simm.s32 $0x1B8E;
	s24 =	sld [smem:$0x3FFE];
	[sflag:s4] =	ssyncadd.remote.s32 @!p0 $0x1  }
0xb4: {  	s26 =	simm.s32 $execute0_lowered;
	[smem:$0x3FD2] =	sst s25  }
0xb5: {  	s5 =	sshll.u32 s26, $0x1;
	_ =	strace $0x80000049;
	[dreg:$0x1] =	wrdreg $0xFFFFFFFF  }
0xb6: {  	s28 =	simm.s32 $_size_execute0_lowered;
	s3 =	sadd.s32 s3, s5;
	[dreg:$0x0] =	wrdreg $0x0  }
0xb7: {  	s5 =	sshll.u32 s28, $0x1;
	[dreg:$0x2] =	wrdreg s3  }
0xb8: {  	[dreg:$0x3] =	wrdreg s5  }
0xb9: {  	[dreg:$0x4] =	wrdreg $0xC0  }
0xba: {  	_ =	task [dreg:s22], $0x5FFFF  }
0xbb: {  	[dreg:$0x1] =	wrdreg $0xFFFFFFFF  }
0xbc: {  	[dreg:$0x0] =	wrdreg $0x60  }
0xbd: {  	[dreg:$0x2] =	wrdreg s24  }
0xbe: {  	[dreg:$0x3] =	wrdreg $0x9  }
0xbf: {  	_ =	task.clear_ibuf [dreg:s22], $0x4FFFF;
	_ =	strace $0x90000049  }
0xc0: {  	s29 =	simm.s32 $0x9;
	_ =	strace $0x8000004B  }
0xc1: {  	_ =	swait.ge [sflag:s29], $0x1  }
0xc2: {  	[sflag:s29] =	ssyncadd.s32 $0xFFFFFFFF  }
0xc3: {  	_ =	strace $0x9000004B  }
0xc4: {  	_ =	sfence  }
0xc5: {  	s30 =	sld [smem:$0x0];
	_ =	sdelay $0x2  }
0xc6: {  	s31 =	sshll.u32 s1, $0xD;
	s1 =	sshrl.u32 s1, $0x2  }
0xc7: {  	s4 =	sand.u32 $0x4000, s31;
	s1 =	sadd.s32 s1, s30  }
0xc8: {  	s0 =	sor.u32 s4, s0;
	s1 =	sshll.u32 s1, $0x11  }
0xc9: {  	s0 =	sor.u32 s1, s0  }
0xca: {  	s0 =	sadd.s32 $0x8F2B, s0  }
0xcb: {  	[sflag:s0] =	ssyncadd.remote.s32 $0x1  }
0xcc: {  	_ =	sfence.sel $0xFFFF  }
0xcd: {  	[dreg:$0x0] =	wrdreg $0xFFFFFFFF;
	(pc) =	sbr.abs _section_cstart, $3  }
0xce: {  	[dreg:$0x1] =	wrdreg $0xFFFFFFFF  }
0xcf: {  	_ =	task.clear_ibuf [dreg:s22], $0x2FFFF;
	_ =	strace $0x9FFFFFFF  }
0xd0: {  	(tm) =	ssettm $0x7FFFFFFF  }
0xd1: {  	_ =	shalt  }
tec
execute0_lowered:
.L_overlay_start_1:
0x0: {  	(tag) =	ssettag $0x1  }
0x1: {  	v0 =	vimm.s32 $0xEDCBA987  }
0x2: {  	v2 =	vimm.s32 $0x65432100;
	v5 =	vimm.s32 $0xDCBA9876;
	v1 =	vunpack.c.l.s4.s8 v0  }
0x3: {  	v8 =	vimm.s32 $0xE40000;
	v9 =	vimm.s32 $0x32100000;
	v3 =	vunpack.c.l.s4.s8 v2  }
0x4: {  	vm0 =	vmmov $0x3;
	v5 =	vunpack.c.l.s4.s8 v5;
	v4 =	vunpack.c.0.s8.s32 v1  }
0x5: {  	vm2 =	vcmask $0x3F30;
	v6 =	vunpack.c.0.s8.s32 v3;
	v3 =	vimm.s32 $0x54321000  }
0x6: {  	s1 =	srdreg.scid;
	v5 =	vunpack.c.0.s8.s32 v5;
	v7 =	vunpack.c.l.s4.s8 v3;
	v4 =	vand.u32 $0xF, v4  }
0x7: {  	s0 =	stileid.u32;
	s6 =	rddreg [dreg:$0x0];
	s2 =	simm.s32 $0x0;
	vm1 =	vmmov $0xf;
	v4 =	vcombine.low v6, v4;
	v6 =	vunpack.c.l.s2.s4 v8  }
0x8: {  	s9 =	simm.s32 $0x1;
	s4 =	sand.u32 $0x1, s1;
	s30 =	sshll.u32 s0, $0x1;
	v7 =	vunpack.c.0.s8.s32 v7;
	v8 =	vand.u32 $0xF, v5;
	v5 =	vimm.s32 $0xBA987654  }
0x9: {  	s10 =	simm.s32 $0x800;
	s11 =	simm.s32 $0x1000;
	v2 =	vimm.s32 $0x0;
	s5 =	sor.u32 s4, s30;
	v10 =	vunpack.c.l.s4.s8 v5;
	v11 =	vunpack.c.l.s4.s8 v6  }
0xa: {  	s12 =	simm.s32 $0x1880;
	s13 =	simm.s32 $0x0;
	s1 =	smul.u32 $0xFFFFFEC0, s5;
	v0 =	vmov s5;
	v6 =	vcombine.low v7, v8;
	v7 =	vunpack.c.l.s4.s8 v9  }
.Ltmp0:
0xb: {  	[smem:$0x7FF] =	sst s2;
	s3 =	sadd.s32 $0xB400, s6;
	v9 =	vimm.s32 $0x7060504;
	v8 =	vunpack.c.0.s8.s32 v10;
	v10 =	vunpack.c.0.s8.s32 v11;
	(pc) =	sbr.rel .LBB2_1-.Ltmp0, $4  }
0xc: {  	s8 =	ssub.s32 $0x2, s4;
	s7 =	sshll.u32 s5, $0x1;
	s4 =	smul.u32 $0x4F240, s5;
	v3 =	vlaneseq.u32;
	v9 =	vunpack.c.0.s8.s32 v9;
	v7 =	vunpack.c.0.s8.s32 v7  }
0xd: {  	s5 =	sadd.s32 $0xA27400, s6;
	s31 =	sshrl.u32 s8, $0x1;
	s7 =	sadd.s32 s7, s6;
	v1 =	vmov s1;
	v8 =	vand.u32 $0xF, v8;
	v10 =	vand.u32 $0x3, v10  }
0xe: {  	s8 =	ssub.s32 s8, s31;
	s1 =	rddreg [dreg:$0x1];
	_ =	strace $0x8000004A;
	v5 =	vmul.u32 $0x200, v3;
	v7 =	vcombine.low v7, v8;
	v8 =	vsel vm2, v9, v10  }
0xf: {  	s6 =	sadd.s32 $0x800, s4;
	s7 =	sadd.s32 $0xB63E00, s7;
	s8 =	smax.u32 s8, $0x1;
	vm2 =	vmmov $0xff;
	v9 =	vimm.s32 $0x7;
	v10 =	vadd.s32 $0x1, v3  }
.LBB2_9:
0x10: {  	s15 =	sadd.s32 s4, s14  }
0x11: {  	s15 =	sshrl.u32 s15, $0x3  }
0x12: {  	s15 =	sadd.s32 s5, s15  }
0x13: {  	[hbm4b:s15+s2] =	stream.linear.scatter [tilespmem:s10], [sflag:$0x1], $0x800, $0x38;
	[tilespmem:$0x1900] =	vst v63  }
0x14: {  	s30 =	sadd.s32 s14, s6;
	_ =	swait.ge [sflag:s9], $0x800  }
0x15: {  	s15 =	sshrl.u32 s30, $0x3;
	[sflag:s9] =	ssyncset.done $0x0  }
0x16: {  	s15 =	sadd.s32 s5, s15;
	[sflag:s9] =	ssyncadd.s32 $0xFFFFF800  }
0x17: {  	[hbm4b:s15+s2] =	stream.linear.scatter [tilespmem:s11], [sflag:$0x1], $0x800, $0x38;
	[tilespmem:$0x1900] =	vst v63  }
0x18: {  	_ =	swait.ge [sflag:s9], $0x800  }
0x19: {  	s31 =	sadd.s32 s19, s14;
	s13 =	sadd.s32 $0x1, s13;
	[sflag:s9] =	ssyncset.done $0x0  }
0x1a: {  	v11 =	vmov s31;
	p0 =	sne.s32 s13, s8;
	[sflag:s9] =	ssyncadd.s32 $0xFFFFF800  }
.Ltmp1:
0x1b: {  	[tilespmem:$0x1880] =	vst v11;
	(pc) =	sbr.rel @!p0 .LBB2_10-.Ltmp1, $4  }
0x1c: {  	[hbm4b:s7+s2] =	stream.linear.scatter [tilespmem:s12], [sflag:$0x1], $0x10, $0x38;
	[tilespmem:$0x1900] =	vst v63  }
0x1d: {  	_ =	swait.ge [sflag:s9], $0x10  }
0x1e: {  	[sflag:s9] =	ssyncset.done $0x0  }
0x1f: {  	[sflag:s9] =	ssyncadd.s32 $0xFFFFFFF0  }
.LBB2_1:
.Ltmp2:
0x20: {  	(pc) =	sbr.rel .LBB2_2-.Ltmp2, $3  }
0x21: {  	_ =	sdelay $0x1  }
0x22: {  	s15 =	simm.s32 $0x0  }
0x23: {  	s14 =	simm.s32 $0x0;
	s19 =	simm.s32 $0x0;
	s16 =	simm.s32 $0x0  }
.LBB2_8:
0x24: {  	s16 =	sadd.s32 $0x1, s16  }
0x25: {  	p0 =	sne.s32 s16, $0xA0  }
.Ltmp3:
0x26: {  	_ = 	snop;
	(pc) =	sbr.rel @!p0 .LBB2_9-.Ltmp3, $2  }
0x27: {  	_ =	sdelay $0x2  }
0x28: {  	s15 =	sadd.s32 $0x7D0, s15  }
.LBB2_2:
0x29: {  	s17 =	smul.u32 $0x7D0, s16;
	_ =	sdelay $0x1  }
0x2a: {  	s17 =	sshrl.u32 s17, $0x3  }
0x2b: {  	s18 =	simm.s32 $0x0;
	s17 =	sadd.s32 s3, s17  }
0x2c: {  	[tilespmem:s18], [sflag:$0x1] =	stream.linear.gather [hbm4b:s17+s18], $0x7D0, $0x38;
	[tilespmem:$0x1900] =	vst v63  }
0x2d: {  	_ =	swait.ge [sflag:s9], $0x7D0  }
0x2e: {  	[sflag:s9] =	ssyncset.done $0x0  }
0x2f: {  	s30 =	simm.s32 $0x0;
	[sflag:s9] =	ssyncadd.s32 $0xFFFFF830  }
0x30: {  	v11 =	vld [tilespmem:s30+$0x0];
	_ =	sdelay $0x4  }
0x31: {  	v12 =	vmul.u32 $0xCCCD, v11;
	_ =	sdelay $0x1  }
0x32: {  	v12 =	vshra.s32 v12, $0x18  }
0x33: {  	vm3 =	veq.s32 v12, v0  }
0x34: {  	v12 =	vsel vm3, $0x1, v2  }
0x35: {  	v13 =	vperm.xlane v12, v4  }
0x36: {  	vm3 =	veq.s32 v3, $0x0  }
0x37: {  	v13 =	vsel vm3, $0x0, v13  }
0x38: {  	v12 =	vadd.s32 v12, v13  }
0x39: {  	v13 =	vperm.xlane v12, v6;
	_ =	sdelay $0x1  }
0x3a: {  	v13 =	vsel vm0, $0x0, v13  }
0x3b: {  	v12 =	vadd.s32 v13, v12  }
0x3c: {  	v13 =	vperm.xlane v12, v7;
	_ =	sdelay $0x1  }
0x3d: {  	v13 =	vsel vm1, $0x0, v13  }
0x3e: {  	v12 =	vadd.s32 v13, v12  }
0x3f: {  	v13 =	vperm.xlane v12, v8;
	_ =	sdelay $0x1  }
0x40: {  	v13 =	vsel vm2, $0x0, v13  }
0x41: {  	v12 =	vadd.s32 v13, v12  }
0x42: {  	v13 =	vperm.xlane v12, v9;
	_ =	sdelay $0x1  }
0x43: {  	vm4 =	vlt.s32 v13, v10  }
0x44: {  	v13 =	vsel vm4, $0x8, v2  }
0x45: {  	v14 =	vor.u32 $0x3, v13  }
0x46: {  	v14 =	vperm.xlane v12, v14  }
0x47: {  	(v2sf) =	vpush v12, $0xF  }
0x48: {  	vm4 =	vlt.s32 v14, v10  }
0x49: {  	v14 =	vsel vm4, $0x4, v2  }
0x4a: {  	v13 =	vor.u32 v13, v14  }
0x4b: {  	v14 =	vor.u32 $0x1, v13  }
0x4c: {  	v14 =	vperm.xlane v12, v14;
	_ =	sdelay $0x1  }
0x4d: {  	vm4 =	vlt.s32 v14, v10  }
0x4e: {  	v14 =	vsel vm4, $0x2, v2  }
0x4f: {  	v13 =	vor.u32 v14, v13  }
0x50: {  	v12 =	vperm.xlane v12, v13  }
0x51: {  	v60 =	vmov s15  }
0x52: {  	v14 =	vshll.u32 v60, $0x9;
	vm4 =	vlt.s32 v12, v10  }
0x53: {  	v11 =	vadd.s32 v1, v11;
	v61 =	vor.u32 v5, v14;
	v62 =	vsel vm4, $0x1, v2  }
0x54: {  	v11 =	vor.u32 v61, v11;
	v63 =	vor.u32 v62, v13  }
0x55: {  	s31 =	spop (v2sf);
	v11 =	vperm.xlane v11, v63  }
0x56: {  	s21 =	simm.s32 $0x10;
	s17 =	sadd.s32 s19, s31  }
0x57: {  	s20 =	simm.s32 $0x80;
	s18 =	smov.u32 s17;
	[tilespmem:s19+$0x800] =	vst v11;
	s19 =	smov.u32 s15  }
.LBB2_3:
0x58: {  	p0 =	sne.s32 s20, $0x1F00;
	v11 =	vld [tilespmem:s21+$0x0];
	_ =	sdelay $0x4  }
0x59: {  	v12 =	vmul.u32 $0xCCCD, v11;
	_ =	sdelay $0x1  }
0x5a: {  	v12 =	vshra.s32 v12, $0x18  }
0x5b: {  	vm4 =	veq.s32 v12, v0  }
0x5c: {  	v12 =	vsel vm4, $0x1, v2  }
0x5d: {  	v13 =	vperm.xlane v12, v4;
	_ =	sdelay $0x1  }
0x5e: {  	v13 =	vsel vm3, $0x0, v13  }
0x5f: {  	v12 =	vadd.s32 v12, v13  }
0x60: {  	v13 =	vperm.xlane v12, v6;
	_ =	sdelay $0x1  }
0x61: {  	v13 =	vsel vm0, $0x0, v13  }
0x62: {  	v12 =	vadd.s32 v13, v12  }
0x63: {  	v13 =	vperm.xlane v12, v7;
	_ =	sdelay $0x1  }
0x64: {  	v13 =	vsel vm1, $0x0, v13  }
0x65: {  	v12 =	vadd.s32 v13, v12  }
0x66: {  	v13 =	vperm.xlane v12, v8;
	_ =	sdelay $0x1  }
0x67: {  	v13 =	vsel vm2, $0x0, v13  }
0x68: {  	v12 =	vadd.s32 v13, v12  }
0x69: {  	v13 =	vperm.xlane v12, v9;
	(v2sf) =	vpush v12, $0xF;
	_ =	sdelay $0x1  }
0x6a: {  	vm4 =	vlt.s32 v13, v10  }
0x6b: {  	v13 =	vsel vm4, $0x8, v2  }
0x6c: {  	v14 =	vor.u32 $0x3, v13  }
0x6d: {  	v14 =	vperm.xlane v12, v14;
	_ =	sdelay $0x1  }
0x6e: {  	vm4 =	vlt.s32 v14, v10  }
0x6f: {  	v14 =	vsel vm4, $0x4, v2  }
0x70: {  	v13 =	vor.u32 v13, v14  }
0x71: {  	v14 =	vor.u32 $0x1, v13  }
0x72: {  	v14 =	vperm.xlane v12, v14;
	_ =	sdelay $0x1  }
0x73: {  	vm4 =	vlt.s32 v14, v10  }
0x74: {  	v14 =	vsel vm4, $0x2, v2  }
0x75: {  	v13 =	vor.u32 v14, v13;
	s21 =	spop (v2sf)  }
0x76: {  	s19 =	sadd.s32 $0x10, s19;
	v12 =	vperm.xlane v12, v13;
	s17 =	sadd.s32 s17, s21  }
0x77: {  	v14 =	vmov s19  }
0x78: {  	v14 =	vshll.u32 v14, $0x9;
	vm4 =	vlt.s32 v12, v10  }
.Ltmp4:
0x79: {  	v11 =	vadd.s32 v1, v11;
	v12 =	vor.u32 v5, v14;
	v14 =	vsel vm4, $0x1, v2;
	(pc) =	sbr.rel @p0 .LBB2_3-.Ltmp4, $3  }
0x7a: {  	v11 =	vor.u32 v12, v11;
	v12 =	vor.u32 v14, v13  }
0x7b: {  	v11 =	vperm.xlane v11, v12;
	_ =	sdelay $0x1  }
0x7c: {  	s21 =	sshra.s32 s20, $0x2;
	s20 =	sadd.s32 $0x40, s20;
	[tilespmem:s18+$0x800] =	vst v11;
	s18 =	smov.u32 s17  }
0x7d: {  	v11 =	vld [tilespmem:s21+$0x0];
	_ =	sdelay $0x4  }
0x7e: {  	v12 =	vmul.u32 $0xCCCD, v11;
	_ =	sdelay $0x1  }
0x7f: {  	v12 =	vshra.s32 v12, $0x18  }
0x80: {  	vm3 =	veq.s32 v12, v0  }
0x81: {  	v12 =	vsel vm3, $0x1, v2  }
0x82: {  	v13 =	vperm.xlane v12, v4  }
0x83: {  	vm3 =	veq.s32 v3, $0x0  }
0x84: {  	v13 =	vsel vm3, $0x0, v13  }
0x85: {  	v12 =	vadd.s32 v12, v13  }
0x86: {  	v13 =	vperm.xlane v12, v6;
	_ =	sdelay $0x1  }
0x87: {  	v13 =	vsel vm0, $0x0, v13  }
0x88: {  	v12 =	vadd.s32 v13, v12  }
0x89: {  	v13 =	vperm.xlane v12, v7;
	_ =	sdelay $0x1  }
0x8a: {  	v13 =	vsel vm1, $0x0, v13  }
0x8b: {  	v12 =	vadd.s32 v13, v12  }
0x8c: {  	v13 =	vperm.xlane v12, v8;
	_ =	sdelay $0x1  }
0x8d: {  	v13 =	vsel vm2, $0x0, v13  }
0x8e: {  	v12 =	vadd.s32 v13, v12  }
0x8f: {  	v13 =	vperm.xlane v12, v9  }
0x90: {  	(v2sf) =	vpush v12, $0xF  }
0x91: {  	vm3 =	vlt.s32 v13, v10  }
0x92: {  	v13 =	vsel vm3, $0x8, v2  }
0x93: {  	v14 =	vor.u32 $0x3, v13  }
0x94: {  	v14 =	vperm.xlane v12, v14;
	_ =	sdelay $0x1  }
0x95: {  	vm3 =	vlt.s32 v14, v10  }
0x96: {  	v14 =	vsel vm3, $0x4, v2  }
0x97: {  	v13 =	vor.u32 v13, v14  }
0x98: {  	v14 =	vor.u32 $0x1, v13  }
0x99: {  	v14 =	vperm.xlane v12, v14;
	_ =	sdelay $0x1  }
0x9a: {  	vm3 =	vlt.s32 v14, v10  }
0x9b: {  	v14 =	vsel vm3, $0x2, v2  }
0x9c: {  	v13 =	vor.u32 v14, v13  }
0x9d: {  	s19 =	sadd.s32 $0x10, s19;
	s31 =	spop (v2sf);
	v12 =	vperm.xlane v12, v13  }
0x9e: {  	v60 =	vmov s19;
	s19 =	sadd.s32 s17, s31  }
0x9f: {  	v14 =	vshll.u32 v60, $0x9;
	p0 =	slt.s32 s19, $0x800;
	vm3 =	vlt.s32 v12, v10  }
.Ltmp5:
0xa0: {  	v11 =	vadd.s32 v1, v11;
	v61 =	vor.u32 v5, v14;
	v62 =	vsel vm3, $0x1, v2;
	(pc) =	sbr.rel @p0 .LBB2_8-.Ltmp5, $3  }
0xa1: {  	v11 =	vor.u32 v61, v11;
	v63 =	vor.u32 v62, v13  }
0xa2: {  	v11 =	vperm.xlane v11, v63;
	_ =	sdelay $0x1  }
0xa3: {  	[tilespmem:s18+$0x800] =	vst v11  }
0xa4: {  	s17 =	sadd.s32 s4, s14  }
0xa5: {  	s17 =	sshrl.u32 s17, $0x3  }
0xa6: {  	s18 =	simm.s32 $0x0;
	s17 =	sadd.s32 s5, s17  }
0xa7: {  	[hbm4b:s17+s18] =	stream.linear.scatter [tilespmem:s10], [sflag:$0x1], $0x800, $0x38;
	[tilespmem:$0x1900] =	vst v63  }
0xa8: {  	_ =	swait.ge [sflag:s9], $0x800  }
0xa9: {  	[sflag:s9] =	ssyncset.done $0x0  }
0xaa: {  	s17 =	simm.s32 $0x0;
	[sflag:s9] =	ssyncadd.s32 $0xFFFFF800  }
0xab: {  	s18 =	simm.s32 $0x40;
	v11 =	vld [tilespmem:s17+$0x1000]  }
.LBB2_6:
0xac: {  	p0 =	sne.s32 s18, $0x2000  }
.Ltmp6:
0xad: {  	_ = 	snop;
	(pc) =	sbr.rel @p0 .LBB2_6-.Ltmp6, $3  }
0xae: {  	_ =	sdelay $0x1  }
0xaf: {  	[tilespmem:s17+$0x800] =	vst v11;
	s17 =	sshra.s32 s18, $0x2;
	s18 =	sadd.s32 $0x40, s18  }
0xb0: {  	v11 =	vld [tilespmem:s17+$0x1000]  }
.Ltmp7:
0xb1: {  	_ = 	snop;
	(pc) =	sbr.rel .LBB2_8-.Ltmp7, $2  }
0xb2: {  	_ =	sdelay $0x2  }
0xb3: {  	s19 =	sadd.s32 $0xFFFFF800, s19;
	s14 =	sadd.s32 $0x800, s14;
	[tilespmem:s17+$0x800] =	vst v11  }
.LBB2_10:
0xb4: {  	_ =	sfence.sel $0x180000  }
0xb5: {  	[bflag:$0x0] =	sbarrier.arrive $0xFFFF  }
0xb6: {  	p0 =	sne.s32 s0, $0x0;
	_ =	strace $0x9000004A  }
0xb7: {  	s0 =	sadd.s32 @!p0 $0x100000, s1;
	[bflag:$0x2] =	sbarrier.arrive $0xFFFF  }
0xb8: {  	[sflag:s0] =	ssyncadd.tile.s32 @!p0 $0x1;
	_ =	shalt  }
.Lfunc_end2:
_tile_overlayer_lowered:
.L_overlay_start_2:
0xb9: {  	(tag) =	ssettag $0x2  }
0xba: {  	s0 =	rddreg [dreg:$0x0];
	s2 =	stileid.u32  }
0xbb: {  	s1 =	rddreg [dreg:$0x1];
	p0 =	sne.s32 s2, $0x0  }
0xbc: {  	s3 =	rddreg [dreg:$0x2];
	[bflag:$0x3] =	sbarrier.arrive $0xFFFF;
	s2 =	simm.s32 @!p0 $0x1C01  }
0xbd: {  	[timem:s3], [sflag:s2] =	dma.local @!p0 [hbm:s0], s1  }
0xbe: {  	s0 =	simm.s32 @!p0 $0x1  }
0xbf: {  	_ =	swait.ge @!p0 [sflag:s0], s1  }
0xc0: {  	s1 =	ssub.s32 @!p0 $0x0, s1;
	[sflag:s0] =	ssyncset.done @!p0 $0x0  }
0xc1: {  	[sflag:s0] =	ssyncadd.s32 @!p0 s1  }
0xc2: {  	[bflag:$0x3] =	sbarrier.arrive $0xFFFF  }
0xc3: {  	_ =	shalt  }

</sc_bundles>
